<compile_context>
chip_gen: v7x
topology: tpu7x:2x2x1
jax: 0.10.2.dev20260603
libtpu: 0.0.44.dev20260713+nightly
codegen_flags: <defaults>
</compile_context>

<pallas_src>
import jax
import jax.numpy as jnp
from jax import lax
from jax.experimental import pallas as pl
from jax.experimental.pallas import tpu as pltpu
from jax.experimental.pallas import tpu_sc as plsc

N = 1048576
K_RANK = 996146
NS = 16
E = N // NS
VI = E // 16
NBINS = 256


def _to_key(b):
  m = lax.shift_right_arithmetic(b, jnp.broadcast_to(jnp.int32(31), b.shape))
  return b ^ (m & jnp.int32(0x7FFFFFFF))


def _es_body(losses_hbm, out_hbm,
             data_v, hist_v, tot_v, all_v,
             statf_v, stati_v, allf_v, alli_v, out_v,
             comb_sh, statf_sh, stati_sh, dma_sem):
  cid = lax.axis_index("c")
  sid = lax.axis_index("s")

  lanes = lax.iota(jnp.int32, 16)
  ones = jnp.ones((16,), jnp.int32)
  zeros16 = jnp.zeros((16,), jnp.int32)

  cp = pltpu.make_async_copy(losses_hbm.at[pl.ds(sid * E, E)], data_v, dma_sem)
  cp.start()

  @plsc.parallel_loop(0, NBINS, unroll=8)
  def _(j):
    hist_v[pl.ds(j * 16, 16)] = zeros16

  cp.wait()

  key_prefix = jnp.int32(0)
  rank = jnp.int32(K_RANK)
  gt_cnt = jnp.int32(0)
  eq_cnt = jnp.int32(0)

  for p in range(4):
    shift = 24 - 8 * p

    if p == 0:
      @plsc.parallel_loop(0, VI, unroll=8)
      def _(i):
        x = data_v[pl.ds(i * 16, 16)]
        key = _to_key(lax.bitcast_convert_type(x, jnp.int32))
        data_v[pl.ds(i * 16, 16)] = lax.bitcast_convert_type(key, jnp.float32)
        digit = ((key >> 24) & 255) ^ 128
        plsc.addupdate_scatter(hist_v, [digit * 16 + lanes], ones)
    else:
      himask = jnp.int32(-(1 << (shift + 8)))
      pref = key_prefix

      @plsc.parallel_loop(0, VI, unroll=8)
      def _(i):
        key = lax.bitcast_convert_type(data_v[pl.ds(i * 16, 16)], jnp.int32)
        match = (key & himask) == pref
        digit = (key >> shift) & 255
        plsc.addupdate_scatter(hist_v, [digit * 16 + lanes], ones, mask=match)

    def lane_reduce(dc, _):
      acc = zeros16
      for j in range(16):
        v = hist_v[pl.ds((dc * 16 + j) * 16, 16)]
        hist_v[pl.ds((dc * 16 + j) * 16, 16)] = zeros16
        acc = jnp.where(lanes == j, jnp.sum(v), acc)
      tot_v[pl.ds(dc * 16, 16)] = acc
      return 0
    lax.fori_loop(0, 16, lane_reduce, 0)

    pltpu.sync_copy(tot_v, comb_sh.at[pl.ds((p * NS + sid) * NBINS, NBINS)])
    plsc.subcore_barrier()
    pltpu.sync_copy(comb_sh.at[pl.ds(p * NS * NBINS, NS * NBINS)], all_v)

    def scan(dc, carry):
      base, dselv, belowv, cselv = carry
      acc = all_v[pl.ds(dc * 16, 16)]
      for t in range(1, NS):
        acc = acc + all_v[pl.ds(t * NBINS + dc * 16, 16)]
      inc = plsc.cumsum(acc)
      cumb = (base + inc) - acc
      take = jnp.logical_and(cumb <= rank, cumb + acc > rank)
      digits = dc * 16 + lanes
      dselv = jnp.maximum(dselv, jnp.where(take, digits, jnp.int32(-1)))
      belowv = jnp.maximum(belowv, jnp.where(take, cumb, jnp.int32(-1)))
      cselv = jnp.maximum(cselv, jnp.where(take, acc, jnp.int32(-1)))
      return base + jnp.sum(acc), dselv, belowv, cselv

    minus1 = jnp.full((16,), -1, jnp.int32)
    class_total, dselv, belowv, cselv = lax.fori_loop(
        0, 16, scan, (jnp.int32(0), minus1, minus1, minus1))
    dsel = jnp.max(dselv)
    below = jnp.max(belowv)
    c_sel = jnp.max(cselv)

    gt_cnt = gt_cnt + (class_total - below - c_sel)
    eq_cnt = c_sel
    rank = rank - below
    if p == 0:
      key_prefix = key_prefix | ((dsel ^ 128) << 24)
    else:
      key_prefix = key_prefix | (dsel << shift)

  vk_vec = lax.bitcast_convert_type(
      _to_key(jnp.full((16,), key_prefix, jnp.int32)), jnp.float32)

  kk_vec = jnp.full((16,), key_prefix, jnp.int32)

  def stats(i, carry):
    acc_sum, acc_min = carry
    key = lax.bitcast_convert_type(data_v[pl.ds(i * 16, 16)], jnp.int32)
    x = lax.bitcast_convert_type(_to_key(key), jnp.float32)
    gt = key > kk_vec
    acc_sum = acc_sum + jnp.where(gt, x, jnp.float32(0.0))
    acc_min = jnp.minimum(acc_min, jnp.where(gt, key, jnp.int32(0x7FFFFFFF)))
    return acc_sum, acc_min

  acc_sum, acc_min = plsc.parallel_loop(
      0, VI, unroll=8,
      carry=(jnp.zeros((16,), jnp.float32),
             jnp.full((16,), 0x7FFFFFFF, jnp.int32)))(
                 lambda i, c: stats(i, c))

  statf_v[...] = jnp.where(lanes == 0, jnp.sum(acc_sum), jnp.float32(0.0))
  stati_v[...] = jnp.where(lanes == 0, jnp.min(acc_min),
                           jnp.int32(0x7FFFFFFF))
  pltpu.sync_copy(statf_v, statf_sh.at[pl.ds(sid * 16, 16)])
  pltpu.sync_copy(stati_v, stati_sh.at[pl.ds(sid * 16, 16)])
  plsc.subcore_barrier()

  @pl.when(jnp.logical_and(cid == 0, sid == 0))
  def _():
    pltpu.sync_copy(statf_sh, allf_v)
    pltpu.sync_copy(stati_sh, alli_v)
    accf = jnp.zeros((16,), jnp.float32)
    acci = jnp.full((16,), 0x7FFFFFFF, jnp.int32)
    for t in range(NS):
      accf = accf + allf_v[pl.ds(t * 16, 16)]
      acci = jnp.minimum(acci, alli_v[pl.ds(t * 16, 16)])
    sum_gt = accf[0]
    cnt_gt = gt_cnt.astype(jnp.float32)
    cnt_eq = eq_cnt.astype(jnp.float32)
    min_gt = acci[0]

    vnext_vec = lax.bitcast_convert_type(
        _to_key(jnp.full((16,), min_gt, jnp.int32)), jnp.float32)
    cnt_le = jnp.float32(N) - cnt_gt
    have_same = jnp.full((16,), cnt_le >= jnp.float32(K_RANK + 2))
    vnext_vec = jnp.where(have_same, vk_vec, vnext_vec)

    var_vec = vk_vec * jnp.float32(0.75) + vnext_vec * jnp.float32(0.25)
    inc_eq = var_vec <= vk_vec
    tail_sum = jnp.where(inc_eq, sum_gt + cnt_eq * vk_vec,
                         jnp.full((16,), sum_gt))
    tail_cnt = jnp.where(inc_eq, cnt_gt + cnt_eq,
                         jnp.full((16,), cnt_gt))
    out_v[...] = tail_sum / tail_cnt
    pltpu.sync_copy(out_v, out_hbm)


@jax.jit
def _es_pallas(losses):
  mesh = plsc.VectorSubcoreMesh(core_axis_name="c", subcore_axis_name="s")
  f = pl.kernel(
      _es_body,
      out_type=jax.ShapeDtypeStruct((16,), jnp.float32),
      mesh=mesh,
      compiler_params=pltpu.CompilerParams(needs_layout_passes=False),
      scratch_types=[
          pltpu.VMEM((E,), jnp.float32),
          pltpu.VMEM((NBINS * 16,), jnp.int32),
          pltpu.VMEM((NBINS,), jnp.int32),
          pltpu.VMEM((NS * NBINS,), jnp.int32),
          pltpu.VMEM((16,), jnp.float32),
          pltpu.VMEM((16,), jnp.int32),
          pltpu.VMEM((NS * 16,), jnp.float32),
          pltpu.VMEM((NS * 16,), jnp.int32),
          pltpu.VMEM((16,), jnp.float32),
          pltpu.VMEM_SHARED((4 * NS * NBINS,), jnp.int32),
          pltpu.VMEM_SHARED((NS * 16,), jnp.float32),
          pltpu.VMEM_SHARED((NS * 16,), jnp.int32),
          pltpu.SemaphoreType.DMA,
      ],
  )
  return f(losses)


def kernel(losses):
  return _es_pallas(losses)[0]

# --- scband reference (transcript-rebuilt; emitter-appended) ---
"""Pipeline reference for scband-expected-shortfall-44100724195888 (READ-ONLY COPY).

The authoritative reference and input builder live on the scoring server;
editing this copy changes nothing except your own understanding.
"""

import jax, jax.numpy as jnp
import numpy as np

ALPHA = 0.95


def setup_inputs(seed: int = 0) -> dict:
    key = jax.random.key(seed)
    losses = jax.random.normal(key, (1048576,), dtype=jnp.float32)
    return {"losses": losses}


def reference(losses):
    # VaR at confidence level alpha (linear-interpolated quantile, same as torch.quantile)
    var = jnp.quantile(losses, ALPHA)
    # Tail losses: losses >= VaR. torch code uses boolean masking; here we use a
    # jit-friendly masked mean that is mathematically identical.
    mask = losses >= var
    count = jnp.sum(mask)
    tail_sum = jnp.sum(jnp.where(mask, losses, 0.0))
    es = jnp.where(count > 0, tail_sum / jnp.maximum(count, 1).astype(losses.dtype), var)
    return es

if __name__ == "__main__":
    import jax
    _d = setup_inputs()
    print(jax.jit(kernel)(*tuple(_d.values())))

</pallas_src>

<mosaic_0001>
#map = affine_map<(d0, d1) -> (0)>
module attributes {stable_mosaic.version = 14 : i64} {
  func.func @_es_body(%arg0: i32, %arg1: i32, %arg2: memref<1048576xf32, #tpu.memory_space<hbm>>, %arg3: memref<16xf32, #tpu.memory_space<hbm>>, %arg4: memref<65536xf32, #tpu.memory_space<vmem>>, %arg5: memref<4096xi32, #tpu.memory_space<vmem>>, %arg6: memref<256xi32, #tpu.memory_space<vmem>>, %arg7: memref<4096xi32, #tpu.memory_space<vmem>>, %arg8: memref<16xf32, #tpu.memory_space<vmem>>, %arg9: memref<16xi32, #tpu.memory_space<vmem>>, %arg10: memref<256xf32, #tpu.memory_space<vmem>>, %arg11: memref<256xi32, #tpu.memory_space<vmem>>, %arg12: memref<16xf32, #tpu.memory_space<vmem>>, %arg13: memref<16384xi32, #tpu.memory_space<vmem_shared>>, %arg14: memref<256xf32, #tpu.memory_space<vmem_shared>>, %arg15: memref<256xi32, #tpu.memory_space<vmem_shared>>, %arg16: memref<!tpu.dma_semaphore, #tpu.memory_space<semaphore_mem>>) attributes {dimension_semantics = [#tpu.dimension_semantics<core_parallel>, #tpu.dimension_semantics<subcore_parallel>], iteration_bounds = array<i64: 2, 16>, scalar_prefetch = 0 : i64, scratch_operands = 13 : i64, tpu.core_type = #tpu.core_type<sc_vector_subcore>, window_params = [{transform_indices = #map}, {transform_indices = #map}]} {
    %iota3A = tpu.iota {dimensions = array<i32: 0>} : vector<16xi32>
    %broadcast_in_dim3A = arith.constant 1 : i32
    %broadcast_in_dim3A_0 = vector.broadcast %broadcast_in_dim3A : i32 to vector<16xi32>
    %broadcast_in_dim3A_1 = arith.constant 0 : i32
    %broadcast_in_dim3A_2 = vector.broadcast %broadcast_in_dim3A_1 : i32 to vector<16xi32>
    %mul3A = arith.constant 65536 : i32
    %mul3A_3 = arith.muli %arg1, %mul3A : i32
    %dma_start3A = tpu.memref_slice %arg2[%mul3A_3] : memref<1048576xf32, #tpu.memory_space<hbm>> -> memref<65536xf32, #tpu.memory_space<hbm>>
    %dma_start3A_4 = tpu.memref_slice %arg2[%mul3A_3] : memref<1048576xf32, #tpu.memory_space<hbm>> -> memref<65536xf32, #tpu.memory_space<hbm>>
    tpu.enqueue_dma source(%dma_start3A_4 : memref<65536xf32, #tpu.memory_space<hbm>>) target(%arg4 : memref<65536xf32, #tpu.memory_space<vmem>>) target_semaphore(%arg16 : memref<!tpu.dma_semaphore, #tpu.memory_space<semaphore_mem>>)
    %parallel_loop3A = arith.constant 0 : i32
    %parallel_loop3A_5 = arith.constant 256 : i32
    %parallel_loop3A_6 = arith.constant 1 : i32
    scf.for %parallel_loop3A_279 = %parallel_loop3A to %parallel_loop3A_5 step %parallel_loop3A_6  : i32 {
      %parallel_loop3A_280 = arith.constant 16 : i32
      %parallel_loop3A_281 = arith.muli %parallel_loop3A_279, %parallel_loop3A_280 : i32
      %parallel_loop3A_282 = arith.index_cast %parallel_loop3A_281 : i32 to index
      %parallel_loop3A_283 = tpu.vector_load %arg5[%parallel_loop3A_282] {strides = array<i32>} : memref<4096xi32, #tpu.memory_space<vmem>>, vector<16xi32>,
      tpu.vector_store %arg5[%parallel_loop3A_282], %broadcast_in_dim3A_2 {strides = array<i32>} : memref<4096xi32, #tpu.memory_space<vmem>>, vector<16xi32>,
    } {sc.loop_unroll_factor = 8 : i64, sc.parallel_access}
    %dma_wait3A = tpu.memref_slice %arg2[%mul3A_3] : memref<1048576xf32, #tpu.memory_space<hbm>> -> memref<65536xf32, #tpu.memory_space<hbm>>
    %dma_wait3A_7 = tpu.memref_slice %arg2[%mul3A_3] : memref<1048576xf32, #tpu.memory_space<hbm>> -> memref<65536xf32, #tpu.memory_space<hbm>>
    tpu.wait_dma2 semaphore(%arg16 : memref<!tpu.dma_semaphore, #tpu.memory_space<semaphore_mem>>) src(%dma_wait3A_7 : memref<65536xf32, #tpu.memory_space<hbm>>) dst(%arg4 : memref<65536xf32, #tpu.memory_space<vmem>>)
    %parallel_loop3A_8 = arith.constant 0 : i32
    %parallel_loop3A_9 = arith.constant 4096 : i32
    %parallel_loop3A_10 = arith.constant 1 : i32
    scf.for %parallel_loop3A_279 = %parallel_loop3A_8 to %parallel_loop3A_9 step %parallel_loop3A_10  : i32 {
      %parallel_loop3A_280 = arith.constant 16 : i32
      %parallel_loop3A_281 = arith.muli %parallel_loop3A_279, %parallel_loop3A_280 : i32
      %parallel_loop3A_282 = arith.index_cast %parallel_loop3A_281 : i32 to index
      %parallel_loop3A_283 = tpu.vector_load %arg4[%parallel_loop3A_282] {strides = array<i32>} : memref<65536xf32, #tpu.memory_space<vmem>>, vector<16xf32>,
      %parallel_loop3A_284 = tpu.bitcast %parallel_loop3A_283 : vector<16xf32> -> vector<16xi32>
      %parallel_loop3A_285 = arith.constant 31 : i32
      %parallel_loop3A_286 = vector.broadcast %parallel_loop3A_285 : i32 to vector<16xi32>
      %parallel_loop3A_287 = arith.shrsi %parallel_loop3A_284, %parallel_loop3A_286 : vector<16xi32>
      %parallel_loop3A_288 = arith.constant 2147483647 : i32
      %parallel_loop3A_289 = vector.broadcast %parallel_loop3A_288 : i32 to vector<16xi32>
      %parallel_loop3A_290 = arith.andi %parallel_loop3A_287, %parallel_loop3A_289 : vector<16xi32>
      %parallel_loop3A_291 = arith.xori %parallel_loop3A_284, %parallel_loop3A_290 : vector<16xi32>
      %parallel_loop3A_292 = tpu.bitcast %parallel_loop3A_291 : vector<16xi32> -> vector<16xf32>
      %parallel_loop3A_293 = arith.constant 16 : i32
      %parallel_loop3A_294 = arith.muli %parallel_loop3A_279, %parallel_loop3A_293 : i32
      %parallel_loop3A_295 = arith.index_cast %parallel_loop3A_294 : i32 to index
      %parallel_loop3A_296 = tpu.vector_load %arg4[%parallel_loop3A_295] {strides = array<i32>} : memref<65536xf32, #tpu.memory_space<vmem>>, vector<16xf32>,
      tpu.vector_store %arg4[%parallel_loop3A_295], %parallel_loop3A_292 {strides = array<i32>} : memref<65536xf32, #tpu.memory_space<vmem>>, vector<16xf32>,
      %parallel_loop3A_297 = arith.constant 24 : i32
      %parallel_loop3A_298 = vector.broadcast %parallel_loop3A_297 : i32 to vector<16xi32>
      %parallel_loop3A_299 = arith.shrsi %parallel_loop3A_291, %parallel_loop3A_298 : vector<16xi32>
      %parallel_loop3A_300 = arith.constant 255 : i32
      %parallel_loop3A_301 = vector.broadcast %parallel_loop3A_300 : i32 to vector<16xi32>
      %parallel_loop3A_302 = arith.andi %parallel_loop3A_299, %parallel_loop3A_301 : vector<16xi32>
      %parallel_loop3A_303 = arith.constant 128 : i32
      %parallel_loop3A_304 = vector.broadcast %parallel_loop3A_303 : i32 to vector<16xi32>
      %parallel_loop3A_305 = arith.xori %parallel_loop3A_302, %parallel_loop3A_304 : vector<16xi32>
      %parallel_loop3A_306 = arith.constant 16 : i32
      %parallel_loop3A_307 = vector.broadcast %parallel_loop3A_306 : i32 to vector<16xi32>
      %parallel_loop3A_308 = arith.muli %parallel_loop3A_305, %parallel_loop3A_307 : vector<16xi32>
      %parallel_loop3A_309 = arith.addi %parallel_loop3A_308, %iota3A : vector<16xi32>
      tpu.vector_store_idx %arg5[%parallel_loop3A_309], %broadcast_in_dim3A_0 {add = true} : memref<4096xi32, #tpu.memory_space<vmem>>[vector<16xi32>], vector<16xi32>,
    } {sc.loop_unroll_factor = 8 : i64, sc.parallel_access}
    %scan3A = arith.constant 0 : i32
    %scan3A_11 = arith.constant 0 : i32
    %scan3A_12 = arith.constant 16 : i32
    %scan3A_13 = arith.addi %scan3A_11, %scan3A_12 : i32
    %scan3A_14 = arith.constant 1 : i32
    %scan3A_15 = scf.for %scan3A_279 = %scan3A_11 to %scan3A_13 step %scan3A_14 iter_args(%scan3A_280 = %scan3A) -> (i32)  : i32 {
      %mul3A_281 = arith.constant 16 : i32
      %mul3A_282 = arith.muli %scan3A_279, %mul3A_281 : i32
      %add3A_283 = arith.constant 0 : i32
      %add3A_284 = arith.addi %mul3A_282, %add3A_283 : i32
      %mul3A_285 = arith.constant 16 : i32
      %mul3A_286 = arith.muli %add3A_284, %mul3A_285 : i32
      %get3A = arith.index_cast %mul3A_286 : i32 to index
      %get3A_287 = tpu.vector_load %arg5[%get3A] {strides = array<i32>} : memref<4096xi32, #tpu.memory_space<vmem>>, vector<16xi32>,
      %mul3A_288 = arith.constant 16 : i32
      %mul3A_289 = arith.muli %scan3A_279, %mul3A_288 : i32
      %add3A_290 = arith.constant 0 : i32
      %add3A_291 = arith.addi %mul3A_289, %add3A_290 : i32
      %mul3A_292 = arith.constant 16 : i32
      %mul3A_293 = arith.muli %add3A_291, %mul3A_292 : i32
      %swap3A_294 = arith.index_cast %mul3A_293 : i32 to index
      %swap3A_295 = tpu.vector_load %arg5[%swap3A_294] {strides = array<i32>} : memref<4096xi32, #tpu.memory_space<vmem>>, vector<16xi32>,
      tpu.vector_store %arg5[%swap3A_294], %broadcast_in_dim3A_2 {strides = array<i32>} : memref<4096xi32, #tpu.memory_space<vmem>>, vector<16xi32>,
      %eq3A_296 = arith.constant 0 : i32
      %eq3A_297 = vector.broadcast %eq3A_296 : i32 to vector<16xi32>
      %eq3A_298 = arith.cmpi eq, %iota3A, %eq3A_297 : vector<16xi32>
      %reduce_sum3A_299 = arith.constant true
      %reduce_sum3A_300 = vector.broadcast %reduce_sum3A_299 : i1 to vector<16xi1>
      %reduce_sum3A_301 = tpu.scan <sum>, %get3A_287 masked %reduce_sum3A_300 : vector<16xi32>, vector<16xi1> -> vector<16xi32>
      %reduce_sum3A_302 = vector.extract %reduce_sum3A_301[15] : i32 from vector<16xi32>
      %broadcast_in_dim3A_303 = vector.broadcast %reduce_sum3A_302 : i32 to vector<16xi32>
      %select_n3A_304 = arith.select %eq3A_298, %broadcast_in_dim3A_303, %broadcast_in_dim3A_2 : vector<16xi1>, vector<16xi32>
      %mul3A_305 = arith.constant 16 : i32
      %mul3A_306 = arith.muli %scan3A_279, %mul3A_305 : i32
      %add3A_307 = arith.constant 1 : i32
      %add3A_308 = arith.addi %mul3A_306, %add3A_307 : i32
      %mul3A_309 = arith.constant 16 : i32
      %mul3A_310 = arith.muli %add3A_308, %mul3A_309 : i32
      %get3A_311 = arith.index_cast %mul3A_310 : i32 to index
      %get3A_312 = tpu.vector_load %arg5[%get3A_311] {strides = array<i32>} : memref<4096xi32, #tpu.memory_space<vmem>>, vector<16xi32>,
      %mul3A_313 = arith.constant 16 : i32
      %mul3A_314 = arith.muli %scan3A_279, %mul3A_313 : i32
      %add3A_315 = arith.constant 1 : i32
      %add3A_316 = arith.addi %mul3A_314, %add3A_315 : i32
      %mul3A_317 = arith.constant 16 : i32
      %mul3A_318 = arith.muli %add3A_316, %mul3A_317 : i32
      %swap3A_319 = arith.index_cast %mul3A_318 : i32 to index
      %swap3A_320 = tpu.vector_load %arg5[%swap3A_319] {strides = array<i32>} : memref<4096xi32, #tpu.memory_space<vmem>>, vector<16xi32>,
      tpu.vector_store %arg5[%swap3A_319], %broadcast_in_dim3A_2 {strides = array<i32>} : memref<4096xi32, #tpu.memory_space<vmem>>, vector<16xi32>,
      %eq3A_321 = arith.constant 1 : i32
      %eq3A_322 = vector.broadcast %eq3A_321 : i32 to vector<16xi32>
      %eq3A_323 = arith.cmpi eq, %iota3A, %eq3A_322 : vector<16xi32>
      %reduce_sum3A_324 = arith.constant true
      %reduce_sum3A_325 = vector.broadcast %reduce_sum3A_324 : i1 to vector<16xi1>
      %reduce_sum3A_326 = tpu.scan <sum>, %get3A_312 masked %reduce_sum3A_325 : vector<16xi32>, vector<16xi1> -> vector<16xi32>
      %reduce_sum3A_327 = vector.extract %reduce_sum3A_326[15] : i32 from vector<16xi32>
      %broadcast_in_dim3A_328 = vector.broadcast %reduce_sum3A_327 : i32 to vector<16xi32>
      %select_n3A_329 = arith.select %eq3A_323, %broadcast_in_dim3A_328, %select_n3A_304 : vector<16xi1>, vector<16xi32>
      %mul3A_330 = arith.constant 16 : i32
      %mul3A_331 = arith.muli %scan3A_279, %mul3A_330 : i32
      %add3A_332 = arith.constant 2 : i32
      %add3A_333 = arith.addi %mul3A_331, %add3A_332 : i32
      %mul3A_334 = arith.constant 16 : i32
      %mul3A_335 = arith.muli %add3A_333, %mul3A_334 : i32
      %get3A_336 = arith.index_cast %mul3A_335 : i32 to index
      %get3A_337 = tpu.vector_load %arg5[%get3A_336] {strides = array<i32>} : memref<4096xi32, #tpu.memory_space<vmem>>, vector<16xi32>,
      %mul3A_338 = arith.constant 16 : i32
      %mul3A_339 = arith.muli %scan3A_279, %mul3A_338 : i32
      %add3A_340 = arith.constant 2 : i32
      %add3A_341 = arith.addi %mul3A_339, %add3A_340 : i32
      %mul3A_342 = arith.constant 16 : i32
      %mul3A_343 = arith.muli %add3A_341, %mul3A_342 : i32
      %swap3A_344 = arith.index_cast %mul3A_343 : i32 to index
      %swap3A_345 = tpu.vector_load %arg5[%swap3A_344] {strides = array<i32>} : memref<4096xi32, #tpu.memory_space<vmem>>, vector<16xi32>,
      tpu.vector_store %arg5[%swap3A_344], %broadcast_in_dim3A_2 {strides = array<i32>} : memref<4096xi32, #tpu.memory_space<vmem>>, vector<16xi32>,
      %eq3A_346 = arith.constant 2 : i32
      %eq3A_347 = vector.broadcast %eq3A_346 : i32 to vector<16xi32>
      %eq3A_348 = arith.cmpi eq, %iota3A, %eq3A_347 : vector<16xi32>
      %reduce_sum3A_349 = arith.constant true
      %reduce_sum3A_350 = vector.broadcast %reduce_sum3A_349 : i1 to vector<16xi1>
      %reduce_sum3A_351 = tpu.scan <sum>, %get3A_337 masked %reduce_sum3A_350 : vector<16xi32>, vector<16xi1> -> vector<16xi32>
      %reduce_sum3A_352 = vector.extract %reduce_sum3A_351[15] : i32 from vector<16xi32>
      %broadcast_in_dim3A_353 = vector.broadcast %reduce_sum3A_352 : i32 to vector<16xi32>
      %select_n3A_354 = arith.select %eq3A_348, %broadcast_in_dim3A_353, %select_n3A_329 : vector<16xi1>, vector<16xi32>
      %mul3A_355 = arith.constant 16 : i32
      %mul3A_356 = arith.muli %scan3A_279, %mul3A_355 : i32
      %add3A_357 = arith.constant 3 : i32
      %add3A_358 = arith.addi %mul3A_356, %add3A_357 : i32
      %mul3A_359 = arith.constant 16 : i32
      %mul3A_360 = arith.muli %add3A_358, %mul3A_359 : i32
      %get3A_361 = arith.index_cast %mul3A_360 : i32 to index
      %get3A_362 = tpu.vector_load %arg5[%get3A_361] {strides = array<i32>} : memref<4096xi32, #tpu.memory_space<vmem>>, vector<16xi32>,
      %mul3A_363 = arith.constant 16 : i32
      %mul3A_364 = arith.muli %scan3A_279, %mul3A_363 : i32
      %add3A_365 = arith.constant 3 : i32
      %add3A_366 = arith.addi %mul3A_364, %add3A_365 : i32
      %mul3A_367 = arith.constant 16 : i32
      %mul3A_368 = arith.muli %add3A_366, %mul3A_367 : i32
      %swap3A_369 = arith.index_cast %mul3A_368 : i32 to index
      %swap3A_370 = tpu.vector_load %arg5[%swap3A_369] {strides = array<i32>} : memref<4096xi32, #tpu.memory_space<vmem>>, vector<16xi32>,
      tpu.vector_store %arg5[%swap3A_369], %broadcast_in_dim3A_2 {strides = array<i32>} : memref<4096xi32, #tpu.memory_space<vmem>>, vector<16xi32>,
      %eq3A_371 = arith.constant 3 : i32
      %eq3A_372 = vector.broadcast %eq3A_371 : i32 to vector<16xi32>
      %eq3A_373 = arith.cmpi eq, %iota3A, %eq3A_372 : vector<16xi32>
      %reduce_sum3A_374 = arith.constant true
      %reduce_sum3A_375 = vector.broadcast %reduce_sum3A_374 : i1 to vector<16xi1>
      %reduce_sum3A_376 = tpu.scan <sum>, %get3A_362 masked %reduce_sum3A_375 : vector<16xi32>, vector<16xi1> -> vector<16xi32>
      %reduce_sum3A_377 = vector.extract %reduce_sum3A_376[15] : i32 from vector<16xi32>
      %broadcast_in_dim3A_378 = vector.broadcast %reduce_sum3A_377 : i32 to vector<16xi32>
      %select_n3A_379 = arith.select %eq3A_373, %broadcast_in_dim3A_378, %select_n3A_354 : vector<16xi1>, vector<16xi32>
      %mul3A_380 = arith.constant 16 : i32
      %mul3A_381 = arith.muli %scan3A_279, %mul3A_380 : i32
      %add3A_382 = arith.constant 4 : i32
      %add3A_383 = arith.addi %mul3A_381, %add3A_382 : i32
      %mul3A_384 = arith.constant 16 : i32
      %mul3A_385 = arith.muli %add3A_383, %mul3A_384 : i32
      %get3A_386 = arith.index_cast %mul3A_385 : i32 to index
      %get3A_387 = tpu.vector_load %arg5[%get3A_386] {strides = array<i32>} : memref<4096xi32, #tpu.memory_space<vmem>>, vector<16xi32>,
      %mul3A_388 = arith.constant 16 : i32
      %mul3A_389 = arith.muli %scan3A_279, %mul3A_388 : i32
      %add3A_390 = arith.constant 4 : i32
      %add3A_391 = arith.addi %mul3A_389, %add3A_390 : i32
      %mul3A_392 = arith.constant 16 : i32
      %mul3A_393 = arith.muli %add3A_391, %mul3A_392 : i32
      %swap3A_394 = arith.index_cast %mul3A_393 : i32 to index
      %swap3A_395 = tpu.vector_load %arg5[%swap3A_394] {strides = array<i32>} : memref<4096xi32, #tpu.memory_space<vmem>>, vector<16xi32>,
      tpu.vector_store %arg5[%swap3A_394], %broadcast_in_dim3A_2 {strides = array<i32>} : memref<4096xi32, #tpu.memory_space<vmem>>, vector<16xi32>,
      %eq3A_396 = arith.constant 4 : i32
      %eq3A_397 = vector.broadcast %eq3A_396 : i32 to vector<16xi32>
      %eq3A_398 = arith.cmpi eq, %iota3A, %eq3A_397 : vector<16xi32>
      %reduce_sum3A_399 = arith.constant true
      %reduce_sum3A_400 = vector.broadcast %reduce_sum3A_399 : i1 to vector<16xi1>
      %reduce_sum3A_401 = tpu.scan <sum>, %get3A_387 masked %reduce_sum3A_400 : vector<16xi32>, vector<16xi1> -> vector<16xi32>
      %reduce_sum3A_402 = vector.extract %reduce_sum3A_401[15] : i32 from vector<16xi32>
      %broadcast_in_dim3A_403 = vector.broadcast %reduce_sum3A_402 : i32 to vector<16xi32>
      %select_n3A_404 = arith.select %eq3A_398, %broadcast_in_dim3A_403, %select_n3A_379 : vector<16xi1>, vector<16xi32>
      %mul3A_405 = arith.constant 16 : i32
      %mul3A_406 = arith.muli %scan3A_279, %mul3A_405 : i32
      %add3A_407 = arith.constant 5 : i32
      %add3A_408 = arith.addi %mul3A_406, %add3A_407 : i32
      %mul3A_409 = arith.constant 16 : i32
      %mul3A_410 = arith.muli %add3A_408, %mul3A_409 : i32
      %get3A_411 = arith.index_cast %mul3A_410 : i32 to index
      %get3A_412 = tpu.vector_load %arg5[%get3A_411] {strides = array<i32>} : memref<4096xi32, #tpu.memory_space<vmem>>, vector<16xi32>,
      %mul3A_413 = arith.constant 16 : i32
      %mul3A_414 = arith.muli %scan3A_279, %mul3A_413 : i32
      %add3A_415 = arith.constant 5 : i32
      %add3A_416 = arith.addi %mul3A_414, %add3A_415 : i32
      %mul3A_417 = arith.constant 16 : i32
      %mul3A_418 = arith.muli %add3A_416, %mul3A_417 : i32
      %swap3A_419 = arith.index_cast %mul3A_418 : i32 to index
      %swap3A_420 = tpu.vector_load %arg5[%swap3A_419] {strides = array<i32>} : memref<4096xi32, #tpu.memory_space<vmem>>, vector<16xi32>,
      tpu.vector_store %arg5[%swap3A_419], %broadcast_in_dim3A_2 {strides = array<i32>} : memref<4096xi32, #tpu.memory_space<vmem>>, vector<16xi32>,
      %eq3A_421 = arith.constant 5 : i32
      %eq3A_422 = vector.broadcast %eq3A_421 : i32 to vector<16xi32>
      %eq3A_423 = arith.cmpi eq, %iota3A, %eq3A_422 : vector<16xi32>
      %reduce_sum3A_424 = arith.constant true
      %reduce_sum3A_425 = vector.broadcast %reduce_sum3A_424 : i1 to vector<16xi1>
      %reduce_sum3A_426 = tpu.scan <sum>, %get3A_412 masked %reduce_sum3A_425 : vector<16xi32>, vector<16xi1> -> vector<16xi32>
      %reduce_sum3A_427 = vector.extract %reduce_sum3A_426[15] : i32 from vector<16xi32>
      %broadcast_in_dim3A_428 = vector.broadcast %reduce_sum3A_427 : i32 to vector<16xi32>
      %select_n3A_429 = arith.select %eq3A_423, %broadcast_in_dim3A_428, %select_n3A_404 : vector<16xi1>, vector<16xi32>
      %mul3A_430 = arith.constant 16 : i32
      %mul3A_431 = arith.muli %scan3A_279, %mul3A_430 : i32
      %add3A_432 = arith.constant 6 : i32
      %add3A_433 = arith.addi %mul3A_431, %add3A_432 : i32
      %mul3A_434 = arith.constant 16 : i32
      %mul3A_435 = arith.muli %add3A_433, %mul3A_434 : i32
      %get3A_436 = arith.index_cast %mul3A_435 : i32 to index
      %get3A_437 = tpu.vector_load %arg5[%get3A_436] {strides = array<i32>} : memref<4096xi32, #tpu.memory_space<vmem>>, vector<16xi32>,
      %mul3A_438 = arith.constant 16 : i32
      %mul3A_439 = arith.muli %scan3A_279, %mul3A_438 : i32
      %add3A_440 = arith.constant 6 : i32
      %add3A_441 = arith.addi %mul3A_439, %add3A_440 : i32
      %mul3A_442 = arith.constant 16 : i32
      %mul3A_443 = arith.muli %add3A_441, %mul3A_442 : i32
      %swap3A_444 = arith.index_cast %mul3A_443 : i32 to index
      %swap3A_445 = tpu.vector_load %arg5[%swap3A_444] {strides = array<i32>} : memref<4096xi32, #tpu.memory_space<vmem>>, vector<16xi32>,
      tpu.vector_store %arg5[%swap3A_444], %broadcast_in_dim3A_2 {strides = array<i32>} : memref<4096xi32, #tpu.memory_space<vmem>>, vector<16xi32>,
      %eq3A_446 = arith.constant 6 : i32
      %eq3A_447 = vector.broadcast %eq3A_446 : i32 to vector<16xi32>
      %eq3A_448 = arith.cmpi eq, %iota3A, %eq3A_447 : vector<16xi32>
      %reduce_sum3A_449 = arith.constant true
      %reduce_sum3A_450 = vector.broadcast %reduce_sum3A_449 : i1 to vector<16xi1>
      %reduce_sum3A_451 = tpu.scan <sum>, %get3A_437 masked %reduce_sum3A_450 : vector<16xi32>, vector<16xi1> -> vector<16xi32>
      %reduce_sum3A_452 = vector.extract %reduce_sum3A_451[15] : i32 from vector<16xi32>
      %broadcast_in_dim3A_453 = vector.broadcast %reduce_sum3A_452 : i32 to vector<16xi32>
      %select_n3A_454 = arith.select %eq3A_448, %broadcast_in_dim3A_453, %select_n3A_429 : vector<16xi1>, vector<16xi32>
      %mul3A_455 = arith.constant 16 : i32
      %mul3A_456 = arith.muli %scan3A_279, %mul3A_455 : i32
      %add3A_457 = arith.constant 7 : i32
      %add3A_458 = arith.addi %mul3A_456, %add3A_457 : i32
      %mul3A_459 = arith.constant 16 : i32
      %mul3A_460 = arith.muli %add3A_458, %mul3A_459 : i32
      %get3A_461 = arith.index_cast %mul3A_460 : i32 to index
      %get3A_462 = tpu.vector_load %arg5[%get3A_461] {strides = array<i32>} : memref<4096xi32, #tpu.memory_space<vmem>>, vector<16xi32>,
      %mul3A_463 = arith.constant 16 : i32
      %mul3A_464 = arith.muli %scan3A_279, %mul3A_463 : i32
      %add3A_465 = arith.constant 7 : i32
      %add3A_466 = arith.addi %mul3A_464, %add3A_465 : i32
      %mul3A_467 = arith.constant 16 : i32
      %mul3A_468 = arith.muli %add3A_466, %mul3A_467 : i32
      %swap3A_469 = arith.index_cast %mul3A_468 : i32 to index
      %swap3A_470 = tpu.vector_load %arg5[%swap3A_469] {strides = array<i32>} : memref<4096xi32, #tpu.memory_space<vmem>>, vector<16xi32>,
      tpu.vector_store %arg5[%swap3A_469], %broadcast_in_dim3A_2 {strides = array<i32>} : memref<4096xi32, #tpu.memory_space<vmem>>, vector<16xi32>,
      %eq3A_471 = arith.constant 7 : i32
      %eq3A_472 = vector.broadcast %eq3A_471 : i32 to vector<16xi32>
      %eq3A_473 = arith.cmpi eq, %iota3A, %eq3A_472 : vector<16xi32>
      %reduce_sum3A_474 = arith.constant true
      %reduce_sum3A_475 = vector.broadcast %reduce_sum3A_474 : i1 to vector<16xi1>
      %reduce_sum3A_476 = tpu.scan <sum>, %get3A_462 masked %reduce_sum3A_475 : vector<16xi32>, vector<16xi1> -> vector<16xi32>
      %reduce_sum3A_477 = vector.extract %reduce_sum3A_476[15] : i32 from vector<16xi32>
      %broadcast_in_dim3A_478 = vector.broadcast %reduce_sum3A_477 : i32 to vector<16xi32>
      %select_n3A_479 = arith.select %eq3A_473, %broadcast_in_dim3A_478, %select_n3A_454 : vector<16xi1>, vector<16xi32>
      %mul3A_480 = arith.constant 16 : i32
      %mul3A_481 = arith.muli %scan3A_279, %mul3A_480 : i32
      %add3A_482 = arith.constant 8 : i32
      %add3A_483 = arith.addi %mul3A_481, %add3A_482 : i32
      %mul3A_484 = arith.constant 16 : i32
      %mul3A_485 = arith.muli %add3A_483, %mul3A_484 : i32
      %get3A_486 = arith.index_cast %mul3A_485 : i32 to index
      %get3A_487 = tpu.vector_load %arg5[%get3A_486] {strides = array<i32>} : memref<4096xi32, #tpu.memory_space<vmem>>, vector<16xi32>,
      %mul3A_488 = arith.constant 16 : i32
      %mul3A_489 = arith.muli %scan3A_279, %mul3A_488 : i32
      %add3A_490 = arith.constant 8 : i32
      %add3A_491 = arith.addi %mul3A_489, %add3A_490 : i32
      %mul3A_492 = arith.constant 16 : i32
      %mul3A_493 = arith.muli %add3A_491, %mul3A_492 : i32
      %swap3A_494 = arith.index_cast %mul3A_493 : i32 to index
      %swap3A_495 = tpu.vector_load %arg5[%swap3A_494] {strides = array<i32>} : memref<4096xi32, #tpu.memory_space<vmem>>, vector<16xi32>,
      tpu.vector_store %arg5[%swap3A_494], %broadcast_in_dim3A_2 {strides = array<i32>} : memref<4096xi32, #tpu.memory_space<vmem>>, vector<16xi32>,
      %eq3A_496 = arith.constant 8 : i32
      %eq3A_497 = vector.broadcast %eq3A_496 : i32 to vector<16xi32>
      %eq3A_498 = arith.cmpi eq, %iota3A, %eq3A_497 : vector<16xi32>
      %reduce_sum3A_499 = arith.constant true
      %reduce_sum3A_500 = vector.broadcast %reduce_sum3A_499 : i1 to vector<16xi1>
      %reduce_sum3A_501 = tpu.scan <sum>, %get3A_487 masked %reduce_sum3A_500 : vector<16xi32>, vector<16xi1> -> vector<16xi32>
      %reduce_sum3A_502 = vector.extract %reduce_sum3A_501[15] : i32 from vector<16xi32>
      %broadcast_in_dim3A_503 = vector.broadcast %reduce_sum3A_502 : i32 to vector<16xi32>
      %select_n3A_504 = arith.select %eq3A_498, %broadcast_in_dim3A_503, %select_n3A_479 : vector<16xi1>, vector<16xi32>
      %mul3A_505 = arith.constant 16 : i32
      %mul3A_506 = arith.muli %scan3A_279, %mul3A_505 : i32
      %add3A_507 = arith.constant 9 : i32
      %add3A_508 = arith.addi %mul3A_506, %add3A_507 : i32
      %mul3A_509 = arith.constant 16 : i32
      %mul3A_510 = arith.muli %add3A_508, %mul3A_509 : i32
      %get3A_511 = arith.index_cast %mul3A_510 : i32 to index
      %get3A_512 = tpu.vector_load %arg5[%get3A_511] {strides = array<i32>} : memref<4096xi32, #tpu.memory_space<vmem>>, vector<16xi32>,
      %mul3A_513 = arith.constant 16 : i32
      %mul3A_514 = arith.muli %scan3A_279, %mul3A_513 : i32
      %add3A_515 = arith.constant 9 : i32
      %add3A_516 = arith.addi %mul3A_514, %add3A_515 : i32
      %mul3A_517 = arith.constant 16 : i32
      %mul3A_518 = arith.muli %add3A_516, %mul3A_517 : i32
      %swap3A_519 = arith.index_cast %mul3A_518 : i32 to index
      %swap3A_520 = tpu.vector_load %arg5[%swap3A_519] {strides = array<i32>} : memref<4096xi32, #tpu.memory_space<vmem>>, vector<16xi32>,
      tpu.vector_store %arg5[%swap3A_519], %broadcast_in_dim3A_2 {strides = array<i32>} : memref<4096xi32, #tpu.memory_space<vmem>>, vector<16xi32>,
      %eq3A_521 = arith.constant 9 : i32
      %eq3A_522 = vector.broadcast %eq3A_521 : i32 to vector<16xi32>
      %eq3A_523 = arith.cmpi eq, %iota3A, %eq3A_522 : vector<16xi32>
      %reduce_sum3A_524 = arith.constant true
      %reduce_sum3A_525 = vector.broadcast %reduce_sum3A_524 : i1 to vector<16xi1>
      %reduce_sum3A_526 = tpu.scan <sum>, %get3A_512 masked %reduce_sum3A_525 : vector<16xi32>, vector<16xi1> -> vector<16xi32>
      %reduce_sum3A_527 = vector.extract %reduce_sum3A_526[15] : i32 from vector<16xi32>
      %broadcast_in_dim3A_528 = vector.broadcast %reduce_sum3A_527 : i32 to vector<16xi32>
      %select_n3A_529 = arith.select %eq3A_523, %broadcast_in_dim3A_528, %select_n3A_504 : vector<16xi1>, vector<16xi32>
      %mul3A_530 = arith.constant 16 : i32
      %mul3A_531 = arith.muli %scan3A_279, %mul3A_530 : i32
      %add3A_532 = arith.constant 10 : i32
      %add3A_533 = arith.addi %mul3A_531, %add3A_532 : i32
      %mul3A_534 = arith.constant 16 : i32
      %mul3A_535 = arith.muli %add3A_533, %mul3A_534 : i32
      %get3A_536 = arith.index_cast %mul3A_535 : i32 to index
      %get3A_537 = tpu.vector_load %arg5[%get3A_536] {strides = array<i32>} : memref<4096xi32, #tpu.memory_space<vmem>>, vector<16xi32>,
      %mul3A_538 = arith.constant 16 : i32
      %mul3A_539 = arith.muli %scan3A_279, %mul3A_538 : i32
      %add3A_540 = arith.constant 10 : i32
      %add3A_541 = arith.addi %mul3A_539, %add3A_540 : i32
      %mul3A_542 = arith.constant 16 : i32
      %mul3A_543 = arith.muli %add3A_541, %mul3A_542 : i32
      %swap3A_544 = arith.index_cast %mul3A_543 : i32 to index
      %swap3A_545 = tpu.vector_load %arg5[%swap3A_544] {strides = array<i32>} : memref<4096xi32, #tpu.memory_space<vmem>>, vector<16xi32>,
      tpu.vector_store %arg5[%swap3A_544], %broadcast_in_dim3A_2 {strides = array<i32>} : memref<4096xi32, #tpu.memory_space<vmem>>, vector<16xi32>,
      %eq3A_546 = arith.constant 10 : i32
      %eq3A_547 = vector.broadcast %eq3A_546 : i32 to vector<16xi32>
      %eq3A_548 = arith.cmpi eq, %iota3A, %eq3A_547 : vector<16xi32>
      %reduce_sum3A_549 = arith.constant true
      %reduce_sum3A_550 = vector.broadcast %reduce_sum3A_549 : i1 to vector<16xi1>
      %reduce_sum3A_551 = tpu.scan <sum>, %get3A_537 masked %reduce_sum3A_550 : vector<16xi32>, vector<16xi1> -> vector<16xi32>
      %reduce_sum3A_552 = vector.extract %reduce_sum3A_551[15] : i32 from vector<16xi32>
      %broadcast_in_dim3A_553 = vector.broadcast %reduce_sum3A_552 : i32 to vector<16xi32>
      %select_n3A_554 = arith.select %eq3A_548, %broadcast_in_dim3A_553, %select_n3A_529 : vector<16xi1>, vector<16xi32>
      %mul3A_555 = arith.constant 16 : i32
      %mul3A_556 = arith.muli %scan3A_279, %mul3A_555 : i32
      %add3A_557 = arith.constant 11 : i32
      %add3A_558 = arith.addi %mul3A_556, %add3A_557 : i32
      %mul3A_559 = arith.constant 16 : i32
      %mul3A_560 = arith.muli %add3A_558, %mul3A_559 : i32
      %get3A_561 = arith.index_cast %mul3A_560 : i32 to index
      %get3A_562 = tpu.vector_load %arg5[%get3A_561] {strides = array<i32>} : memref<4096xi32, #tpu.memory_space<vmem>>, vector<16xi32>,
      %mul3A_563 = arith.constant 16 : i32
      %mul3A_564 = arith.muli %scan3A_279, %mul3A_563 : i32
      %add3A_565 = arith.constant 11 : i32
      %add3A_566 = arith.addi %mul3A_564, %add3A_565 : i32
      %mul3A_567 = arith.constant 16 : i32
      %mul3A_568 = arith.muli %add3A_566, %mul3A_567 : i32
      %swap3A_569 = arith.index_cast %mul3A_568 : i32 to index
      %swap3A_570 = tpu.vector_load %arg5[%swap3A_569] {strides = array<i32>} : memref<4096xi32, #tpu.memory_space<vmem>>, vector<16xi32>,
      tpu.vector_store %arg5[%swap3A_569], %broadcast_in_dim3A_2 {strides = array<i32>} : memref<4096xi32, #tpu.memory_space<vmem>>, vector<16xi32>,
      %eq3A_571 = arith.constant 11 : i32
      %eq3A_572 = vector.broadcast %eq3A_571 : i32 to vector<16xi32>
      %eq3A_573 = arith.cmpi eq, %iota3A, %eq3A_572 : vector<16xi32>
      %reduce_sum3A_574 = arith.constant true
      %reduce_sum3A_575 = vector.broadcast %reduce_sum3A_574 : i1 to vector<16xi1>
      %reduce_sum3A_576 = tpu.scan <sum>, %get3A_562 masked %reduce_sum3A_575 : vector<16xi32>, vector<16xi1> -> vector<16xi32>
      %reduce_sum3A_577 = vector.extract %reduce_sum3A_576[15] : i32 from vector<16xi32>
      %broadcast_in_dim3A_578 = vector.broadcast %reduce_sum3A_577 : i32 to vector<16xi32>
      %select_n3A_579 = arith.select %eq3A_573, %broadcast_in_dim3A_578, %select_n3A_554 : vector<16xi1>, vector<16xi32>
      %mul3A_580 = arith.constant 16 : i32
      %mul3A_581 = arith.muli %scan3A_279, %mul3A_580 : i32
      %add3A_582 = arith.constant 12 : i32
      %add3A_583 = arith.addi %mul3A_581, %add3A_582 : i32
      %mul3A_584 = arith.constant 16 : i32
      %mul3A_585 = arith.muli %add3A_583, %mul3A_584 : i32
      %get3A_586 = arith.index_cast %mul3A_585 : i32 to index
      %get3A_587 = tpu.vector_load %arg5[%get3A_586] {strides = array<i32>} : memref<4096xi32, #tpu.memory_space<vmem>>, vector<16xi32>,
      %mul3A_588 = arith.constant 16 : i32
      %mul3A_589 = arith.muli %scan3A_279, %mul3A_588 : i32
      %add3A_590 = arith.constant 12 : i32
      %add3A_591 = arith.addi %mul3A_589, %add3A_590 : i32
      %mul3A_592 = arith.constant 16 : i32
      %mul3A_593 = arith.muli %add3A_591, %mul3A_592 : i32
      %swap3A_594 = arith.index_cast %mul3A_593 : i32 to index
      %swap3A_595 = tpu.vector_load %arg5[%swap3A_594] {strides = array<i32>} : memref<4096xi32, #tpu.memory_space<vmem>>, vector<16xi32>,
      tpu.vector_store %arg5[%swap3A_594], %broadcast_in_dim3A_2 {strides = array<i32>} : memref<4096xi32, #tpu.memory_space<vmem>>, vector<16xi32>,
      %eq3A_596 = arith.constant 12 : i32
      %eq3A_597 = vector.broadcast %eq3A_596 : i32 to vector<16xi32>
      %eq3A_598 = arith.cmpi eq, %iota3A, %eq3A_597 : vector<16xi32>
      %reduce_sum3A_599 = arith.constant true
      %reduce_sum3A_600 = vector.broadcast %reduce_sum3A_599 : i1 to vector<16xi1>
      %reduce_sum3A_601 = tpu.scan <sum>, %get3A_587 masked %reduce_sum3A_600 : vector<16xi32>, vector<16xi1> -> vector<16xi32>
      %reduce_sum3A_602 = vector.extract %reduce_sum3A_601[15] : i32 from vector<16xi32>
      %broadcast_in_dim3A_603 = vector.broadcast %reduce_sum3A_602 : i32 to vector<16xi32>
      %select_n3A_604 = arith.select %eq3A_598, %broadcast_in_dim3A_603, %select_n3A_579 : vector<16xi1>, vector<16xi32>
      %mul3A_605 = arith.constant 16 : i32
      %mul3A_606 = arith.muli %scan3A_279, %mul3A_605 : i32
      %add3A_607 = arith.constant 13 : i32
      %add3A_608 = arith.addi %mul3A_606, %add3A_607 : i32
      %mul3A_609 = arith.constant 16 : i32
      %mul3A_610 = arith.muli %add3A_608, %mul3A_609 : i32
      %get3A_611 = arith.index_cast %mul3A_610 : i32 to index
      %get3A_612 = tpu.vector_load %arg5[%get3A_611] {strides = array<i32>} : memref<4096xi32, #tpu.memory_space<vmem>>, vector<16xi32>,
      %mul3A_613 = arith.constant 16 : i32
      %mul3A_614 = arith.muli %scan3A_279, %mul3A_613 : i32
      %add3A_615 = arith.constant 13 : i32
      %add3A_616 = arith.addi %mul3A_614, %add3A_615 : i32
      %mul3A_617 = arith.constant 16 : i32
      %mul3A_618 = arith.muli %add3A_616, %mul3A_617 : i32
      %swap3A_619 = arith.index_cast %mul3A_618 : i32 to index
      %swap3A_620 = tpu.vector_load %arg5[%swap3A_619] {strides = array<i32>} : memref<4096xi32, #tpu.memory_space<vmem>>, vector<16xi32>,
      tpu.vector_store %arg5[%swap3A_619], %broadcast_in_dim3A_2 {strides = array<i32>} : memref<4096xi32, #tpu.memory_space<vmem>>, vector<16xi32>,
      %eq3A_621 = arith.constant 13 : i32
      %eq3A_622 = vector.broadcast %eq3A_621 : i32 to vector<16xi32>
      %eq3A_623 = arith.cmpi eq, %iota3A, %eq3A_622 : vector<16xi32>
      %reduce_sum3A_624 = arith.constant true
      %reduce_sum3A_625 = vector.broadcast %reduce_sum3A_624 : i1 to vector<16xi1>
      %reduce_sum3A_626 = tpu.scan <sum>, %get3A_612 masked %reduce_sum3A_625 : vector<16xi32>, vector<16xi1> -> vector<16xi32>
      %reduce_sum3A_627 = vector.extract %reduce_sum3A_626[15] : i32 from vector<16xi32>
      %broadcast_in_dim3A_628 = vector.broadcast %reduce_sum3A_627 : i32 to vector<16xi32>
      %select_n3A_629 = arith.select %eq3A_623, %broadcast_in_dim3A_628, %select_n3A_604 : vector<16xi1>, vector<16xi32>
      %mul3A_630 = arith.constant 16 : i32
      %mul3A_631 = arith.muli %scan3A_279, %mul3A_630 : i32
      %add3A_632 = arith.constant 14 : i32
      %add3A_633 = arith.addi %mul3A_631, %add3A_632 : i32
      %mul3A_634 = arith.constant 16 : i32
      %mul3A_635 = arith.muli %add3A_633, %mul3A_634 : i32
      %get3A_636 = arith.index_cast %mul3A_635 : i32 to index
      %get3A_637 = tpu.vector_load %arg5[%get3A_636] {strides = array<i32>} : memref<4096xi32, #tpu.memory_space<vmem>>, vector<16xi32>,
      %mul3A_638 = arith.constant 16 : i32
      %mul3A_639 = arith.muli %scan3A_279, %mul3A_638 : i32
      %add3A_640 = arith.constant 14 : i32
      %add3A_641 = arith.addi %mul3A_639, %add3A_640 : i32
      %mul3A_642 = arith.constant 16 : i32
      %mul3A_643 = arith.muli %add3A_641, %mul3A_642 : i32
      %swap3A_644 = arith.index_cast %mul3A_643 : i32 to index
      %swap3A_645 = tpu.vector_load %arg5[%swap3A_644] {strides = array<i32>} : memref<4096xi32, #tpu.memory_space<vmem>>, vector<16xi32>,
      tpu.vector_store %arg5[%swap3A_644], %broadcast_in_dim3A_2 {strides = array<i32>} : memref<4096xi32, #tpu.memory_space<vmem>>, vector<16xi32>,
      %eq3A_646 = arith.constant 14 : i32
      %eq3A_647 = vector.broadcast %eq3A_646 : i32 to vector<16xi32>
      %eq3A_648 = arith.cmpi eq, %iota3A, %eq3A_647 : vector<16xi32>
      %reduce_sum3A_649 = arith.constant true
      %reduce_sum3A_650 = vector.broadcast %reduce_sum3A_649 : i1 to vector<16xi1>
      %reduce_sum3A_651 = tpu.scan <sum>, %get3A_637 masked %reduce_sum3A_650 : vector<16xi32>, vector<16xi1> -> vector<16xi32>
      %reduce_sum3A_652 = vector.extract %reduce_sum3A_651[15] : i32 from vector<16xi32>
      %broadcast_in_dim3A_653 = vector.broadcast %reduce_sum3A_652 : i32 to vector<16xi32>
      %select_n3A_654 = arith.select %eq3A_648, %broadcast_in_dim3A_653, %select_n3A_629 : vector<16xi1>, vector<16xi32>
      %mul3A_655 = arith.constant 16 : i32
      %mul3A_656 = arith.muli %scan3A_279, %mul3A_655 : i32
      %add3A_657 = arith.constant 15 : i32
      %add3A_658 = arith.addi %mul3A_656, %add3A_657 : i32
      %mul3A_659 = arith.constant 16 : i32
      %mul3A_660 = arith.muli %add3A_658, %mul3A_659 : i32
      %get3A_661 = arith.index_cast %mul3A_660 : i32 to index
      %get3A_662 = tpu.vector_load %arg5[%get3A_661] {strides = array<i32>} : memref<4096xi32, #tpu.memory_space<vmem>>, vector<16xi32>,
      %mul3A_663 = arith.constant 16 : i32
      %mul3A_664 = arith.muli %scan3A_279, %mul3A_663 : i32
      %add3A_665 = arith.constant 15 : i32
      %add3A_666 = arith.addi %mul3A_664, %add3A_665 : i32
      %mul3A_667 = arith.constant 16 : i32
      %mul3A_668 = arith.muli %add3A_666, %mul3A_667 : i32
      %swap3A_669 = arith.index_cast %mul3A_668 : i32 to index
      %swap3A_670 = tpu.vector_load %arg5[%swap3A_669] {strides = array<i32>} : memref<4096xi32, #tpu.memory_space<vmem>>, vector<16xi32>,
      tpu.vector_store %arg5[%swap3A_669], %broadcast_in_dim3A_2 {strides = array<i32>} : memref<4096xi32, #tpu.memory_space<vmem>>, vector<16xi32>,
      %eq3A_671 = arith.constant 15 : i32
      %eq3A_672 = vector.broadcast %eq3A_671 : i32 to vector<16xi32>
      %eq3A_673 = arith.cmpi eq, %iota3A, %eq3A_672 : vector<16xi32>
      %reduce_sum3A_674 = arith.constant true
      %reduce_sum3A_675 = vector.broadcast %reduce_sum3A_674 : i1 to vector<16xi1>
      %reduce_sum3A_676 = tpu.scan <sum>, %get3A_662 masked %reduce_sum3A_675 : vector<16xi32>, vector<16xi1> -> vector<16xi32>
      %reduce_sum3A_677 = vector.extract %reduce_sum3A_676[15] : i32 from vector<16xi32>
      %broadcast_in_dim3A_678 = vector.broadcast %reduce_sum3A_677 : i32 to vector<16xi32>
      %select_n3A_679 = arith.select %eq3A_673, %broadcast_in_dim3A_678, %select_n3A_654 : vector<16xi1>, vector<16xi32>
      %mul3A_680 = arith.constant 16 : i32
      %mul3A_681 = arith.muli %scan3A_279, %mul3A_680 : i32
      %swap3A_682 = arith.index_cast %mul3A_681 : i32 to index
      %swap3A_683 = tpu.vector_load %arg6[%swap3A_682] {strides = array<i32>} : memref<256xi32, #tpu.memory_space<vmem>>, vector<16xi32>,
      tpu.vector_store %arg6[%swap3A_682], %select_n3A_679 {strides = array<i32>} : memref<256xi32, #tpu.memory_space<vmem>>, vector<16xi32>,
      %scan3A_684 = arith.constant 0 : i32
      scf.yield %scan3A_684 : i32
    }
    %scan3A_16 = arith.constant 16 : i32
    %add3A = arith.constant 0 : i32
    %add3A_17 = arith.addi %add3A, %arg1 : i32
    %mul3A_18 = arith.constant 256 : i32
    %mul3A_19 = arith.muli %add3A_17, %mul3A_18 : i32
    "tpu.region"() ({
      %run_scoped3A = tpu.sem_alloc : memref<!tpu.dma_semaphore, #tpu.memory_space<semaphore_mem>>
      %dma_start3A_279 = tpu.memref_slice %arg13[%mul3A_19] : memref<16384xi32, #tpu.memory_space<vmem_shared>> -> memref<256xi32, #tpu.memory_space<vmem_shared>>
      %dma_start3A_280 = tpu.memref_slice %arg13[%mul3A_19] : memref<16384xi32, #tpu.memory_space<vmem_shared>> -> memref<256xi32, #tpu.memory_space<vmem_shared>>
      tpu.enqueue_dma source(%arg6 : memref<256xi32, #tpu.memory_space<vmem>>) target(%dma_start3A_280 : memref<256xi32, #tpu.memory_space<vmem_shared>>) target_semaphore(%run_scoped3A : memref<!tpu.dma_semaphore, #tpu.memory_space<semaphore_mem>>)
      %dma_wait3A_281 = tpu.memref_slice %arg13[%mul3A_19] : memref<16384xi32, #tpu.memory_space<vmem_shared>> -> memref<256xi32, #tpu.memory_space<vmem_shared>>
      %dma_wait3A_282 = tpu.memref_slice %arg13[%mul3A_19] : memref<16384xi32, #tpu.memory_space<vmem_shared>> -> memref<256xi32, #tpu.memory_space<vmem_shared>>
      tpu.wait_dma2 semaphore(%run_scoped3A : memref<!tpu.dma_semaphore, #tpu.memory_space<semaphore_mem>>) src(%arg6 : memref<256xi32, #tpu.memory_space<vmem>>) dst(%dma_wait3A_282 : memref<256xi32, #tpu.memory_space<vmem_shared>>)
      tpu.yield
    }) : () -> ()
    %barrier3A = arith.constant 0 : index
    tpu.barrier barrier_id(%barrier3A)
    "tpu.region"() ({
      %run_scoped3A = tpu.sem_alloc : memref<!tpu.dma_semaphore, #tpu.memory_space<semaphore_mem>>
      %dma_start3A_279 = arith.constant 0 : i32
      %dma_start3A_280 = tpu.memref_slice %arg13[%dma_start3A_279] : memref<16384xi32, #tpu.memory_space<vmem_shared>> -> memref<4096xi32, #tpu.memory_space<vmem_shared>>
      %dma_start3A_281 = arith.constant 0 : i32
      %dma_start3A_282 = tpu.memref_slice %arg13[%dma_start3A_281] : memref<16384xi32, #tpu.memory_space<vmem_shared>> -> memref<4096xi32, #tpu.memory_space<vmem_shared>>
      tpu.enqueue_dma source(%dma_start3A_282 : memref<4096xi32, #tpu.memory_space<vmem_shared>>) target(%arg7 : memref<4096xi32, #tpu.memory_space<vmem>>) target_semaphore(%run_scoped3A : memref<!tpu.dma_semaphore, #tpu.memory_space<semaphore_mem>>)
      %dma_wait3A_283 = arith.constant 0 : i32
      %dma_wait3A_284 = tpu.memref_slice %arg13[%dma_wait3A_283] : memref<16384xi32, #tpu.memory_space<vmem_shared>> -> memref<4096xi32, #tpu.memory_space<vmem_shared>>
      %dma_wait3A_285 = arith.constant 0 : i32
      %dma_wait3A_286 = tpu.memref_slice %arg13[%dma_wait3A_285] : memref<16384xi32, #tpu.memory_space<vmem_shared>> -> memref<4096xi32, #tpu.memory_space<vmem_shared>>
      tpu.wait_dma2 semaphore(%run_scoped3A : memref<!tpu.dma_semaphore, #tpu.memory_space<semaphore_mem>>) src(%dma_wait3A_286 : memref<4096xi32, #tpu.memory_space<vmem_shared>>) dst(%arg7 : memref<4096xi32, #tpu.memory_space<vmem>>)
      tpu.yield
    }) : () -> ()
    %broadcast_in_dim3A_20 = arith.constant -1 : i32
    %broadcast_in_dim3A_21 = vector.broadcast %broadcast_in_dim3A_20 : i32 to vector<16xi32>
    %scan3A_22 = arith.constant 996146 : i32
    %scan3A_23 = arith.constant 0 : i32
    %scan3A_24 = arith.constant 0 : i32
    %scan3A_25 = arith.constant 16 : i32
    %scan3A_26 = arith.addi %scan3A_24, %scan3A_25 : i32
    %scan3A_27 = arith.constant 1 : i32
    %scan3A_28:4 = scf.for %scan3A_279 = %scan3A_24 to %scan3A_26 step %scan3A_27 iter_args(%scan3A_280 = %scan3A_23, %scan3A_281 = %broadcast_in_dim3A_21, %scan3A_282 = %broadcast_in_dim3A_21, %scan3A_283 = %broadcast_in_dim3A_21) -> (i32, vector<16xi32>, vector<16xi32>, vector<16xi32>)  : i32 {
      %mul3A_284 = arith.constant 16 : i32
      %mul3A_285 = arith.muli %scan3A_279, %mul3A_284 : i32
      %get3A = arith.index_cast %mul3A_285 : i32 to index
      %get3A_286 = tpu.vector_load %arg7[%get3A] {strides = array<i32>} : memref<4096xi32, #tpu.memory_space<vmem>>, vector<16xi32>,
      %mul3A_287 = arith.constant 16 : i32
      %mul3A_288 = arith.muli %scan3A_279, %mul3A_287 : i32
      %add3A_289 = arith.constant 256 : i32
      %add3A_290 = arith.addi %add3A_289, %mul3A_288 : i32
      %get3A_291 = arith.index_cast %add3A_290 : i32 to index
      %get3A_292 = tpu.vector_load %arg7[%get3A_291] {strides = array<i32>} : memref<4096xi32, #tpu.memory_space<vmem>>, vector<16xi32>,
      %add3A_293 = arith.addi %get3A_286, %get3A_292 : vector<16xi32>
      %mul3A_294 = arith.constant 16 : i32
      %mul3A_295 = arith.muli %scan3A_279, %mul3A_294 : i32
      %add3A_296 = arith.constant 512 : i32
      %add3A_297 = arith.addi %add3A_296, %mul3A_295 : i32
      %get3A_298 = arith.index_cast %add3A_297 : i32 to index
      %get3A_299 = tpu.vector_load %arg7[%get3A_298] {strides = array<i32>} : memref<4096xi32, #tpu.memory_space<vmem>>, vector<16xi32>,
      %add3A_300 = arith.addi %add3A_293, %get3A_299 : vector<16xi32>
      %mul3A_301 = arith.constant 16 : i32
      %mul3A_302 = arith.muli %scan3A_279, %mul3A_301 : i32
      %add3A_303 = arith.constant 768 : i32
      %add3A_304 = arith.addi %add3A_303, %mul3A_302 : i32
      %get3A_305 = arith.index_cast %add3A_304 : i32 to index
      %get3A_306 = tpu.vector_load %arg7[%get3A_305] {strides = array<i32>} : memref<4096xi32, #tpu.memory_space<vmem>>, vector<16xi32>,
      %add3A_307 = arith.addi %add3A_300, %get3A_306 : vector<16xi32>
      %mul3A_308 = arith.constant 16 : i32
      %mul3A_309 = arith.muli %scan3A_279, %mul3A_308 : i32
      %add3A_310 = arith.constant 1024 : i32
      %add3A_311 = arith.addi %add3A_310, %mul3A_309 : i32
      %get3A_312 = arith.index_cast %add3A_311 : i32 to index
      %get3A_313 = tpu.vector_load %arg7[%get3A_312] {strides = array<i32>} : memref<4096xi32, #tpu.memory_space<vmem>>, vector<16xi32>,
      %add3A_314 = arith.addi %add3A_307, %get3A_313 : vector<16xi32>
      %mul3A_315 = arith.constant 16 : i32
      %mul3A_316 = arith.muli %scan3A_279, %mul3A_315 : i32
      %add3A_317 = arith.constant 1280 : i32
      %add3A_318 = arith.addi %add3A_317, %mul3A_316 : i32
      %get3A_319 = arith.index_cast %add3A_318 : i32 to index
      %get3A_320 = tpu.vector_load %arg7[%get3A_319] {strides = array<i32>} : memref<4096xi32, #tpu.memory_space<vmem>>, vector<16xi32>,
      %add3A_321 = arith.addi %add3A_314, %get3A_320 : vector<16xi32>
      %mul3A_322 = arith.constant 16 : i32
      %mul3A_323 = arith.muli %scan3A_279, %mul3A_322 : i32
      %add3A_324 = arith.constant 1536 : i32
      %add3A_325 = arith.addi %add3A_324, %mul3A_323 : i32
      %get3A_326 = arith.index_cast %add3A_325 : i32 to index
      %get3A_327 = tpu.vector_load %arg7[%get3A_326] {strides = array<i32>} : memref<4096xi32, #tpu.memory_space<vmem>>, vector<16xi32>,
      %add3A_328 = arith.addi %add3A_321, %get3A_327 : vector<16xi32>
      %mul3A_329 = arith.constant 16 : i32
      %mul3A_330 = arith.muli %scan3A_279, %mul3A_329 : i32
      %add3A_331 = arith.constant 1792 : i32
      %add3A_332 = arith.addi %add3A_331, %mul3A_330 : i32
      %get3A_333 = arith.index_cast %add3A_332 : i32 to index
      %get3A_334 = tpu.vector_load %arg7[%get3A_333] {strides = array<i32>} : memref<4096xi32, #tpu.memory_space<vmem>>, vector<16xi32>,
      %add3A_335 = arith.addi %add3A_328, %get3A_334 : vector<16xi32>
      %mul3A_336 = arith.constant 16 : i32
      %mul3A_337 = arith.muli %scan3A_279, %mul3A_336 : i32
      %add3A_338 = arith.constant 2048 : i32
      %add3A_339 = arith.addi %add3A_338, %mul3A_337 : i32
      %get3A_340 = arith.index_cast %add3A_339 : i32 to index
      %get3A_341 = tpu.vector_load %arg7[%get3A_340] {strides = array<i32>} : memref<4096xi32, #tpu.memory_space<vmem>>, vector<16xi32>,
      %add3A_342 = arith.addi %add3A_335, %get3A_341 : vector<16xi32>
      %mul3A_343 = arith.constant 16 : i32
      %mul3A_344 = arith.muli %scan3A_279, %mul3A_343 : i32
      %add3A_345 = arith.constant 2304 : i32
      %add3A_346 = arith.addi %add3A_345, %mul3A_344 : i32
      %get3A_347 = arith.index_cast %add3A_346 : i32 to index
      %get3A_348 = tpu.vector_load %arg7[%get3A_347] {strides = array<i32>} : memref<4096xi32, #tpu.memory_space<vmem>>, vector<16xi32>,
      %add3A_349 = arith.addi %add3A_342, %get3A_348 : vector<16xi32>
      %mul3A_350 = arith.constant 16 : i32
      %mul3A_351 = arith.muli %scan3A_279, %mul3A_350 : i32
      %add3A_352 = arith.constant 2560 : i32
      %add3A_353 = arith.addi %add3A_352, %mul3A_351 : i32
      %get3A_354 = arith.index_cast %add3A_353 : i32 to index
      %get3A_355 = tpu.vector_load %arg7[%get3A_354] {strides = array<i32>} : memref<4096xi32, #tpu.memory_space<vmem>>, vector<16xi32>,
      %add3A_356 = arith.addi %add3A_349, %get3A_355 : vector<16xi32>
      %mul3A_357 = arith.constant 16 : i32
      %mul3A_358 = arith.muli %scan3A_279, %mul3A_357 : i32
      %add3A_359 = arith.constant 2816 : i32
      %add3A_360 = arith.addi %add3A_359, %mul3A_358 : i32
      %get3A_361 = arith.index_cast %add3A_360 : i32 to index
      %get3A_362 = tpu.vector_load %arg7[%get3A_361] {strides = array<i32>} : memref<4096xi32, #tpu.memory_space<vmem>>, vector<16xi32>,
      %add3A_363 = arith.addi %add3A_356, %get3A_362 : vector<16xi32>
      %mul3A_364 = arith.constant 16 : i32
      %mul3A_365 = arith.muli %scan3A_279, %mul3A_364 : i32
      %add3A_366 = arith.constant 3072 : i32
      %add3A_367 = arith.addi %add3A_366, %mul3A_365 : i32
      %get3A_368 = arith.index_cast %add3A_367 : i32 to index
      %get3A_369 = tpu.vector_load %arg7[%get3A_368] {strides = array<i32>} : memref<4096xi32, #tpu.memory_space<vmem>>, vector<16xi32>,
      %add3A_370 = arith.addi %add3A_363, %get3A_369 : vector<16xi32>
      %mul3A_371 = arith.constant 16 : i32
      %mul3A_372 = arith.muli %scan3A_279, %mul3A_371 : i32
      %add3A_373 = arith.constant 3328 : i32
      %add3A_374 = arith.addi %add3A_373, %mul3A_372 : i32
      %get3A_375 = arith.index_cast %add3A_374 : i32 to index
      %get3A_376 = tpu.vector_load %arg7[%get3A_375] {strides = array<i32>} : memref<4096xi32, #tpu.memory_space<vmem>>, vector<16xi32>,
      %add3A_377 = arith.addi %add3A_370, %get3A_376 : vector<16xi32>
      %mul3A_378 = arith.constant 16 : i32
      %mul3A_379 = arith.muli %scan3A_279, %mul3A_378 : i32
      %add3A_380 = arith.constant 3584 : i32
      %add3A_381 = arith.addi %add3A_380, %mul3A_379 : i32
      %get3A_382 = arith.index_cast %add3A_381 : i32 to index
      %get3A_383 = tpu.vector_load %arg7[%get3A_382] {strides = array<i32>} : memref<4096xi32, #tpu.memory_space<vmem>>, vector<16xi32>,
      %add3A_384 = arith.addi %add3A_377, %get3A_383 : vector<16xi32>
      %mul3A_385 = arith.constant 16 : i32
      %mul3A_386 = arith.muli %scan3A_279, %mul3A_385 : i32
      %add3A_387 = arith.constant 3840 : i32
      %add3A_388 = arith.addi %add3A_387, %mul3A_386 : i32
      %get3A_389 = arith.index_cast %add3A_388 : i32 to index
      %get3A_390 = tpu.vector_load %arg7[%get3A_389] {strides = array<i32>} : memref<4096xi32, #tpu.memory_space<vmem>>, vector<16xi32>,
      %add3A_391 = arith.addi %add3A_384, %get3A_390 : vector<16xi32>
      %broadcast_in_dim3A_392 = arith.constant true
      %broadcast_in_dim3A_393 = vector.broadcast %broadcast_in_dim3A_392 : i1 to vector<16xi1>
      %masked_cumsum3A = tpu.scan <sum>, %add3A_391 masked %broadcast_in_dim3A_393 : vector<16xi32>, vector<16xi1> -> vector<16xi32>
      %add3A_394 = vector.broadcast %scan3A_280 : i32 to vector<16xi32>
      %add3A_395 = arith.addi %add3A_394, %masked_cumsum3A : vector<16xi32>
      %sub3A_396 = arith.subi %add3A_395, %add3A_391 : vector<16xi32>
      %le3A = vector.broadcast %scan3A_22 : i32 to vector<16xi32>
      %le3A_397 = arith.cmpi sle, %sub3A_396, %le3A : vector<16xi32>
      %add3A_398 = arith.addi %sub3A_396, %add3A_391 : vector<16xi32>
      %gt3A = vector.broadcast %scan3A_22 : i32 to vector<16xi32>
      %gt3A_399 = arith.cmpi sgt, %add3A_398, %gt3A : vector<16xi32>
      %and3A_400 = arith.andi %le3A_397, %gt3A_399 : vector<16xi1>
      %mul3A_401 = arith.constant 16 : i32
      %mul3A_402 = arith.muli %scan3A_279, %mul3A_401 : i32
      %add3A_403 = vector.broadcast %mul3A_402 : i32 to vector<16xi32>
      %add3A_404 = arith.addi %add3A_403, %iota3A : vector<16xi32>
      %jit3A_405 = arith.constant -1 : i32
      %broadcast_in_dim3A_406 = vector.broadcast %jit3A_405 : i32 to vector<16xi32>
      %select_n3A_407 = arith.select %and3A_400, %add3A_404, %broadcast_in_dim3A_406 : vector<16xi1>, vector<16xi32>
      %max3A = arith.maxsi %scan3A_281, %select_n3A_407 : vector<16xi32>
      %jit3A_408 = arith.constant -1 : i32
      %broadcast_in_dim3A_409 = vector.broadcast %jit3A_408 : i32 to vector<16xi32>
      %select_n3A_410 = arith.select %and3A_400, %sub3A_396, %broadcast_in_dim3A_409 : vector<16xi1>, vector<16xi32>
      %max3A_411 = arith.maxsi %scan3A_282, %select_n3A_410 : vector<16xi32>
      %jit3A_412 = arith.constant -1 : i32
      %broadcast_in_dim3A_413 = vector.broadcast %jit3A_412 : i32 to vector<16xi32>
      %select_n3A_414 = arith.select %and3A_400, %add3A_391, %broadcast_in_dim3A_413 : vector<16xi1>, vector<16xi32>
      %max3A_415 = arith.maxsi %scan3A_283, %select_n3A_414 : vector<16xi32>
      %reduce_sum3A_416 = arith.constant true
      %reduce_sum3A_417 = vector.broadcast %reduce_sum3A_416 : i1 to vector<16xi1>
      %reduce_sum3A_418 = tpu.scan <sum>, %add3A_391 masked %reduce_sum3A_417 : vector<16xi32>, vector<16xi1> -> vector<16xi32>
      %reduce_sum3A_419 = vector.extract %reduce_sum3A_418[15] : i32 from vector<16xi32>
      %add3A_420 = arith.addi %scan3A_280, %reduce_sum3A_419 : i32
      scf.yield %add3A_420, %max3A, %max3A_411, %max3A_415 : i32, vector<16xi32>, vector<16xi32>, vector<16xi32>
    }
    %scan3A_29 = arith.constant 16 : i32
    %reduce_max3A = arith.constant true
    %reduce_max3A_30 = vector.broadcast %reduce_max3A : i1 to vector<16xi1>
    %reduce_max3A_31 = arith.constant -2147483648 : i32
    %reduce_max3A_32 = vector.broadcast %reduce_max3A_31 : i32 to vector<16xi32>
    %reduce_max3A_33 = arith.xori %scan3A_28#1, %reduce_max3A_32 : vector<16xi32>
    %reduce_max3A_34 = tpu.scan <max>, %reduce_max3A_33 masked %reduce_max3A_30 : vector<16xi32>, vector<16xi1> -> vector<16xi32>
    %reduce_max3A_35 = arith.xori %reduce_max3A_34, %reduce_max3A_32 : vector<16xi32>
    %reduce_max3A_36 = vector.extract %reduce_max3A_35[15] : i32 from vector<16xi32>
    %reduce_max3A_37 = arith.constant true
    %reduce_max3A_38 = vector.broadcast %reduce_max3A_37 : i1 to vector<16xi1>
    %reduce_max3A_39 = arith.constant -2147483648 : i32
    %reduce_max3A_40 = vector.broadcast %reduce_max3A_39 : i32 to vector<16xi32>
    %reduce_max3A_41 = arith.xori %scan3A_28#2, %reduce_max3A_40 : vector<16xi32>
    %reduce_max3A_42 = tpu.scan <max>, %reduce_max3A_41 masked %reduce_max3A_38 : vector<16xi32>, vector<16xi1> -> vector<16xi32>
    %reduce_max3A_43 = arith.xori %reduce_max3A_42, %reduce_max3A_40 : vector<16xi32>
    %reduce_max3A_44 = vector.extract %reduce_max3A_43[15] : i32 from vector<16xi32>
    %reduce_max3A_45 = arith.constant true
    %reduce_max3A_46 = vector.broadcast %reduce_max3A_45 : i1 to vector<16xi1>
    %reduce_max3A_47 = arith.constant -2147483648 : i32
    %reduce_max3A_48 = vector.broadcast %reduce_max3A_47 : i32 to vector<16xi32>
    %reduce_max3A_49 = arith.xori %scan3A_28#3, %reduce_max3A_48 : vector<16xi32>
    %reduce_max3A_50 = tpu.scan <max>, %reduce_max3A_49 masked %reduce_max3A_46 : vector<16xi32>, vector<16xi1> -> vector<16xi32>
    %reduce_max3A_51 = arith.xori %reduce_max3A_50, %reduce_max3A_48 : vector<16xi32>
    %reduce_max3A_52 = vector.extract %reduce_max3A_51[15] : i32 from vector<16xi32>
    %sub3A = arith.subi %scan3A_28#0, %reduce_max3A_44 : i32
    %sub3A_53 = arith.subi %sub3A, %reduce_max3A_52 : i32
    %add3A_54 = arith.constant 0 : i32
    %add3A_55 = arith.addi %add3A_54, %sub3A_53 : i32
    %sub3A_56 = arith.constant 996146 : i32
    %sub3A_57 = arith.subi %sub3A_56, %reduce_max3A_44 : i32
    %xor3A = arith.constant 128 : i32
    %xor3A_58 = arith.xori %reduce_max3A_36, %xor3A : i32
    %shift_left3A = arith.constant 24 : i32
    %shift_left3A_59 = arith.shli %xor3A_58, %shift_left3A : i32
    %or3A = arith.constant 0 : i32
    %or3A_60 = arith.ori %or3A, %shift_left3A_59 : i32
    %parallel_loop3A_61 = arith.constant 0 : i32
    %parallel_loop3A_62 = arith.constant 4096 : i32
    %parallel_loop3A_63 = arith.constant 1 : i32
    %parallel_loop3A_64 = arith.constant -16777216 : i32
    scf.for %parallel_loop3A_279 = %parallel_loop3A_61 to %parallel_loop3A_62 step %parallel_loop3A_63  : i32 {
      %parallel_loop3A_280 = arith.constant 16 : i32
      %parallel_loop3A_281 = arith.muli %parallel_loop3A_279, %parallel_loop3A_280 : i32
      %parallel_loop3A_282 = arith.index_cast %parallel_loop3A_281 : i32 to index
      %parallel_loop3A_283 = tpu.vector_load %arg4[%parallel_loop3A_282] {strides = array<i32>} : memref<65536xf32, #tpu.memory_space<vmem>>, vector<16xf32>,
      %parallel_loop3A_284 = tpu.bitcast %parallel_loop3A_283 : vector<16xf32> -> vector<16xi32>
      %parallel_loop3A_285 = vector.broadcast %parallel_loop3A_64 : i32 to vector<16xi32>
      %parallel_loop3A_286 = arith.andi %parallel_loop3A_284, %parallel_loop3A_285 : vector<16xi32>
      %parallel_loop3A_287 = vector.broadcast %or3A_60 : i32 to vector<16xi32>
      %parallel_loop3A_288 = arith.cmpi eq, %parallel_loop3A_286, %parallel_loop3A_287 : vector<16xi32>
      %parallel_loop3A_289 = arith.constant 16 : i32
      %parallel_loop3A_290 = vector.broadcast %parallel_loop3A_289 : i32 to vector<16xi32>
      %parallel_loop3A_291 = arith.shrsi %parallel_loop3A_284, %parallel_loop3A_290 : vector<16xi32>
      %parallel_loop3A_292 = arith.constant 255 : i32
      %parallel_loop3A_293 = vector.broadcast %parallel_loop3A_292 : i32 to vector<16xi32>
      %parallel_loop3A_294 = arith.andi %parallel_loop3A_291, %parallel_loop3A_293 : vector<16xi32>
      %parallel_loop3A_295 = arith.constant 16 : i32
      %parallel_loop3A_296 = vector.broadcast %parallel_loop3A_295 : i32 to vector<16xi32>
      %parallel_loop3A_297 = arith.muli %parallel_loop3A_294, %parallel_loop3A_296 : vector<16xi32>
      %parallel_loop3A_298 = arith.addi %parallel_loop3A_297, %iota3A : vector<16xi32>
      tpu.vector_store_idx %arg5[%parallel_loop3A_298], %broadcast_in_dim3A_0 masked %parallel_loop3A_288 {add = true} : memref<4096xi32, #tpu.memory_space<vmem>>[vector<16xi32>], vector<16xi32>, vector<16xi1>
    } {sc.loop_unroll_factor = 8 : i64, sc.parallel_access}
    %scan3A_65 = arith.constant 0 : i32
    %scan3A_66 = arith.constant 0 : i32
    %scan3A_67 = arith.constant 16 : i32
    %scan3A_68 = arith.addi %scan3A_66, %scan3A_67 : i32
    %scan3A_69 = arith.constant 1 : i32
    %scan3A_70 = scf.for %scan3A_279 = %scan3A_66 to %scan3A_68 step %scan3A_69 iter_args(%scan3A_280 = %scan3A_65) -> (i32)  : i32 {
      %mul3A_281 = arith.constant 16 : i32
      %mul3A_282 = arith.muli %scan3A_279, %mul3A_281 : i32
      %add3A_283 = arith.constant 0 : i32
      %add3A_284 = arith.addi %mul3A_282, %add3A_283 : i32
      %mul3A_285 = arith.constant 16 : i32
      %mul3A_286 = arith.muli %add3A_284, %mul3A_285 : i32
      %get3A = arith.index_cast %mul3A_286 : i32 to index
      %get3A_287 = tpu.vector_load %arg5[%get3A] {strides = array<i32>} : memref<4096xi32, #tpu.memory_space<vmem>>, vector<16xi32>,
      %mul3A_288 = arith.constant 16 : i32
      %mul3A_289 = arith.muli %scan3A_279, %mul3A_288 : i32
      %add3A_290 = arith.constant 0 : i32
      %add3A_291 = arith.addi %mul3A_289, %add3A_290 : i32
      %mul3A_292 = arith.constant 16 : i32
      %mul3A_293 = arith.muli %add3A_291, %mul3A_292 : i32
      %swap3A_294 = arith.index_cast %mul3A_293 : i32 to index
      %swap3A_295 = tpu.vector_load %arg5[%swap3A_294] {strides = array<i32>} : memref<4096xi32, #tpu.memory_space<vmem>>, vector<16xi32>,
      tpu.vector_store %arg5[%swap3A_294], %broadcast_in_dim3A_2 {strides = array<i32>} : memref<4096xi32, #tpu.memory_space<vmem>>, vector<16xi32>,
      %eq3A_296 = arith.constant 0 : i32
      %eq3A_297 = vector.broadcast %eq3A_296 : i32 to vector<16xi32>
      %eq3A_298 = arith.cmpi eq, %iota3A, %eq3A_297 : vector<16xi32>
      %reduce_sum3A_299 = arith.constant true
      %reduce_sum3A_300 = vector.broadcast %reduce_sum3A_299 : i1 to vector<16xi1>
      %reduce_sum3A_301 = tpu.scan <sum>, %get3A_287 masked %reduce_sum3A_300 : vector<16xi32>, vector<16xi1> -> vector<16xi32>
      %reduce_sum3A_302 = vector.extract %reduce_sum3A_301[15] : i32 from vector<16xi32>
      %broadcast_in_dim3A_303 = vector.broadcast %reduce_sum3A_302 : i32 to vector<16xi32>
      %select_n3A_304 = arith.select %eq3A_298, %broadcast_in_dim3A_303, %broadcast_in_dim3A_2 : vector<16xi1>, vector<16xi32>
      %mul3A_305 = arith.constant 16 : i32
      %mul3A_306 = arith.muli %scan3A_279, %mul3A_305 : i32
      %add3A_307 = arith.constant 1 : i32
      %add3A_308 = arith.addi %mul3A_306, %add3A_307 : i32
      %mul3A_309 = arith.constant 16 : i32
      %mul3A_310 = arith.muli %add3A_308, %mul3A_309 : i32
      %get3A_311 = arith.index_cast %mul3A_310 : i32 to index
      %get3A_312 = tpu.vector_load %arg5[%get3A_311] {strides = array<i32>} : memref<4096xi32, #tpu.memory_space<vmem>>, vector<16xi32>,
      %mul3A_313 = arith.constant 16 : i32
      %mul3A_314 = arith.muli %scan3A_279, %mul3A_313 : i32
      %add3A_315 = arith.constant 1 : i32
      %add3A_316 = arith.addi %mul3A_314, %add3A_315 : i32
      %mul3A_317 = arith.constant 16 : i32
      %mul3A_318 = arith.muli %add3A_316, %mul3A_317 : i32
      %swap3A_319 = arith.index_cast %mul3A_318 : i32 to index
      %swap3A_320 = tpu.vector_load %arg5[%swap3A_319] {strides = array<i32>} : memref<4096xi32, #tpu.memory_space<vmem>>, vector<16xi32>,
      tpu.vector_store %arg5[%swap3A_319], %broadcast_in_dim3A_2 {strides = array<i32>} : memref<4096xi32, #tpu.memory_space<vmem>>, vector<16xi32>,
      %eq3A_321 = arith.constant 1 : i32
      %eq3A_322 = vector.broadcast %eq3A_321 : i32 to vector<16xi32>
      %eq3A_323 = arith.cmpi eq, %iota3A, %eq3A_322 : vector<16xi32>
      %reduce_sum3A_324 = arith.constant true
      %reduce_sum3A_325 = vector.broadcast %reduce_sum3A_324 : i1 to vector<16xi1>
      %reduce_sum3A_326 = tpu.scan <sum>, %get3A_312 masked %reduce_sum3A_325 : vector<16xi32>, vector<16xi1> -> vector<16xi32>
      %reduce_sum3A_327 = vector.extract %reduce_sum3A_326[15] : i32 from vector<16xi32>
      %broadcast_in_dim3A_328 = vector.broadcast %reduce_sum3A_327 : i32 to vector<16xi32>
      %select_n3A_329 = arith.select %eq3A_323, %broadcast_in_dim3A_328, %select_n3A_304 : vector<16xi1>, vector<16xi32>
      %mul3A_330 = arith.constant 16 : i32
      %mul3A_331 = arith.muli %scan3A_279, %mul3A_330 : i32
      %add3A_332 = arith.constant 2 : i32
      %add3A_333 = arith.addi %mul3A_331, %add3A_332 : i32
      %mul3A_334 = arith.constant 16 : i32
      %mul3A_335 = arith.muli %add3A_333, %mul3A_334 : i32
      %get3A_336 = arith.index_cast %mul3A_335 : i32 to index
      %get3A_337 = tpu.vector_load %arg5[%get3A_336] {strides = array<i32>} : memref<4096xi32, #tpu.memory_space<vmem>>, vector<16xi32>,
      %mul3A_338 = arith.constant 16 : i32
      %mul3A_339 = arith.muli %scan3A_279, %mul3A_338 : i32
      %add3A_340 = arith.constant 2 : i32
      %add3A_341 = arith.addi %mul3A_339, %add3A_340 : i32
      %mul3A_342 = arith.constant 16 : i32
      %mul3A_343 = arith.muli %add3A_341, %mul3A_342 : i32
      %swap3A_344 = arith.index_cast %mul3A_343 : i32 to index
      %swap3A_345 = tpu.vector_load %arg5[%swap3A_344] {strides = array<i32>} : memref<4096xi32, #tpu.memory_space<vmem>>, vector<16xi32>,
      tpu.vector_store %arg5[%swap3A_344], %broadcast_in_dim3A_2 {strides = array<i32>} : memref<4096xi32, #tpu.memory_space<vmem>>, vector<16xi32>,
      %eq3A_346 = arith.constant 2 : i32
      %eq3A_347 = vector.broadcast %eq3A_346 : i32 to vector<16xi32>
      %eq3A_348 = arith.cmpi eq, %iota3A, %eq3A_347 : vector<16xi32>
      %reduce_sum3A_349 = arith.constant true
      %reduce_sum3A_350 = vector.broadcast %reduce_sum3A_349 : i1 to vector<16xi1>
      %reduce_sum3A_351 = tpu.scan <sum>, %get3A_337 masked %reduce_sum3A_350 : vector<16xi32>, vector<16xi1> -> vector<16xi32>
      %reduce_sum3A_352 = vector.extract %reduce_sum3A_351[15] : i32 from vector<16xi32>
      %broadcast_in_dim3A_353 = vector.broadcast %reduce_sum3A_352 : i32 to vector<16xi32>
      %select_n3A_354 = arith.select %eq3A_348, %broadcast_in_dim3A_353, %select_n3A_329 : vector<16xi1>, vector<16xi32>
      %mul3A_355 = arith.constant 16 : i32
      %mul3A_356 = arith.muli %scan3A_279, %mul3A_355 : i32
      %add3A_357 = arith.constant 3 : i32
      %add3A_358 = arith.addi %mul3A_356, %add3A_357 : i32
      %mul3A_359 = arith.constant 16 : i32
      %mul3A_360 = arith.muli %add3A_358, %mul3A_359 : i32
      %get3A_361 = arith.index_cast %mul3A_360 : i32 to index
      %get3A_362 = tpu.vector_load %arg5[%get3A_361] {strides = array<i32>} : memref<4096xi32, #tpu.memory_space<vmem>>, vector<16xi32>,
      %mul3A_363 = arith.constant 16 : i32
      %mul3A_364 = arith.muli %scan3A_279, %mul3A_363 : i32
      %add3A_365 = arith.constant 3 : i32
      %add3A_366 = arith.addi %mul3A_364, %add3A_365 : i32
      %mul3A_367 = arith.constant 16 : i32
      %mul3A_368 = arith.muli %add3A_366, %mul3A_367 : i32
      %swap3A_369 = arith.index_cast %mul3A_368 : i32 to index
      %swap3A_370 = tpu.vector_load %arg5[%swap3A_369] {strides = array<i32>} : memref<4096xi32, #tpu.memory_space<vmem>>, vector<16xi32>,
      tpu.vector_store %arg5[%swap3A_369], %broadcast_in_dim3A_2 {strides = array<i32>} : memref<4096xi32, #tpu.memory_space<vmem>>, vector<16xi32>,
      %eq3A_371 = arith.constant 3 : i32
      %eq3A_372 = vector.broadcast %eq3A_371 : i32 to vector<16xi32>
      %eq3A_373 = arith.cmpi eq, %iota3A, %eq3A_372 : vector<16xi32>
      %reduce_sum3A_374 = arith.constant true
      %reduce_sum3A_375 = vector.broadcast %reduce_sum3A_374 : i1 to vector<16xi1>
      %reduce_sum3A_376 = tpu.scan <sum>, %get3A_362 masked %reduce_sum3A_375 : vector<16xi32>, vector<16xi1> -> vector<16xi32>
      %reduce_sum3A_377 = vector.extract %reduce_sum3A_376[15] : i32 from vector<16xi32>
      %broadcast_in_dim3A_378 = vector.broadcast %reduce_sum3A_377 : i32 to vector<16xi32>
      %select_n3A_379 = arith.select %eq3A_373, %broadcast_in_dim3A_378, %select_n3A_354 : vector<16xi1>, vector<16xi32>
      %mul3A_380 = arith.constant 16 : i32
      %mul3A_381 = arith.muli %scan3A_279, %mul3A_380 : i32
      %add3A_382 = arith.constant 4 : i32
      %add3A_383 = arith.addi %mul3A_381, %add3A_382 : i32
      %mul3A_384 = arith.constant 16 : i32
      %mul3A_385 = arith.muli %add3A_383, %mul3A_384 : i32
      %get3A_386 = arith.index_cast %mul3A_385 : i32 to index
      %get3A_387 = tpu.vector_load %arg5[%get3A_386] {strides = array<i32>} : memref<4096xi32, #tpu.memory_space<vmem>>, vector<16xi32>,
      %mul3A_388 = arith.constant 16 : i32
      %mul3A_389 = arith.muli %scan3A_279, %mul3A_388 : i32
      %add3A_390 = arith.constant 4 : i32
      %add3A_391 = arith.addi %mul3A_389, %add3A_390 : i32
      %mul3A_392 = arith.constant 16 : i32
      %mul3A_393 = arith.muli %add3A_391, %mul3A_392 : i32
      %swap3A_394 = arith.index_cast %mul3A_393 : i32 to index
      %swap3A_395 = tpu.vector_load %arg5[%swap3A_394] {strides = array<i32>} : memref<4096xi32, #tpu.memory_space<vmem>>, vector<16xi32>,
      tpu.vector_store %arg5[%swap3A_394], %broadcast_in_dim3A_2 {strides = array<i32>} : memref<4096xi32, #tpu.memory_space<vmem>>, vector<16xi32>,
      %eq3A_396 = arith.constant 4 : i32
      %eq3A_397 = vector.broadcast %eq3A_396 : i32 to vector<16xi32>
      %eq3A_398 = arith.cmpi eq, %iota3A, %eq3A_397 : vector<16xi32>
      %reduce_sum3A_399 = arith.constant true
      %reduce_sum3A_400 = vector.broadcast %reduce_sum3A_399 : i1 to vector<16xi1>
      %reduce_sum3A_401 = tpu.scan <sum>, %get3A_387 masked %reduce_sum3A_400 : vector<16xi32>, vector<16xi1> -> vector<16xi32>
      %reduce_sum3A_402 = vector.extract %reduce_sum3A_401[15] : i32 from vector<16xi32>
      %broadcast_in_dim3A_403 = vector.broadcast %reduce_sum3A_402 : i32 to vector<16xi32>
      %select_n3A_404 = arith.select %eq3A_398, %broadcast_in_dim3A_403, %select_n3A_379 : vector<16xi1>, vector<16xi32>
      %mul3A_405 = arith.constant 16 : i32
      %mul3A_406 = arith.muli %scan3A_279, %mul3A_405 : i32
      %add3A_407 = arith.constant 5 : i32
      %add3A_408 = arith.addi %mul3A_406, %add3A_407 : i32
      %mul3A_409 = arith.constant 16 : i32
      %mul3A_410 = arith.muli %add3A_408, %mul3A_409 : i32
      %get3A_411 = arith.index_cast %mul3A_410 : i32 to index
      %get3A_412 = tpu.vector_load %arg5[%get3A_411] {strides = array<i32>} : memref<4096xi32, #tpu.memory_space<vmem>>, vector<16xi32>,
      %mul3A_413 = arith.constant 16 : i32
      %mul3A_414 = arith.muli %scan3A_279, %mul3A_413 : i32
      %add3A_415 = arith.constant 5 : i32
      %add3A_416 = arith.addi %mul3A_414, %add3A_415 : i32
      %mul3A_417 = arith.constant 16 : i32
      %mul3A_418 = arith.muli %add3A_416, %mul3A_417 : i32
      %swap3A_419 = arith.index_cast %mul3A_418 : i32 to index
      %swap3A_420 = tpu.vector_load %arg5[%swap3A_419] {strides = array<i32>} : memref<4096xi32, #tpu.memory_space<vmem>>, vector<16xi32>,
      tpu.vector_store %arg5[%swap3A_419], %broadcast_in_dim3A_2 {strides = array<i32>} : memref<4096xi32, #tpu.memory_space<vmem>>, vector<16xi32>,
      %eq3A_421 = arith.constant 5 : i32
      %eq3A_422 = vector.broadcast %eq3A_421 : i32 to vector<16xi32>
      %eq3A_423 = arith.cmpi eq, %iota3A, %eq3A_422 : vector<16xi32>
      %reduce_sum3A_424 = arith.constant true
      %reduce_sum3A_425 = vector.broadcast %reduce_sum3A_424 : i1 to vector<16xi1>
      %reduce_sum3A_426 = tpu.scan <sum>, %get3A_412 masked %reduce_sum3A_425 : vector<16xi32>, vector<16xi1> -> vector<16xi32>
      %reduce_sum3A_427 = vector.extract %reduce_sum3A_426[15] : i32 from vector<16xi32>
      %broadcast_in_dim3A_428 = vector.broadcast %reduce_sum3A_427 : i32 to vector<16xi32>
      %select_n3A_429 = arith.select %eq3A_423, %broadcast_in_dim3A_428, %select_n3A_404 : vector<16xi1>, vector<16xi32>
      %mul3A_430 = arith.constant 16 : i32
      %mul3A_431 = arith.muli %scan3A_279, %mul3A_430 : i32
      %add3A_432 = arith.constant 6 : i32
      %add3A_433 = arith.addi %mul3A_431, %add3A_432 : i32
      %mul3A_434 = arith.constant 16 : i32
      %mul3A_435 = arith.muli %add3A_433, %mul3A_434 : i32
      %get3A_436 = arith.index_cast %mul3A_435 : i32 to index
      %get3A_437 = tpu.vector_load %arg5[%get3A_436] {strides = array<i32>} : memref<4096xi32, #tpu.memory_space<vmem>>, vector<16xi32>,
      %mul3A_438 = arith.constant 16 : i32
      %mul3A_439 = arith.muli %scan3A_279, %mul3A_438 : i32
      %add3A_440 = arith.constant 6 : i32
      %add3A_441 = arith.addi %mul3A_439, %add3A_440 : i32
      %mul3A_442 = arith.constant 16 : i32
      %mul3A_443 = arith.muli %add3A_441, %mul3A_442 : i32
      %swap3A_444 = arith.index_cast %mul3A_443 : i32 to index
      %swap3A_445 = tpu.vector_load %arg5[%swap3A_444] {strides = array<i32>} : memref<4096xi32, #tpu.memory_space<vmem>>, vector<16xi32>,
      tpu.vector_store %arg5[%swap3A_444], %broadcast_in_dim3A_2 {strides = array<i32>} : memref<4096xi32, #tpu.memory_space<vmem>>, vector<16xi32>,
      %eq3A_446 = arith.constant 6 : i32
      %eq3A_447 = vector.broadcast %eq3A_446 : i32 to vector<16xi32>
      %eq3A_448 = arith.cmpi eq, %iota3A, %eq3A_447 : vector<16xi32>
      %reduce_sum3A_449 = arith.constant true
      %reduce_sum3A_450 = vector.broadcast %reduce_sum3A_449 : i1 to vector<16xi1>
      %reduce_sum3A_451 = tpu.scan <sum>, %get3A_437 masked %reduce_sum3A_450 : vector<16xi32>, vector<16xi1> -> vector<16xi32>
      %reduce_sum3A_452 = vector.extract %reduce_sum3A_451[15] : i32 from vector<16xi32>
      %broadcast_in_dim3A_453 = vector.broadcast %reduce_sum3A_452 : i32 to vector<16xi32>
      %select_n3A_454 = arith.select %eq3A_448, %broadcast_in_dim3A_453, %select_n3A_429 : vector<16xi1>, vector<16xi32>
      %mul3A_455 = arith.constant 16 : i32
      %mul3A_456 = arith.muli %scan3A_279, %mul3A_455 : i32
      %add3A_457 = arith.constant 7 : i32
      %add3A_458 = arith.addi %mul3A_456, %add3A_457 : i32
      %mul3A_459 = arith.constant 16 : i32
      %mul3A_460 = arith.muli %add3A_458, %mul3A_459 : i32
      %get3A_461 = arith.index_cast %mul3A_460 : i32 to index
      %get3A_462 = tpu.vector_load %arg5[%get3A_461] {strides = array<i32>} : memref<4096xi32, #tpu.memory_space<vmem>>, vector<16xi32>,
      %mul3A_463 = arith.constant 16 : i32
      %mul3A_464 = arith.muli %scan3A_279, %mul3A_463 : i32
      %add3A_465 = arith.constant 7 : i32
      %add3A_466 = arith.addi %mul3A_464, %add3A_465 : i32
      %mul3A_467 = arith.constant 16 : i32
      %mul3A_468 = arith.muli %add3A_466, %mul3A_467 : i32
      %swap3A_469 = arith.index_cast %mul3A_468 : i32 to index
      %swap3A_470 = tpu.vector_load %arg5[%swap3A_469] {strides = array<i32>} : memref<4096xi32, #tpu.memory_space<vmem>>, vector<16xi32>,
      tpu.vector_store %arg5[%swap3A_469], %broadcast_in_dim3A_2 {strides = array<i32>} : memref<4096xi32, #tpu.memory_space<vmem>>, vector<16xi32>,
      %eq3A_471 = arith.constant 7 : i32
      %eq3A_472 = vector.broadcast %eq3A_471 : i32 to vector<16xi32>
      %eq3A_473 = arith.cmpi eq, %iota3A, %eq3A_472 : vector<16xi32>
      %reduce_sum3A_474 = arith.constant true
      %reduce_sum3A_475 = vector.broadcast %reduce_sum3A_474 : i1 to vector<16xi1>
      %reduce_sum3A_476 = tpu.scan <sum>, %get3A_462 masked %reduce_sum3A_475 : vector<16xi32>, vector<16xi1> -> vector<16xi32>
      %reduce_sum3A_477 = vector.extract %reduce_sum3A_476[15] : i32 from vector<16xi32>
      %broadcast_in_dim3A_478 = vector.broadcast %reduce_sum3A_477 : i32 to vector<16xi32>
      %select_n3A_479 = arith.select %eq3A_473, %broadcast_in_dim3A_478, %select_n3A_454 : vector<16xi1>, vector<16xi32>
      %mul3A_480 = arith.constant 16 : i32
      %mul3A_481 = arith.muli %scan3A_279, %mul3A_480 : i32
      %add3A_482 = arith.constant 8 : i32
      %add3A_483 = arith.addi %mul3A_481, %add3A_482 : i32
      %mul3A_484 = arith.constant 16 : i32
      %mul3A_485 = arith.muli %add3A_483, %mul3A_484 : i32
      %get3A_486 = arith.index_cast %mul3A_485 : i32 to index
      %get3A_487 = tpu.vector_load %arg5[%get3A_486] {strides = array<i32>} : memref<4096xi32, #tpu.memory_space<vmem>>, vector<16xi32>,
      %mul3A_488 = arith.constant 16 : i32
      %mul3A_489 = arith.muli %scan3A_279, %mul3A_488 : i32
      %add3A_490 = arith.constant 8 : i32
      %add3A_491 = arith.addi %mul3A_489, %add3A_490 : i32
      %mul3A_492 = arith.constant 16 : i32
      %mul3A_493 = arith.muli %add3A_491, %mul3A_492 : i32
      %swap3A_494 = arith.index_cast %mul3A_493 : i32 to index
      %swap3A_495 = tpu.vector_load %arg5[%swap3A_494] {strides = array<i32>} : memref<4096xi32, #tpu.memory_space<vmem>>, vector<16xi32>,
      tpu.vector_store %arg5[%swap3A_494], %broadcast_in_dim3A_2 {strides = array<i32>} : memref<4096xi32, #tpu.memory_space<vmem>>, vector<16xi32>,
      %eq3A_496 = arith.constant 8 : i32
      %eq3A_497 = vector.broadcast %eq3A_496 : i32 to vector<16xi32>
      %eq3A_498 = arith.cmpi eq, %iota3A, %eq3A_497 : vector<16xi32>
      %reduce_sum3A_499 = arith.constant true
      %reduce_sum3A_500 = vector.broadcast %reduce_sum3A_499 : i1 to vector<16xi1>
      %reduce_sum3A_501 = tpu.scan <sum>, %get3A_487 masked %reduce_sum3A_500 : vector<16xi32>, vector<16xi1> -> vector<16xi32>
      %reduce_sum3A_502 = vector.extract %reduce_sum3A_501[15] : i32 from vector<16xi32>
      %broadcast_in_dim3A_503 = vector.broadcast %reduce_sum3A_502 : i32 to vector<16xi32>
      %select_n3A_504 = arith.select %eq3A_498, %broadcast_in_dim3A_503, %select_n3A_479 : vector<16xi1>, vector<16xi32>
      %mul3A_505 = arith.constant 16 : i32
      %mul3A_506 = arith.muli %scan3A_279, %mul3A_505 : i32
      %add3A_507 = arith.constant 9 : i32
      %add3A_508 = arith.addi %mul3A_506, %add3A_507 : i32
      %mul3A_509 = arith.constant 16 : i32
      %mul3A_510 = arith.muli %add3A_508, %mul3A_509 : i32
      %get3A_511 = arith.index_cast %mul3A_510 : i32 to index
      %get3A_512 = tpu.vector_load %arg5[%get3A_511] {strides = array<i32>} : memref<4096xi32, #tpu.memory_space<vmem>>, vector<16xi32>,
      %mul3A_513 = arith.constant 16 : i32
      %mul3A_514 = arith.muli %scan3A_279, %mul3A_513 : i32
      %add3A_515 = arith.constant 9 : i32
      %add3A_516 = arith.addi %mul3A_514, %add3A_515 : i32
      %mul3A_517 = arith.constant 16 : i32
      %mul3A_518 = arith.muli %add3A_516, %mul3A_517 : i32
      %swap3A_519 = arith.index_cast %mul3A_518 : i32 to index
      %swap3A_520 = tpu.vector_load %arg5[%swap3A_519] {strides = array<i32>} : memref<4096xi32, #tpu.memory_space<vmem>>, vector<16xi32>,
      tpu.vector_store %arg5[%swap3A_519], %broadcast_in_dim3A_2 {strides = array<i32>} : memref<4096xi32, #tpu.memory_space<vmem>>, vector<16xi32>,
      %eq3A_521 = arith.constant 9 : i32
      %eq3A_522 = vector.broadcast %eq3A_521 : i32 to vector<16xi32>
      %eq3A_523 = arith.cmpi eq, %iota3A, %eq3A_522 : vector<16xi32>
      %reduce_sum3A_524 = arith.constant true
      %reduce_sum3A_525 = vector.broadcast %reduce_sum3A_524 : i1 to vector<16xi1>
      %reduce_sum3A_526 = tpu.scan <sum>, %get3A_512 masked %reduce_sum3A_525 : vector<16xi32>, vector<16xi1> -> vector<16xi32>
      %reduce_sum3A_527 = vector.extract %reduce_sum3A_526[15] : i32 from vector<16xi32>
      %broadcast_in_dim3A_528 = vector.broadcast %reduce_sum3A_527 : i32 to vector<16xi32>
      %select_n3A_529 = arith.select %eq3A_523, %broadcast_in_dim3A_528, %select_n3A_504 : vector<16xi1>, vector<16xi32>
      %mul3A_530 = arith.constant 16 : i32
      %mul3A_531 = arith.muli %scan3A_279, %mul3A_530 : i32
      %add3A_532 = arith.constant 10 : i32
      %add3A_533 = arith.addi %mul3A_531, %add3A_532 : i32
      %mul3A_534 = arith.constant 16 : i32
      %mul3A_535 = arith.muli %add3A_533, %mul3A_534 : i32
      %get3A_536 = arith.index_cast %mul3A_535 : i32 to index
      %get3A_537 = tpu.vector_load %arg5[%get3A_536] {strides = array<i32>} : memref<4096xi32, #tpu.memory_space<vmem>>, vector<16xi32>,
      %mul3A_538 = arith.constant 16 : i32
      %mul3A_539 = arith.muli %scan3A_279, %mul3A_538 : i32
      %add3A_540 = arith.constant 10 : i32
      %add3A_541 = arith.addi %mul3A_539, %add3A_540 : i32
      %mul3A_542 = arith.constant 16 : i32
      %mul3A_543 = arith.muli %add3A_541, %mul3A_542 : i32
      %swap3A_544 = arith.index_cast %mul3A_543 : i32 to index
      %swap3A_545 = tpu.vector_load %arg5[%swap3A_544] {strides = array<i32>} : memref<4096xi32, #tpu.memory_space<vmem>>, vector<16xi32>,
      tpu.vector_store %arg5[%swap3A_544], %broadcast_in_dim3A_2 {strides = array<i32>} : memref<4096xi32, #tpu.memory_space<vmem>>, vector<16xi32>,
      %eq3A_546 = arith.constant 10 : i32
      %eq3A_547 = vector.broadcast %eq3A_546 : i32 to vector<16xi32>
      %eq3A_548 = arith.cmpi eq, %iota3A, %eq3A_547 : vector<16xi32>
      %reduce_sum3A_549 = arith.constant true
      %reduce_sum3A_550 = vector.broadcast %reduce_sum3A_549 : i1 to vector<16xi1>
      %reduce_sum3A_551 = tpu.scan <sum>, %get3A_537 masked %reduce_sum3A_550 : vector<16xi32>, vector<16xi1> -> vector<16xi32>
      %reduce_sum3A_552 = vector.extract %reduce_sum3A_551[15] : i32 from vector<16xi32>
      %broadcast_in_dim3A_553 = vector.broadcast %reduce_sum3A_552 : i32 to vector<16xi32>
      %select_n3A_554 = arith.select %eq3A_548, %broadcast_in_dim3A_553, %select_n3A_529 : vector<16xi1>, vector<16xi32>
      %mul3A_555 = arith.constant 16 : i32
      %mul3A_556 = arith.muli %scan3A_279, %mul3A_555 : i32
      %add3A_557 = arith.constant 11 : i32
      %add3A_558 = arith.addi %mul3A_556, %add3A_557 : i32
      %mul3A_559 = arith.constant 16 : i32
      %mul3A_560 = arith.muli %add3A_558, %mul3A_559 : i32
      %get3A_561 = arith.index_cast %mul3A_560 : i32 to index
      %get3A_562 = tpu.vector_load %arg5[%get3A_561] {strides = array<i32>} : memref<4096xi32, #tpu.memory_space<vmem>>, vector<16xi32>,
      %mul3A_563 = arith.constant 16 : i32
      %mul3A_564 = arith.muli %scan3A_279, %mul3A_563 : i32
      %add3A_565 = arith.constant 11 : i32
      %add3A_566 = arith.addi %mul3A_564, %add3A_565 : i32
      %mul3A_567 = arith.constant 16 : i32
      %mul3A_568 = arith.muli %add3A_566, %mul3A_567 : i32
      %swap3A_569 = arith.index_cast %mul3A_568 : i32 to index
      %swap3A_570 = tpu.vector_load %arg5[%swap3A_569] {strides = array<i32>} : memref<4096xi32, #tpu.memory_space<vmem>>, vector<16xi32>,
      tpu.vector_store %arg5[%swap3A_569], %broadcast_in_dim3A_2 {strides = array<i32>} : memref<4096xi32, #tpu.memory_space<vmem>>, vector<16xi32>,
      %eq3A_571 = arith.constant 11 : i32
      %eq3A_572 = vector.broadcast %eq3A_571 : i32 to vector<16xi32>
      %eq3A_573 = arith.cmpi eq, %iota3A, %eq3A_572 : vector<16xi32>
      %reduce_sum3A_574 = arith.constant true
      %reduce_sum3A_575 = vector.broadcast %reduce_sum3A_574 : i1 to vector<16xi1>
      %reduce_sum3A_576 = tpu.scan <sum>, %get3A_562 masked %reduce_sum3A_575 : vector<16xi32>, vector<16xi1> -> vector<16xi32>
      %reduce_sum3A_577 = vector.extract %reduce_sum3A_576[15] : i32 from vector<16xi32>
      %broadcast_in_dim3A_578 = vector.broadcast %reduce_sum3A_577 : i32 to vector<16xi32>
      %select_n3A_579 = arith.select %eq3A_573, %broadcast_in_dim3A_578, %select_n3A_554 : vector<16xi1>, vector<16xi32>
      %mul3A_580 = arith.constant 16 : i32
      %mul3A_581 = arith.muli %scan3A_279, %mul3A_580 : i32
      %add3A_582 = arith.constant 12 : i32
      %add3A_583 = arith.addi %mul3A_581, %add3A_582 : i32
      %mul3A_584 = arith.constant 16 : i32
      %mul3A_585 = arith.muli %add3A_583, %mul3A_584 : i32
      %get3A_586 = arith.index_cast %mul3A_585 : i32 to index
      %get3A_587 = tpu.vector_load %arg5[%get3A_586] {strides = array<i32>} : memref<4096xi32, #tpu.memory_space<vmem>>, vector<16xi32>,
      %mul3A_588 = arith.constant 16 : i32
      %mul3A_589 = arith.muli %scan3A_279, %mul3A_588 : i32
      %add3A_590 = arith.constant 12 : i32
      %add3A_591 = arith.addi %mul3A_589, %add3A_590 : i32
      %mul3A_592 = arith.constant 16 : i32
      %mul3A_593 = arith.muli %add3A_591, %mul3A_592 : i32
      %swap3A_594 = arith.index_cast %mul3A_593 : i32 to index
      %swap3A_595 = tpu.vector_load %arg5[%swap3A_594] {strides = array<i32>} : memref<4096xi32, #tpu.memory_space<vmem>>, vector<16xi32>,
      tpu.vector_store %arg5[%swap3A_594], %broadcast_in_dim3A_2 {strides = array<i32>} : memref<4096xi32, #tpu.memory_space<vmem>>, vector<16xi32>,
      %eq3A_596 = arith.constant 12 : i32
      %eq3A_597 = vector.broadcast %eq3A_596 : i32 to vector<16xi32>
      %eq3A_598 = arith.cmpi eq, %iota3A, %eq3A_597 : vector<16xi32>
      %reduce_sum3A_599 = arith.constant true
      %reduce_sum3A_600 = vector.broadcast %reduce_sum3A_599 : i1 to vector<16xi1>
      %reduce_sum3A_601 = tpu.scan <sum>, %get3A_587 masked %reduce_sum3A_600 : vector<16xi32>, vector<16xi1> -> vector<16xi32>
      %reduce_sum3A_602 = vector.extract %reduce_sum3A_601[15] : i32 from vector<16xi32>
      %broadcast_in_dim3A_603 = vector.broadcast %reduce_sum3A_602 : i32 to vector<16xi32>
      %select_n3A_604 = arith.select %eq3A_598, %broadcast_in_dim3A_603, %select_n3A_579 : vector<16xi1>, vector<16xi32>
      %mul3A_605 = arith.constant 16 : i32
      %mul3A_606 = arith.muli %scan3A_279, %mul3A_605 : i32
      %add3A_607 = arith.constant 13 : i32
      %add3A_608 = arith.addi %mul3A_606, %add3A_607 : i32
      %mul3A_609 = arith.constant 16 : i32
      %mul3A_610 = arith.muli %add3A_608, %mul3A_609 : i32
      %get3A_611 = arith.index_cast %mul3A_610 : i32 to index
      %get3A_612 = tpu.vector_load %arg5[%get3A_611] {strides = array<i32>} : memref<4096xi32, #tpu.memory_space<vmem>>, vector<16xi32>,
      %mul3A_613 = arith.constant 16 : i32
      %mul3A_614 = arith.muli %scan3A_279, %mul3A_613 : i32
      %add3A_615 = arith.constant 13 : i32
      %add3A_616 = arith.addi %mul3A_614, %add3A_615 : i32
      %mul3A_617 = arith.constant 16 : i32
      %mul3A_618 = arith.muli %add3A_616, %mul3A_617 : i32
      %swap3A_619 = arith.index_cast %mul3A_618 : i32 to index
      %swap3A_620 = tpu.vector_load %arg5[%swap3A_619] {strides = array<i32>} : memref<4096xi32, #tpu.memory_space<vmem>>, vector<16xi32>,
      tpu.vector_store %arg5[%swap3A_619], %broadcast_in_dim3A_2 {strides = array<i32>} : memref<4096xi32, #tpu.memory_space<vmem>>, vector<16xi32>,
      %eq3A_621 = arith.constant 13 : i32
      %eq3A_622 = vector.broadcast %eq3A_621 : i32 to vector<16xi32>
      %eq3A_623 = arith.cmpi eq, %iota3A, %eq3A_622 : vector<16xi32>
      %reduce_sum3A_624 = arith.constant true
      %reduce_sum3A_625 = vector.broadcast %reduce_sum3A_624 : i1 to vector<16xi1>
      %reduce_sum3A_626 = tpu.scan <sum>, %get3A_612 masked %reduce_sum3A_625 : vector<16xi32>, vector<16xi1> -> vector<16xi32>
      %reduce_sum3A_627 = vector.extract %reduce_sum3A_626[15] : i32 from vector<16xi32>
      %broadcast_in_dim3A_628 = vector.broadcast %reduce_sum3A_627 : i32 to vector<16xi32>
      %select_n3A_629 = arith.select %eq3A_623, %broadcast_in_dim3A_628, %select_n3A_604 : vector<16xi1>, vector<16xi32>
      %mul3A_630 = arith.constant 16 : i32
      %mul3A_631 = arith.muli %scan3A_279, %mul3A_630 : i32
      %add3A_632 = arith.constant 14 : i32
      %add3A_633 = arith.addi %mul3A_631, %add3A_632 : i32
      %mul3A_634 = arith.constant 16 : i32
      %mul3A_635 = arith.muli %add3A_633, %mul3A_634 : i32
      %get3A_636 = arith.index_cast %mul3A_635 : i32 to index
      %get3A_637 = tpu.vector_load %arg5[%get3A_636] {strides = array<i32>} : memref<4096xi32, #tpu.memory_space<vmem>>, vector<16xi32>,
      %mul3A_638 = arith.constant 16 : i32
      %mul3A_639 = arith.muli %scan3A_279, %mul3A_638 : i32
      %add3A_640 = arith.constant 14 : i32
      %add3A_641 = arith.addi %mul3A_639, %add3A_640 : i32
      %mul3A_642 = arith.constant 16 : i32
      %mul3A_643 = arith.muli %add3A_641, %mul3A_642 : i32
      %swap3A_644 = arith.index_cast %mul3A_643 : i32 to index
      %swap3A_645 = tpu.vector_load %arg5[%swap3A_644] {strides = array<i32>} : memref<4096xi32, #tpu.memory_space<vmem>>, vector<16xi32>,
      tpu.vector_store %arg5[%swap3A_644], %broadcast_in_dim3A_2 {strides = array<i32>} : memref<4096xi32, #tpu.memory_space<vmem>>, vector<16xi32>,
      %eq3A_646 = arith.constant 14 : i32
      %eq3A_647 = vector.broadcast %eq3A_646 : i32 to vector<16xi32>
      %eq3A_648 = arith.cmpi eq, %iota3A, %eq3A_647 : vector<16xi32>
      %reduce_sum3A_649 = arith.constant true
      %reduce_sum3A_650 = vector.broadcast %reduce_sum3A_649 : i1 to vector<16xi1>
      %reduce_sum3A_651 = tpu.scan <sum>, %get3A_637 masked %reduce_sum3A_650 : vector<16xi32>, vector<16xi1> -> vector<16xi32>
      %reduce_sum3A_652 = vector.extract %reduce_sum3A_651[15] : i32 from vector<16xi32>
      %broadcast_in_dim3A_653 = vector.broadcast %reduce_sum3A_652 : i32 to vector<16xi32>
      %select_n3A_654 = arith.select %eq3A_648, %broadcast_in_dim3A_653, %select_n3A_629 : vector<16xi1>, vector<16xi32>
      %mul3A_655 = arith.constant 16 : i32
      %mul3A_656 = arith.muli %scan3A_279, %mul3A_655 : i32
      %add3A_657 = arith.constant 15 : i32
      %add3A_658 = arith.addi %mul3A_656, %add3A_657 : i32
      %mul3A_659 = arith.constant 16 : i32
      %mul3A_660 = arith.muli %add3A_658, %mul3A_659 : i32
      %get3A_661 = arith.index_cast %mul3A_660 : i32 to index
      %get3A_662 = tpu.vector_load %arg5[%get3A_661] {strides = array<i32>} : memref<4096xi32, #tpu.memory_space<vmem>>, vector<16xi32>,
      %mul3A_663 = arith.constant 16 : i32
      %mul3A_664 = arith.muli %scan3A_279, %mul3A_663 : i32
      %add3A_665 = arith.constant 15 : i32
      %add3A_666 = arith.addi %mul3A_664, %add3A_665 : i32
      %mul3A_667 = arith.constant 16 : i32
      %mul3A_668 = arith.muli %add3A_666, %mul3A_667 : i32
      %swap3A_669 = arith.index_cast %mul3A_668 : i32 to index
      %swap3A_670 = tpu.vector_load %arg5[%swap3A_669] {strides = array<i32>} : memref<4096xi32, #tpu.memory_space<vmem>>, vector<16xi32>,
      tpu.vector_store %arg5[%swap3A_669], %broadcast_in_dim3A_2 {strides = array<i32>} : memref<4096xi32, #tpu.memory_space<vmem>>, vector<16xi32>,
      %eq3A_671 = arith.constant 15 : i32
      %eq3A_672 = vector.broadcast %eq3A_671 : i32 to vector<16xi32>
      %eq3A_673 = arith.cmpi eq, %iota3A, %eq3A_672 : vector<16xi32>
      %reduce_sum3A_674 = arith.constant true
      %reduce_sum3A_675 = vector.broadcast %reduce_sum3A_674 : i1 to vector<16xi1>
      %reduce_sum3A_676 = tpu.scan <sum>, %get3A_662 masked %reduce_sum3A_675 : vector<16xi32>, vector<16xi1> -> vector<16xi32>
      %reduce_sum3A_677 = vector.extract %reduce_sum3A_676[15] : i32 from vector<16xi32>
      %broadcast_in_dim3A_678 = vector.broadcast %reduce_sum3A_677 : i32 to vector<16xi32>
      %select_n3A_679 = arith.select %eq3A_673, %broadcast_in_dim3A_678, %select_n3A_654 : vector<16xi1>, vector<16xi32>
      %mul3A_680 = arith.constant 16 : i32
      %mul3A_681 = arith.muli %scan3A_279, %mul3A_680 : i32
      %swap3A_682 = arith.index_cast %mul3A_681 : i32 to index
      %swap3A_683 = tpu.vector_load %arg6[%swap3A_682] {strides = array<i32>} : memref<256xi32, #tpu.memory_space<vmem>>, vector<16xi32>,
      tpu.vector_store %arg6[%swap3A_682], %select_n3A_679 {strides = array<i32>} : memref<256xi32, #tpu.memory_space<vmem>>, vector<16xi32>,
      %scan3A_684 = arith.constant 0 : i32
      scf.yield %scan3A_684 : i32
    }
    %scan3A_71 = arith.constant 16 : i32
    %add3A_72 = arith.constant 16 : i32
    %add3A_73 = arith.addi %add3A_72, %arg1 : i32
    %mul3A_74 = arith.constant 256 : i32
    %mul3A_75 = arith.muli %add3A_73, %mul3A_74 : i32
    "tpu.region"() ({
      %run_scoped3A = tpu.sem_alloc : memref<!tpu.dma_semaphore, #tpu.memory_space<semaphore_mem>>
      %dma_start3A_279 = tpu.memref_slice %arg13[%mul3A_75] : memref<16384xi32, #tpu.memory_space<vmem_shared>> -> memref<256xi32, #tpu.memory_space<vmem_shared>>
      %dma_start3A_280 = tpu.memref_slice %arg13[%mul3A_75] : memref<16384xi32, #tpu.memory_space<vmem_shared>> -> memref<256xi32, #tpu.memory_space<vmem_shared>>
      tpu.enqueue_dma source(%arg6 : memref<256xi32, #tpu.memory_space<vmem>>) target(%dma_start3A_280 : memref<256xi32, #tpu.memory_space<vmem_shared>>) target_semaphore(%run_scoped3A : memref<!tpu.dma_semaphore, #tpu.memory_space<semaphore_mem>>)
      %dma_wait3A_281 = tpu.memref_slice %arg13[%mul3A_75] : memref<16384xi32, #tpu.memory_space<vmem_shared>> -> memref<256xi32, #tpu.memory_space<vmem_shared>>
      %dma_wait3A_282 = tpu.memref_slice %arg13[%mul3A_75] : memref<16384xi32, #tpu.memory_space<vmem_shared>> -> memref<256xi32, #tpu.memory_space<vmem_shared>>
      tpu.wait_dma2 semaphore(%run_scoped3A : memref<!tpu.dma_semaphore, #tpu.memory_space<semaphore_mem>>) src(%arg6 : memref<256xi32, #tpu.memory_space<vmem>>) dst(%dma_wait3A_282 : memref<256xi32, #tpu.memory_space<vmem_shared>>)
      tpu.yield
    }) : () -> ()
    %barrier3A_76 = arith.constant 0 : index
    tpu.barrier barrier_id(%barrier3A_76)
    "tpu.region"() ({
      %run_scoped3A = tpu.sem_alloc : memref<!tpu.dma_semaphore, #tpu.memory_space<semaphore_mem>>
      %dma_start3A_279 = arith.constant 4096 : i32
      %dma_start3A_280 = tpu.memref_slice %arg13[%dma_start3A_279] : memref<16384xi32, #tpu.memory_space<vmem_shared>> -> memref<4096xi32, #tpu.memory_space<vmem_shared>>
      %dma_start3A_281 = arith.constant 4096 : i32
      %dma_start3A_282 = tpu.memref_slice %arg13[%dma_start3A_281] : memref<16384xi32, #tpu.memory_space<vmem_shared>> -> memref<4096xi32, #tpu.memory_space<vmem_shared>>
      tpu.enqueue_dma source(%dma_start3A_282 : memref<4096xi32, #tpu.memory_space<vmem_shared>>) target(%arg7 : memref<4096xi32, #tpu.memory_space<vmem>>) target_semaphore(%run_scoped3A : memref<!tpu.dma_semaphore, #tpu.memory_space<semaphore_mem>>)
      %dma_wait3A_283 = arith.constant 4096 : i32
      %dma_wait3A_284 = tpu.memref_slice %arg13[%dma_wait3A_283] : memref<16384xi32, #tpu.memory_space<vmem_shared>> -> memref<4096xi32, #tpu.memory_space<vmem_shared>>
      %dma_wait3A_285 = arith.constant 4096 : i32
      %dma_wait3A_286 = tpu.memref_slice %arg13[%dma_wait3A_285] : memref<16384xi32, #tpu.memory_space<vmem_shared>> -> memref<4096xi32, #tpu.memory_space<vmem_shared>>
      tpu.wait_dma2 semaphore(%run_scoped3A : memref<!tpu.dma_semaphore, #tpu.memory_space<semaphore_mem>>) src(%dma_wait3A_286 : memref<4096xi32, #tpu.memory_space<vmem_shared>>) dst(%arg7 : memref<4096xi32, #tpu.memory_space<vmem>>)
      tpu.yield
    }) : () -> ()
    %broadcast_in_dim3A_77 = arith.constant -1 : i32
    %broadcast_in_dim3A_78 = vector.broadcast %broadcast_in_dim3A_77 : i32 to vector<16xi32>
    %scan3A_79 = arith.constant 0 : i32
    %scan3A_80 = arith.constant 0 : i32
    %scan3A_81 = arith.constant 16 : i32
    %scan3A_82 = arith.addi %scan3A_80, %scan3A_81 : i32
    %scan3A_83 = arith.constant 1 : i32
    %scan3A_84:4 = scf.for %scan3A_279 = %scan3A_80 to %scan3A_82 step %scan3A_83 iter_args(%scan3A_280 = %scan3A_79, %scan3A_281 = %broadcast_in_dim3A_78, %scan3A_282 = %broadcast_in_dim3A_78, %scan3A_283 = %broadcast_in_dim3A_78) -> (i32, vector<16xi32>, vector<16xi32>, vector<16xi32>)  : i32 {
      %mul3A_284 = arith.constant 16 : i32
      %mul3A_285 = arith.muli %scan3A_279, %mul3A_284 : i32
      %get3A = arith.index_cast %mul3A_285 : i32 to index
      %get3A_286 = tpu.vector_load %arg7[%get3A] {strides = array<i32>} : memref<4096xi32, #tpu.memory_space<vmem>>, vector<16xi32>,
      %mul3A_287 = arith.constant 16 : i32
      %mul3A_288 = arith.muli %scan3A_279, %mul3A_287 : i32
      %add3A_289 = arith.constant 256 : i32
      %add3A_290 = arith.addi %add3A_289, %mul3A_288 : i32
      %get3A_291 = arith.index_cast %add3A_290 : i32 to index
      %get3A_292 = tpu.vector_load %arg7[%get3A_291] {strides = array<i32>} : memref<4096xi32, #tpu.memory_space<vmem>>, vector<16xi32>,
      %add3A_293 = arith.addi %get3A_286, %get3A_292 : vector<16xi32>
      %mul3A_294 = arith.constant 16 : i32
      %mul3A_295 = arith.muli %scan3A_279, %mul3A_294 : i32
      %add3A_296 = arith.constant 512 : i32
      %add3A_297 = arith.addi %add3A_296, %mul3A_295 : i32
      %get3A_298 = arith.index_cast %add3A_297 : i32 to index
      %get3A_299 = tpu.vector_load %arg7[%get3A_298] {strides = array<i32>} : memref<4096xi32, #tpu.memory_space<vmem>>, vector<16xi32>,
      %add3A_300 = arith.addi %add3A_293, %get3A_299 : vector<16xi32>
      %mul3A_301 = arith.constant 16 : i32
      %mul3A_302 = arith.muli %scan3A_279, %mul3A_301 : i32
      %add3A_303 = arith.constant 768 : i32
      %add3A_304 = arith.addi %add3A_303, %mul3A_302 : i32
      %get3A_305 = arith.index_cast %add3A_304 : i32 to index
      %get3A_306 = tpu.vector_load %arg7[%get3A_305] {strides = array<i32>} : memref<4096xi32, #tpu.memory_space<vmem>>, vector<16xi32>,
      %add3A_307 = arith.addi %add3A_300, %get3A_306 : vector<16xi32>
      %mul3A_308 = arith.constant 16 : i32
      %mul3A_309 = arith.muli %scan3A_279, %mul3A_308 : i32
      %add3A_310 = arith.constant 1024 : i32
      %add3A_311 = arith.addi %add3A_310, %mul3A_309 : i32
      %get3A_312 = arith.index_cast %add3A_311 : i32 to index
      %get3A_313 = tpu.vector_load %arg7[%get3A_312] {strides = array<i32>} : memref<4096xi32, #tpu.memory_space<vmem>>, vector<16xi32>,
      %add3A_314 = arith.addi %add3A_307, %get3A_313 : vector<16xi32>
      %mul3A_315 = arith.constant 16 : i32
      %mul3A_316 = arith.muli %scan3A_279, %mul3A_315 : i32
      %add3A_317 = arith.constant 1280 : i32
      %add3A_318 = arith.addi %add3A_317, %mul3A_316 : i32
      %get3A_319 = arith.index_cast %add3A_318 : i32 to index
      %get3A_320 = tpu.vector_load %arg7[%get3A_319] {strides = array<i32>} : memref<4096xi32, #tpu.memory_space<vmem>>, vector<16xi32>,
      %add3A_321 = arith.addi %add3A_314, %get3A_320 : vector<16xi32>
      %mul3A_322 = arith.constant 16 : i32
      %mul3A_323 = arith.muli %scan3A_279, %mul3A_322 : i32
      %add3A_324 = arith.constant 1536 : i32
      %add3A_325 = arith.addi %add3A_324, %mul3A_323 : i32
      %get3A_326 = arith.index_cast %add3A_325 : i32 to index
      %get3A_327 = tpu.vector_load %arg7[%get3A_326] {strides = array<i32>} : memref<4096xi32, #tpu.memory_space<vmem>>, vector<16xi32>,
      %add3A_328 = arith.addi %add3A_321, %get3A_327 : vector<16xi32>
      %mul3A_329 = arith.constant 16 : i32
      %mul3A_330 = arith.muli %scan3A_279, %mul3A_329 : i32
      %add3A_331 = arith.constant 1792 : i32
      %add3A_332 = arith.addi %add3A_331, %mul3A_330 : i32
      %get3A_333 = arith.index_cast %add3A_332 : i32 to index
      %get3A_334 = tpu.vector_load %arg7[%get3A_333] {strides = array<i32>} : memref<4096xi32, #tpu.memory_space<vmem>>, vector<16xi32>,
      %add3A_335 = arith.addi %add3A_328, %get3A_334 : vector<16xi32>
      %mul3A_336 = arith.constant 16 : i32
      %mul3A_337 = arith.muli %scan3A_279, %mul3A_336 : i32
      %add3A_338 = arith.constant 2048 : i32
      %add3A_339 = arith.addi %add3A_338, %mul3A_337 : i32
      %get3A_340 = arith.index_cast %add3A_339 : i32 to index
      %get3A_341 = tpu.vector_load %arg7[%get3A_340] {strides = array<i32>} : memref<4096xi32, #tpu.memory_space<vmem>>, vector<16xi32>,
      %add3A_342 = arith.addi %add3A_335, %get3A_341 : vector<16xi32>
      %mul3A_343 = arith.constant 16 : i32
      %mul3A_344 = arith.muli %scan3A_279, %mul3A_343 : i32
      %add3A_345 = arith.constant 2304 : i32
      %add3A_346 = arith.addi %add3A_345, %mul3A_344 : i32
      %get3A_347 = arith.index_cast %add3A_346 : i32 to index
      %get3A_348 = tpu.vector_load %arg7[%get3A_347] {strides = array<i32>} : memref<4096xi32, #tpu.memory_space<vmem>>, vector<16xi32>,
      %add3A_349 = arith.addi %add3A_342, %get3A_348 : vector<16xi32>
      %mul3A_350 = arith.constant 16 : i32
      %mul3A_351 = arith.muli %scan3A_279, %mul3A_350 : i32
      %add3A_352 = arith.constant 2560 : i32
      %add3A_353 = arith.addi %add3A_352, %mul3A_351 : i32
      %get3A_354 = arith.index_cast %add3A_353 : i32 to index
      %get3A_355 = tpu.vector_load %arg7[%get3A_354] {strides = array<i32>} : memref<4096xi32, #tpu.memory_space<vmem>>, vector<16xi32>,
      %add3A_356 = arith.addi %add3A_349, %get3A_355 : vector<16xi32>
      %mul3A_357 = arith.constant 16 : i32
      %mul3A_358 = arith.muli %scan3A_279, %mul3A_357 : i32
      %add3A_359 = arith.constant 2816 : i32
      %add3A_360 = arith.addi %add3A_359, %mul3A_358 : i32
      %get3A_361 = arith.index_cast %add3A_360 : i32 to index
      %get3A_362 = tpu.vector_load %arg7[%get3A_361] {strides = array<i32>} : memref<4096xi32, #tpu.memory_space<vmem>>, vector<16xi32>,
      %add3A_363 = arith.addi %add3A_356, %get3A_362 : vector<16xi32>
      %mul3A_364 = arith.constant 16 : i32
      %mul3A_365 = arith.muli %scan3A_279, %mul3A_364 : i32
      %add3A_366 = arith.constant 3072 : i32
      %add3A_367 = arith.addi %add3A_366, %mul3A_365 : i32
      %get3A_368 = arith.index_cast %add3A_367 : i32 to index
      %get3A_369 = tpu.vector_load %arg7[%get3A_368] {strides = array<i32>} : memref<4096xi32, #tpu.memory_space<vmem>>, vector<16xi32>,
      %add3A_370 = arith.addi %add3A_363, %get3A_369 : vector<16xi32>
      %mul3A_371 = arith.constant 16 : i32
      %mul3A_372 = arith.muli %scan3A_279, %mul3A_371 : i32
      %add3A_373 = arith.constant 3328 : i32
      %add3A_374 = arith.addi %add3A_373, %mul3A_372 : i32
      %get3A_375 = arith.index_cast %add3A_374 : i32 to index
      %get3A_376 = tpu.vector_load %arg7[%get3A_375] {strides = array<i32>} : memref<4096xi32, #tpu.memory_space<vmem>>, vector<16xi32>,
      %add3A_377 = arith.addi %add3A_370, %get3A_376 : vector<16xi32>
      %mul3A_378 = arith.constant 16 : i32
      %mul3A_379 = arith.muli %scan3A_279, %mul3A_378 : i32
      %add3A_380 = arith.constant 3584 : i32
      %add3A_381 = arith.addi %add3A_380, %mul3A_379 : i32
      %get3A_382 = arith.index_cast %add3A_381 : i32 to index
      %get3A_383 = tpu.vector_load %arg7[%get3A_382] {strides = array<i32>} : memref<4096xi32, #tpu.memory_space<vmem>>, vector<16xi32>,
      %add3A_384 = arith.addi %add3A_377, %get3A_383 : vector<16xi32>
      %mul3A_385 = arith.constant 16 : i32
      %mul3A_386 = arith.muli %scan3A_279, %mul3A_385 : i32
      %add3A_387 = arith.constant 3840 : i32
      %add3A_388 = arith.addi %add3A_387, %mul3A_386 : i32
      %get3A_389 = arith.index_cast %add3A_388 : i32 to index
      %get3A_390 = tpu.vector_load %arg7[%get3A_389] {strides = array<i32>} : memref<4096xi32, #tpu.memory_space<vmem>>, vector<16xi32>,
      %add3A_391 = arith.addi %add3A_384, %get3A_390 : vector<16xi32>
      %broadcast_in_dim3A_392 = arith.constant true
      %broadcast_in_dim3A_393 = vector.broadcast %broadcast_in_dim3A_392 : i1 to vector<16xi1>
      %masked_cumsum3A = tpu.scan <sum>, %add3A_391 masked %broadcast_in_dim3A_393 : vector<16xi32>, vector<16xi1> -> vector<16xi32>
      %add3A_394 = vector.broadcast %scan3A_280 : i32 to vector<16xi32>
      %add3A_395 = arith.addi %add3A_394, %masked_cumsum3A : vector<16xi32>
      %sub3A_396 = arith.subi %add3A_395, %add3A_391 : vector<16xi32>
      %le3A = vector.broadcast %sub3A_57 : i32 to vector<16xi32>
      %le3A_397 = arith.cmpi sle, %sub3A_396, %le3A : vector<16xi32>
      %add3A_398 = arith.addi %sub3A_396, %add3A_391 : vector<16xi32>
      %gt3A = vector.broadcast %sub3A_57 : i32 to vector<16xi32>
      %gt3A_399 = arith.cmpi sgt, %add3A_398, %gt3A : vector<16xi32>
      %and3A_400 = arith.andi %le3A_397, %gt3A_399 : vector<16xi1>
      %mul3A_401 = arith.constant 16 : i32
      %mul3A_402 = arith.muli %scan3A_279, %mul3A_401 : i32
      %add3A_403 = vector.broadcast %mul3A_402 : i32 to vector<16xi32>
      %add3A_404 = arith.addi %add3A_403, %iota3A : vector<16xi32>
      %jit3A_405 = arith.constant -1 : i32
      %broadcast_in_dim3A_406 = vector.broadcast %jit3A_405 : i32 to vector<16xi32>
      %select_n3A_407 = arith.select %and3A_400, %add3A_404, %broadcast_in_dim3A_406 : vector<16xi1>, vector<16xi32>
      %max3A = arith.maxsi %scan3A_281, %select_n3A_407 : vector<16xi32>
      %jit3A_408 = arith.constant -1 : i32
      %broadcast_in_dim3A_409 = vector.broadcast %jit3A_408 : i32 to vector<16xi32>
      %select_n3A_410 = arith.select %and3A_400, %sub3A_396, %broadcast_in_dim3A_409 : vector<16xi1>, vector<16xi32>
      %max3A_411 = arith.maxsi %scan3A_282, %select_n3A_410 : vector<16xi32>
      %jit3A_412 = arith.constant -1 : i32
      %broadcast_in_dim3A_413 = vector.broadcast %jit3A_412 : i32 to vector<16xi32>
      %select_n3A_414 = arith.select %and3A_400, %add3A_391, %broadcast_in_dim3A_413 : vector<16xi1>, vector<16xi32>
      %max3A_415 = arith.maxsi %scan3A_283, %select_n3A_414 : vector<16xi32>
      %reduce_sum3A_416 = arith.constant true
      %reduce_sum3A_417 = vector.broadcast %reduce_sum3A_416 : i1 to vector<16xi1>
      %reduce_sum3A_418 = tpu.scan <sum>, %add3A_391 masked %reduce_sum3A_417 : vector<16xi32>, vector<16xi1> -> vector<16xi32>
      %reduce_sum3A_419 = vector.extract %reduce_sum3A_418[15] : i32 from vector<16xi32>
      %add3A_420 = arith.addi %scan3A_280, %reduce_sum3A_419 : i32
      scf.yield %add3A_420, %max3A, %max3A_411, %max3A_415 : i32, vector<16xi32>, vector<16xi32>, vector<16xi32>
    }
    %scan3A_85 = arith.constant 16 : i32
    %reduce_max3A_86 = arith.constant true
    %reduce_max3A_87 = vector.broadcast %reduce_max3A_86 : i1 to vector<16xi1>
    %reduce_max3A_88 = arith.constant -2147483648 : i32
    %reduce_max3A_89 = vector.broadcast %reduce_max3A_88 : i32 to vector<16xi32>
    %reduce_max3A_90 = arith.xori %scan3A_84#1, %reduce_max3A_89 : vector<16xi32>
    %reduce_max3A_91 = tpu.scan <max>, %reduce_max3A_90 masked %reduce_max3A_87 : vector<16xi32>, vector<16xi1> -> vector<16xi32>
    %reduce_max3A_92 = arith.xori %reduce_max3A_91, %reduce_max3A_89 : vector<16xi32>
    %reduce_max3A_93 = vector.extract %reduce_max3A_92[15] : i32 from vector<16xi32>
    %reduce_max3A_94 = arith.constant true
    %reduce_max3A_95 = vector.broadcast %reduce_max3A_94 : i1 to vector<16xi1>
    %reduce_max3A_96 = arith.constant -2147483648 : i32
    %reduce_max3A_97 = vector.broadcast %reduce_max3A_96 : i32 to vector<16xi32>
    %reduce_max3A_98 = arith.xori %scan3A_84#2, %reduce_max3A_97 : vector<16xi32>
    %reduce_max3A_99 = tpu.scan <max>, %reduce_max3A_98 masked %reduce_max3A_95 : vector<16xi32>, vector<16xi1> -> vector<16xi32>
    %reduce_max3A_100 = arith.xori %reduce_max3A_99, %reduce_max3A_97 : vector<16xi32>
    %reduce_max3A_101 = vector.extract %reduce_max3A_100[15] : i32 from vector<16xi32>
    %reduce_max3A_102 = arith.constant true
    %reduce_max3A_103 = vector.broadcast %reduce_max3A_102 : i1 to vector<16xi1>
    %reduce_max3A_104 = arith.constant -2147483648 : i32
    %reduce_max3A_105 = vector.broadcast %reduce_max3A_104 : i32 to vector<16xi32>
    %reduce_max3A_106 = arith.xori %scan3A_84#3, %reduce_max3A_105 : vector<16xi32>
    %reduce_max3A_107 = tpu.scan <max>, %reduce_max3A_106 masked %reduce_max3A_103 : vector<16xi32>, vector<16xi1> -> vector<16xi32>
    %reduce_max3A_108 = arith.xori %reduce_max3A_107, %reduce_max3A_105 : vector<16xi32>
    %reduce_max3A_109 = vector.extract %reduce_max3A_108[15] : i32 from vector<16xi32>
    %sub3A_110 = arith.subi %scan3A_84#0, %reduce_max3A_101 : i32
    %sub3A_111 = arith.subi %sub3A_110, %reduce_max3A_109 : i32
    %add3A_112 = arith.addi %add3A_55, %sub3A_111 : i32
    %sub3A_113 = arith.subi %sub3A_57, %reduce_max3A_101 : i32
    %shift_left3A_114 = arith.constant 16 : i32
    %shift_left3A_115 = arith.shli %reduce_max3A_93, %shift_left3A_114 : i32
    %or3A_116 = arith.ori %or3A_60, %shift_left3A_115 : i32
    %parallel_loop3A_117 = arith.constant 0 : i32
    %parallel_loop3A_118 = arith.constant 4096 : i32
    %parallel_loop3A_119 = arith.constant 1 : i32
    %parallel_loop3A_120 = arith.constant -65536 : i32
    scf.for %parallel_loop3A_279 = %parallel_loop3A_117 to %parallel_loop3A_118 step %parallel_loop3A_119  : i32 {
      %parallel_loop3A_280 = arith.constant 16 : i32
      %parallel_loop3A_281 = arith.muli %parallel_loop3A_279, %parallel_loop3A_280 : i32
      %parallel_loop3A_282 = arith.index_cast %parallel_loop3A_281 : i32 to index
      %parallel_loop3A_283 = tpu.vector_load %arg4[%parallel_loop3A_282] {strides = array<i32>} : memref<65536xf32, #tpu.memory_space<vmem>>, vector<16xf32>,
      %parallel_loop3A_284 = tpu.bitcast %parallel_loop3A_283 : vector<16xf32> -> vector<16xi32>
      %parallel_loop3A_285 = vector.broadcast %parallel_loop3A_120 : i32 to vector<16xi32>
      %parallel_loop3A_286 = arith.andi %parallel_loop3A_284, %parallel_loop3A_285 : vector<16xi32>
      %parallel_loop3A_287 = vector.broadcast %or3A_116 : i32 to vector<16xi32>
      %parallel_loop3A_288 = arith.cmpi eq, %parallel_loop3A_286, %parallel_loop3A_287 : vector<16xi32>
      %parallel_loop3A_289 = arith.constant 8 : i32
      %parallel_loop3A_290 = vector.broadcast %parallel_loop3A_289 : i32 to vector<16xi32>
      %parallel_loop3A_291 = arith.shrsi %parallel_loop3A_284, %parallel_loop3A_290 : vector<16xi32>
      %parallel_loop3A_292 = arith.constant 255 : i32
      %parallel_loop3A_293 = vector.broadcast %parallel_loop3A_292 : i32 to vector<16xi32>
      %parallel_loop3A_294 = arith.andi %parallel_loop3A_291, %parallel_loop3A_293 : vector<16xi32>
      %parallel_loop3A_295 = arith.constant 16 : i32
      %parallel_loop3A_296 = vector.broadcast %parallel_loop3A_295 : i32 to vector<16xi32>
      %parallel_loop3A_297 = arith.muli %parallel_loop3A_294, %parallel_loop3A_296 : vector<16xi32>
      %parallel_loop3A_298 = arith.addi %parallel_loop3A_297, %iota3A : vector<16xi32>
      tpu.vector_store_idx %arg5[%parallel_loop3A_298], %broadcast_in_dim3A_0 masked %parallel_loop3A_288 {add = true} : memref<4096xi32, #tpu.memory_space<vmem>>[vector<16xi32>], vector<16xi32>, vector<16xi1>
    } {sc.loop_unroll_factor = 8 : i64, sc.parallel_access}
    %scan3A_121 = arith.constant 0 : i32
    %scan3A_122 = arith.constant 0 : i32
    %scan3A_123 = arith.constant 16 : i32
    %scan3A_124 = arith.addi %scan3A_122, %scan3A_123 : i32
    %scan3A_125 = arith.constant 1 : i32
    %scan3A_126 = scf.for %scan3A_279 = %scan3A_122 to %scan3A_124 step %scan3A_125 iter_args(%scan3A_280 = %scan3A_121) -> (i32)  : i32 {
      %mul3A_281 = arith.constant 16 : i32
      %mul3A_282 = arith.muli %scan3A_279, %mul3A_281 : i32
      %add3A_283 = arith.constant 0 : i32
      %add3A_284 = arith.addi %mul3A_282, %add3A_283 : i32
      %mul3A_285 = arith.constant 16 : i32
      %mul3A_286 = arith.muli %add3A_284, %mul3A_285 : i32
      %get3A = arith.index_cast %mul3A_286 : i32 to index
      %get3A_287 = tpu.vector_load %arg5[%get3A] {strides = array<i32>} : memref<4096xi32, #tpu.memory_space<vmem>>, vector<16xi32>,
      %mul3A_288 = arith.constant 16 : i32
      %mul3A_289 = arith.muli %scan3A_279, %mul3A_288 : i32
      %add3A_290 = arith.constant 0 : i32
      %add3A_291 = arith.addi %mul3A_289, %add3A_290 : i32
      %mul3A_292 = arith.constant 16 : i32
      %mul3A_293 = arith.muli %add3A_291, %mul3A_292 : i32
      %swap3A_294 = arith.index_cast %mul3A_293 : i32 to index
      %swap3A_295 = tpu.vector_load %arg5[%swap3A_294] {strides = array<i32>} : memref<4096xi32, #tpu.memory_space<vmem>>, vector<16xi32>,
      tpu.vector_store %arg5[%swap3A_294], %broadcast_in_dim3A_2 {strides = array<i32>} : memref<4096xi32, #tpu.memory_space<vmem>>, vector<16xi32>,
      %eq3A_296 = arith.constant 0 : i32
      %eq3A_297 = vector.broadcast %eq3A_296 : i32 to vector<16xi32>
      %eq3A_298 = arith.cmpi eq, %iota3A, %eq3A_297 : vector<16xi32>
      %reduce_sum3A_299 = arith.constant true
      %reduce_sum3A_300 = vector.broadcast %reduce_sum3A_299 : i1 to vector<16xi1>
      %reduce_sum3A_301 = tpu.scan <sum>, %get3A_287 masked %reduce_sum3A_300 : vector<16xi32>, vector<16xi1> -> vector<16xi32>
      %reduce_sum3A_302 = vector.extract %reduce_sum3A_301[15] : i32 from vector<16xi32>
      %broadcast_in_dim3A_303 = vector.broadcast %reduce_sum3A_302 : i32 to vector<16xi32>
      %select_n3A_304 = arith.select %eq3A_298, %broadcast_in_dim3A_303, %broadcast_in_dim3A_2 : vector<16xi1>, vector<16xi32>
      %mul3A_305 = arith.constant 16 : i32
      %mul3A_306 = arith.muli %scan3A_279, %mul3A_305 : i32
      %add3A_307 = arith.constant 1 : i32
      %add3A_308 = arith.addi %mul3A_306, %add3A_307 : i32
      %mul3A_309 = arith.constant 16 : i32
      %mul3A_310 = arith.muli %add3A_308, %mul3A_309 : i32
      %get3A_311 = arith.index_cast %mul3A_310 : i32 to index
      %get3A_312 = tpu.vector_load %arg5[%get3A_311] {strides = array<i32>} : memref<4096xi32, #tpu.memory_space<vmem>>, vector<16xi32>,
      %mul3A_313 = arith.constant 16 : i32
      %mul3A_314 = arith.muli %scan3A_279, %mul3A_313 : i32
      %add3A_315 = arith.constant 1 : i32
      %add3A_316 = arith.addi %mul3A_314, %add3A_315 : i32
      %mul3A_317 = arith.constant 16 : i32
      %mul3A_318 = arith.muli %add3A_316, %mul3A_317 : i32
      %swap3A_319 = arith.index_cast %mul3A_318 : i32 to index
      %swap3A_320 = tpu.vector_load %arg5[%swap3A_319] {strides = array<i32>} : memref<4096xi32, #tpu.memory_space<vmem>>, vector<16xi32>,
      tpu.vector_store %arg5[%swap3A_319], %broadcast_in_dim3A_2 {strides = array<i32>} : memref<4096xi32, #tpu.memory_space<vmem>>, vector<16xi32>,
      %eq3A_321 = arith.constant 1 : i32
      %eq3A_322 = vector.broadcast %eq3A_321 : i32 to vector<16xi32>
      %eq3A_323 = arith.cmpi eq, %iota3A, %eq3A_322 : vector<16xi32>
      %reduce_sum3A_324 = arith.constant true
      %reduce_sum3A_325 = vector.broadcast %reduce_sum3A_324 : i1 to vector<16xi1>
      %reduce_sum3A_326 = tpu.scan <sum>, %get3A_312 masked %reduce_sum3A_325 : vector<16xi32>, vector<16xi1> -> vector<16xi32>
      %reduce_sum3A_327 = vector.extract %reduce_sum3A_326[15] : i32 from vector<16xi32>
      %broadcast_in_dim3A_328 = vector.broadcast %reduce_sum3A_327 : i32 to vector<16xi32>
      %select_n3A_329 = arith.select %eq3A_323, %broadcast_in_dim3A_328, %select_n3A_304 : vector<16xi1>, vector<16xi32>
      %mul3A_330 = arith.constant 16 : i32
      %mul3A_331 = arith.muli %scan3A_279, %mul3A_330 : i32
      %add3A_332 = arith.constant 2 : i32
      %add3A_333 = arith.addi %mul3A_331, %add3A_332 : i32
      %mul3A_334 = arith.constant 16 : i32
      %mul3A_335 = arith.muli %add3A_333, %mul3A_334 : i32
      %get3A_336 = arith.index_cast %mul3A_335 : i32 to index
      %get3A_337 = tpu.vector_load %arg5[%get3A_336] {strides = array<i32>} : memref<4096xi32, #tpu.memory_space<vmem>>, vector<16xi32>,
      %mul3A_338 = arith.constant 16 : i32
      %mul3A_339 = arith.muli %scan3A_279, %mul3A_338 : i32
      %add3A_340 = arith.constant 2 : i32
      %add3A_341 = arith.addi %mul3A_339, %add3A_340 : i32
      %mul3A_342 = arith.constant 16 : i32
      %mul3A_343 = arith.muli %add3A_341, %mul3A_342 : i32
      %swap3A_344 = arith.index_cast %mul3A_343 : i32 to index
      %swap3A_345 = tpu.vector_load %arg5[%swap3A_344] {strides = array<i32>} : memref<4096xi32, #tpu.memory_space<vmem>>, vector<16xi32>,
      tpu.vector_store %arg5[%swap3A_344], %broadcast_in_dim3A_2 {strides = array<i32>} : memref<4096xi32, #tpu.memory_space<vmem>>, vector<16xi32>,
      %eq3A_346 = arith.constant 2 : i32
      %eq3A_347 = vector.broadcast %eq3A_346 : i32 to vector<16xi32>
      %eq3A_348 = arith.cmpi eq, %iota3A, %eq3A_347 : vector<16xi32>
      %reduce_sum3A_349 = arith.constant true
      %reduce_sum3A_350 = vector.broadcast %reduce_sum3A_349 : i1 to vector<16xi1>
      %reduce_sum3A_351 = tpu.scan <sum>, %get3A_337 masked %reduce_sum3A_350 : vector<16xi32>, vector<16xi1> -> vector<16xi32>
      %reduce_sum3A_352 = vector.extract %reduce_sum3A_351[15] : i32 from vector<16xi32>
      %broadcast_in_dim3A_353 = vector.broadcast %reduce_sum3A_352 : i32 to vector<16xi32>
      %select_n3A_354 = arith.select %eq3A_348, %broadcast_in_dim3A_353, %select_n3A_329 : vector<16xi1>, vector<16xi32>
      %mul3A_355 = arith.constant 16 : i32
      %mul3A_356 = arith.muli %scan3A_279, %mul3A_355 : i32
      %add3A_357 = arith.constant 3 : i32
      %add3A_358 = arith.addi %mul3A_356, %add3A_357 : i32
      %mul3A_359 = arith.constant 16 : i32
      %mul3A_360 = arith.muli %add3A_358, %mul3A_359 : i32
      %get3A_361 = arith.index_cast %mul3A_360 : i32 to index
      %get3A_362 = tpu.vector_load %arg5[%get3A_361] {strides = array<i32>} : memref<4096xi32, #tpu.memory_space<vmem>>, vector<16xi32>,
      %mul3A_363 = arith.constant 16 : i32
      %mul3A_364 = arith.muli %scan3A_279, %mul3A_363 : i32
      %add3A_365 = arith.constant 3 : i32
      %add3A_366 = arith.addi %mul3A_364, %add3A_365 : i32
      %mul3A_367 = arith.constant 16 : i32
      %mul3A_368 = arith.muli %add3A_366, %mul3A_367 : i32
      %swap3A_369 = arith.index_cast %mul3A_368 : i32 to index
      %swap3A_370 = tpu.vector_load %arg5[%swap3A_369] {strides = array<i32>} : memref<4096xi32, #tpu.memory_space<vmem>>, vector<16xi32>,
      tpu.vector_store %arg5[%swap3A_369], %broadcast_in_dim3A_2 {strides = array<i32>} : memref<4096xi32, #tpu.memory_space<vmem>>, vector<16xi32>,
      %eq3A_371 = arith.constant 3 : i32
      %eq3A_372 = vector.broadcast %eq3A_371 : i32 to vector<16xi32>
      %eq3A_373 = arith.cmpi eq, %iota3A, %eq3A_372 : vector<16xi32>
      %reduce_sum3A_374 = arith.constant true
      %reduce_sum3A_375 = vector.broadcast %reduce_sum3A_374 : i1 to vector<16xi1>
      %reduce_sum3A_376 = tpu.scan <sum>, %get3A_362 masked %reduce_sum3A_375 : vector<16xi32>, vector<16xi1> -> vector<16xi32>
      %reduce_sum3A_377 = vector.extract %reduce_sum3A_376[15] : i32 from vector<16xi32>
      %broadcast_in_dim3A_378 = vector.broadcast %reduce_sum3A_377 : i32 to vector<16xi32>
      %select_n3A_379 = arith.select %eq3A_373, %broadcast_in_dim3A_378, %select_n3A_354 : vector<16xi1>, vector<16xi32>
      %mul3A_380 = arith.constant 16 : i32
      %mul3A_381 = arith.muli %scan3A_279, %mul3A_380 : i32
      %add3A_382 = arith.constant 4 : i32
      %add3A_383 = arith.addi %mul3A_381, %add3A_382 : i32
      %mul3A_384 = arith.constant 16 : i32
      %mul3A_385 = arith.muli %add3A_383, %mul3A_384 : i32
      %get3A_386 = arith.index_cast %mul3A_385 : i32 to index
      %get3A_387 = tpu.vector_load %arg5[%get3A_386] {strides = array<i32>} : memref<4096xi32, #tpu.memory_space<vmem>>, vector<16xi32>,
      %mul3A_388 = arith.constant 16 : i32
      %mul3A_389 = arith.muli %scan3A_279, %mul3A_388 : i32
      %add3A_390 = arith.constant 4 : i32
      %add3A_391 = arith.addi %mul3A_389, %add3A_390 : i32
      %mul3A_392 = arith.constant 16 : i32
      %mul3A_393 = arith.muli %add3A_391, %mul3A_392 : i32
      %swap3A_394 = arith.index_cast %mul3A_393 : i32 to index
      %swap3A_395 = tpu.vector_load %arg5[%swap3A_394] {strides = array<i32>} : memref<4096xi32, #tpu.memory_space<vmem>>, vector<16xi32>,
      tpu.vector_store %arg5[%swap3A_394], %broadcast_in_dim3A_2 {strides = array<i32>} : memref<4096xi32, #tpu.memory_space<vmem>>, vector<16xi32>,
      %eq3A_396 = arith.constant 4 : i32
      %eq3A_397 = vector.broadcast %eq3A_396 : i32 to vector<16xi32>
      %eq3A_398 = arith.cmpi eq, %iota3A, %eq3A_397 : vector<16xi32>
      %reduce_sum3A_399 = arith.constant true
      %reduce_sum3A_400 = vector.broadcast %reduce_sum3A_399 : i1 to vector<16xi1>
      %reduce_sum3A_401 = tpu.scan <sum>, %get3A_387 masked %reduce_sum3A_400 : vector<16xi32>, vector<16xi1> -> vector<16xi32>
      %reduce_sum3A_402 = vector.extract %reduce_sum3A_401[15] : i32 from vector<16xi32>
      %broadcast_in_dim3A_403 = vector.broadcast %reduce_sum3A_402 : i32 to vector<16xi32>
      %select_n3A_404 = arith.select %eq3A_398, %broadcast_in_dim3A_403, %select_n3A_379 : vector<16xi1>, vector<16xi32>
      %mul3A_405 = arith.constant 16 : i32
      %mul3A_406 = arith.muli %scan3A_279, %mul3A_405 : i32
      %add3A_407 = arith.constant 5 : i32
      %add3A_408 = arith.addi %mul3A_406, %add3A_407 : i32
      %mul3A_409 = arith.constant 16 : i32
      %mul3A_410 = arith.muli %add3A_408, %mul3A_409 : i32
      %get3A_411 = arith.index_cast %mul3A_410 : i32 to index
      %get3A_412 = tpu.vector_load %arg5[%get3A_411] {strides = array<i32>} : memref<4096xi32, #tpu.memory_space<vmem>>, vector<16xi32>,
      %mul3A_413 = arith.constant 16 : i32
      %mul3A_414 = arith.muli %scan3A_279, %mul3A_413 : i32
      %add3A_415 = arith.constant 5 : i32
      %add3A_416 = arith.addi %mul3A_414, %add3A_415 : i32
      %mul3A_417 = arith.constant 16 : i32
      %mul3A_418 = arith.muli %add3A_416, %mul3A_417 : i32
      %swap3A_419 = arith.index_cast %mul3A_418 : i32 to index
      %swap3A_420 = tpu.vector_load %arg5[%swap3A_419] {strides = array<i32>} : memref<4096xi32, #tpu.memory_space<vmem>>, vector<16xi32>,
      tpu.vector_store %arg5[%swap3A_419], %broadcast_in_dim3A_2 {strides = array<i32>} : memref<4096xi32, #tpu.memory_space<vmem>>, vector<16xi32>,
      %eq3A_421 = arith.constant 5 : i32
      %eq3A_422 = vector.broadcast %eq3A_421 : i32 to vector<16xi32>
      %eq3A_423 = arith.cmpi eq, %iota3A, %eq3A_422 : vector<16xi32>
      %reduce_sum3A_424 = arith.constant true
      %reduce_sum3A_425 = vector.broadcast %reduce_sum3A_424 : i1 to vector<16xi1>
      %reduce_sum3A_426 = tpu.scan <sum>, %get3A_412 masked %reduce_sum3A_425 : vector<16xi32>, vector<16xi1> -> vector<16xi32>
      %reduce_sum3A_427 = vector.extract %reduce_sum3A_426[15] : i32 from vector<16xi32>
      %broadcast_in_dim3A_428 = vector.broadcast %reduce_sum3A_427 : i32 to vector<16xi32>
      %select_n3A_429 = arith.select %eq3A_423, %broadcast_in_dim3A_428, %select_n3A_404 : vector<16xi1>, vector<16xi32>
      %mul3A_430 = arith.constant 16 : i32
      %mul3A_431 = arith.muli %scan3A_279, %mul3A_430 : i32
      %add3A_432 = arith.constant 6 : i32
      %add3A_433 = arith.addi %mul3A_431, %add3A_432 : i32
      %mul3A_434 = arith.constant 16 : i32
      %mul3A_435 = arith.muli %add3A_433, %mul3A_434 : i32
      %get3A_436 = arith.index_cast %mul3A_435 : i32 to index
      %get3A_437 = tpu.vector_load %arg5[%get3A_436] {strides = array<i32>} : memref<4096xi32, #tpu.memory_space<vmem>>, vector<16xi32>,
      %mul3A_438 = arith.constant 16 : i32
      %mul3A_439 = arith.muli %scan3A_279, %mul3A_438 : i32
      %add3A_440 = arith.constant 6 : i32
      %add3A_441 = arith.addi %mul3A_439, %add3A_440 : i32
      %mul3A_442 = arith.constant 16 : i32
      %mul3A_443 = arith.muli %add3A_441, %mul3A_442 : i32
      %swap3A_444 = arith.index_cast %mul3A_443 : i32 to index
      %swap3A_445 = tpu.vector_load %arg5[%swap3A_444] {strides = array<i32>} : memref<4096xi32, #tpu.memory_space<vmem>>, vector<16xi32>,
      tpu.vector_store %arg5[%swap3A_444], %broadcast_in_dim3A_2 {strides = array<i32>} : memref<4096xi32, #tpu.memory_space<vmem>>, vector<16xi32>,
      %eq3A_446 = arith.constant 6 : i32
      %eq3A_447 = vector.broadcast %eq3A_446 : i32 to vector<16xi32>
      %eq3A_448 = arith.cmpi eq, %iota3A, %eq3A_447 : vector<16xi32>
      %reduce_sum3A_449 = arith.constant true
      %reduce_sum3A_450 = vector.broadcast %reduce_sum3A_449 : i1 to vector<16xi1>
      %reduce_sum3A_451 = tpu.scan <sum>, %get3A_437 masked %reduce_sum3A_450 : vector<16xi32>, vector<16xi1> -> vector<16xi32>
      %reduce_sum3A_452 = vector.extract %reduce_sum3A_451[15] : i32 from vector<16xi32>
      %broadcast_in_dim3A_453 = vector.broadcast %reduce_sum3A_452 : i32 to vector<16xi32>
      %select_n3A_454 = arith.select %eq3A_448, %broadcast_in_dim3A_453, %select_n3A_429 : vector<16xi1>, vector<16xi32>
      %mul3A_455 = arith.constant 16 : i32
      %mul3A_456 = arith.muli %scan3A_279, %mul3A_455 : i32
      %add3A_457 = arith.constant 7 : i32
      %add3A_458 = arith.addi %mul3A_456, %add3A_457 : i32
      %mul3A_459 = arith.constant 16 : i32
      %mul3A_460 = arith.muli %add3A_458, %mul3A_459 : i32
      %get3A_461 = arith.index_cast %mul3A_460 : i32 to index
      %get3A_462 = tpu.vector_load %arg5[%get3A_461] {strides = array<i32>} : memref<4096xi32, #tpu.memory_space<vmem>>, vector<16xi32>,
      %mul3A_463 = arith.constant 16 : i32
      %mul3A_464 = arith.muli %scan3A_279, %mul3A_463 : i32
      %add3A_465 = arith.constant 7 : i32
      %add3A_466 = arith.addi %mul3A_464, %add3A_465 : i32
      %mul3A_467 = arith.constant 16 : i32
      %mul3A_468 = arith.muli %add3A_466, %mul3A_467 : i32
      %swap3A_469 = arith.index_cast %mul3A_468 : i32 to index
      %swap3A_470 = tpu.vector_load %arg5[%swap3A_469] {strides = array<i32>} : memref<4096xi32, #tpu.memory_space<vmem>>, vector<16xi32>,
      tpu.vector_store %arg5[%swap3A_469], %broadcast_in_dim3A_2 {strides = array<i32>} : memref<4096xi32, #tpu.memory_space<vmem>>, vector<16xi32>,
      %eq3A_471 = arith.constant 7 : i32
      %eq3A_472 = vector.broadcast %eq3A_471 : i32 to vector<16xi32>
      %eq3A_473 = arith.cmpi eq, %iota3A, %eq3A_472 : vector<16xi32>
      %reduce_sum3A_474 = arith.constant true
      %reduce_sum3A_475 = vector.broadcast %reduce_sum3A_474 : i1 to vector<16xi1>
      %reduce_sum3A_476 = tpu.scan <sum>, %get3A_462 masked %reduce_sum3A_475 : vector<16xi32>, vector<16xi1> -> vector<16xi32>
      %reduce_sum3A_477 = vector.extract %reduce_sum3A_476[15] : i32 from vector<16xi32>
      %broadcast_in_dim3A_478 = vector.broadcast %reduce_sum3A_477 : i32 to vector<16xi32>
      %select_n3A_479 = arith.select %eq3A_473, %broadcast_in_dim3A_478, %select_n3A_454 : vector<16xi1>, vector<16xi32>
      %mul3A_480 = arith.constant 16 : i32
      %mul3A_481 = arith.muli %scan3A_279, %mul3A_480 : i32
      %add3A_482 = arith.constant 8 : i32
      %add3A_483 = arith.addi %mul3A_481, %add3A_482 : i32
      %mul3A_484 = arith.constant 16 : i32
      %mul3A_485 = arith.muli %add3A_483, %mul3A_484 : i32
      %get3A_486 = arith.index_cast %mul3A_485 : i32 to index
      %get3A_487 = tpu.vector_load %arg5[%get3A_486] {strides = array<i32>} : memref<4096xi32, #tpu.memory_space<vmem>>, vector<16xi32>,
      %mul3A_488 = arith.constant 16 : i32
      %mul3A_489 = arith.muli %scan3A_279, %mul3A_488 : i32
      %add3A_490 = arith.constant 8 : i32
      %add3A_491 = arith.addi %mul3A_489, %add3A_490 : i32
      %mul3A_492 = arith.constant 16 : i32
      %mul3A_493 = arith.muli %add3A_491, %mul3A_492 : i32
      %swap3A_494 = arith.index_cast %mul3A_493 : i32 to index
      %swap3A_495 = tpu.vector_load %arg5[%swap3A_494] {strides = array<i32>} : memref<4096xi32, #tpu.memory_space<vmem>>, vector<16xi32>,
      tpu.vector_store %arg5[%swap3A_494], %broadcast_in_dim3A_2 {strides = array<i32>} : memref<4096xi32, #tpu.memory_space<vmem>>, vector<16xi32>,
      %eq3A_496 = arith.constant 8 : i32
      %eq3A_497 = vector.broadcast %eq3A_496 : i32 to vector<16xi32>
      %eq3A_498 = arith.cmpi eq, %iota3A, %eq3A_497 : vector<16xi32>
      %reduce_sum3A_499 = arith.constant true
      %reduce_sum3A_500 = vector.broadcast %reduce_sum3A_499 : i1 to vector<16xi1>
      %reduce_sum3A_501 = tpu.scan <sum>, %get3A_487 masked %reduce_sum3A_500 : vector<16xi32>, vector<16xi1> -> vector<16xi32>
      %reduce_sum3A_502 = vector.extract %reduce_sum3A_501[15] : i32 from vector<16xi32>
      %broadcast_in_dim3A_503 = vector.broadcast %reduce_sum3A_502 : i32 to vector<16xi32>
      %select_n3A_504 = arith.select %eq3A_498, %broadcast_in_dim3A_503, %select_n3A_479 : vector<16xi1>, vector<16xi32>
      %mul3A_505 = arith.constant 16 : i32
      %mul3A_506 = arith.muli %scan3A_279, %mul3A_505 : i32
      %add3A_507 = arith.constant 9 : i32
      %add3A_508 = arith.addi %mul3A_506, %add3A_507 : i32
      %mul3A_509 = arith.constant 16 : i32
      %mul3A_510 = arith.muli %add3A_508, %mul3A_509 : i32
      %get3A_511 = arith.index_cast %mul3A_510 : i32 to index
      %get3A_512 = tpu.vector_load %arg5[%get3A_511] {strides = array<i32>} : memref<4096xi32, #tpu.memory_space<vmem>>, vector<16xi32>,
      %mul3A_513 = arith.constant 16 : i32
      %mul3A_514 = arith.muli %scan3A_279, %mul3A_513 : i32
      %add3A_515 = arith.constant 9 : i32
      %add3A_516 = arith.addi %mul3A_514, %add3A_515 : i32
      %mul3A_517 = arith.constant 16 : i32
      %mul3A_518 = arith.muli %add3A_516, %mul3A_517 : i32
      %swap3A_519 = arith.index_cast %mul3A_518 : i32 to index
      %swap3A_520 = tpu.vector_load %arg5[%swap3A_519] {strides = array<i32>} : memref<4096xi32, #tpu.memory_space<vmem>>, vector<16xi32>,
      tpu.vector_store %arg5[%swap3A_519], %broadcast_in_dim3A_2 {strides = array<i32>} : memref<4096xi32, #tpu.memory_space<vmem>>, vector<16xi32>,
      %eq3A_521 = arith.constant 9 : i32
      %eq3A_522 = vector.broadcast %eq3A_521 : i32 to vector<16xi32>
      %eq3A_523 = arith.cmpi eq, %iota3A, %eq3A_522 : vector<16xi32>
      %reduce_sum3A_524 = arith.constant true
      %reduce_sum3A_525 = vector.broadcast %reduce_sum3A_524 : i1 to vector<16xi1>
      %reduce_sum3A_526 = tpu.scan <sum>, %get3A_512 masked %reduce_sum3A_525 : vector<16xi32>, vector<16xi1> -> vector<16xi32>
      %reduce_sum3A_527 = vector.extract %reduce_sum3A_526[15] : i32 from vector<16xi32>
      %broadcast_in_dim3A_528 = vector.broadcast %reduce_sum3A_527 : i32 to vector<16xi32>
      %select_n3A_529 = arith.select %eq3A_523, %broadcast_in_dim3A_528, %select_n3A_504 : vector<16xi1>, vector<16xi32>
      %mul3A_530 = arith.constant 16 : i32
      %mul3A_531 = arith.muli %scan3A_279, %mul3A_530 : i32
      %add3A_532 = arith.constant 10 : i32
      %add3A_533 = arith.addi %mul3A_531, %add3A_532 : i32
      %mul3A_534 = arith.constant 16 : i32
      %mul3A_535 = arith.muli %add3A_533, %mul3A_534 : i32
      %get3A_536 = arith.index_cast %mul3A_535 : i32 to index
      %get3A_537 = tpu.vector_load %arg5[%get3A_536] {strides = array<i32>} : memref<4096xi32, #tpu.memory_space<vmem>>, vector<16xi32>,
      %mul3A_538 = arith.constant 16 : i32
      %mul3A_539 = arith.muli %scan3A_279, %mul3A_538 : i32
      %add3A_540 = arith.constant 10 : i32
      %add3A_541 = arith.addi %mul3A_539, %add3A_540 : i32
      %mul3A_542 = arith.constant 16 : i32
      %mul3A_543 = arith.muli %add3A_541, %mul3A_542 : i32
      %swap3A_544 = arith.index_cast %mul3A_543 : i32 to index
      %swap3A_545 = tpu.vector_load %arg5[%swap3A_544] {strides = array<i32>} : memref<4096xi32, #tpu.memory_space<vmem>>, vector<16xi32>,
      tpu.vector_store %arg5[%swap3A_544], %broadcast_in_dim3A_2 {strides = array<i32>} : memref<4096xi32, #tpu.memory_space<vmem>>, vector<16xi32>,
      %eq3A_546 = arith.constant 10 : i32
      %eq3A_547 = vector.broadcast %eq3A_546 : i32 to vector<16xi32>
      %eq3A_548 = arith.cmpi eq, %iota3A, %eq3A_547 : vector<16xi32>
      %reduce_sum3A_549 = arith.constant true
      %reduce_sum3A_550 = vector.broadcast %reduce_sum3A_549 : i1 to vector<16xi1>
      %reduce_sum3A_551 = tpu.scan <sum>, %get3A_537 masked %reduce_sum3A_550 : vector<16xi32>, vector<16xi1> -> vector<16xi32>
      %reduce_sum3A_552 = vector.extract %reduce_sum3A_551[15] : i32 from vector<16xi32>
      %broadcast_in_dim3A_553 = vector.broadcast %reduce_sum3A_552 : i32 to vector<16xi32>
      %select_n3A_554 = arith.select %eq3A_548, %broadcast_in_dim3A_553, %select_n3A_529 : vector<16xi1>, vector<16xi32>
      %mul3A_555 = arith.constant 16 : i32
      %mul3A_556 = arith.muli %scan3A_279, %mul3A_555 : i32
      %add3A_557 = arith.constant 11 : i32
      %add3A_558 = arith.addi %mul3A_556, %add3A_557 : i32
      %mul3A_559 = arith.constant 16 : i32
      %mul3A_560 = arith.muli %add3A_558, %mul3A_559 : i32
      %get3A_561 = arith.index_cast %mul3A_560 : i32 to index
      %get3A_562 = tpu.vector_load %arg5[%get3A_561] {strides = array<i32>} : memref<4096xi32, #tpu.memory_space<vmem>>, vector<16xi32>,
      %mul3A_563 = arith.constant 16 : i32
      %mul3A_564 = arith.muli %scan3A_279, %mul3A_563 : i32
      %add3A_565 = arith.constant 11 : i32
      %add3A_566 = arith.addi %mul3A_564, %add3A_565 : i32
      %mul3A_567 = arith.constant 16 : i32
      %mul3A_568 = arith.muli %add3A_566, %mul3A_567 : i32
      %swap3A_569 = arith.index_cast %mul3A_568 : i32 to index
      %swap3A_570 = tpu.vector_load %arg5[%swap3A_569] {strides = array<i32>} : memref<4096xi32, #tpu.memory_space<vmem>>, vector<16xi32>,
      tpu.vector_store %arg5[%swap3A_569], %broadcast_in_dim3A_2 {strides = array<i32>} : memref<4096xi32, #tpu.memory_space<vmem>>, vector<16xi32>,
      %eq3A_571 = arith.constant 11 : i32
      %eq3A_572 = vector.broadcast %eq3A_571 : i32 to vector<16xi32>
      %eq3A_573 = arith.cmpi eq, %iota3A, %eq3A_572 : vector<16xi32>
      %reduce_sum3A_574 = arith.constant true
      %reduce_sum3A_575 = vector.broadcast %reduce_sum3A_574 : i1 to vector<16xi1>
      %reduce_sum3A_576 = tpu.scan <sum>, %get3A_562 masked %reduce_sum3A_575 : vector<16xi32>, vector<16xi1> -> vector<16xi32>
      %reduce_sum3A_577 = vector.extract %reduce_sum3A_576[15] : i32 from vector<16xi32>
      %broadcast_in_dim3A_578 = vector.broadcast %reduce_sum3A_577 : i32 to vector<16xi32>
      %select_n3A_579 = arith.select %eq3A_573, %broadcast_in_dim3A_578, %select_n3A_554 : vector<16xi1>, vector<16xi32>
      %mul3A_580 = arith.constant 16 : i32
      %mul3A_581 = arith.muli %scan3A_279, %mul3A_580 : i32
      %add3A_582 = arith.constant 12 : i32
      %add3A_583 = arith.addi %mul3A_581, %add3A_582 : i32
      %mul3A_584 = arith.constant 16 : i32
      %mul3A_585 = arith.muli %add3A_583, %mul3A_584 : i32
      %get3A_586 = arith.index_cast %mul3A_585 : i32 to index
      %get3A_587 = tpu.vector_load %arg5[%get3A_586] {strides = array<i32>} : memref<4096xi32, #tpu.memory_space<vmem>>, vector<16xi32>,
      %mul3A_588 = arith.constant 16 : i32
      %mul3A_589 = arith.muli %scan3A_279, %mul3A_588 : i32
      %add3A_590 = arith.constant 12 : i32
      %add3A_591 = arith.addi %mul3A_589, %add3A_590 : i32
      %mul3A_592 = arith.constant 16 : i32
      %mul3A_593 = arith.muli %add3A_591, %mul3A_592 : i32
      %swap3A_594 = arith.index_cast %mul3A_593 : i32 to index
      %swap3A_595 = tpu.vector_load %arg5[%swap3A_594] {strides = array<i32>} : memref<4096xi32, #tpu.memory_space<vmem>>, vector<16xi32>,
      tpu.vector_store %arg5[%swap3A_594], %broadcast_in_dim3A_2 {strides = array<i32>} : memref<4096xi32, #tpu.memory_space<vmem>>, vector<16xi32>,
      %eq3A_596 = arith.constant 12 : i32
      %eq3A_597 = vector.broadcast %eq3A_596 : i32 to vector<16xi32>
      %eq3A_598 = arith.cmpi eq, %iota3A, %eq3A_597 : vector<16xi32>
      %reduce_sum3A_599 = arith.constant true
      %reduce_sum3A_600 = vector.broadcast %reduce_sum3A_599 : i1 to vector<16xi1>
      %reduce_sum3A_601 = tpu.scan <sum>, %get3A_587 masked %reduce_sum3A_600 : vector<16xi32>, vector<16xi1> -> vector<16xi32>
      %reduce_sum3A_602 = vector.extract %reduce_sum3A_601[15] : i32 from vector<16xi32>
      %broadcast_in_dim3A_603 = vector.broadcast %reduce_sum3A_602 : i32 to vector<16xi32>
      %select_n3A_604 = arith.select %eq3A_598, %broadcast_in_dim3A_603, %select_n3A_579 : vector<16xi1>, vector<16xi32>
      %mul3A_605 = arith.constant 16 : i32
      %mul3A_606 = arith.muli %scan3A_279, %mul3A_605 : i32
      %add3A_607 = arith.constant 13 : i32
      %add3A_608 = arith.addi %mul3A_606, %add3A_607 : i32
      %mul3A_609 = arith.constant 16 : i32
      %mul3A_610 = arith.muli %add3A_608, %mul3A_609 : i32
      %get3A_611 = arith.index_cast %mul3A_610 : i32 to index
      %get3A_612 = tpu.vector_load %arg5[%get3A_611] {strides = array<i32>} : memref<4096xi32, #tpu.memory_space<vmem>>, vector<16xi32>,
      %mul3A_613 = arith.constant 16 : i32
      %mul3A_614 = arith.muli %scan3A_279, %mul3A_613 : i32
      %add3A_615 = arith.constant 13 : i32
      %add3A_616 = arith.addi %mul3A_614, %add3A_615 : i32
      %mul3A_617 = arith.constant 16 : i32
      %mul3A_618 = arith.muli %add3A_616, %mul3A_617 : i32
      %swap3A_619 = arith.index_cast %mul3A_618 : i32 to index
      %swap3A_620 = tpu.vector_load %arg5[%swap3A_619] {strides = array<i32>} : memref<4096xi32, #tpu.memory_space<vmem>>, vector<16xi32>,
      tpu.vector_store %arg5[%swap3A_619], %broadcast_in_dim3A_2 {strides = array<i32>} : memref<4096xi32, #tpu.memory_space<vmem>>, vector<16xi32>,
      %eq3A_621 = arith.constant 13 : i32
      %eq3A_622 = vector.broadcast %eq3A_621 : i32 to vector<16xi32>
      %eq3A_623 = arith.cmpi eq, %iota3A, %eq3A_622 : vector<16xi32>
      %reduce_sum3A_624 = arith.constant true
      %reduce_sum3A_625 = vector.broadcast %reduce_sum3A_624 : i1 to vector<16xi1>
      %reduce_sum3A_626 = tpu.scan <sum>, %get3A_612 masked %reduce_sum3A_625 : vector<16xi32>, vector<16xi1> -> vector<16xi32>
      %reduce_sum3A_627 = vector.extract %reduce_sum3A_626[15] : i32 from vector<16xi32>
      %broadcast_in_dim3A_628 = vector.broadcast %reduce_sum3A_627 : i32 to vector<16xi32>
      %select_n3A_629 = arith.select %eq3A_623, %broadcast_in_dim3A_628, %select_n3A_604 : vector<16xi1>, vector<16xi32>
      %mul3A_630 = arith.constant 16 : i32
      %mul3A_631 = arith.muli %scan3A_279, %mul3A_630 : i32
      %add3A_632 = arith.constant 14 : i32
      %add3A_633 = arith.addi %mul3A_631, %add3A_632 : i32
      %mul3A_634 = arith.constant 16 : i32
      %mul3A_635 = arith.muli %add3A_633, %mul3A_634 : i32
      %get3A_636 = arith.index_cast %mul3A_635 : i32 to index
      %get3A_637 = tpu.vector_load %arg5[%get3A_636] {strides = array<i32>} : memref<4096xi32, #tpu.memory_space<vmem>>, vector<16xi32>,
      %mul3A_638 = arith.constant 16 : i32
      %mul3A_639 = arith.muli %scan3A_279, %mul3A_638 : i32
      %add3A_640 = arith.constant 14 : i32
      %add3A_641 = arith.addi %mul3A_639, %add3A_640 : i32
      %mul3A_642 = arith.constant 16 : i32
      %mul3A_643 = arith.muli %add3A_641, %mul3A_642 : i32
      %swap3A_644 = arith.index_cast %mul3A_643 : i32 to index
      %swap3A_645 = tpu.vector_load %arg5[%swap3A_644] {strides = array<i32>} : memref<4096xi32, #tpu.memory_space<vmem>>, vector<16xi32>,
      tpu.vector_store %arg5[%swap3A_644], %broadcast_in_dim3A_2 {strides = array<i32>} : memref<4096xi32, #tpu.memory_space<vmem>>, vector<16xi32>,
      %eq3A_646 = arith.constant 14 : i32
      %eq3A_647 = vector.broadcast %eq3A_646 : i32 to vector<16xi32>
      %eq3A_648 = arith.cmpi eq, %iota3A, %eq3A_647 : vector<16xi32>
      %reduce_sum3A_649 = arith.constant true
      %reduce_sum3A_650 = vector.broadcast %reduce_sum3A_649 : i1 to vector<16xi1>
      %reduce_sum3A_651 = tpu.scan <sum>, %get3A_637 masked %reduce_sum3A_650 : vector<16xi32>, vector<16xi1> -> vector<16xi32>
      %reduce_sum3A_652 = vector.extract %reduce_sum3A_651[15] : i32 from vector<16xi32>
      %broadcast_in_dim3A_653 = vector.broadcast %reduce_sum3A_652 : i32 to vector<16xi32>
      %select_n3A_654 = arith.select %eq3A_648, %broadcast_in_dim3A_653, %select_n3A_629 : vector<16xi1>, vector<16xi32>
      %mul3A_655 = arith.constant 16 : i32
      %mul3A_656 = arith.muli %scan3A_279, %mul3A_655 : i32
      %add3A_657 = arith.constant 15 : i32
      %add3A_658 = arith.addi %mul3A_656, %add3A_657 : i32
      %mul3A_659 = arith.constant 16 : i32
      %mul3A_660 = arith.muli %add3A_658, %mul3A_659 : i32
      %get3A_661 = arith.index_cast %mul3A_660 : i32 to index
      %get3A_662 = tpu.vector_load %arg5[%get3A_661] {strides = array<i32>} : memref<4096xi32, #tpu.memory_space<vmem>>, vector<16xi32>,
      %mul3A_663 = arith.constant 16 : i32
      %mul3A_664 = arith.muli %scan3A_279, %mul3A_663 : i32
      %add3A_665 = arith.constant 15 : i32
      %add3A_666 = arith.addi %mul3A_664, %add3A_665 : i32
      %mul3A_667 = arith.constant 16 : i32
      %mul3A_668 = arith.muli %add3A_666, %mul3A_667 : i32
      %swap3A_669 = arith.index_cast %mul3A_668 : i32 to index
      %swap3A_670 = tpu.vector_load %arg5[%swap3A_669] {strides = array<i32>} : memref<4096xi32, #tpu.memory_space<vmem>>, vector<16xi32>,
      tpu.vector_store %arg5[%swap3A_669], %broadcast_in_dim3A_2 {strides = array<i32>} : memref<4096xi32, #tpu.memory_space<vmem>>, vector<16xi32>,
      %eq3A_671 = arith.constant 15 : i32
      %eq3A_672 = vector.broadcast %eq3A_671 : i32 to vector<16xi32>
      %eq3A_673 = arith.cmpi eq, %iota3A, %eq3A_672 : vector<16xi32>
      %reduce_sum3A_674 = arith.constant true
      %reduce_sum3A_675 = vector.broadcast %reduce_sum3A_674 : i1 to vector<16xi1>
      %reduce_sum3A_676 = tpu.scan <sum>, %get3A_662 masked %reduce_sum3A_675 : vector<16xi32>, vector<16xi1> -> vector<16xi32>
      %reduce_sum3A_677 = vector.extract %reduce_sum3A_676[15] : i32 from vector<16xi32>
      %broadcast_in_dim3A_678 = vector.broadcast %reduce_sum3A_677 : i32 to vector<16xi32>
      %select_n3A_679 = arith.select %eq3A_673, %broadcast_in_dim3A_678, %select_n3A_654 : vector<16xi1>, vector<16xi32>
      %mul3A_680 = arith.constant 16 : i32
      %mul3A_681 = arith.muli %scan3A_279, %mul3A_680 : i32
      %swap3A_682 = arith.index_cast %mul3A_681 : i32 to index
      %swap3A_683 = tpu.vector_load %arg6[%swap3A_682] {strides = array<i32>} : memref<256xi32, #tpu.memory_space<vmem>>, vector<16xi32>,
      tpu.vector_store %arg6[%swap3A_682], %select_n3A_679 {strides = array<i32>} : memref<256xi32, #tpu.memory_space<vmem>>, vector<16xi32>,
      %scan3A_684 = arith.constant 0 : i32
      scf.yield %scan3A_684 : i32
    }
    %scan3A_127 = arith.constant 16 : i32
    %add3A_128 = arith.constant 32 : i32
    %add3A_129 = arith.addi %add3A_128, %arg1 : i32
    %mul3A_130 = arith.constant 256 : i32
    %mul3A_131 = arith.muli %add3A_129, %mul3A_130 : i32
    "tpu.region"() ({
      %run_scoped3A = tpu.sem_alloc : memref<!tpu.dma_semaphore, #tpu.memory_space<semaphore_mem>>
      %dma_start3A_279 = tpu.memref_slice %arg13[%mul3A_131] : memref<16384xi32, #tpu.memory_space<vmem_shared>> -> memref<256xi32, #tpu.memory_space<vmem_shared>>
      %dma_start3A_280 = tpu.memref_slice %arg13[%mul3A_131] : memref<16384xi32, #tpu.memory_space<vmem_shared>> -> memref<256xi32, #tpu.memory_space<vmem_shared>>
      tpu.enqueue_dma source(%arg6 : memref<256xi32, #tpu.memory_space<vmem>>) target(%dma_start3A_280 : memref<256xi32, #tpu.memory_space<vmem_shared>>) target_semaphore(%run_scoped3A : memref<!tpu.dma_semaphore, #tpu.memory_space<semaphore_mem>>)
      %dma_wait3A_281 = tpu.memref_slice %arg13[%mul3A_131] : memref<16384xi32, #tpu.memory_space<vmem_shared>> -> memref<256xi32, #tpu.memory_space<vmem_shared>>
      %dma_wait3A_282 = tpu.memref_slice %arg13[%mul3A_131] : memref<16384xi32, #tpu.memory_space<vmem_shared>> -> memref<256xi32, #tpu.memory_space<vmem_shared>>
      tpu.wait_dma2 semaphore(%run_scoped3A : memref<!tpu.dma_semaphore, #tpu.memory_space<semaphore_mem>>) src(%arg6 : memref<256xi32, #tpu.memory_space<vmem>>) dst(%dma_wait3A_282 : memref<256xi32, #tpu.memory_space<vmem_shared>>)
      tpu.yield
    }) : () -> ()
    %barrier3A_132 = arith.constant 0 : index
    tpu.barrier barrier_id(%barrier3A_132)
    "tpu.region"() ({
      %run_scoped3A = tpu.sem_alloc : memref<!tpu.dma_semaphore, #tpu.memory_space<semaphore_mem>>
      %dma_start3A_279 = arith.constant 8192 : i32
      %dma_start3A_280 = tpu.memref_slice %arg13[%dma_start3A_279] : memref<16384xi32, #tpu.memory_space<vmem_shared>> -> memref<4096xi32, #tpu.memory_space<vmem_shared>>
      %dma_start3A_281 = arith.constant 8192 : i32
      %dma_start3A_282 = tpu.memref_slice %arg13[%dma_start3A_281] : memref<16384xi32, #tpu.memory_space<vmem_shared>> -> memref<4096xi32, #tpu.memory_space<vmem_shared>>
      tpu.enqueue_dma source(%dma_start3A_282 : memref<4096xi32, #tpu.memory_space<vmem_shared>>) target(%arg7 : memref<4096xi32, #tpu.memory_space<vmem>>) target_semaphore(%run_scoped3A : memref<!tpu.dma_semaphore, #tpu.memory_space<semaphore_mem>>)
      %dma_wait3A_283 = arith.constant 8192 : i32
      %dma_wait3A_284 = tpu.memref_slice %arg13[%dma_wait3A_283] : memref<16384xi32, #tpu.memory_space<vmem_shared>> -> memref<4096xi32, #tpu.memory_space<vmem_shared>>
      %dma_wait3A_285 = arith.constant 8192 : i32
      %dma_wait3A_286 = tpu.memref_slice %arg13[%dma_wait3A_285] : memref<16384xi32, #tpu.memory_space<vmem_shared>> -> memref<4096xi32, #tpu.memory_space<vmem_shared>>
      tpu.wait_dma2 semaphore(%run_scoped3A : memref<!tpu.dma_semaphore, #tpu.memory_space<semaphore_mem>>) src(%dma_wait3A_286 : memref<4096xi32, #tpu.memory_space<vmem_shared>>) dst(%arg7 : memref<4096xi32, #tpu.memory_space<vmem>>)
      tpu.yield
    }) : () -> ()
    %broadcast_in_dim3A_133 = arith.constant -1 : i32
    %broadcast_in_dim3A_134 = vector.broadcast %broadcast_in_dim3A_133 : i32 to vector<16xi32>
    %scan3A_135 = arith.constant 0 : i32
    %scan3A_136 = arith.constant 0 : i32
    %scan3A_137 = arith.constant 16 : i32
    %scan3A_138 = arith.addi %scan3A_136, %scan3A_137 : i32
    %scan3A_139 = arith.constant 1 : i32
    %scan3A_140:4 = scf.for %scan3A_279 = %scan3A_136 to %scan3A_138 step %scan3A_139 iter_args(%scan3A_280 = %scan3A_135, %scan3A_281 = %broadcast_in_dim3A_134, %scan3A_282 = %broadcast_in_dim3A_134, %scan3A_283 = %broadcast_in_dim3A_134) -> (i32, vector<16xi32>, vector<16xi32>, vector<16xi32>)  : i32 {
      %mul3A_284 = arith.constant 16 : i32
      %mul3A_285 = arith.muli %scan3A_279, %mul3A_284 : i32
      %get3A = arith.index_cast %mul3A_285 : i32 to index
      %get3A_286 = tpu.vector_load %arg7[%get3A] {strides = array<i32>} : memref<4096xi32, #tpu.memory_space<vmem>>, vector<16xi32>,
      %mul3A_287 = arith.constant 16 : i32
      %mul3A_288 = arith.muli %scan3A_279, %mul3A_287 : i32
      %add3A_289 = arith.constant 256 : i32
      %add3A_290 = arith.addi %add3A_289, %mul3A_288 : i32
      %get3A_291 = arith.index_cast %add3A_290 : i32 to index
      %get3A_292 = tpu.vector_load %arg7[%get3A_291] {strides = array<i32>} : memref<4096xi32, #tpu.memory_space<vmem>>, vector<16xi32>,
      %add3A_293 = arith.addi %get3A_286, %get3A_292 : vector<16xi32>
      %mul3A_294 = arith.constant 16 : i32
      %mul3A_295 = arith.muli %scan3A_279, %mul3A_294 : i32
      %add3A_296 = arith.constant 512 : i32
      %add3A_297 = arith.addi %add3A_296, %mul3A_295 : i32
      %get3A_298 = arith.index_cast %add3A_297 : i32 to index
      %get3A_299 = tpu.vector_load %arg7[%get3A_298] {strides = array<i32>} : memref<4096xi32, #tpu.memory_space<vmem>>, vector<16xi32>,
      %add3A_300 = arith.addi %add3A_293, %get3A_299 : vector<16xi32>
      %mul3A_301 = arith.constant 16 : i32
      %mul3A_302 = arith.muli %scan3A_279, %mul3A_301 : i32
      %add3A_303 = arith.constant 768 : i32
      %add3A_304 = arith.addi %add3A_303, %mul3A_302 : i32
      %get3A_305 = arith.index_cast %add3A_304 : i32 to index
      %get3A_306 = tpu.vector_load %arg7[%get3A_305] {strides = array<i32>} : memref<4096xi32, #tpu.memory_space<vmem>>, vector<16xi32>,
      %add3A_307 = arith.addi %add3A_300, %get3A_306 : vector<16xi32>
      %mul3A_308 = arith.constant 16 : i32
      %mul3A_309 = arith.muli %scan3A_279, %mul3A_308 : i32
      %add3A_310 = arith.constant 1024 : i32
      %add3A_311 = arith.addi %add3A_310, %mul3A_309 : i32
      %get3A_312 = arith.index_cast %add3A_311 : i32 to index
      %get3A_313 = tpu.vector_load %arg7[%get3A_312] {strides = array<i32>} : memref<4096xi32, #tpu.memory_space<vmem>>, vector<16xi32>,
      %add3A_314 = arith.addi %add3A_307, %get3A_313 : vector<16xi32>
      %mul3A_315 = arith.constant 16 : i32
      %mul3A_316 = arith.muli %scan3A_279, %mul3A_315 : i32
      %add3A_317 = arith.constant 1280 : i32
      %add3A_318 = arith.addi %add3A_317, %mul3A_316 : i32
      %get3A_319 = arith.index_cast %add3A_318 : i32 to index
      %get3A_320 = tpu.vector_load %arg7[%get3A_319] {strides = array<i32>} : memref<4096xi32, #tpu.memory_space<vmem>>, vector<16xi32>,
      %add3A_321 = arith.addi %add3A_314, %get3A_320 : vector<16xi32>
      %mul3A_322 = arith.constant 16 : i32
      %mul3A_323 = arith.muli %scan3A_279, %mul3A_322 : i32
      %add3A_324 = arith.constant 1536 : i32
      %add3A_325 = arith.addi %add3A_324, %mul3A_323 : i32
      %get3A_326 = arith.index_cast %add3A_325 : i32 to index
      %get3A_327 = tpu.vector_load %arg7[%get3A_326] {strides = array<i32>} : memref<4096xi32, #tpu.memory_space<vmem>>, vector<16xi32>,
      %add3A_328 = arith.addi %add3A_321, %get3A_327 : vector<16xi32>
      %mul3A_329 = arith.constant 16 : i32
      %mul3A_330 = arith.muli %scan3A_279, %mul3A_329 : i32
      %add3A_331 = arith.constant 1792 : i32
      %add3A_332 = arith.addi %add3A_331, %mul3A_330 : i32
      %get3A_333 = arith.index_cast %add3A_332 : i32 to index
      %get3A_334 = tpu.vector_load %arg7[%get3A_333] {strides = array<i32>} : memref<4096xi32, #tpu.memory_space<vmem>>, vector<16xi32>,
      %add3A_335 = arith.addi %add3A_328, %get3A_334 : vector<16xi32>
      %mul3A_336 = arith.constant 16 : i32
      %mul3A_337 = arith.muli %scan3A_279, %mul3A_336 : i32
      %add3A_338 = arith.constant 2048 : i32
      %add3A_339 = arith.addi %add3A_338, %mul3A_337 : i32
      %get3A_340 = arith.index_cast %add3A_339 : i32 to index
      %get3A_341 = tpu.vector_load %arg7[%get3A_340] {strides = array<i32>} : memref<4096xi32, #tpu.memory_space<vmem>>, vector<16xi32>,
      %add3A_342 = arith.addi %add3A_335, %get3A_341 : vector<16xi32>
      %mul3A_343 = arith.constant 16 : i32
      %mul3A_344 = arith.muli %scan3A_279, %mul3A_343 : i32
      %add3A_345 = arith.constant 2304 : i32
      %add3A_346 = arith.addi %add3A_345, %mul3A_344 : i32
      %get3A_347 = arith.index_cast %add3A_346 : i32 to index
      %get3A_348 = tpu.vector_load %arg7[%get3A_347] {strides = array<i32>} : memref<4096xi32, #tpu.memory_space<vmem>>, vector<16xi32>,
      %add3A_349 = arith.addi %add3A_342, %get3A_348 : vector<16xi32>
      %mul3A_350 = arith.constant 16 : i32
      %mul3A_351 = arith.muli %scan3A_279, %mul3A_350 : i32
      %add3A_352 = arith.constant 2560 : i32
      %add3A_353 = arith.addi %add3A_352, %mul3A_351 : i32
      %get3A_354 = arith.index_cast %add3A_353 : i32 to index
      %get3A_355 = tpu.vector_load %arg7[%get3A_354] {strides = array<i32>} : memref<4096xi32, #tpu.memory_space<vmem>>, vector<16xi32>,
      %add3A_356 = arith.addi %add3A_349, %get3A_355 : vector<16xi32>
      %mul3A_357 = arith.constant 16 : i32
      %mul3A_358 = arith.muli %scan3A_279, %mul3A_357 : i32
      %add3A_359 = arith.constant 2816 : i32
      %add3A_360 = arith.addi %add3A_359, %mul3A_358 : i32
      %get3A_361 = arith.index_cast %add3A_360 : i32 to index
      %get3A_362 = tpu.vector_load %arg7[%get3A_361] {strides = array<i32>} : memref<4096xi32, #tpu.memory_space<vmem>>, vector<16xi32>,
      %add3A_363 = arith.addi %add3A_356, %get3A_362 : vector<16xi32>
      %mul3A_364 = arith.constant 16 : i32
      %mul3A_365 = arith.muli %scan3A_279, %mul3A_364 : i32
      %add3A_366 = arith.constant 3072 : i32
      %add3A_367 = arith.addi %add3A_366, %mul3A_365 : i32
      %get3A_368 = arith.index_cast %add3A_367 : i32 to index
      %get3A_369 = tpu.vector_load %arg7[%get3A_368] {strides = array<i32>} : memref<4096xi32, #tpu.memory_space<vmem>>, vector<16xi32>,
      %add3A_370 = arith.addi %add3A_363, %get3A_369 : vector<16xi32>
      %mul3A_371 = arith.constant 16 : i32
      %mul3A_372 = arith.muli %scan3A_279, %mul3A_371 : i32
      %add3A_373 = arith.constant 3328 : i32
      %add3A_374 = arith.addi %add3A_373, %mul3A_372 : i32
      %get3A_375 = arith.index_cast %add3A_374 : i32 to index
      %get3A_376 = tpu.vector_load %arg7[%get3A_375] {strides = array<i32>} : memref<4096xi32, #tpu.memory_space<vmem>>, vector<16xi32>,
      %add3A_377 = arith.addi %add3A_370, %get3A_376 : vector<16xi32>
      %mul3A_378 = arith.constant 16 : i32
      %mul3A_379 = arith.muli %scan3A_279, %mul3A_378 : i32
      %add3A_380 = arith.constant 3584 : i32
      %add3A_381 = arith.addi %add3A_380, %mul3A_379 : i32
      %get3A_382 = arith.index_cast %add3A_381 : i32 to index
      %get3A_383 = tpu.vector_load %arg7[%get3A_382] {strides = array<i32>} : memref<4096xi32, #tpu.memory_space<vmem>>, vector<16xi32>,
      %add3A_384 = arith.addi %add3A_377, %get3A_383 : vector<16xi32>
      %mul3A_385 = arith.constant 16 : i32
      %mul3A_386 = arith.muli %scan3A_279, %mul3A_385 : i32
      %add3A_387 = arith.constant 3840 : i32
      %add3A_388 = arith.addi %add3A_387, %mul3A_386 : i32
      %get3A_389 = arith.index_cast %add3A_388 : i32 to index
      %get3A_390 = tpu.vector_load %arg7[%get3A_389] {strides = array<i32>} : memref<4096xi32, #tpu.memory_space<vmem>>, vector<16xi32>,
      %add3A_391 = arith.addi %add3A_384, %get3A_390 : vector<16xi32>
      %broadcast_in_dim3A_392 = arith.constant true
      %broadcast_in_dim3A_393 = vector.broadcast %broadcast_in_dim3A_392 : i1 to vector<16xi1>
      %masked_cumsum3A = tpu.scan <sum>, %add3A_391 masked %broadcast_in_dim3A_393 : vector<16xi32>, vector<16xi1> -> vector<16xi32>
      %add3A_394 = vector.broadcast %scan3A_280 : i32 to vector<16xi32>
      %add3A_395 = arith.addi %add3A_394, %masked_cumsum3A : vector<16xi32>
      %sub3A_396 = arith.subi %add3A_395, %add3A_391 : vector<16xi32>
      %le3A = vector.broadcast %sub3A_113 : i32 to vector<16xi32>
      %le3A_397 = arith.cmpi sle, %sub3A_396, %le3A : vector<16xi32>
      %add3A_398 = arith.addi %sub3A_396, %add3A_391 : vector<16xi32>
      %gt3A = vector.broadcast %sub3A_113 : i32 to vector<16xi32>
      %gt3A_399 = arith.cmpi sgt, %add3A_398, %gt3A : vector<16xi32>
      %and3A_400 = arith.andi %le3A_397, %gt3A_399 : vector<16xi1>
      %mul3A_401 = arith.constant 16 : i32
      %mul3A_402 = arith.muli %scan3A_279, %mul3A_401 : i32
      %add3A_403 = vector.broadcast %mul3A_402 : i32 to vector<16xi32>
      %add3A_404 = arith.addi %add3A_403, %iota3A : vector<16xi32>
      %jit3A_405 = arith.constant -1 : i32
      %broadcast_in_dim3A_406 = vector.broadcast %jit3A_405 : i32 to vector<16xi32>
      %select_n3A_407 = arith.select %and3A_400, %add3A_404, %broadcast_in_dim3A_406 : vector<16xi1>, vector<16xi32>
      %max3A = arith.maxsi %scan3A_281, %select_n3A_407 : vector<16xi32>
      %jit3A_408 = arith.constant -1 : i32
      %broadcast_in_dim3A_409 = vector.broadcast %jit3A_408 : i32 to vector<16xi32>
      %select_n3A_410 = arith.select %and3A_400, %sub3A_396, %broadcast_in_dim3A_409 : vector<16xi1>, vector<16xi32>
      %max3A_411 = arith.maxsi %scan3A_282, %select_n3A_410 : vector<16xi32>
      %jit3A_412 = arith.constant -1 : i32
      %broadcast_in_dim3A_413 = vector.broadcast %jit3A_412 : i32 to vector<16xi32>
      %select_n3A_414 = arith.select %and3A_400, %add3A_391, %broadcast_in_dim3A_413 : vector<16xi1>, vector<16xi32>
      %max3A_415 = arith.maxsi %scan3A_283, %select_n3A_414 : vector<16xi32>
      %reduce_sum3A_416 = arith.constant true
      %reduce_sum3A_417 = vector.broadcast %reduce_sum3A_416 : i1 to vector<16xi1>
      %reduce_sum3A_418 = tpu.scan <sum>, %add3A_391 masked %reduce_sum3A_417 : vector<16xi32>, vector<16xi1> -> vector<16xi32>
      %reduce_sum3A_419 = vector.extract %reduce_sum3A_418[15] : i32 from vector<16xi32>
      %add3A_420 = arith.addi %scan3A_280, %reduce_sum3A_419 : i32
      scf.yield %add3A_420, %max3A, %max3A_411, %max3A_415 : i32, vector<16xi32>, vector<16xi32>, vector<16xi32>
    }
    %scan3A_141 = arith.constant 16 : i32
    %reduce_max3A_142 = arith.constant true
    %reduce_max3A_143 = vector.broadcast %reduce_max3A_142 : i1 to vector<16xi1>
    %reduce_max3A_144 = arith.constant -2147483648 : i32
    %reduce_max3A_145 = vector.broadcast %reduce_max3A_144 : i32 to vector<16xi32>
    %reduce_max3A_146 = arith.xori %scan3A_140#1, %reduce_max3A_145 : vector<16xi32>
    %reduce_max3A_147 = tpu.scan <max>, %reduce_max3A_146 masked %reduce_max3A_143 : vector<16xi32>, vector<16xi1> -> vector<16xi32>
    %reduce_max3A_148 = arith.xori %reduce_max3A_147, %reduce_max3A_145 : vector<16xi32>
    %reduce_max3A_149 = vector.extract %reduce_max3A_148[15] : i32 from vector<16xi32>
    %reduce_max3A_150 = arith.constant true
    %reduce_max3A_151 = vector.broadcast %reduce_max3A_150 : i1 to vector<16xi1>
    %reduce_max3A_152 = arith.constant -2147483648 : i32
    %reduce_max3A_153 = vector.broadcast %reduce_max3A_152 : i32 to vector<16xi32>
    %reduce_max3A_154 = arith.xori %scan3A_140#2, %reduce_max3A_153 : vector<16xi32>
    %reduce_max3A_155 = tpu.scan <max>, %reduce_max3A_154 masked %reduce_max3A_151 : vector<16xi32>, vector<16xi1> -> vector<16xi32>
    %reduce_max3A_156 = arith.xori %reduce_max3A_155, %reduce_max3A_153 : vector<16xi32>
    %reduce_max3A_157 = vector.extract %reduce_max3A_156[15] : i32 from vector<16xi32>
    %reduce_max3A_158 = arith.constant true
    %reduce_max3A_159 = vector.broadcast %reduce_max3A_158 : i1 to vector<16xi1>
    %reduce_max3A_160 = arith.constant -2147483648 : i32
    %reduce_max3A_161 = vector.broadcast %reduce_max3A_160 : i32 to vector<16xi32>
    %reduce_max3A_162 = arith.xori %scan3A_140#3, %reduce_max3A_161 : vector<16xi32>
    %reduce_max3A_163 = tpu.scan <max>, %reduce_max3A_162 masked %reduce_max3A_159 : vector<16xi32>, vector<16xi1> -> vector<16xi32>
    %reduce_max3A_164 = arith.xori %reduce_max3A_163, %reduce_max3A_161 : vector<16xi32>
    %reduce_max3A_165 = vector.extract %reduce_max3A_164[15] : i32 from vector<16xi32>
    %sub3A_166 = arith.subi %scan3A_140#0, %reduce_max3A_157 : i32
    %sub3A_167 = arith.subi %sub3A_166, %reduce_max3A_165 : i32
    %add3A_168 = arith.addi %add3A_112, %sub3A_167 : i32
    %sub3A_169 = arith.subi %sub3A_113, %reduce_max3A_157 : i32
    %shift_left3A_170 = arith.constant 8 : i32
    %shift_left3A_171 = arith.shli %reduce_max3A_149, %shift_left3A_170 : i32
    %or3A_172 = arith.ori %or3A_116, %shift_left3A_171 : i32
    %parallel_loop3A_173 = arith.constant 0 : i32
    %parallel_loop3A_174 = arith.constant 4096 : i32
    %parallel_loop3A_175 = arith.constant 1 : i32
    %parallel_loop3A_176 = arith.constant -256 : i32
    scf.for %parallel_loop3A_279 = %parallel_loop3A_173 to %parallel_loop3A_174 step %parallel_loop3A_175  : i32 {
      %parallel_loop3A_280 = arith.constant 16 : i32
      %parallel_loop3A_281 = arith.muli %parallel_loop3A_279, %parallel_loop3A_280 : i32
      %parallel_loop3A_282 = arith.index_cast %parallel_loop3A_281 : i32 to index
      %parallel_loop3A_283 = tpu.vector_load %arg4[%parallel_loop3A_282] {strides = array<i32>} : memref<65536xf32, #tpu.memory_space<vmem>>, vector<16xf32>,
      %parallel_loop3A_284 = tpu.bitcast %parallel_loop3A_283 : vector<16xf32> -> vector<16xi32>
      %parallel_loop3A_285 = vector.broadcast %parallel_loop3A_176 : i32 to vector<16xi32>
      %parallel_loop3A_286 = arith.andi %parallel_loop3A_284, %parallel_loop3A_285 : vector<16xi32>
      %parallel_loop3A_287 = vector.broadcast %or3A_172 : i32 to vector<16xi32>
      %parallel_loop3A_288 = arith.cmpi eq, %parallel_loop3A_286, %parallel_loop3A_287 : vector<16xi32>
      %parallel_loop3A_289 = arith.constant 0 : i32
      %parallel_loop3A_290 = vector.broadcast %parallel_loop3A_289 : i32 to vector<16xi32>
      %parallel_loop3A_291 = arith.shrsi %parallel_loop3A_284, %parallel_loop3A_290 : vector<16xi32>
      %parallel_loop3A_292 = arith.constant 255 : i32
      %parallel_loop3A_293 = vector.broadcast %parallel_loop3A_292 : i32 to vector<16xi32>
      %parallel_loop3A_294 = arith.andi %parallel_loop3A_291, %parallel_loop3A_293 : vector<16xi32>
      %parallel_loop3A_295 = arith.constant 16 : i32
      %parallel_loop3A_296 = vector.broadcast %parallel_loop3A_295 : i32 to vector<16xi32>
      %parallel_loop3A_297 = arith.muli %parallel_loop3A_294, %parallel_loop3A_296 : vector<16xi32>
      %parallel_loop3A_298 = arith.addi %parallel_loop3A_297, %iota3A : vector<16xi32>
      tpu.vector_store_idx %arg5[%parallel_loop3A_298], %broadcast_in_dim3A_0 masked %parallel_loop3A_288 {add = true} : memref<4096xi32, #tpu.memory_space<vmem>>[vector<16xi32>], vector<16xi32>, vector<16xi1>
    } {sc.loop_unroll_factor = 8 : i64, sc.parallel_access}
    %scan3A_177 = arith.constant 0 : i32
    %scan3A_178 = arith.constant 0 : i32
    %scan3A_179 = arith.constant 16 : i32
    %scan3A_180 = arith.addi %scan3A_178, %scan3A_179 : i32
    %scan3A_181 = arith.constant 1 : i32
    %scan3A_182 = scf.for %scan3A_279 = %scan3A_178 to %scan3A_180 step %scan3A_181 iter_args(%scan3A_280 = %scan3A_177) -> (i32)  : i32 {
      %mul3A_281 = arith.constant 16 : i32
      %mul3A_282 = arith.muli %scan3A_279, %mul3A_281 : i32
      %add3A_283 = arith.constant 0 : i32
      %add3A_284 = arith.addi %mul3A_282, %add3A_283 : i32
      %mul3A_285 = arith.constant 16 : i32
      %mul3A_286 = arith.muli %add3A_284, %mul3A_285 : i32
      %get3A = arith.index_cast %mul3A_286 : i32 to index
      %get3A_287 = tpu.vector_load %arg5[%get3A] {strides = array<i32>} : memref<4096xi32, #tpu.memory_space<vmem>>, vector<16xi32>,
      %mul3A_288 = arith.constant 16 : i32
      %mul3A_289 = arith.muli %scan3A_279, %mul3A_288 : i32
      %add3A_290 = arith.constant 0 : i32
      %add3A_291 = arith.addi %mul3A_289, %add3A_290 : i32
      %mul3A_292 = arith.constant 16 : i32
      %mul3A_293 = arith.muli %add3A_291, %mul3A_292 : i32
      %swap3A_294 = arith.index_cast %mul3A_293 : i32 to index
      %swap3A_295 = tpu.vector_load %arg5[%swap3A_294] {strides = array<i32>} : memref<4096xi32, #tpu.memory_space<vmem>>, vector<16xi32>,
      tpu.vector_store %arg5[%swap3A_294], %broadcast_in_dim3A_2 {strides = array<i32>} : memref<4096xi32, #tpu.memory_space<vmem>>, vector<16xi32>,
      %eq3A_296 = arith.constant 0 : i32
      %eq3A_297 = vector.broadcast %eq3A_296 : i32 to vector<16xi32>
      %eq3A_298 = arith.cmpi eq, %iota3A, %eq3A_297 : vector<16xi32>
      %reduce_sum3A_299 = arith.constant true
      %reduce_sum3A_300 = vector.broadcast %reduce_sum3A_299 : i1 to vector<16xi1>
      %reduce_sum3A_301 = tpu.scan <sum>, %get3A_287 masked %reduce_sum3A_300 : vector<16xi32>, vector<16xi1> -> vector<16xi32>
      %reduce_sum3A_302 = vector.extract %reduce_sum3A_301[15] : i32 from vector<16xi32>
      %broadcast_in_dim3A_303 = vector.broadcast %reduce_sum3A_302 : i32 to vector<16xi32>
      %select_n3A_304 = arith.select %eq3A_298, %broadcast_in_dim3A_303, %broadcast_in_dim3A_2 : vector<16xi1>, vector<16xi32>
      %mul3A_305 = arith.constant 16 : i32
      %mul3A_306 = arith.muli %scan3A_279, %mul3A_305 : i32
      %add3A_307 = arith.constant 1 : i32
      %add3A_308 = arith.addi %mul3A_306, %add3A_307 : i32
      %mul3A_309 = arith.constant 16 : i32
      %mul3A_310 = arith.muli %add3A_308, %mul3A_309 : i32
      %get3A_311 = arith.index_cast %mul3A_310 : i32 to index
      %get3A_312 = tpu.vector_load %arg5[%get3A_311] {strides = array<i32>} : memref<4096xi32, #tpu.memory_space<vmem>>, vector<16xi32>,
      %mul3A_313 = arith.constant 16 : i32
      %mul3A_314 = arith.muli %scan3A_279, %mul3A_313 : i32
      %add3A_315 = arith.constant 1 : i32
      %add3A_316 = arith.addi %mul3A_314, %add3A_315 : i32
      %mul3A_317 = arith.constant 16 : i32
      %mul3A_318 = arith.muli %add3A_316, %mul3A_317 : i32
      %swap3A_319 = arith.index_cast %mul3A_318 : i32 to index
      %swap3A_320 = tpu.vector_load %arg5[%swap3A_319] {strides = array<i32>} : memref<4096xi32, #tpu.memory_space<vmem>>, vector<16xi32>,
      tpu.vector_store %arg5[%swap3A_319], %broadcast_in_dim3A_2 {strides = array<i32>} : memref<4096xi32, #tpu.memory_space<vmem>>, vector<16xi32>,
      %eq3A_321 = arith.constant 1 : i32
      %eq3A_322 = vector.broadcast %eq3A_321 : i32 to vector<16xi32>
      %eq3A_323 = arith.cmpi eq, %iota3A, %eq3A_322 : vector<16xi32>
      %reduce_sum3A_324 = arith.constant true
      %reduce_sum3A_325 = vector.broadcast %reduce_sum3A_324 : i1 to vector<16xi1>
      %reduce_sum3A_326 = tpu.scan <sum>, %get3A_312 masked %reduce_sum3A_325 : vector<16xi32>, vector<16xi1> -> vector<16xi32>
      %reduce_sum3A_327 = vector.extract %reduce_sum3A_326[15] : i32 from vector<16xi32>
      %broadcast_in_dim3A_328 = vector.broadcast %reduce_sum3A_327 : i32 to vector<16xi32>
      %select_n3A_329 = arith.select %eq3A_323, %broadcast_in_dim3A_328, %select_n3A_304 : vector<16xi1>, vector<16xi32>
      %mul3A_330 = arith.constant 16 : i32
      %mul3A_331 = arith.muli %scan3A_279, %mul3A_330 : i32
      %add3A_332 = arith.constant 2 : i32
      %add3A_333 = arith.addi %mul3A_331, %add3A_332 : i32
      %mul3A_334 = arith.constant 16 : i32
      %mul3A_335 = arith.muli %add3A_333, %mul3A_334 : i32
      %get3A_336 = arith.index_cast %mul3A_335 : i32 to index
      %get3A_337 = tpu.vector_load %arg5[%get3A_336] {strides = array<i32>} : memref<4096xi32, #tpu.memory_space<vmem>>, vector<16xi32>,
      %mul3A_338 = arith.constant 16 : i32
      %mul3A_339 = arith.muli %scan3A_279, %mul3A_338 : i32
      %add3A_340 = arith.constant 2 : i32
      %add3A_341 = arith.addi %mul3A_339, %add3A_340 : i32
      %mul3A_342 = arith.constant 16 : i32
      %mul3A_343 = arith.muli %add3A_341, %mul3A_342 : i32
      %swap3A_344 = arith.index_cast %mul3A_343 : i32 to index
      %swap3A_345 = tpu.vector_load %arg5[%swap3A_344] {strides = array<i32>} : memref<4096xi32, #tpu.memory_space<vmem>>, vector<16xi32>,
      tpu.vector_store %arg5[%swap3A_344], %broadcast_in_dim3A_2 {strides = array<i32>} : memref<4096xi32, #tpu.memory_space<vmem>>, vector<16xi32>,
      %eq3A_346 = arith.constant 2 : i32
      %eq3A_347 = vector.broadcast %eq3A_346 : i32 to vector<16xi32>
      %eq3A_348 = arith.cmpi eq, %iota3A, %eq3A_347 : vector<16xi32>
      %reduce_sum3A_349 = arith.constant true
      %reduce_sum3A_350 = vector.broadcast %reduce_sum3A_349 : i1 to vector<16xi1>
      %reduce_sum3A_351 = tpu.scan <sum>, %get3A_337 masked %reduce_sum3A_350 : vector<16xi32>, vector<16xi1> -> vector<16xi32>
      %reduce_sum3A_352 = vector.extract %reduce_sum3A_351[15] : i32 from vector<16xi32>
      %broadcast_in_dim3A_353 = vector.broadcast %reduce_sum3A_352 : i32 to vector<16xi32>
      %select_n3A_354 = arith.select %eq3A_348, %broadcast_in_dim3A_353, %select_n3A_329 : vector<16xi1>, vector<16xi32>
      %mul3A_355 = arith.constant 16 : i32
      %mul3A_356 = arith.muli %scan3A_279, %mul3A_355 : i32
      %add3A_357 = arith.constant 3 : i32
      %add3A_358 = arith.addi %mul3A_356, %add3A_357 : i32
      %mul3A_359 = arith.constant 16 : i32
      %mul3A_360 = arith.muli %add3A_358, %mul3A_359 : i32
      %get3A_361 = arith.index_cast %mul3A_360 : i32 to index
      %get3A_362 = tpu.vector_load %arg5[%get3A_361] {strides = array<i32>} : memref<4096xi32, #tpu.memory_space<vmem>>, vector<16xi32>,
      %mul3A_363 = arith.constant 16 : i32
      %mul3A_364 = arith.muli %scan3A_279, %mul3A_363 : i32
      %add3A_365 = arith.constant 3 : i32
      %add3A_366 = arith.addi %mul3A_364, %add3A_365 : i32
      %mul3A_367 = arith.constant 16 : i32
      %mul3A_368 = arith.muli %add3A_366, %mul3A_367 : i32
      %swap3A_369 = arith.index_cast %mul3A_368 : i32 to index
      %swap3A_370 = tpu.vector_load %arg5[%swap3A_369] {strides = array<i32>} : memref<4096xi32, #tpu.memory_space<vmem>>, vector<16xi32>,
      tpu.vector_store %arg5[%swap3A_369], %broadcast_in_dim3A_2 {strides = array<i32>} : memref<4096xi32, #tpu.memory_space<vmem>>, vector<16xi32>,
      %eq3A_371 = arith.constant 3 : i32
      %eq3A_372 = vector.broadcast %eq3A_371 : i32 to vector<16xi32>
      %eq3A_373 = arith.cmpi eq, %iota3A, %eq3A_372 : vector<16xi32>
      %reduce_sum3A_374 = arith.constant true
      %reduce_sum3A_375 = vector.broadcast %reduce_sum3A_374 : i1 to vector<16xi1>
      %reduce_sum3A_376 = tpu.scan <sum>, %get3A_362 masked %reduce_sum3A_375 : vector<16xi32>, vector<16xi1> -> vector<16xi32>
      %reduce_sum3A_377 = vector.extract %reduce_sum3A_376[15] : i32 from vector<16xi32>
      %broadcast_in_dim3A_378 = vector.broadcast %reduce_sum3A_377 : i32 to vector<16xi32>
      %select_n3A_379 = arith.select %eq3A_373, %broadcast_in_dim3A_378, %select_n3A_354 : vector<16xi1>, vector<16xi32>
      %mul3A_380 = arith.constant 16 : i32
      %mul3A_381 = arith.muli %scan3A_279, %mul3A_380 : i32
      %add3A_382 = arith.constant 4 : i32
      %add3A_383 = arith.addi %mul3A_381, %add3A_382 : i32
      %mul3A_384 = arith.constant 16 : i32
      %mul3A_385 = arith.muli %add3A_383, %mul3A_384 : i32
      %get3A_386 = arith.index_cast %mul3A_385 : i32 to index
      %get3A_387 = tpu.vector_load %arg5[%get3A_386] {strides = array<i32>} : memref<4096xi32, #tpu.memory_space<vmem>>, vector<16xi32>,
      %mul3A_388 = arith.constant 16 : i32
      %mul3A_389 = arith.muli %scan3A_279, %mul3A_388 : i32
      %add3A_390 = arith.constant 4 : i32
      %add3A_391 = arith.addi %mul3A_389, %add3A_390 : i32
      %mul3A_392 = arith.constant 16 : i32
      %mul3A_393 = arith.muli %add3A_391, %mul3A_392 : i32
      %swap3A_394 = arith.index_cast %mul3A_393 : i32 to index
      %swap3A_395 = tpu.vector_load %arg5[%swap3A_394] {strides = array<i32>} : memref<4096xi32, #tpu.memory_space<vmem>>, vector<16xi32>,
      tpu.vector_store %arg5[%swap3A_394], %broadcast_in_dim3A_2 {strides = array<i32>} : memref<4096xi32, #tpu.memory_space<vmem>>, vector<16xi32>,
      %eq3A_396 = arith.constant 4 : i32
      %eq3A_397 = vector.broadcast %eq3A_396 : i32 to vector<16xi32>
      %eq3A_398 = arith.cmpi eq, %iota3A, %eq3A_397 : vector<16xi32>
      %reduce_sum3A_399 = arith.constant true
      %reduce_sum3A_400 = vector.broadcast %reduce_sum3A_399 : i1 to vector<16xi1>
      %reduce_sum3A_401 = tpu.scan <sum>, %get3A_387 masked %reduce_sum3A_400 : vector<16xi32>, vector<16xi1> -> vector<16xi32>
      %reduce_sum3A_402 = vector.extract %reduce_sum3A_401[15] : i32 from vector<16xi32>
      %broadcast_in_dim3A_403 = vector.broadcast %reduce_sum3A_402 : i32 to vector<16xi32>
      %select_n3A_404 = arith.select %eq3A_398, %broadcast_in_dim3A_403, %select_n3A_379 : vector<16xi1>, vector<16xi32>
      %mul3A_405 = arith.constant 16 : i32
      %mul3A_406 = arith.muli %scan3A_279, %mul3A_405 : i32
      %add3A_407 = arith.constant 5 : i32
      %add3A_408 = arith.addi %mul3A_406, %add3A_407 : i32
      %mul3A_409 = arith.constant 16 : i32
      %mul3A_410 = arith.muli %add3A_408, %mul3A_409 : i32
      %get3A_411 = arith.index_cast %mul3A_410 : i32 to index
      %get3A_412 = tpu.vector_load %arg5[%get3A_411] {strides = array<i32>} : memref<4096xi32, #tpu.memory_space<vmem>>, vector<16xi32>,
      %mul3A_413 = arith.constant 16 : i32
      %mul3A_414 = arith.muli %scan3A_279, %mul3A_413 : i32
      %add3A_415 = arith.constant 5 : i32
      %add3A_416 = arith.addi %mul3A_414, %add3A_415 : i32
      %mul3A_417 = arith.constant 16 : i32
      %mul3A_418 = arith.muli %add3A_416, %mul3A_417 : i32
      %swap3A_419 = arith.index_cast %mul3A_418 : i32 to index
      %swap3A_420 = tpu.vector_load %arg5[%swap3A_419] {strides = array<i32>} : memref<4096xi32, #tpu.memory_space<vmem>>, vector<16xi32>,
      tpu.vector_store %arg5[%swap3A_419], %broadcast_in_dim3A_2 {strides = array<i32>} : memref<4096xi32, #tpu.memory_space<vmem>>, vector<16xi32>,
      %eq3A_421 = arith.constant 5 : i32
      %eq3A_422 = vector.broadcast %eq3A_421 : i32 to vector<16xi32>
      %eq3A_423 = arith.cmpi eq, %iota3A, %eq3A_422 : vector<16xi32>
      %reduce_sum3A_424 = arith.constant true
      %reduce_sum3A_425 = vector.broadcast %reduce_sum3A_424 : i1 to vector<16xi1>
      %reduce_sum3A_426 = tpu.scan <sum>, %get3A_412 masked %reduce_sum3A_425 : vector<16xi32>, vector<16xi1> -> vector<16xi32>
      %reduce_sum3A_427 = vector.extract %reduce_sum3A_426[15] : i32 from vector<16xi32>
      %broadcast_in_dim3A_428 = vector.broadcast %reduce_sum3A_427 : i32 to vector<16xi32>
      %select_n3A_429 = arith.select %eq3A_423, %broadcast_in_dim3A_428, %select_n3A_404 : vector<16xi1>, vector<16xi32>
      %mul3A_430 = arith.constant 16 : i32
      %mul3A_431 = arith.muli %scan3A_279, %mul3A_430 : i32
      %add3A_432 = arith.constant 6 : i32
      %add3A_433 = arith.addi %mul3A_431, %add3A_432 : i32
      %mul3A_434 = arith.constant 16 : i32
      %mul3A_435 = arith.muli %add3A_433, %mul3A_434 : i32
      %get3A_436 = arith.index_cast %mul3A_435 : i32 to index
      %get3A_437 = tpu.vector_load %arg5[%get3A_436] {strides = array<i32>} : memref<4096xi32, #tpu.memory_space<vmem>>, vector<16xi32>,
      %mul3A_438 = arith.constant 16 : i32
      %mul3A_439 = arith.muli %scan3A_279, %mul3A_438 : i32
      %add3A_440 = arith.constant 6 : i32
      %add3A_441 = arith.addi %mul3A_439, %add3A_440 : i32
      %mul3A_442 = arith.constant 16 : i32
      %mul3A_443 = arith.muli %add3A_441, %mul3A_442 : i32
      %swap3A_444 = arith.index_cast %mul3A_443 : i32 to index
      %swap3A_445 = tpu.vector_load %arg5[%swap3A_444] {strides = array<i32>} : memref<4096xi32, #tpu.memory_space<vmem>>, vector<16xi32>,
      tpu.vector_store %arg5[%swap3A_444], %broadcast_in_dim3A_2 {strides = array<i32>} : memref<4096xi32, #tpu.memory_space<vmem>>, vector<16xi32>,
      %eq3A_446 = arith.constant 6 : i32
      %eq3A_447 = vector.broadcast %eq3A_446 : i32 to vector<16xi32>
      %eq3A_448 = arith.cmpi eq, %iota3A, %eq3A_447 : vector<16xi32>
      %reduce_sum3A_449 = arith.constant true
      %reduce_sum3A_450 = vector.broadcast %reduce_sum3A_449 : i1 to vector<16xi1>
      %reduce_sum3A_451 = tpu.scan <sum>, %get3A_437 masked %reduce_sum3A_450 : vector<16xi32>, vector<16xi1> -> vector<16xi32>
      %reduce_sum3A_452 = vector.extract %reduce_sum3A_451[15] : i32 from vector<16xi32>
      %broadcast_in_dim3A_453 = vector.broadcast %reduce_sum3A_452 : i32 to vector<16xi32>
      %select_n3A_454 = arith.select %eq3A_448, %broadcast_in_dim3A_453, %select_n3A_429 : vector<16xi1>, vector<16xi32>
      %mul3A_455 = arith.constant 16 : i32
      %mul3A_456 = arith.muli %scan3A_279, %mul3A_455 : i32
      %add3A_457 = arith.constant 7 : i32
      %add3A_458 = arith.addi %mul3A_456, %add3A_457 : i32
      %mul3A_459 = arith.constant 16 : i32
      %mul3A_460 = arith.muli %add3A_458, %mul3A_459 : i32
      %get3A_461 = arith.index_cast %mul3A_460 : i32 to index
      %get3A_462 = tpu.vector_load %arg5[%get3A_461] {strides = array<i32>} : memref<4096xi32, #tpu.memory_space<vmem>>, vector<16xi32>,
      %mul3A_463 = arith.constant 16 : i32
      %mul3A_464 = arith.muli %scan3A_279, %mul3A_463 : i32
      %add3A_465 = arith.constant 7 : i32
      %add3A_466 = arith.addi %mul3A_464, %add3A_465 : i32
      %mul3A_467 = arith.constant 16 : i32
      %mul3A_468 = arith.muli %add3A_466, %mul3A_467 : i32
      %swap3A_469 = arith.index_cast %mul3A_468 : i32 to index
      %swap3A_470 = tpu.vector_load %arg5[%swap3A_469] {strides = array<i32>} : memref<4096xi32, #tpu.memory_space<vmem>>, vector<16xi32>,
      tpu.vector_store %arg5[%swap3A_469], %broadcast_in_dim3A_2 {strides = array<i32>} : memref<4096xi32, #tpu.memory_space<vmem>>, vector<16xi32>,
      %eq3A_471 = arith.constant 7 : i32
      %eq3A_472 = vector.broadcast %eq3A_471 : i32 to vector<16xi32>
      %eq3A_473 = arith.cmpi eq, %iota3A, %eq3A_472 : vector<16xi32>
      %reduce_sum3A_474 = arith.constant true
      %reduce_sum3A_475 = vector.broadcast %reduce_sum3A_474 : i1 to vector<16xi1>
      %reduce_sum3A_476 = tpu.scan <sum>, %get3A_462 masked %reduce_sum3A_475 : vector<16xi32>, vector<16xi1> -> vector<16xi32>
      %reduce_sum3A_477 = vector.extract %reduce_sum3A_476[15] : i32 from vector<16xi32>
      %broadcast_in_dim3A_478 = vector.broadcast %reduce_sum3A_477 : i32 to vector<16xi32>
      %select_n3A_479 = arith.select %eq3A_473, %broadcast_in_dim3A_478, %select_n3A_454 : vector<16xi1>, vector<16xi32>
      %mul3A_480 = arith.constant 16 : i32
      %mul3A_481 = arith.muli %scan3A_279, %mul3A_480 : i32
      %add3A_482 = arith.constant 8 : i32
      %add3A_483 = arith.addi %mul3A_481, %add3A_482 : i32
      %mul3A_484 = arith.constant 16 : i32
      %mul3A_485 = arith.muli %add3A_483, %mul3A_484 : i32
      %get3A_486 = arith.index_cast %mul3A_485 : i32 to index
      %get3A_487 = tpu.vector_load %arg5[%get3A_486] {strides = array<i32>} : memref<4096xi32, #tpu.memory_space<vmem>>, vector<16xi32>,
      %mul3A_488 = arith.constant 16 : i32
      %mul3A_489 = arith.muli %scan3A_279, %mul3A_488 : i32
      %add3A_490 = arith.constant 8 : i32
      %add3A_491 = arith.addi %mul3A_489, %add3A_490 : i32
      %mul3A_492 = arith.constant 16 : i32
      %mul3A_493 = arith.muli %add3A_491, %mul3A_492 : i32
      %swap3A_494 = arith.index_cast %mul3A_493 : i32 to index
      %swap3A_495 = tpu.vector_load %arg5[%swap3A_494] {strides = array<i32>} : memref<4096xi32, #tpu.memory_space<vmem>>, vector<16xi32>,
      tpu.vector_store %arg5[%swap3A_494], %broadcast_in_dim3A_2 {strides = array<i32>} : memref<4096xi32, #tpu.memory_space<vmem>>, vector<16xi32>,
      %eq3A_496 = arith.constant 8 : i32
      %eq3A_497 = vector.broadcast %eq3A_496 : i32 to vector<16xi32>
      %eq3A_498 = arith.cmpi eq, %iota3A, %eq3A_497 : vector<16xi32>
      %reduce_sum3A_499 = arith.constant true
      %reduce_sum3A_500 = vector.broadcast %reduce_sum3A_499 : i1 to vector<16xi1>
      %reduce_sum3A_501 = tpu.scan <sum>, %get3A_487 masked %reduce_sum3A_500 : vector<16xi32>, vector<16xi1> -> vector<16xi32>
      %reduce_sum3A_502 = vector.extract %reduce_sum3A_501[15] : i32 from vector<16xi32>
      %broadcast_in_dim3A_503 = vector.broadcast %reduce_sum3A_502 : i32 to vector<16xi32>
      %select_n3A_504 = arith.select %eq3A_498, %broadcast_in_dim3A_503, %select_n3A_479 : vector<16xi1>, vector<16xi32>
      %mul3A_505 = arith.constant 16 : i32
      %mul3A_506 = arith.muli %scan3A_279, %mul3A_505 : i32
      %add3A_507 = arith.constant 9 : i32
      %add3A_508 = arith.addi %mul3A_506, %add3A_507 : i32
      %mul3A_509 = arith.constant 16 : i32
      %mul3A_510 = arith.muli %add3A_508, %mul3A_509 : i32
      %get3A_511 = arith.index_cast %mul3A_510 : i32 to index
      %get3A_512 = tpu.vector_load %arg5[%get3A_511] {strides = array<i32>} : memref<4096xi32, #tpu.memory_space<vmem>>, vector<16xi32>,
      %mul3A_513 = arith.constant 16 : i32
      %mul3A_514 = arith.muli %scan3A_279, %mul3A_513 : i32
      %add3A_515 = arith.constant 9 : i32
      %add3A_516 = arith.addi %mul3A_514, %add3A_515 : i32
      %mul3A_517 = arith.constant 16 : i32
      %mul3A_518 = arith.muli %add3A_516, %mul3A_517 : i32
      %swap3A_519 = arith.index_cast %mul3A_518 : i32 to index
      %swap3A_520 = tpu.vector_load %arg5[%swap3A_519] {strides = array<i32>} : memref<4096xi32, #tpu.memory_space<vmem>>, vector<16xi32>,
      tpu.vector_store %arg5[%swap3A_519], %broadcast_in_dim3A_2 {strides = array<i32>} : memref<4096xi32, #tpu.memory_space<vmem>>, vector<16xi32>,
      %eq3A_521 = arith.constant 9 : i32
      %eq3A_522 = vector.broadcast %eq3A_521 : i32 to vector<16xi32>
      %eq3A_523 = arith.cmpi eq, %iota3A, %eq3A_522 : vector<16xi32>
      %reduce_sum3A_524 = arith.constant true
      %reduce_sum3A_525 = vector.broadcast %reduce_sum3A_524 : i1 to vector<16xi1>
      %reduce_sum3A_526 = tpu.scan <sum>, %get3A_512 masked %reduce_sum3A_525 : vector<16xi32>, vector<16xi1> -> vector<16xi32>
      %reduce_sum3A_527 = vector.extract %reduce_sum3A_526[15] : i32 from vector<16xi32>
      %broadcast_in_dim3A_528 = vector.broadcast %reduce_sum3A_527 : i32 to vector<16xi32>
      %select_n3A_529 = arith.select %eq3A_523, %broadcast_in_dim3A_528, %select_n3A_504 : vector<16xi1>, vector<16xi32>
      %mul3A_530 = arith.constant 16 : i32
      %mul3A_531 = arith.muli %scan3A_279, %mul3A_530 : i32
      %add3A_532 = arith.constant 10 : i32
      %add3A_533 = arith.addi %mul3A_531, %add3A_532 : i32
      %mul3A_534 = arith.constant 16 : i32
      %mul3A_535 = arith.muli %add3A_533, %mul3A_534 : i32
      %get3A_536 = arith.index_cast %mul3A_535 : i32 to index
      %get3A_537 = tpu.vector_load %arg5[%get3A_536] {strides = array<i32>} : memref<4096xi32, #tpu.memory_space<vmem>>, vector<16xi32>,
      %mul3A_538 = arith.constant 16 : i32
      %mul3A_539 = arith.muli %scan3A_279, %mul3A_538 : i32
      %add3A_540 = arith.constant 10 : i32
      %add3A_541 = arith.addi %mul3A_539, %add3A_540 : i32
      %mul3A_542 = arith.constant 16 : i32
      %mul3A_543 = arith.muli %add3A_541, %mul3A_542 : i32
      %swap3A_544 = arith.index_cast %mul3A_543 : i32 to index
      %swap3A_545 = tpu.vector_load %arg5[%swap3A_544] {strides = array<i32>} : memref<4096xi32, #tpu.memory_space<vmem>>, vector<16xi32>,
      tpu.vector_store %arg5[%swap3A_544], %broadcast_in_dim3A_2 {strides = array<i32>} : memref<4096xi32, #tpu.memory_space<vmem>>, vector<16xi32>,
      %eq3A_546 = arith.constant 10 : i32
      %eq3A_547 = vector.broadcast %eq3A_546 : i32 to vector<16xi32>
      %eq3A_548 = arith.cmpi eq, %iota3A, %eq3A_547 : vector<16xi32>
      %reduce_sum3A_549 = arith.constant true
      %reduce_sum3A_550 = vector.broadcast %reduce_sum3A_549 : i1 to vector<16xi1>
      %reduce_sum3A_551 = tpu.scan <sum>, %get3A_537 masked %reduce_sum3A_550 : vector<16xi32>, vector<16xi1> -> vector<16xi32>
      %reduce_sum3A_552 = vector.extract %reduce_sum3A_551[15] : i32 from vector<16xi32>
      %broadcast_in_dim3A_553 = vector.broadcast %reduce_sum3A_552 : i32 to vector<16xi32>
      %select_n3A_554 = arith.select %eq3A_548, %broadcast_in_dim3A_553, %select_n3A_529 : vector<16xi1>, vector<16xi32>
      %mul3A_555 = arith.constant 16 : i32
      %mul3A_556 = arith.muli %scan3A_279, %mul3A_555 : i32
      %add3A_557 = arith.constant 11 : i32
      %add3A_558 = arith.addi %mul3A_556, %add3A_557 : i32
      %mul3A_559 = arith.constant 16 : i32
      %mul3A_560 = arith.muli %add3A_558, %mul3A_559 : i32
      %get3A_561 = arith.index_cast %mul3A_560 : i32 to index
      %get3A_562 = tpu.vector_load %arg5[%get3A_561] {strides = array<i32>} : memref<4096xi32, #tpu.memory_space<vmem>>, vector<16xi32>,
      %mul3A_563 = arith.constant 16 : i32
      %mul3A_564 = arith.muli %scan3A_279, %mul3A_563 : i32
      %add3A_565 = arith.constant 11 : i32
      %add3A_566 = arith.addi %mul3A_564, %add3A_565 : i32
      %mul3A_567 = arith.constant 16 : i32
      %mul3A_568 = arith.muli %add3A_566, %mul3A_567 : i32
      %swap3A_569 = arith.index_cast %mul3A_568 : i32 to index
      %swap3A_570 = tpu.vector_load %arg5[%swap3A_569] {strides = array<i32>} : memref<4096xi32, #tpu.memory_space<vmem>>, vector<16xi32>,
      tpu.vector_store %arg5[%swap3A_569], %broadcast_in_dim3A_2 {strides = array<i32>} : memref<4096xi32, #tpu.memory_space<vmem>>, vector<16xi32>,
      %eq3A_571 = arith.constant 11 : i32
      %eq3A_572 = vector.broadcast %eq3A_571 : i32 to vector<16xi32>
      %eq3A_573 = arith.cmpi eq, %iota3A, %eq3A_572 : vector<16xi32>
      %reduce_sum3A_574 = arith.constant true
      %reduce_sum3A_575 = vector.broadcast %reduce_sum3A_574 : i1 to vector<16xi1>
      %reduce_sum3A_576 = tpu.scan <sum>, %get3A_562 masked %reduce_sum3A_575 : vector<16xi32>, vector<16xi1> -> vector<16xi32>
      %reduce_sum3A_577 = vector.extract %reduce_sum3A_576[15] : i32 from vector<16xi32>
      %broadcast_in_dim3A_578 = vector.broadcast %reduce_sum3A_577 : i32 to vector<16xi32>
      %select_n3A_579 = arith.select %eq3A_573, %broadcast_in_dim3A_578, %select_n3A_554 : vector<16xi1>, vector<16xi32>
      %mul3A_580 = arith.constant 16 : i32
      %mul3A_581 = arith.muli %scan3A_279, %mul3A_580 : i32
      %add3A_582 = arith.constant 12 : i32
      %add3A_583 = arith.addi %mul3A_581, %add3A_582 : i32
      %mul3A_584 = arith.constant 16 : i32
      %mul3A_585 = arith.muli %add3A_583, %mul3A_584 : i32
      %get3A_586 = arith.index_cast %mul3A_585 : i32 to index
      %get3A_587 = tpu.vector_load %arg5[%get3A_586] {strides = array<i32>} : memref<4096xi32, #tpu.memory_space<vmem>>, vector<16xi32>,
      %mul3A_588 = arith.constant 16 : i32
      %mul3A_589 = arith.muli %scan3A_279, %mul3A_588 : i32
      %add3A_590 = arith.constant 12 : i32
      %add3A_591 = arith.addi %mul3A_589, %add3A_590 : i32
      %mul3A_592 = arith.constant 16 : i32
      %mul3A_593 = arith.muli %add3A_591, %mul3A_592 : i32
      %swap3A_594 = arith.index_cast %mul3A_593 : i32 to index
      %swap3A_595 = tpu.vector_load %arg5[%swap3A_594] {strides = array<i32>} : memref<4096xi32, #tpu.memory_space<vmem>>, vector<16xi32>,
      tpu.vector_store %arg5[%swap3A_594], %broadcast_in_dim3A_2 {strides = array<i32>} : memref<4096xi32, #tpu.memory_space<vmem>>, vector<16xi32>,
      %eq3A_596 = arith.constant 12 : i32
      %eq3A_597 = vector.broadcast %eq3A_596 : i32 to vector<16xi32>
      %eq3A_598 = arith.cmpi eq, %iota3A, %eq3A_597 : vector<16xi32>
      %reduce_sum3A_599 = arith.constant true
      %reduce_sum3A_600 = vector.broadcast %reduce_sum3A_599 : i1 to vector<16xi1>
      %reduce_sum3A_601 = tpu.scan <sum>, %get3A_587 masked %reduce_sum3A_600 : vector<16xi32>, vector<16xi1> -> vector<16xi32>
      %reduce_sum3A_602 = vector.extract %reduce_sum3A_601[15] : i32 from vector<16xi32>
      %broadcast_in_dim3A_603 = vector.broadcast %reduce_sum3A_602 : i32 to vector<16xi32>
      %select_n3A_604 = arith.select %eq3A_598, %broadcast_in_dim3A_603, %select_n3A_579 : vector<16xi1>, vector<16xi32>
      %mul3A_605 = arith.constant 16 : i32
      %mul3A_606 = arith.muli %scan3A_279, %mul3A_605 : i32
      %add3A_607 = arith.constant 13 : i32
      %add3A_608 = arith.addi %mul3A_606, %add3A_607 : i32
      %mul3A_609 = arith.constant 16 : i32
      %mul3A_610 = arith.muli %add3A_608, %mul3A_609 : i32
      %get3A_611 = arith.index_cast %mul3A_610 : i32 to index
      %get3A_612 = tpu.vector_load %arg5[%get3A_611] {strides = array<i32>} : memref<4096xi32, #tpu.memory_space<vmem>>, vector<16xi32>,
      %mul3A_613 = arith.constant 16 : i32
      %mul3A_614 = arith.muli %scan3A_279, %mul3A_613 : i32
      %add3A_615 = arith.constant 13 : i32
      %add3A_616 = arith.addi %mul3A_614, %add3A_615 : i32
      %mul3A_617 = arith.constant 16 : i32
      %mul3A_618 = arith.muli %add3A_616, %mul3A_617 : i32
      %swap3A_619 = arith.index_cast %mul3A_618 : i32 to index
      %swap3A_620 = tpu.vector_load %arg5[%swap3A_619] {strides = array<i32>} : memref<4096xi32, #tpu.memory_space<vmem>>, vector<16xi32>,
      tpu.vector_store %arg5[%swap3A_619], %broadcast_in_dim3A_2 {strides = array<i32>} : memref<4096xi32, #tpu.memory_space<vmem>>, vector<16xi32>,
      %eq3A_621 = arith.constant 13 : i32
      %eq3A_622 = vector.broadcast %eq3A_621 : i32 to vector<16xi32>
      %eq3A_623 = arith.cmpi eq, %iota3A, %eq3A_622 : vector<16xi32>
      %reduce_sum3A_624 = arith.constant true
      %reduce_sum3A_625 = vector.broadcast %reduce_sum3A_624 : i1 to vector<16xi1>
      %reduce_sum3A_626 = tpu.scan <sum>, %get3A_612 masked %reduce_sum3A_625 : vector<16xi32>, vector<16xi1> -> vector<16xi32>
      %reduce_sum3A_627 = vector.extract %reduce_sum3A_626[15] : i32 from vector<16xi32>
      %broadcast_in_dim3A_628 = vector.broadcast %reduce_sum3A_627 : i32 to vector<16xi32>
      %select_n3A_629 = arith.select %eq3A_623, %broadcast_in_dim3A_628, %select_n3A_604 : vector<16xi1>, vector<16xi32>
      %mul3A_630 = arith.constant 16 : i32
      %mul3A_631 = arith.muli %scan3A_279, %mul3A_630 : i32
      %add3A_632 = arith.constant 14 : i32
      %add3A_633 = arith.addi %mul3A_631, %add3A_632 : i32
      %mul3A_634 = arith.constant 16 : i32
      %mul3A_635 = arith.muli %add3A_633, %mul3A_634 : i32
      %get3A_636 = arith.index_cast %mul3A_635 : i32 to index
      %get3A_637 = tpu.vector_load %arg5[%get3A_636] {strides = array<i32>} : memref<4096xi32, #tpu.memory_space<vmem>>, vector<16xi32>,
      %mul3A_638 = arith.constant 16 : i32
      %mul3A_639 = arith.muli %scan3A_279, %mul3A_638 : i32
      %add3A_640 = arith.constant 14 : i32
      %add3A_641 = arith.addi %mul3A_639, %add3A_640 : i32
      %mul3A_642 = arith.constant 16 : i32
      %mul3A_643 = arith.muli %add3A_641, %mul3A_642 : i32
      %swap3A_644 = arith.index_cast %mul3A_643 : i32 to index
      %swap3A_645 = tpu.vector_load %arg5[%swap3A_644] {strides = array<i32>} : memref<4096xi32, #tpu.memory_space<vmem>>, vector<16xi32>,
      tpu.vector_store %arg5[%swap3A_644], %broadcast_in_dim3A_2 {strides = array<i32>} : memref<4096xi32, #tpu.memory_space<vmem>>, vector<16xi32>,
      %eq3A_646 = arith.constant 14 : i32
      %eq3A_647 = vector.broadcast %eq3A_646 : i32 to vector<16xi32>
      %eq3A_648 = arith.cmpi eq, %iota3A, %eq3A_647 : vector<16xi32>
      %reduce_sum3A_649 = arith.constant true
      %reduce_sum3A_650 = vector.broadcast %reduce_sum3A_649 : i1 to vector<16xi1>
      %reduce_sum3A_651 = tpu.scan <sum>, %get3A_637 masked %reduce_sum3A_650 : vector<16xi32>, vector<16xi1> -> vector<16xi32>
      %reduce_sum3A_652 = vector.extract %reduce_sum3A_651[15] : i32 from vector<16xi32>
      %broadcast_in_dim3A_653 = vector.broadcast %reduce_sum3A_652 : i32 to vector<16xi32>
      %select_n3A_654 = arith.select %eq3A_648, %broadcast_in_dim3A_653, %select_n3A_629 : vector<16xi1>, vector<16xi32>
      %mul3A_655 = arith.constant 16 : i32
      %mul3A_656 = arith.muli %scan3A_279, %mul3A_655 : i32
      %add3A_657 = arith.constant 15 : i32
      %add3A_658 = arith.addi %mul3A_656, %add3A_657 : i32
      %mul3A_659 = arith.constant 16 : i32
      %mul3A_660 = arith.muli %add3A_658, %mul3A_659 : i32
      %get3A_661 = arith.index_cast %mul3A_660 : i32 to index
      %get3A_662 = tpu.vector_load %arg5[%get3A_661] {strides = array<i32>} : memref<4096xi32, #tpu.memory_space<vmem>>, vector<16xi32>,
      %mul3A_663 = arith.constant 16 : i32
      %mul3A_664 = arith.muli %scan3A_279, %mul3A_663 : i32
      %add3A_665 = arith.constant 15 : i32
      %add3A_666 = arith.addi %mul3A_664, %add3A_665 : i32
      %mul3A_667 = arith.constant 16 : i32
      %mul3A_668 = arith.muli %add3A_666, %mul3A_667 : i32
      %swap3A_669 = arith.index_cast %mul3A_668 : i32 to index
      %swap3A_670 = tpu.vector_load %arg5[%swap3A_669] {strides = array<i32>} : memref<4096xi32, #tpu.memory_space<vmem>>, vector<16xi32>,
      tpu.vector_store %arg5[%swap3A_669], %broadcast_in_dim3A_2 {strides = array<i32>} : memref<4096xi32, #tpu.memory_space<vmem>>, vector<16xi32>,
      %eq3A_671 = arith.constant 15 : i32
      %eq3A_672 = vector.broadcast %eq3A_671 : i32 to vector<16xi32>
      %eq3A_673 = arith.cmpi eq, %iota3A, %eq3A_672 : vector<16xi32>
      %reduce_sum3A_674 = arith.constant true
      %reduce_sum3A_675 = vector.broadcast %reduce_sum3A_674 : i1 to vector<16xi1>
      %reduce_sum3A_676 = tpu.scan <sum>, %get3A_662 masked %reduce_sum3A_675 : vector<16xi32>, vector<16xi1> -> vector<16xi32>
      %reduce_sum3A_677 = vector.extract %reduce_sum3A_676[15] : i32 from vector<16xi32>
      %broadcast_in_dim3A_678 = vector.broadcast %reduce_sum3A_677 : i32 to vector<16xi32>
      %select_n3A_679 = arith.select %eq3A_673, %broadcast_in_dim3A_678, %select_n3A_654 : vector<16xi1>, vector<16xi32>
      %mul3A_680 = arith.constant 16 : i32
      %mul3A_681 = arith.muli %scan3A_279, %mul3A_680 : i32
      %swap3A_682 = arith.index_cast %mul3A_681 : i32 to index
      %swap3A_683 = tpu.vector_load %arg6[%swap3A_682] {strides = array<i32>} : memref<256xi32, #tpu.memory_space<vmem>>, vector<16xi32>,
      tpu.vector_store %arg6[%swap3A_682], %select_n3A_679 {strides = array<i32>} : memref<256xi32, #tpu.memory_space<vmem>>, vector<16xi32>,
      %scan3A_684 = arith.constant 0 : i32
      scf.yield %scan3A_684 : i32
    }
    %scan3A_183 = arith.constant 16 : i32
    %add3A_184 = arith.constant 48 : i32
    %add3A_185 = arith.addi %add3A_184, %arg1 : i32
    %mul3A_186 = arith.constant 256 : i32
    %mul3A_187 = arith.muli %add3A_185, %mul3A_186 : i32
    "tpu.region"() ({
      %run_scoped3A = tpu.sem_alloc : memref<!tpu.dma_semaphore, #tpu.memory_space<semaphore_mem>>
      %dma_start3A_279 = tpu.memref_slice %arg13[%mul3A_187] : memref<16384xi32, #tpu.memory_space<vmem_shared>> -> memref<256xi32, #tpu.memory_space<vmem_shared>>
      %dma_start3A_280 = tpu.memref_slice %arg13[%mul3A_187] : memref<16384xi32, #tpu.memory_space<vmem_shared>> -> memref<256xi32, #tpu.memory_space<vmem_shared>>
      tpu.enqueue_dma source(%arg6 : memref<256xi32, #tpu.memory_space<vmem>>) target(%dma_start3A_280 : memref<256xi32, #tpu.memory_space<vmem_shared>>) target_semaphore(%run_scoped3A : memref<!tpu.dma_semaphore, #tpu.memory_space<semaphore_mem>>)
      %dma_wait3A_281 = tpu.memref_slice %arg13[%mul3A_187] : memref<16384xi32, #tpu.memory_space<vmem_shared>> -> memref<256xi32, #tpu.memory_space<vmem_shared>>
      %dma_wait3A_282 = tpu.memref_slice %arg13[%mul3A_187] : memref<16384xi32, #tpu.memory_space<vmem_shared>> -> memref<256xi32, #tpu.memory_space<vmem_shared>>
      tpu.wait_dma2 semaphore(%run_scoped3A : memref<!tpu.dma_semaphore, #tpu.memory_space<semaphore_mem>>) src(%arg6 : memref<256xi32, #tpu.memory_space<vmem>>) dst(%dma_wait3A_282 : memref<256xi32, #tpu.memory_space<vmem_shared>>)
      tpu.yield
    }) : () -> ()
    %barrier3A_188 = arith.constant 0 : index
    tpu.barrier barrier_id(%barrier3A_188)
    "tpu.region"() ({
      %run_scoped3A = tpu.sem_alloc : memref<!tpu.dma_semaphore, #tpu.memory_space<semaphore_mem>>
      %dma_start3A_279 = arith.constant 12288 : i32
      %dma_start3A_280 = tpu.memref_slice %arg13[%dma_start3A_279] : memref<16384xi32, #tpu.memory_space<vmem_shared>> -> memref<4096xi32, #tpu.memory_space<vmem_shared>>
      %dma_start3A_281 = arith.constant 12288 : i32
      %dma_start3A_282 = tpu.memref_slice %arg13[%dma_start3A_281] : memref<16384xi32, #tpu.memory_space<vmem_shared>> -> memref<4096xi32, #tpu.memory_space<vmem_shared>>
      tpu.enqueue_dma source(%dma_start3A_282 : memref<4096xi32, #tpu.memory_space<vmem_shared>>) target(%arg7 : memref<4096xi32, #tpu.memory_space<vmem>>) target_semaphore(%run_scoped3A : memref<!tpu.dma_semaphore, #tpu.memory_space<semaphore_mem>>)
      %dma_wait3A_283 = arith.constant 12288 : i32
      %dma_wait3A_284 = tpu.memref_slice %arg13[%dma_wait3A_283] : memref<16384xi32, #tpu.memory_space<vmem_shared>> -> memref<4096xi32, #tpu.memory_space<vmem_shared>>
      %dma_wait3A_285 = arith.constant 12288 : i32
      %dma_wait3A_286 = tpu.memref_slice %arg13[%dma_wait3A_285] : memref<16384xi32, #tpu.memory_space<vmem_shared>> -> memref<4096xi32, #tpu.memory_space<vmem_shared>>
      tpu.wait_dma2 semaphore(%run_scoped3A : memref<!tpu.dma_semaphore, #tpu.memory_space<semaphore_mem>>) src(%dma_wait3A_286 : memref<4096xi32, #tpu.memory_space<vmem_shared>>) dst(%arg7 : memref<4096xi32, #tpu.memory_space<vmem>>)
      tpu.yield
    }) : () -> ()
    %broadcast_in_dim3A_189 = arith.constant -1 : i32
    %broadcast_in_dim3A_190 = vector.broadcast %broadcast_in_dim3A_189 : i32 to vector<16xi32>
    %scan3A_191 = arith.constant 0 : i32
    %scan3A_192 = arith.constant 0 : i32
    %scan3A_193 = arith.constant 16 : i32
    %scan3A_194 = arith.addi %scan3A_192, %scan3A_193 : i32
    %scan3A_195 = arith.constant 1 : i32
    %scan3A_196:4 = scf.for %scan3A_279 = %scan3A_192 to %scan3A_194 step %scan3A_195 iter_args(%scan3A_280 = %scan3A_191, %scan3A_281 = %broadcast_in_dim3A_190, %scan3A_282 = %broadcast_in_dim3A_190, %scan3A_283 = %broadcast_in_dim3A_190) -> (i32, vector<16xi32>, vector<16xi32>, vector<16xi32>)  : i32 {
      %mul3A_284 = arith.constant 16 : i32
      %mul3A_285 = arith.muli %scan3A_279, %mul3A_284 : i32
      %get3A = arith.index_cast %mul3A_285 : i32 to index
      %get3A_286 = tpu.vector_load %arg7[%get3A] {strides = array<i32>} : memref<4096xi32, #tpu.memory_space<vmem>>, vector<16xi32>,
      %mul3A_287 = arith.constant 16 : i32
      %mul3A_288 = arith.muli %scan3A_279, %mul3A_287 : i32
      %add3A_289 = arith.constant 256 : i32
      %add3A_290 = arith.addi %add3A_289, %mul3A_288 : i32
      %get3A_291 = arith.index_cast %add3A_290 : i32 to index
      %get3A_292 = tpu.vector_load %arg7[%get3A_291] {strides = array<i32>} : memref<4096xi32, #tpu.memory_space<vmem>>, vector<16xi32>,
      %add3A_293 = arith.addi %get3A_286, %get3A_292 : vector<16xi32>
      %mul3A_294 = arith.constant 16 : i32
      %mul3A_295 = arith.muli %scan3A_279, %mul3A_294 : i32
      %add3A_296 = arith.constant 512 : i32
      %add3A_297 = arith.addi %add3A_296, %mul3A_295 : i32
      %get3A_298 = arith.index_cast %add3A_297 : i32 to index
      %get3A_299 = tpu.vector_load %arg7[%get3A_298] {strides = array<i32>} : memref<4096xi32, #tpu.memory_space<vmem>>, vector<16xi32>,
      %add3A_300 = arith.addi %add3A_293, %get3A_299 : vector<16xi32>
      %mul3A_301 = arith.constant 16 : i32
      %mul3A_302 = arith.muli %scan3A_279, %mul3A_301 : i32
      %add3A_303 = arith.constant 768 : i32
      %add3A_304 = arith.addi %add3A_303, %mul3A_302 : i32
      %get3A_305 = arith.index_cast %add3A_304 : i32 to index
      %get3A_306 = tpu.vector_load %arg7[%get3A_305] {strides = array<i32>} : memref<4096xi32, #tpu.memory_space<vmem>>, vector<16xi32>,
      %add3A_307 = arith.addi %add3A_300, %get3A_306 : vector<16xi32>
      %mul3A_308 = arith.constant 16 : i32
      %mul3A_309 = arith.muli %scan3A_279, %mul3A_308 : i32
      %add3A_310 = arith.constant 1024 : i32
      %add3A_311 = arith.addi %add3A_310, %mul3A_309 : i32
      %get3A_312 = arith.index_cast %add3A_311 : i32 to index
      %get3A_313 = tpu.vector_load %arg7[%get3A_312] {strides = array<i32>} : memref<4096xi32, #tpu.memory_space<vmem>>, vector<16xi32>,
      %add3A_314 = arith.addi %add3A_307, %get3A_313 : vector<16xi32>
      %mul3A_315 = arith.constant 16 : i32
      %mul3A_316 = arith.muli %scan3A_279, %mul3A_315 : i32
      %add3A_317 = arith.constant 1280 : i32
      %add3A_318 = arith.addi %add3A_317, %mul3A_316 : i32
      %get3A_319 = arith.index_cast %add3A_318 : i32 to index
      %get3A_320 = tpu.vector_load %arg7[%get3A_319] {strides = array<i32>} : memref<4096xi32, #tpu.memory_space<vmem>>, vector<16xi32>,
      %add3A_321 = arith.addi %add3A_314, %get3A_320 : vector<16xi32>
      %mul3A_322 = arith.constant 16 : i32
      %mul3A_323 = arith.muli %scan3A_279, %mul3A_322 : i32
      %add3A_324 = arith.constant 1536 : i32
      %add3A_325 = arith.addi %add3A_324, %mul3A_323 : i32
      %get3A_326 = arith.index_cast %add3A_325 : i32 to index
      %get3A_327 = tpu.vector_load %arg7[%get3A_326] {strides = array<i32>} : memref<4096xi32, #tpu.memory_space<vmem>>, vector<16xi32>,
      %add3A_328 = arith.addi %add3A_321, %get3A_327 : vector<16xi32>
      %mul3A_329 = arith.constant 16 : i32
      %mul3A_330 = arith.muli %scan3A_279, %mul3A_329 : i32
      %add3A_331 = arith.constant 1792 : i32
      %add3A_332 = arith.addi %add3A_331, %mul3A_330 : i32
      %get3A_333 = arith.index_cast %add3A_332 : i32 to index
      %get3A_334 = tpu.vector_load %arg7[%get3A_333] {strides = array<i32>} : memref<4096xi32, #tpu.memory_space<vmem>>, vector<16xi32>,
      %add3A_335 = arith.addi %add3A_328, %get3A_334 : vector<16xi32>
      %mul3A_336 = arith.constant 16 : i32
      %mul3A_337 = arith.muli %scan3A_279, %mul3A_336 : i32
      %add3A_338 = arith.constant 2048 : i32
      %add3A_339 = arith.addi %add3A_338, %mul3A_337 : i32
      %get3A_340 = arith.index_cast %add3A_339 : i32 to index
      %get3A_341 = tpu.vector_load %arg7[%get3A_340] {strides = array<i32>} : memref<4096xi32, #tpu.memory_space<vmem>>, vector<16xi32>,
      %add3A_342 = arith.addi %add3A_335, %get3A_341 : vector<16xi32>
      %mul3A_343 = arith.constant 16 : i32
      %mul3A_344 = arith.muli %scan3A_279, %mul3A_343 : i32
      %add3A_345 = arith.constant 2304 : i32
      %add3A_346 = arith.addi %add3A_345, %mul3A_344 : i32
      %get3A_347 = arith.index_cast %add3A_346 : i32 to index
      %get3A_348 = tpu.vector_load %arg7[%get3A_347] {strides = array<i32>} : memref<4096xi32, #tpu.memory_space<vmem>>, vector<16xi32>,
      %add3A_349 = arith.addi %add3A_342, %get3A_348 : vector<16xi32>
      %mul3A_350 = arith.constant 16 : i32
      %mul3A_351 = arith.muli %scan3A_279, %mul3A_350 : i32
      %add3A_352 = arith.constant 2560 : i32
      %add3A_353 = arith.addi %add3A_352, %mul3A_351 : i32
      %get3A_354 = arith.index_cast %add3A_353 : i32 to index
      %get3A_355 = tpu.vector_load %arg7[%get3A_354] {strides = array<i32>} : memref<4096xi32, #tpu.memory_space<vmem>>, vector<16xi32>,
      %add3A_356 = arith.addi %add3A_349, %get3A_355 : vector<16xi32>
      %mul3A_357 = arith.constant 16 : i32
      %mul3A_358 = arith.muli %scan3A_279, %mul3A_357 : i32
      %add3A_359 = arith.constant 2816 : i32
      %add3A_360 = arith.addi %add3A_359, %mul3A_358 : i32
      %get3A_361 = arith.index_cast %add3A_360 : i32 to index
      %get3A_362 = tpu.vector_load %arg7[%get3A_361] {strides = array<i32>} : memref<4096xi32, #tpu.memory_space<vmem>>, vector<16xi32>,
      %add3A_363 = arith.addi %add3A_356, %get3A_362 : vector<16xi32>
      %mul3A_364 = arith.constant 16 : i32
      %mul3A_365 = arith.muli %scan3A_279, %mul3A_364 : i32
      %add3A_366 = arith.constant 3072 : i32
      %add3A_367 = arith.addi %add3A_366, %mul3A_365 : i32
      %get3A_368 = arith.index_cast %add3A_367 : i32 to index
      %get3A_369 = tpu.vector_load %arg7[%get3A_368] {strides = array<i32>} : memref<4096xi32, #tpu.memory_space<vmem>>, vector<16xi32>,
      %add3A_370 = arith.addi %add3A_363, %get3A_369 : vector<16xi32>
      %mul3A_371 = arith.constant 16 : i32
      %mul3A_372 = arith.muli %scan3A_279, %mul3A_371 : i32
      %add3A_373 = arith.constant 3328 : i32
      %add3A_374 = arith.addi %add3A_373, %mul3A_372 : i32
      %get3A_375 = arith.index_cast %add3A_374 : i32 to index
      %get3A_376 = tpu.vector_load %arg7[%get3A_375] {strides = array<i32>} : memref<4096xi32, #tpu.memory_space<vmem>>, vector<16xi32>,
      %add3A_377 = arith.addi %add3A_370, %get3A_376 : vector<16xi32>
      %mul3A_378 = arith.constant 16 : i32
      %mul3A_379 = arith.muli %scan3A_279, %mul3A_378 : i32
      %add3A_380 = arith.constant 3584 : i32
      %add3A_381 = arith.addi %add3A_380, %mul3A_379 : i32
      %get3A_382 = arith.index_cast %add3A_381 : i32 to index
      %get3A_383 = tpu.vector_load %arg7[%get3A_382] {strides = array<i32>} : memref<4096xi32, #tpu.memory_space<vmem>>, vector<16xi32>,
      %add3A_384 = arith.addi %add3A_377, %get3A_383 : vector<16xi32>
      %mul3A_385 = arith.constant 16 : i32
      %mul3A_386 = arith.muli %scan3A_279, %mul3A_385 : i32
      %add3A_387 = arith.constant 3840 : i32
      %add3A_388 = arith.addi %add3A_387, %mul3A_386 : i32
      %get3A_389 = arith.index_cast %add3A_388 : i32 to index
      %get3A_390 = tpu.vector_load %arg7[%get3A_389] {strides = array<i32>} : memref<4096xi32, #tpu.memory_space<vmem>>, vector<16xi32>,
      %add3A_391 = arith.addi %add3A_384, %get3A_390 : vector<16xi32>
      %broadcast_in_dim3A_392 = arith.constant true
      %broadcast_in_dim3A_393 = vector.broadcast %broadcast_in_dim3A_392 : i1 to vector<16xi1>
      %masked_cumsum3A = tpu.scan <sum>, %add3A_391 masked %broadcast_in_dim3A_393 : vector<16xi32>, vector<16xi1> -> vector<16xi32>
      %add3A_394 = vector.broadcast %scan3A_280 : i32 to vector<16xi32>
      %add3A_395 = arith.addi %add3A_394, %masked_cumsum3A : vector<16xi32>
      %sub3A_396 = arith.subi %add3A_395, %add3A_391 : vector<16xi32>
      %le3A = vector.broadcast %sub3A_169 : i32 to vector<16xi32>
      %le3A_397 = arith.cmpi sle, %sub3A_396, %le3A : vector<16xi32>
      %add3A_398 = arith.addi %sub3A_396, %add3A_391 : vector<16xi32>
      %gt3A = vector.broadcast %sub3A_169 : i32 to vector<16xi32>
      %gt3A_399 = arith.cmpi sgt, %add3A_398, %gt3A : vector<16xi32>
      %and3A_400 = arith.andi %le3A_397, %gt3A_399 : vector<16xi1>
      %mul3A_401 = arith.constant 16 : i32
      %mul3A_402 = arith.muli %scan3A_279, %mul3A_401 : i32
      %add3A_403 = vector.broadcast %mul3A_402 : i32 to vector<16xi32>
      %add3A_404 = arith.addi %add3A_403, %iota3A : vector<16xi32>
      %jit3A_405 = arith.constant -1 : i32
      %broadcast_in_dim3A_406 = vector.broadcast %jit3A_405 : i32 to vector<16xi32>
      %select_n3A_407 = arith.select %and3A_400, %add3A_404, %broadcast_in_dim3A_406 : vector<16xi1>, vector<16xi32>
      %max3A = arith.maxsi %scan3A_281, %select_n3A_407 : vector<16xi32>
      %jit3A_408 = arith.constant -1 : i32
      %broadcast_in_dim3A_409 = vector.broadcast %jit3A_408 : i32 to vector<16xi32>
      %select_n3A_410 = arith.select %and3A_400, %sub3A_396, %broadcast_in_dim3A_409 : vector<16xi1>, vector<16xi32>
      %max3A_411 = arith.maxsi %scan3A_282, %select_n3A_410 : vector<16xi32>
      %jit3A_412 = arith.constant -1 : i32
      %broadcast_in_dim3A_413 = vector.broadcast %jit3A_412 : i32 to vector<16xi32>
      %select_n3A_414 = arith.select %and3A_400, %add3A_391, %broadcast_in_dim3A_413 : vector<16xi1>, vector<16xi32>
      %max3A_415 = arith.maxsi %scan3A_283, %select_n3A_414 : vector<16xi32>
      %reduce_sum3A_416 = arith.constant true
      %reduce_sum3A_417 = vector.broadcast %reduce_sum3A_416 : i1 to vector<16xi1>
      %reduce_sum3A_418 = tpu.scan <sum>, %add3A_391 masked %reduce_sum3A_417 : vector<16xi32>, vector<16xi1> -> vector<16xi32>
      %reduce_sum3A_419 = vector.extract %reduce_sum3A_418[15] : i32 from vector<16xi32>
      %add3A_420 = arith.addi %scan3A_280, %reduce_sum3A_419 : i32
      scf.yield %add3A_420, %max3A, %max3A_411, %max3A_415 : i32, vector<16xi32>, vector<16xi32>, vector<16xi32>
    }
    %scan3A_197 = arith.constant 16 : i32
    %reduce_max3A_198 = arith.constant true
    %reduce_max3A_199 = vector.broadcast %reduce_max3A_198 : i1 to vector<16xi1>
    %reduce_max3A_200 = arith.constant -2147483648 : i32
    %reduce_max3A_201 = vector.broadcast %reduce_max3A_200 : i32 to vector<16xi32>
    %reduce_max3A_202 = arith.xori %scan3A_196#1, %reduce_max3A_201 : vector<16xi32>
    %reduce_max3A_203 = tpu.scan <max>, %reduce_max3A_202 masked %reduce_max3A_199 : vector<16xi32>, vector<16xi1> -> vector<16xi32>
    %reduce_max3A_204 = arith.xori %reduce_max3A_203, %reduce_max3A_201 : vector<16xi32>
    %reduce_max3A_205 = vector.extract %reduce_max3A_204[15] : i32 from vector<16xi32>
    %reduce_max3A_206 = arith.constant true
    %reduce_max3A_207 = vector.broadcast %reduce_max3A_206 : i1 to vector<16xi1>
    %reduce_max3A_208 = arith.constant -2147483648 : i32
    %reduce_max3A_209 = vector.broadcast %reduce_max3A_208 : i32 to vector<16xi32>
    %reduce_max3A_210 = arith.xori %scan3A_196#2, %reduce_max3A_209 : vector<16xi32>
    %reduce_max3A_211 = tpu.scan <max>, %reduce_max3A_210 masked %reduce_max3A_207 : vector<16xi32>, vector<16xi1> -> vector<16xi32>
    %reduce_max3A_212 = arith.xori %reduce_max3A_211, %reduce_max3A_209 : vector<16xi32>
    %reduce_max3A_213 = vector.extract %reduce_max3A_212[15] : i32 from vector<16xi32>
    %reduce_max3A_214 = arith.constant true
    %reduce_max3A_215 = vector.broadcast %reduce_max3A_214 : i1 to vector<16xi1>
    %reduce_max3A_216 = arith.constant -2147483648 : i32
    %reduce_max3A_217 = vector.broadcast %reduce_max3A_216 : i32 to vector<16xi32>
    %reduce_max3A_218 = arith.xori %scan3A_196#3, %reduce_max3A_217 : vector<16xi32>
    %reduce_max3A_219 = tpu.scan <max>, %reduce_max3A_218 masked %reduce_max3A_215 : vector<16xi32>, vector<16xi1> -> vector<16xi32>
    %reduce_max3A_220 = arith.xori %reduce_max3A_219, %reduce_max3A_217 : vector<16xi32>
    %reduce_max3A_221 = vector.extract %reduce_max3A_220[15] : i32 from vector<16xi32>
    %sub3A_222 = arith.subi %scan3A_196#0, %reduce_max3A_213 : i32
    %sub3A_223 = arith.subi %sub3A_222, %reduce_max3A_221 : i32
    %add3A_224 = arith.addi %add3A_168, %sub3A_223 : i32
    %sub3A_225 = arith.subi %sub3A_169, %reduce_max3A_213 : i32
    %shift_left3A_226 = arith.constant 0 : i32
    %shift_left3A_227 = arith.shli %reduce_max3A_205, %shift_left3A_226 : i32
    %or3A_228 = arith.ori %or3A_172, %shift_left3A_227 : i32
    %broadcast_in_dim3A_229 = vector.broadcast %or3A_228 : i32 to vector<16xi32>
    %broadcast_in_dim3A_230 = arith.constant 31 : i32
    %broadcast_in_dim3A_231 = vector.broadcast %broadcast_in_dim3A_230 : i32 to vector<16xi32>
    %shift_right_arithmetic3A = arith.shrsi %broadcast_in_dim3A_229, %broadcast_in_dim3A_231 : vector<16xi32>
    %and3A = arith.constant 2147483647 : i32
    %and3A_232 = vector.broadcast %and3A : i32 to vector<16xi32>
    %and3A_233 = arith.andi %shift_right_arithmetic3A, %and3A_232 : vector<16xi32>
    %xor3A_234 = arith.xori %broadcast_in_dim3A_229, %and3A_233 : vector<16xi32>
    %bitcast_convert_type3A = tpu.bitcast %xor3A_234 : vector<16xi32> -> vector<16xf32>
    %broadcast_in_dim3A_235 = vector.broadcast %or3A_228 : i32 to vector<16xi32>
    %broadcast_in_dim3A_236 = arith.constant 0.000000e+00 : f32
    %broadcast_in_dim3A_237 = vector.broadcast %broadcast_in_dim3A_236 : f32 to vector<16xf32>
    %broadcast_in_dim3A_238 = arith.constant 2147483647 : i32
    %broadcast_in_dim3A_239 = vector.broadcast %broadcast_in_dim3A_238 : i32 to vector<16xi32>
    %parallel_loop3A_240 = arith.constant 0 : i32
    %parallel_loop3A_241 = arith.constant 4096 : i32
    %parallel_loop3A_242 = arith.constant 1 : i32
    %parallel_loop3A_243:2 = scf.for %parallel_loop3A_279 = %parallel_loop3A_240 to %parallel_loop3A_241 step %parallel_loop3A_242 iter_args(%parallel_loop3A_280 = %broadcast_in_dim3A_237, %parallel_loop3A_281 = %broadcast_in_dim3A_239) -> (vector<16xf32>, vector<16xi32>)  : i32 {
      %parallel_loop3A_282 = arith.constant 16 : i32
      %parallel_loop3A_283 = arith.muli %parallel_loop3A_279, %parallel_loop3A_282 : i32
      %parallel_loop3A_284 = arith.index_cast %parallel_loop3A_283 : i32 to index
      %parallel_loop3A_285 = tpu.vector_load %arg4[%parallel_loop3A_284] {strides = array<i32>} : memref<65536xf32, #tpu.memory_space<vmem>>, vector<16xf32>,
      %parallel_loop3A_286 = tpu.bitcast %parallel_loop3A_285 : vector<16xf32> -> vector<16xi32>
      %parallel_loop3A_287 = arith.constant 31 : i32
      %parallel_loop3A_288 = vector.broadcast %parallel_loop3A_287 : i32 to vector<16xi32>
      %parallel_loop3A_289 = arith.shrsi %parallel_loop3A_286, %parallel_loop3A_288 : vector<16xi32>
      %parallel_loop3A_290 = arith.constant 2147483647 : i32
      %parallel_loop3A_291 = vector.broadcast %parallel_loop3A_290 : i32 to vector<16xi32>
      %parallel_loop3A_292 = arith.andi %parallel_loop3A_289, %parallel_loop3A_291 : vector<16xi32>
      %parallel_loop3A_293 = arith.xori %parallel_loop3A_286, %parallel_loop3A_292 : vector<16xi32>
      %parallel_loop3A_294 = tpu.bitcast %parallel_loop3A_293 : vector<16xi32> -> vector<16xf32>
      %parallel_loop3A_295 = arith.cmpi sgt, %parallel_loop3A_286, %broadcast_in_dim3A_235 : vector<16xi32>
      %parallel_loop3A_296 = arith.constant 0.000000e+00 : f32
      %parallel_loop3A_297 = vector.broadcast %parallel_loop3A_296 : f32 to vector<16xf32>
      %parallel_loop3A_298 = arith.select %parallel_loop3A_295, %parallel_loop3A_294, %parallel_loop3A_297 : vector<16xi1>, vector<16xf32>
      %parallel_loop3A_299 = arith.addf %parallel_loop3A_280, %parallel_loop3A_298 : vector<16xf32>
      %parallel_loop3A_300 = arith.constant 2147483647 : i32
      %parallel_loop3A_301 = vector.broadcast %parallel_loop3A_300 : i32 to vector<16xi32>
      %parallel_loop3A_302 = arith.select %parallel_loop3A_295, %parallel_loop3A_286, %parallel_loop3A_301 : vector<16xi1>, vector<16xi32>
      %parallel_loop3A_303 = arith.minsi %parallel_loop3A_281, %parallel_loop3A_302 : vector<16xi32>
      scf.yield %parallel_loop3A_299, %parallel_loop3A_303 : vector<16xf32>, vector<16xi32>
    } {sc.loop_unroll_factor = 8 : i64, sc.parallel_access}
    %eq3A = arith.constant 0 : i32
    %eq3A_244 = vector.broadcast %eq3A : i32 to vector<16xi32>
    %eq3A_245 = arith.cmpi eq, %iota3A, %eq3A_244 : vector<16xi32>
    %reduce_sum3A = arith.constant true
    %reduce_sum3A_246 = vector.broadcast %reduce_sum3A : i1 to vector<16xi1>
    %reduce_sum3A_247 = tpu.scan <sum>, %parallel_loop3A_243#0 masked %reduce_sum3A_246 : vector<16xf32>, vector<16xi1> -> vector<16xf32>
    %reduce_sum3A_248 = vector.extract %reduce_sum3A_247[15] : f32 from vector<16xf32>
    %jit3A = arith.constant 0.000000e+00 : f32
    %broadcast_in_dim3A_249 = vector.broadcast %reduce_sum3A_248 : f32 to vector<16xf32>
    %broadcast_in_dim3A_250 = vector.broadcast %jit3A : f32 to vector<16xf32>
    %select_n3A = arith.select %eq3A_245, %broadcast_in_dim3A_249, %broadcast_in_dim3A_250 : vector<16xi1>, vector<16xf32>
    %swap3A = arith.constant 0 : index
    %swap3A_251 = tpu.vector_load %arg8[%swap3A] {strides = array<i32>} : memref<16xf32, #tpu.memory_space<vmem>>, vector<16xf32>,
    tpu.vector_store %arg8[%swap3A], %select_n3A {strides = array<i32>} : memref<16xf32, #tpu.memory_space<vmem>>, vector<16xf32>,
    %eq3A_252 = arith.constant 0 : i32
    %eq3A_253 = vector.broadcast %eq3A_252 : i32 to vector<16xi32>
    %eq3A_254 = arith.cmpi eq, %iota3A, %eq3A_253 : vector<16xi32>
    %reduce_min3A = arith.constant true
    %reduce_min3A_255 = vector.broadcast %reduce_min3A : i1 to vector<16xi1>
    %reduce_min3A_256 = arith.constant -2147483648 : i32
    %reduce_min3A_257 = vector.broadcast %reduce_min3A_256 : i32 to vector<16xi32>
    %reduce_min3A_258 = arith.xori %parallel_loop3A_243#1, %reduce_min3A_257 : vector<16xi32>
    %reduce_min3A_259 = tpu.scan <min>, %reduce_min3A_258 masked %reduce_min3A_255 : vector<16xi32>, vector<16xi1> -> vector<16xi32>
    %reduce_min3A_260 = arith.xori %reduce_min3A_259, %reduce_min3A_257 : vector<16xi32>
    %reduce_min3A_261 = vector.extract %reduce_min3A_260[15] : i32 from vector<16xi32>
    %jit3A_262 = arith.constant 2147483647 : i32
    %broadcast_in_dim3A_263 = vector.broadcast %reduce_min3A_261 : i32 to vector<16xi32>
    %broadcast_in_dim3A_264 = vector.broadcast %jit3A_262 : i32 to vector<16xi32>
    %select_n3A_265 = arith.select %eq3A_254, %broadcast_in_dim3A_263, %broadcast_in_dim3A_264 : vector<16xi1>, vector<16xi32>
    %swap3A_266 = arith.constant 0 : index
    %swap3A_267 = tpu.vector_load %arg9[%swap3A_266] {strides = array<i32>} : memref<16xi32, #tpu.memory_space<vmem>>, vector<16xi32>,
    tpu.vector_store %arg9[%swap3A_266], %select_n3A_265 {strides = array<i32>} : memref<16xi32, #tpu.memory_space<vmem>>, vector<16xi32>,
    %mul3A_268 = arith.constant 16 : i32
    %mul3A_269 = arith.muli %arg1, %mul3A_268 : i32
    "tpu.region"() ({
      %run_scoped3A = tpu.sem_alloc : memref<!tpu.dma_semaphore, #tpu.memory_space<semaphore_mem>>
      %dma_start3A_279 = tpu.memref_slice %arg14[%mul3A_269] : memref<256xf32, #tpu.memory_space<vmem_shared>> -> memref<16xf32, #tpu.memory_space<vmem_shared>>
      %dma_start3A_280 = tpu.memref_slice %arg14[%mul3A_269] : memref<256xf32, #tpu.memory_space<vmem_shared>> -> memref<16xf32, #tpu.memory_space<vmem_shared>>
      tpu.enqueue_dma source(%arg8 : memref<16xf32, #tpu.memory_space<vmem>>) target(%dma_start3A_280 : memref<16xf32, #tpu.memory_space<vmem_shared>>) target_semaphore(%run_scoped3A : memref<!tpu.dma_semaphore, #tpu.memory_space<semaphore_mem>>)
      %dma_wait3A_281 = tpu.memref_slice %arg14[%mul3A_269] : memref<256xf32, #tpu.memory_space<vmem_shared>> -> memref<16xf32, #tpu.memory_space<vmem_shared>>
      %dma_wait3A_282 = tpu.memref_slice %arg14[%mul3A_269] : memref<256xf32, #tpu.memory_space<vmem_shared>> -> memref<16xf32, #tpu.memory_space<vmem_shared>>
      tpu.wait_dma2 semaphore(%run_scoped3A : memref<!tpu.dma_semaphore, #tpu.memory_space<semaphore_mem>>) src(%arg8 : memref<16xf32, #tpu.memory_space<vmem>>) dst(%dma_wait3A_282 : memref<16xf32, #tpu.memory_space<vmem_shared>>)
      tpu.yield
    }) : () -> ()
    %mul3A_270 = arith.constant 16 : i32
    %mul3A_271 = arith.muli %arg1, %mul3A_270 : i32
    "tpu.region"() ({
      %run_scoped3A = tpu.sem_alloc : memref<!tpu.dma_semaphore, #tpu.memory_space<semaphore_mem>>
      %dma_start3A_279 = tpu.memref_slice %arg15[%mul3A_271] : memref<256xi32, #tpu.memory_space<vmem_shared>> -> memref<16xi32, #tpu.memory_space<vmem_shared>>
      %dma_start3A_280 = tpu.memref_slice %arg15[%mul3A_271] : memref<256xi32, #tpu.memory_space<vmem_shared>> -> memref<16xi32, #tpu.memory_space<vmem_shared>>
      tpu.enqueue_dma source(%arg9 : memref<16xi32, #tpu.memory_space<vmem>>) target(%dma_start3A_280 : memref<16xi32, #tpu.memory_space<vmem_shared>>) target_semaphore(%run_scoped3A : memref<!tpu.dma_semaphore, #tpu.memory_space<semaphore_mem>>)
      %dma_wait3A_281 = tpu.memref_slice %arg15[%mul3A_271] : memref<256xi32, #tpu.memory_space<vmem_shared>> -> memref<16xi32, #tpu.memory_space<vmem_shared>>
      %dma_wait3A_282 = tpu.memref_slice %arg15[%mul3A_271] : memref<256xi32, #tpu.memory_space<vmem_shared>> -> memref<16xi32, #tpu.memory_space<vmem_shared>>
      tpu.wait_dma2 semaphore(%run_scoped3A : memref<!tpu.dma_semaphore, #tpu.memory_space<semaphore_mem>>) src(%arg9 : memref<16xi32, #tpu.memory_space<vmem>>) dst(%dma_wait3A_282 : memref<16xi32, #tpu.memory_space<vmem_shared>>)
      tpu.yield
    }) : () -> ()
    %barrier3A_272 = arith.constant 0 : index
    tpu.barrier barrier_id(%barrier3A_272)
    %eq3A_273 = arith.constant 0 : i32
    %eq3A_274 = arith.cmpi eq, %arg0, %eq3A_273 : i32
    %eq3A_275 = arith.constant 0 : i32
    %eq3A_276 = arith.cmpi eq, %arg1, %eq3A_275 : i32
    %and3A_277 = arith.andi %eq3A_274, %eq3A_276 : i1
    %convert_element_type3A = arith.extui %and3A_277 : i1 to i32
    %cond3A = arith.constant 0 : i32
    %cond3A_278 = arith.cmpi ne, %convert_element_type3A, %cond3A : i32
    scf.if %cond3A_278 {
      "tpu.region"() ({
        %run_scoped3A = tpu.sem_alloc : memref<!tpu.dma_semaphore, #tpu.memory_space<semaphore_mem>>
        tpu.enqueue_dma source(%arg14 : memref<256xf32, #tpu.memory_space<vmem_shared>>) target(%arg10 : memref<256xf32, #tpu.memory_space<vmem>>) target_semaphore(%run_scoped3A : memref<!tpu.dma_semaphore, #tpu.memory_space<semaphore_mem>>)
        tpu.wait_dma2 semaphore(%run_scoped3A : memref<!tpu.dma_semaphore, #tpu.memory_space<semaphore_mem>>) src(%arg14 : memref<256xf32, #tpu.memory_space<vmem_shared>>) dst(%arg10 : memref<256xf32, #tpu.memory_space<vmem>>)
        tpu.yield
      }) : () -> ()
      "tpu.region"() ({
        %run_scoped3A = tpu.sem_alloc : memref<!tpu.dma_semaphore, #tpu.memory_space<semaphore_mem>>
        tpu.enqueue_dma source(%arg15 : memref<256xi32, #tpu.memory_space<vmem_shared>>) target(%arg11 : memref<256xi32, #tpu.memory_space<vmem>>) target_semaphore(%run_scoped3A : memref<!tpu.dma_semaphore, #tpu.memory_space<semaphore_mem>>)
        tpu.wait_dma2 semaphore(%run_scoped3A : memref<!tpu.dma_semaphore, #tpu.memory_space<semaphore_mem>>) src(%arg15 : memref<256xi32, #tpu.memory_space<vmem_shared>>) dst(%arg11 : memref<256xi32, #tpu.memory_space<vmem>>)
        tpu.yield
      }) : () -> ()
      %broadcast_in_dim3A_279 = arith.constant 0.000000e+00 : f32
      %broadcast_in_dim3A_280 = vector.broadcast %broadcast_in_dim3A_279 : f32 to vector<16xf32>
      %broadcast_in_dim3A_281 = arith.constant 2147483647 : i32
      %broadcast_in_dim3A_282 = vector.broadcast %broadcast_in_dim3A_281 : i32 to vector<16xi32>
      %get3A = arith.constant 0 : index
      %get3A_283 = tpu.vector_load %arg10[%get3A] {strides = array<i32>} : memref<256xf32, #tpu.memory_space<vmem>>, vector<16xf32>,
      %add3A_284 = arith.addf %broadcast_in_dim3A_280, %get3A_283 : vector<16xf32>
      %get3A_285 = arith.constant 0 : index
      %get3A_286 = tpu.vector_load %arg11[%get3A_285] {strides = array<i32>} : memref<256xi32, #tpu.memory_space<vmem>>, vector<16xi32>,
      %min3A = arith.minsi %broadcast_in_dim3A_282, %get3A_286 : vector<16xi32>
      %get3A_287 = arith.constant 16 : index
      %get3A_288 = tpu.vector_load %arg10[%get3A_287] {strides = array<i32>} : memref<256xf32, #tpu.memory_space<vmem>>, vector<16xf32>,
      %add3A_289 = arith.addf %add3A_284, %get3A_288 : vector<16xf32>
      %get3A_290 = arith.constant 16 : index
      %get3A_291 = tpu.vector_load %arg11[%get3A_290] {strides = array<i32>} : memref<256xi32, #tpu.memory_space<vmem>>, vector<16xi32>,
      %min3A_292 = arith.minsi %min3A, %get3A_291 : vector<16xi32>
      %get3A_293 = arith.constant 32 : index
      %get3A_294 = tpu.vector_load %arg10[%get3A_293] {strides = array<i32>} : memref<256xf32, #tpu.memory_space<vmem>>, vector<16xf32>,
      %add3A_295 = arith.addf %add3A_289, %get3A_294 : vector<16xf32>
      %get3A_296 = arith.constant 32 : index
      %get3A_297 = tpu.vector_load %arg11[%get3A_296] {strides = array<i32>} : memref<256xi32, #tpu.memory_space<vmem>>, vector<16xi32>,
      %min3A_298 = arith.minsi %min3A_292, %get3A_297 : vector<16xi32>
      %get3A_299 = arith.constant 48 : index
      %get3A_300 = tpu.vector_load %arg10[%get3A_299] {strides = array<i32>} : memref<256xf32, #tpu.memory_space<vmem>>, vector<16xf32>,
      %add3A_301 = arith.addf %add3A_295, %get3A_300 : vector<16xf32>
      %get3A_302 = arith.constant 48 : index
      %get3A_303 = tpu.vector_load %arg11[%get3A_302] {strides = array<i32>} : memref<256xi32, #tpu.memory_space<vmem>>, vector<16xi32>,
      %min3A_304 = arith.minsi %min3A_298, %get3A_303 : vector<16xi32>
      %get3A_305 = arith.constant 64 : index
      %get3A_306 = tpu.vector_load %arg10[%get3A_305] {strides = array<i32>} : memref<256xf32, #tpu.memory_space<vmem>>, vector<16xf32>,
      %add3A_307 = arith.addf %add3A_301, %get3A_306 : vector<16xf32>
      %get3A_308 = arith.constant 64 : index
      %get3A_309 = tpu.vector_load %arg11[%get3A_308] {strides = array<i32>} : memref<256xi32, #tpu.memory_space<vmem>>, vector<16xi32>,
      %min3A_310 = arith.minsi %min3A_304, %get3A_309 : vector<16xi32>
      %get3A_311 = arith.constant 80 : index
      %get3A_312 = tpu.vector_load %arg10[%get3A_311] {strides = array<i32>} : memref<256xf32, #tpu.memory_space<vmem>>, vector<16xf32>,
      %add3A_313 = arith.addf %add3A_307, %get3A_312 : vector<16xf32>
      %get3A_314 = arith.constant 80 : index
      %get3A_315 = tpu.vector_load %arg11[%get3A_314] {strides = array<i32>} : memref<256xi32, #tpu.memory_space<vmem>>, vector<16xi32>,
      %min3A_316 = arith.minsi %min3A_310, %get3A_315 : vector<16xi32>
      %get3A_317 = arith.constant 96 : index
      %get3A_318 = tpu.vector_load %arg10[%get3A_317] {strides = array<i32>} : memref<256xf32, #tpu.memory_space<vmem>>, vector<16xf32>,
      %add3A_319 = arith.addf %add3A_313, %get3A_318 : vector<16xf32>
      %get3A_320 = arith.constant 96 : index
      %get3A_321 = tpu.vector_load %arg11[%get3A_320] {strides = array<i32>} : memref<256xi32, #tpu.memory_space<vmem>>, vector<16xi32>,
      %min3A_322 = arith.minsi %min3A_316, %get3A_321 : vector<16xi32>
      %get3A_323 = arith.constant 112 : index
      %get3A_324 = tpu.vector_load %arg10[%get3A_323] {strides = array<i32>} : memref<256xf32, #tpu.memory_space<vmem>>, vector<16xf32>,
      %add3A_325 = arith.addf %add3A_319, %get3A_324 : vector<16xf32>
      %get3A_326 = arith.constant 112 : index
      %get3A_327 = tpu.vector_load %arg11[%get3A_326] {strides = array<i32>} : memref<256xi32, #tpu.memory_space<vmem>>, vector<16xi32>,
      %min3A_328 = arith.minsi %min3A_322, %get3A_327 : vector<16xi32>
      %get3A_329 = arith.constant 128 : index
      %get3A_330 = tpu.vector_load %arg10[%get3A_329] {strides = array<i32>} : memref<256xf32, #tpu.memory_space<vmem>>, vector<16xf32>,
      %add3A_331 = arith.addf %add3A_325, %get3A_330 : vector<16xf32>
      %get3A_332 = arith.constant 128 : index
      %get3A_333 = tpu.vector_load %arg11[%get3A_332] {strides = array<i32>} : memref<256xi32, #tpu.memory_space<vmem>>, vector<16xi32>,
      %min3A_334 = arith.minsi %min3A_328, %get3A_333 : vector<16xi32>
      %get3A_335 = arith.constant 144 : index
      %get3A_336 = tpu.vector_load %arg10[%get3A_335] {strides = array<i32>} : memref<256xf32, #tpu.memory_space<vmem>>, vector<16xf32>,
      %add3A_337 = arith.addf %add3A_331, %get3A_336 : vector<16xf32>
      %get3A_338 = arith.constant 144 : index
      %get3A_339 = tpu.vector_load %arg11[%get3A_338] {strides = array<i32>} : memref<256xi32, #tpu.memory_space<vmem>>, vector<16xi32>,
      %min3A_340 = arith.minsi %min3A_334, %get3A_339 : vector<16xi32>
      %get3A_341 = arith.constant 160 : index
      %get3A_342 = tpu.vector_load %arg10[%get3A_341] {strides = array<i32>} : memref<256xf32, #tpu.memory_space<vmem>>, vector<16xf32>,
      %add3A_343 = arith.addf %add3A_337, %get3A_342 : vector<16xf32>
      %get3A_344 = arith.constant 160 : index
      %get3A_345 = tpu.vector_load %arg11[%get3A_344] {strides = array<i32>} : memref<256xi32, #tpu.memory_space<vmem>>, vector<16xi32>,
      %min3A_346 = arith.minsi %min3A_340, %get3A_345 : vector<16xi32>
      %get3A_347 = arith.constant 176 : index
      %get3A_348 = tpu.vector_load %arg10[%get3A_347] {strides = array<i32>} : memref<256xf32, #tpu.memory_space<vmem>>, vector<16xf32>,
      %add3A_349 = arith.addf %add3A_343, %get3A_348 : vector<16xf32>
      %get3A_350 = arith.constant 176 : index
      %get3A_351 = tpu.vector_load %arg11[%get3A_350] {strides = array<i32>} : memref<256xi32, #tpu.memory_space<vmem>>, vector<16xi32>,
      %min3A_352 = arith.minsi %min3A_346, %get3A_351 : vector<16xi32>
      %get3A_353 = arith.constant 192 : index
      %get3A_354 = tpu.vector_load %arg10[%get3A_353] {strides = array<i32>} : memref<256xf32, #tpu.memory_space<vmem>>, vector<16xf32>,
      %add3A_355 = arith.addf %add3A_349, %get3A_354 : vector<16xf32>
      %get3A_356 = arith.constant 192 : index
      %get3A_357 = tpu.vector_load %arg11[%get3A_356] {strides = array<i32>} : memref<256xi32, #tpu.memory_space<vmem>>, vector<16xi32>,
      %min3A_358 = arith.minsi %min3A_352, %get3A_357 : vector<16xi32>
      %get3A_359 = arith.constant 208 : index
      %get3A_360 = tpu.vector_load %arg10[%get3A_359] {strides = array<i32>} : memref<256xf32, #tpu.memory_space<vmem>>, vector<16xf32>,
      %add3A_361 = arith.addf %add3A_355, %get3A_360 : vector<16xf32>
      %get3A_362 = arith.constant 208 : index
      %get3A_363 = tpu.vector_load %arg11[%get3A_362] {strides = array<i32>} : memref<256xi32, #tpu.memory_space<vmem>>, vector<16xi32>,
      %min3A_364 = arith.minsi %min3A_358, %get3A_363 : vector<16xi32>
      %get3A_365 = arith.constant 224 : index
      %get3A_366 = tpu.vector_load %arg10[%get3A_365] {strides = array<i32>} : memref<256xf32, #tpu.memory_space<vmem>>, vector<16xf32>,
      %add3A_367 = arith.addf %add3A_361, %get3A_366 : vector<16xf32>
      %get3A_368 = arith.constant 224 : index
      %get3A_369 = tpu.vector_load %arg11[%get3A_368] {strides = array<i32>} : memref<256xi32, #tpu.memory_space<vmem>>, vector<16xi32>,
      %min3A_370 = arith.minsi %min3A_364, %get3A_369 : vector<16xi32>
      %get3A_371 = arith.constant 240 : index
      %get3A_372 = tpu.vector_load %arg10[%get3A_371] {strides = array<i32>} : memref<256xf32, #tpu.memory_space<vmem>>, vector<16xf32>,
      %add3A_373 = arith.addf %add3A_367, %get3A_372 : vector<16xf32>
      %get3A_374 = arith.constant 240 : index
      %get3A_375 = tpu.vector_load %arg11[%get3A_374] {strides = array<i32>} : memref<256xi32, #tpu.memory_space<vmem>>, vector<16xi32>,
      %min3A_376 = arith.minsi %min3A_370, %get3A_375 : vector<16xi32>
      %slice3A = vector.extract_strided_slice %add3A_373 {offsets = [0], sizes = [1], strides = [1]} : vector<16xf32> to vector<1xf32>
      %squeeze3A = vector.extract %slice3A[0] : f32 from vector<1xf32>
      %convert_element_type3A_377 = arith.sitofp %add3A_224 : i32 to f32
      %convert_element_type3A_378 = arith.sitofp %reduce_max3A_221 : i32 to f32
      %slice3A_379 = vector.extract_strided_slice %min3A_376 {offsets = [0], sizes = [1], strides = [1]} : vector<16xi32> to vector<1xi32>
      %squeeze3A_380 = vector.extract %slice3A_379[0] : i32 from vector<1xi32>
      %broadcast_in_dim3A_381 = vector.broadcast %squeeze3A_380 : i32 to vector<16xi32>
      %broadcast_in_dim3A_382 = arith.constant 31 : i32
      %broadcast_in_dim3A_383 = vector.broadcast %broadcast_in_dim3A_382 : i32 to vector<16xi32>
      %shift_right_arithmetic3A_384 = arith.shrsi %broadcast_in_dim3A_381, %broadcast_in_dim3A_383 : vector<16xi32>
      %and3A_385 = arith.constant 2147483647 : i32
      %and3A_386 = vector.broadcast %and3A_385 : i32 to vector<16xi32>
      %and3A_387 = arith.andi %shift_right_arithmetic3A_384, %and3A_386 : vector<16xi32>
      %xor3A_388 = arith.xori %broadcast_in_dim3A_381, %and3A_387 : vector<16xi32>
      %bitcast_convert_type3A_389 = tpu.bitcast %xor3A_388 : vector<16xi32> -> vector<16xf32>
      %sub3A_390 = arith.constant 0x49800000 : f32
      %sub3A_391 = arith.subf %sub3A_390, %convert_element_type3A_377 : f32
      %ge3A = arith.constant 9.961480e+05 : f32
      %ge3A_392 = arith.cmpf oge, %sub3A_391, %ge3A : f32
      %broadcast_in_dim3A_393 = vector.broadcast %ge3A_392 : i1 to vector<16xi1>
      %select_n3A_394 = arith.select %broadcast_in_dim3A_393, %bitcast_convert_type3A, %bitcast_convert_type3A_389 : vector<16xi1>, vector<16xf32>
      %mul3A_395 = arith.constant 7.500000e-01 : f32
      %mul3A_396 = vector.broadcast %mul3A_395 : f32 to vector<16xf32>
      %mul3A_397 = arith.mulf %bitcast_convert_type3A, %mul3A_396 : vector<16xf32>
      %mul3A_398 = arith.constant 2.500000e-01 : f32
      %mul3A_399 = vector.broadcast %mul3A_398 : f32 to vector<16xf32>
      %mul3A_400 = arith.mulf %select_n3A_394, %mul3A_399 : vector<16xf32>
      %add3A_401 = arith.addf %mul3A_397, %mul3A_400 : vector<16xf32>
      %le3A = arith.cmpf ole, %add3A_401, %bitcast_convert_type3A : vector<16xf32>
      %mul3A_402 = vector.broadcast %convert_element_type3A_378 : f32 to vector<16xf32>
      %mul3A_403 = arith.mulf %mul3A_402, %bitcast_convert_type3A : vector<16xf32>
      %add3A_404 = vector.broadcast %squeeze3A : f32 to vector<16xf32>
      %add3A_405 = arith.addf %add3A_404, %mul3A_403 : vector<16xf32>
      %broadcast_in_dim3A_406 = vector.broadcast %squeeze3A : f32 to vector<16xf32>
      %select_n3A_407 = arith.select %le3A, %add3A_405, %broadcast_in_dim3A_406 : vector<16xi1>, vector<16xf32>
      %add3A_408 = arith.addf %convert_element_type3A_377, %convert_element_type3A_378 : f32
      %broadcast_in_dim3A_409 = vector.broadcast %convert_element_type3A_377 : f32 to vector<16xf32>
      %broadcast_in_dim3A_410 = vector.broadcast %add3A_408 : f32 to vector<16xf32>
      %select_n3A_411 = arith.select %le3A, %broadcast_in_dim3A_410, %broadcast_in_dim3A_409 : vector<16xi1>, vector<16xf32>
      %div3A = arith.divf %select_n3A_407, %select_n3A_411 : vector<16xf32>
      %swap3A_412 = arith.constant 0 : index
      %swap3A_413 = tpu.vector_load %arg12[%swap3A_412] {strides = array<i32>} : memref<16xf32, #tpu.memory_space<vmem>>, vector<16xf32>,
      tpu.vector_store %arg12[%swap3A_412], %div3A {strides = array<i32>} : memref<16xf32, #tpu.memory_space<vmem>>, vector<16xf32>,
      "tpu.region"() ({
        %run_scoped3A = tpu.sem_alloc : memref<!tpu.dma_semaphore, #tpu.memory_space<semaphore_mem>>
        tpu.enqueue_dma source(%arg12 : memref<16xf32, #tpu.memory_space<vmem>>) target(%arg3 : memref<16xf32, #tpu.memory_space<hbm>>) target_semaphore(%run_scoped3A : memref<!tpu.dma_semaphore, #tpu.memory_space<semaphore_mem>>)
        tpu.wait_dma2 semaphore(%run_scoped3A : memref<!tpu.dma_semaphore, #tpu.memory_space<semaphore_mem>>) src(%arg12 : memref<16xf32, #tpu.memory_space<vmem>>) dst(%arg3 : memref<16xf32, #tpu.memory_space<hbm>>)
        tpu.yield
      }) : () -> ()
    } else {
    }
    return
  }
}

</mosaic_0001>

<sc_bundles>
// kernel: _es_pallas.3.cloned.1.call-start
scs
__scs_entry_jumppad:
0x0: {  	(pc) =	sbr.rel $0x88, $3  }
0x1: {  	(tag) =	ssettag $0x0;
	lr =	simm.s32 $0x1  }
0x2: {  	[smem:$0x3FA0] =	sst lr;
	_ =	strace $0xD0000000  }
0x3: {  	_ = 	snop  }
0x4: {  	_ = 	snop  }
0x5: {  	_ = 	snop  }
0x6: {  	_ = 	snop  }
0x7: {  	_ = 	snop  }
__scs_overlays_trampoline_lowered:
0x8: {  	[smem:$0x3FAF] =	sst s0  }
0x9: {  	[smem:$0x3FB0] =	sst s1  }
0xa: {  	[smem:$0x3FB1] =	sst s2  }
0xb: {  	[smem:$0x3FB2] =	sst s3  }
0xc: {  	[smem:$0x3FB3] =	sst s4  }
0xd: {  	[smem:$0x3FB4] =	sst s5  }
0xe: {  	[smem:$0x3FB5] =	sst s6  }
0xf: {  	[smem:$0x3FB6] =	sst s7  }
0x10: {  	[smem:$0x3FB7] =	sst s8  }
0x11: {  	[smem:$0x3FB8] =	sst s9;
	s0 =	simm.s32 @!p0 $0x0  }
0x12: {  	s1 =	sld [smem:$0x3F9E];
	s0 =	simm.s32 @p0 $0x1  }
0x13: {  	[smem:$0x3FB9] =	sst s0;
	s0 =	simm.s32 @!p1 $0x0  }
0x14: {  	s2 =	sld [smem:$0x3F9D];
	s0 =	simm.s32 @p1 $0x1  }
0x15: {  	[smem:$0x3FBA] =	sst s0;
	s0 =	simm.s32 @!p2 $0x0  }
0x16: {  	s3 =	sld [smem:$0x3FDB];
	s0 =	simm.s32 @p2 $0x1  }
0x17: {  	s4 =	simm.s32 $0x1BF5;
	[smem:$0x3FBC] =	sst s0  }
0x18: {  	s0 =	sld [smem:$0x3F9F];
	_ =	swait.ge [sflag:s4], $0x0  }
0x19: {  	s7 =	sld [smem:$0x3FA0]  }
0x1a: {  	s8 =	sadd.s32 $0xFFFFE003, lr  }
0x1b: {  	s9 =	sadd.s32 $0xFFFFFEF7, lr;
	s5 =	simm.s32 $0xFFFFFFFF;
	p2 =	slt.u32 s8, $0xFFFFF086  }
0x1c: {  	p1 =	slt.u32 s9, $0xF7A;
	s5 =	simm.s32 @!p2 $0x0  }
0x1d: {  	s5 =	simm.s32 @p1 $0x1;
	p0 =	seq.s32 s7, s2  }
0x1e: {  	s7 =	smul.u32 @!p0 $0xF7A, s2;
	p2 =	seq.s32 @!p0 s5, $0x0  }
0x1f: {  	s9 =	smul.u32 $0xF7A, s1;
	s8 =	simm.s32 @!p0 $0x1BF5;
	p2 =	por !p2, p0  }
0x20: {  	[sflag:s8] =	ssyncset.s32 @!p0 $0xFFFFF086;
	s6 =	sadd.s32 @!p0 s3, s7;
	s7 =	simm.s32 @!p0 $0x108  }
0x21: {  	s3 =	sadd.s32 s3, s9;
	s6 =	sadd.s32 @!p0 $0x88, s6;
	s7 =	simm.s32 @p2 $0x1082  }
0x22: {  	[simem:s7], [sflag:s8] =	dma.local @!p0 [hbm:s6], $0xF7A  }
0x23: {  	s9 =	sor.u32 $0xD0000000, s2;
	s6 =	simm.s32 $0x108;
	_ =	swait.ge @!p0 [sflag:s8], $0x0  }
0x24: {  	s3 =	sadd.s32 $0x88, s3;
	s6 =	simm.s32 @!p1 $0x1082;
	[sflag:s4] =	ssyncset.s32 $0xFFFFF086  }
0x25: {  	[simem:s6], [sflag:s4] =	dma.local [hbm:s3], $0xF7A  }
0x26: {  	[smem:$0x3FA0] =	sst s1;
	(tag) =	ssettag s2;
	_ =	strace s9  }
0x27: {  	s1 =	sld [smem:$0x3FB0]  }
0x28: {  	s2 =	sld [smem:$0x3FB1]  }
0x29: {  	s4 =	sld [smem:$0x3FB3]  }
0x2a: {  	p0 =	seq.s32 s5, $0x0;
	s5 =	sld [smem:$0x3FB4]  }
0x2b: {  	s6 =	sld [smem:$0x3FB5]  }
0x2c: {  	s7 =	sld [smem:$0x3FB6]  }
0x2d: {  	s3 =	simm.s32 $0x108;
	s8 =	sld [smem:$0x3FB7]  }
0x2e: {  	s3 =	simm.s32 @!p0 $0x1082;
	s9 =	sld [smem:$0x3FB8]  }
0x2f: {  	lr =	sadd.s32 s0, s3;
	s0 =	sld [smem:$0x3FAF]  }
0x30: {  	s3 =	sld [smem:$0x3FB2]  }
0x31: {  	[smem:$0x3FBB] =	sst s10  }
0x32: {  	s10 =	sld [smem:$0x3FB9];
	_ =	sdelay $0x3  }
0x33: {  	p0 =	seq.s32 s10, $0x1;
	s10 =	sld [smem:$0x3FBB];
	_ =	sdelay $0x3  }
0x34: {  	[smem:$0x3FBB] =	sst s10  }
0x35: {  	s10 =	sld [smem:$0x3FBA];
	_ =	sdelay $0x3  }
0x36: {  	p1 =	seq.s32 s10, $0x1;
	s10 =	sld [smem:$0x3FBB];
	_ =	sdelay $0x3  }
0x37: {  	[smem:$0x3FBB] =	sst s10  }
0x38: {  	s10 =	sld [smem:$0x3FBC]  }
0x39: {  	_ = 	snop;
	(pc) =	sbr.ind lr, $3  }
0x3a: {  	_ = 	snop  }
0x3b: {  	_ = 	snop  }
0x3c: {  	p2 =	seq.s32 s10, $0x1;
	s10 =	sld [smem:$0x3FBB]  }
0x3d: {  	_ =	shalt  }
0x3e: {  	_ =	shalt  }
0x3f: {  	_ =	shalt  }
0x40: {  	_ =	shalt  }
0x41: {  	_ =	shalt  }
0x42: {  	_ =	shalt  }
0x43: {  	_ =	shalt  }
0x44: {  	_ =	shalt  }
0x45: {  	_ =	shalt  }
0x46: {  	_ =	shalt  }
0x47: {  	_ =	shalt  }
0x48: {  	_ =	shalt  }
0x49: {  	_ =	shalt  }
0x4a: {  	_ =	shalt  }
0x4b: {  	_ =	shalt  }
0x4c: {  	_ =	shalt  }
0x4d: {  	_ =	shalt  }
0x4e: {  	_ =	shalt  }
0x4f: {  	_ =	shalt  }
0x50: {  	_ =	shalt  }
0x51: {  	_ =	shalt  }
0x52: {  	_ =	shalt  }
0x53: {  	_ =	shalt  }
0x54: {  	_ =	shalt  }
0x55: {  	_ =	shalt  }
0x56: {  	_ =	shalt  }
0x57: {  	_ =	shalt  }
0x58: {  	_ =	shalt  }
0x59: {  	_ =	shalt  }
0x5a: {  	_ =	shalt  }
0x5b: {  	_ =	shalt  }
0x5c: {  	_ =	shalt  }
0x5d: {  	_ =	shalt  }
0x5e: {  	_ =	shalt  }
0x5f: {  	_ =	shalt  }
0x60: {  	_ =	shalt  }
0x61: {  	_ =	shalt  }
0x62: {  	_ =	shalt  }
0x63: {  	_ =	shalt  }
0x64: {  	_ =	shalt  }
0x65: {  	_ =	shalt  }
0x66: {  	_ =	shalt  }
0x67: {  	_ =	shalt  }
0x68: {  	_ =	shalt  }
0x69: {  	_ =	shalt  }
0x6a: {  	_ =	shalt  }
0x6b: {  	_ =	shalt  }
0x6c: {  	_ =	shalt  }
0x6d: {  	_ =	shalt  }
0x6e: {  	_ =	shalt  }
0x6f: {  	_ =	shalt  }
0x70: {  	_ =	shalt  }
0x71: {  	_ =	shalt  }
0x72: {  	_ =	shalt  }
0x73: {  	_ =	shalt  }
0x74: {  	_ =	shalt  }
0x75: {  	_ =	shalt  }
0x76: {  	_ =	shalt  }
0x77: {  	_ =	shalt  }
0x78: {  	_ =	shalt  }
0x79: {  	_ =	shalt  }
0x7a: {  	_ =	shalt  }
0x7b: {  	_ =	shalt  }
0x7c: {  	_ =	shalt  }
0x7d: {  	_ =	shalt  }
0x7e: {  	_ =	shalt  }
0x7f: {  	_ =	shalt  }
0x80: {  	_ =	shalt  }
0x81: {  	_ =	shalt  }
0x82: {  	_ =	shalt  }
0x83: {  	_ =	shalt  }
0x84: {  	_ =	shalt  }
0x85: {  	_ =	shalt  }
0x86: {  	_ =	shalt  }
0x87: {  	_ =	shalt  }
.Lfunc_end0:
.L_simem_size_0:
called_computation_lowered:
.L_overlay_start_0:
0x88: {  	s2 =	sld [smem:$0x3FD9]  }
0x89: {  	s3 =	sld [smem:$0x3FFE];
	_ =	sdelay $0x1  }
0x8a: {  	s1 =	srdreg.scid  }
0x8b: {  	s0 =	sand.u32 $0x1, s1  }
0x8c: {  	s18 =	sshll.u32 s0, $0xA;
	s2 =	sadd.s32 s3, s2  }
0x8d: {  	s2 =	sadd.s32 s2, s18  }
0x8e: {  	[smem:$0x3FC7] =	sst s2  }
0x8f: {  	_ = 	snop  }
0x90: {  	s2 =	sld [smem:$0x3FC9]  }
0x91: {  	s19 =	sld [smem:$0x3FD0];
	(tm) =	ssettm $0x1  }
0x92: {  	s4 =	sld [smem:$0x3FFB];
	_ =	sdelay $0x3  }
0x93: {  	_ =	strace s4  }
0x94: {  	s4 =	sld [smem:$0x3FFC];
	_ =	sdelay $0x3  }
0x95: {  	_ =	strace s4  }
0x96: {  	s4 =	sld [smem:$0x3FFD];
	_ =	sdelay $0x3  }
0x97: {  	_ =	strace s4  }
0x98: {  	_ =	strace $0x8FFFFFFF  }
0x99: {  	s20 =	sld [smem:$0x3FDB];
	_ =	sdelay $0x1  }
0x9a: {  	s5 =	simm.s32 $_scs_section_size  }
0x9b: {  	s6 =	simm.s32 $_size__tile_overlayer_lowered;
	s7 =	simm.s32 $_tile_overlayer_lowered  }
0x9c: {  	s23 =	simm.s32 $0x1BFF;
	s22 =	sshll.u32 s7, $0x1;
	s4 =	sadd.s32 s5, s20  }
0x9d: {  	s8 =	simm.s32 $0x0;
	s21 =	sshll.u32 s6, $0x1;
	s6 =	sadd.s32 s22, s4  }
0x9e: {  	[timem:s8], [sflag:s23] =	dma.local [hbm:s6], s21  }
0x9f: {  	_ =	swait.ge [sflag:s23], s21  }
0xa0: {  	s5 =	ssub.s32 $0x0, s21;
	[sflag:s23] =	ssyncset.done $0x0  }
0xa1: {  	[sflag:s23] =	ssyncadd.s32 s5;
	_ =	sdelay $0x1  }
0xa2: {  	s24 =	simm.s32 $0x1B8B  }
0xa3: {  	_ =	swait.ge [sflag:s24], $0x1  }
0xa4: {  	[sflag:s24] =	ssyncset.done $0x0  }
0xa5: {  	s25 =	simm.s32 $0x1B8E;
	[sflag:s24] =	ssyncadd.s32 $0xFFFFFFFF  }
0xa6: {  	s26 =	simm.s32 $execute0_lowered;
	[smem:$0x3FD2] =	sst s25  }
0xa7: {  	s5 =	sshll.u32 s26, $0x1;
	_ =	strace $0x80000046;
	[dreg:$0x1] =	wrdreg $0xFFFFFFFF  }
0xa8: {  	s28 =	simm.s32 $_size_execute0_lowered;
	s4 =	sadd.s32 s4, s5;
	[dreg:$0x0] =	wrdreg $0x0  }
0xa9: {  	s5 =	sshll.u32 s28, $0x1;
	[dreg:$0x2] =	wrdreg s4  }
0xaa: {  	[dreg:$0x3] =	wrdreg s5  }
0xab: {  	[dreg:$0x4] =	wrdreg $0xC0  }
0xac: {  	_ =	task [dreg:s8], $0x5FFFF  }
0xad: {  	[dreg:$0x1] =	wrdreg $0xFFFFFFFF  }
0xae: {  	[dreg:$0x0] =	wrdreg $0x60  }
0xaf: {  	[dreg:$0x2] =	wrdreg s2  }
0xb0: {  	[dreg:$0x3] =	wrdreg s19  }
0xb1: {  	[dreg:$0x4] =	wrdreg $0x124800  }
0xb2: {  	[dreg:$0x5] =	wrdreg $0x128800  }
0xb3: {  	[dreg:$0x6] =	wrdreg $0x128900  }
0xb4: {  	[dreg:$0x7] =	wrdreg $0x9  }
0xb5: {  	_ =	task.clear_ibuf [dreg:s8], $0x8FFFF;
	_ =	strace $0x90000046  }
0xb6: {  	s29 =	simm.s32 $0x9;
	_ =	strace $0x80000048  }
0xb7: {  	_ =	swait.ge [sflag:s29], $0x1  }
0xb8: {  	[sflag:s29] =	ssyncadd.s32 $0xFFFFFFFF  }
0xb9: {  	_ =	strace $0x90000048  }
0xba: {  	_ =	sfence  }
0xbb: {  	s30 =	sld [smem:$0x0];
	_ =	sdelay $0x2  }
0xbc: {  	s31 =	sshll.u32 s1, $0xD;
	s1 =	sshrl.u32 s1, $0x2  }
0xbd: {  	s3 =	sand.u32 $0x4000, s31;
	s1 =	sadd.s32 s1, s30  }
0xbe: {  	s0 =	sor.u32 s3, s0;
	s1 =	sshll.u32 s1, $0x11  }
0xbf: {  	s0 =	sor.u32 s1, s0  }
0xc0: {  	s0 =	sadd.s32 $0x8F2B, s0  }
0xc1: {  	[sflag:s0] =	ssyncadd.remote.s32 $0x1  }
0xc2: {  	_ =	sfence.sel $0xFFFF  }
0xc3: {  	[dreg:$0x0] =	wrdreg $0xFFFFFFFF;
	(pc) =	sbr.abs _section_cstart, $3  }
0xc4: {  	[dreg:$0x1] =	wrdreg $0xFFFFFFFF  }
0xc5: {  	_ =	task.clear_ibuf [dreg:s8], $0x2FFFF;
	_ =	strace $0x9FFFFFFF  }
0xc6: {  	(tm) =	ssettm $0x7FFFFFFF  }
0xc7: {  	_ =	shalt  }
tec
execute0_lowered:
.L_overlay_start_1:
0x0: {  	(tag) =	ssettag $0x1  }
0x1: {  	s0 =	rddreg [dreg:$0x0]  }
0x2: {  	s6 =	rddreg [dreg:$0x2]  }
0x3: {  	s8 =	rddreg [dreg:$0x3];
	s2 =	simm.s32 $0x0;
	vm7 =	vmmov $0x1;
	v4 =	vimm.s32 $0x0  }
0x4: {  	[smem:$0x7FF] =	sst s2;
	v4 =	vsel vm7, $0xFFFFFFFF, v4  }
0x5: {  	s16 =	rddreg [dreg:$0x4];
	vm6 =	vmmov $0x3;
	_ =	strace $0x80000047;
	[tilespmem:$0x1FF80] =	vst v4;
	v4 =	vimm.s32 $0x0  }
0x6: {  	v4 =	vsel vm6, $0xFFFFFFFF, v4  }
0x7: {  	vm0 =	vmmov $0x7;
	[tilespmem:$0x1FF90] =	vst v4;
	v4 =	vimm.s32 $0x0  }
0x8: {  	v4 =	vsel vm0, $0xFFFFFFFF, v4  }
0x9: {  	vm1 =	vmmov $0xf;
	[tilespmem:$0x1FFA0] =	vst v4;
	v4 =	vimm.s32 $0x0  }
0xa: {  	s1 =	srdreg.scid;
	s17 =	stileid.u32;
	v4 =	vsel vm1, $0xFFFFFFFF, v4  }
0xb: {  	s18 =	simm.s32 $0x1;
	s19 =	simm.s32 $0x10000;
	vm2 =	vmmov $0x1f;
	s20 =	simm.s32 $0x11000;
	[tilespmem:$0x1FFB0] =	vst v4;
	v4 =	vimm.s32 $0x0  }
0xc: {  	s21 =	simm.s32 $0x2;
	s28 =	simm.s32 $0x0;
	s1 =	sand.u32 $0x1, s1;
	v4 =	vsel vm2, $0xFFFFFFFF, v4  }
0xd: {  	vm3 =	vmmov $0x3f;
	s3 =	sshll.u32 s17, $0x8;
	s5 =	sshll.u32 s17, $0xD;
	s10 =	sadd.s32 $0x1000, s6;
	[tilespmem:$0x1FFC0] =	vst v4;
	v4 =	vimm.s32 $0x0  }
0xe: {  	v0 =	vimm.s32 $0x0;
	v1 =	vlaneseq.u32;
	s12 =	sadd.s32 $0x2000, s6;
	s14 =	sadd.s32 $0x3000, s6;
	s30 =	sshll.u32 s17, $0x4;
	v4 =	vsel vm3, $0xFFFFFFFF, v4  }
.Ltmp0:
0xf: {  	v3 =	vimm.s32 $0x1;
	vm4 =	vmmov $0x7f;
	s29 =	ssub.s32 $0x2, s1;
	s7 =	sadd.s32 s3, s6;
	[tilespmem:$0x1FFD0] =	vst v4;
	v4 =	vimm.s32 $0x0;
	(pc) =	sbr.rel .LBB2_1-.Ltmp0, $4  }
0x10: {  	vm5 =	vmmov $0xff;
	vm8 =	vmmov $0x1ff;
	s0 =	sadd.s32 s0, s5;
	s15 =	sadd.s32 s30, s8;
	s16 =	sadd.s32 s30, s16;
	v4 =	vsel vm4, $0xFFFFFFFF, v4  }
0x11: {  	vm9 =	vmmov $0x3ff;
	vm10 =	vmmov $0x7ff;
	s31 =	sor.u32 s17, s1;
	s4 =	sshrl.u32 s29, $0x1;
	[dreg:$0x6] =	wrdreg s0;
	[tilespmem:$0x1FFE0] =	vst v4;
	v4 =	vimm.s32 $0x0  }
0x12: {  	vm11 =	vmmov $0xfff;
	vm12 =	vmmov $0x1fff;
	s9 =	sadd.s32 $0x1000, s7;
	s11 =	sadd.s32 $0x2000, s7;
	s2 =	ssub.s32 s29, s4;
	v4 =	vsel vm5, $0xFFFFFFFF, v4  }
0x13: {  	vm13 =	vmmov $0x3fff;
	vm14 =	vmmov $0x7fff;
	v2 =	vor.u32 $0x800, v1;
	s13 =	sadd.s32 $0x3000, s7;
	p0 =	sne.s32 s31, $0x0;
	s17 =	smax.u32 s2, $0x1;
	[tilespmem:$0x1FFF0] =	vst v4  }
.LBB2_31:
0x14: {  	v4 =	vld [tilespmem:$0x1FF90];
	_ =	sdelay $0x4  }
0x15: {  	vm6 =	vnez.u8 v4;
	v4 =	vld [tilespmem:$0x1FFA0];
	_ =	sdelay $0x4  }
0x16: {  	vm0 =	vnez.u8 v4;
	v4 =	vld [tilespmem:$0x1FFB0];
	_ =	sdelay $0x4  }
0x17: {  	vm1 =	vnez.u8 v4;
	v4 =	vld [tilespmem:$0x1FFC0];
	_ =	sdelay $0x4  }
0x18: {  	vm2 =	vnez.u8 v4;
	v4 =	vld [tilespmem:$0x1FFD0];
	_ =	sdelay $0x4  }
0x19: {  	vm3 =	vnez.u8 v4;
	v4 =	vld [tilespmem:$0x1FFE0];
	_ =	sdelay $0x3  }
0x1a: {  	s28 =	sadd.s32 $0x1, s28  }
0x1b: {  	p1 =	sne.s32 s28, s17;
	vm4 =	vnez.u8 v4;
	v4 =	vld [tilespmem:$0x1FFF0]  }
.Ltmp1:
0x1c: {  	_ = 	snop;
	(pc) =	sbr.rel @!p1 .LBB2_32-.Ltmp1, $2  }
0x1d: {  	_ =	sdelay $0x2  }
0x1e: {  	vm5 =	vnez.u8 v4  }
.LBB2_1:
0x1f: {  	s0 =	simm.s32 $0x0;
	s1 =	rddreg [dreg:$0x6]  }
0x20: {  	[tilespmem:s0], [sflag:$0x1] =	stream.linear.gather [hbm4b:s1+s0], $0x10000, $0x38;
	[tilespmem:$0x128A0] =	vst v63  }
0x21: {  	s0 =	simm.s32 $0x10040  }
0x22: {  	[tilespmem:s0+$0xFFFFFFC0] =	vst v0  }
0x23: {  	[tilespmem:s0+$0x30] =	vst v0  }
0x24: {  	[tilespmem:s0+$0x20] =	vst v0  }
0x25: {  	[tilespmem:s0+$0x10] =	vst v0  }
0x26: {  	[tilespmem:s0+$0x0] =	vst v0  }
0x27: {  	[tilespmem:s0+$0xFFFFFFF0] =	vst v0  }
0x28: {  	s1 =	simm.s32 $0x0;
	[tilespmem:s0+$0xFFFFFFE0] =	vst v0  }
.LBB2_2:
0x29: {  	s1 =	sadd.s32 $0x8, s1;
	[tilespmem:s0+$0xFFFFFFD0] =	vst v0;
	s0 =	sadd.s32 $0x80, s0  }
0x2a: {  	[tilespmem:s0+$0xFFFFFFC0] =	vst v0;
	p1 =	slt.u32 s1, $0xF8  }
0x2b: {  	[tilespmem:s0+$0x30] =	vst v0  }
.Ltmp2:
0x2c: {  	[tilespmem:s0+$0x20] =	vst v0;
	(pc) =	sbr.rel @p1 .LBB2_2-.Ltmp2, $4  }
0x2d: {  	[tilespmem:s0+$0x10] =	vst v0  }
0x2e: {  	[tilespmem:s0+$0x0] =	vst v0  }
0x2f: {  	[tilespmem:s0+$0xFFFFFFF0] =	vst v0  }
0x30: {  	[tilespmem:s0+$0xFFFFFFE0] =	vst v0  }
0x31: {  	[tilespmem:s0+$0xFFFFFFD0] =	vst v0  }
0x32: {  	_ =	swait.ge [sflag:s18], $0x10000  }
0x33: {  	[sflag:s18] =	ssyncset.done $0x0  }
0x34: {  	s1 =	simm.s32 $0x40;
	[sflag:s18] =	ssyncadd.s32 $0xFFFF0000  }
0x35: {  	v4 =	vld [tilespmem:s1+$0x10]  }
0x36: {  	v5 =	vld [tilespmem:s1+$0xFFFFFFE0]  }
0x37: {  	v7 =	vld [tilespmem:s1+$0xFFFFFFC0];
	_ =	sdelay $0x1  }
0x38: {  	v14 =	vld [tilespmem:s1+$0xFFFFFFD0]  }
0x39: {  	v9 =	vld [tilespmem:s1+$0x0];
	v8 =	vshra.s32 v4, $0x1F  }
0x3a: {  	v10 =	vshra.s32 v5, $0x1F;
	v8 =	vand.u32 $0x7FFFFFFF, v8  }
0x3b: {  	v10 =	vand.u32 $0x7FFFFFFF, v10;
	v15 =	vxor.u32 v4, v8;
	v8 =	vshra.s32 v7, $0x1F  }
0x3c: {  	v4 =	vxor.u32 v5, v10;
	v10 =	vand.u32 $0x7FFFFFFF, v8  }
0x3d: {  	v13 =	vshra.s32 v14, $0x1F;
	v5 =	vshrl.u32 v15, $0x14;
	v11 =	vxor.u32 v7, v10  }
0x3e: {  	v6 =	vld [tilespmem:s1+$0xFFFFFFF0];
	v7 =	vshra.s32 v9, $0x1F;
	v5 =	vand.u32 $0xFF0, v5;
	v10 =	vshrl.u32 v11, $0x14  }
0x3f: {  	v12 =	vxor.u32 v2, v5;
	v17 =	vand.u32 $0x7FFFFFFF, v7;
	v5 =	vand.u32 $0xFF0, v10  }
0x40: {  	v10 =	vxor.u32 v2, v5;
	v5 =	vand.u32 $0x7FFFFFFF, v13;
	v13 =	vxor.u32 v9, v17;
	v9 =	vld [tilespmem:s1+$0x20];
	_ =	sdelay $0x1  }
0x41: {  	v7 =	vld [tilespmem:s1+$0x30]  }
0x42: {  	v16 =	vshra.s32 v6, $0x1F;
	v8 =	vshrl.u32 v4, $0x14  }
0x43: {  	s3 =	simm.s32 $0x0;
	s4 =	simm.s32 $0xC0;
	[tilespmem:s1+$0x10] =	vst v15;
	v5 =	vxor.u32 v14, v5;
	v14 =	vand.u32 $0x7FFFFFFF, v16;
	v15 =	vshrl.u32 v13, $0x14  }
.LBB2_4:
0x44: {  	v16 =	vld [tilespmem:s4+$0x10];
	s3 =	sadd.s32 $0x8, s3;
	[tilespmem:s1+$0xFFFFFFC0] =	vst v11;
	v8 =	vand.u32 $0xFF0, v8;
	v11 =	vand.u32 $0xFF0, v15;
	v15 =	vshra.s32 v9, $0x1F;
	s0 =	simm.s32 $0x10080  }
0x45: {  	p1 =	slt.u32 s3, $0xFF8;
	v8 =	vxor.u32 v2, v8;
	v17 =	vxor.u32 v2, v11;
	[tilespmem:v12+s19+$0x0] =	vst.idx.add.s32.msk $0xffff, v3;
	v11 =	vand.u32 $0x7FFFFFFF, v15  }
0x46: {  	v14 =	vxor.u32 v6, v14;
	v12 =	vld [tilespmem:s4+$0xFFFFFFE0];
	[tilespmem:s1+$0x0] =	vst v13;
	v6 =	vxor.u32 v9, v11;
	v9 =	vshra.s32 v7, $0x1F  }
0x47: {  	[tilespmem:v10+s19+$0x0] =	vst.idx.add.s32.msk $0xffff, v3;
	v10 =	vshrl.u32 v14, $0x14;
	v11 =	vshrl.u32 v6, $0x14;
	v9 =	vand.u32 $0x7FFFFFFF, v9  }
0x48: {  	v15 =	vshrl.u32 v5, $0x14;
	v13 =	vld [tilespmem:s4+$0xFFFFFFC0];
	v10 =	vand.u32 $0xFF0, v10;
	[tilespmem:s1+$0x20] =	vst v6;
	v7 =	vxor.u32 v7, v9  }
0x49: {  	v6 =	vld [tilespmem:s4+$0xFFFFFFF0];
	v9 =	vshra.s32 v16, $0x1F;
	v10 =	vxor.u32 v2, v10;
	[tilespmem:s1+$0x30] =	vst v7;
	v7 =	vshrl.u32 v7, $0x14  }
0x4a: {  	v15 =	vand.u32 $0xFF0, v15;
	v18 =	vld [tilespmem:s4+$0x0];
	v9 =	vand.u32 $0x7FFFFFFF, v9;
	[tilespmem:s1+$0xFFFFFFE0] =	vst v4;
	v19 =	vand.u32 $0xFF0, v7  }
0x4b: {  	v20 =	vld [tilespmem:s4+$0xFFFFFFD0];
	v4 =	vshra.s32 v12, $0x1F;
	v7 =	vxor.u32 v16, v9;
	[tilespmem:s1+$0xFFFFFFF0] =	vst v14;
	v9 =	vand.u32 $0xFF0, v11  }
0x4c: {  	v4 =	vand.u32 $0x7FFFFFFF, v4;
	[tilespmem:s4+$0x10] =	vst v7;
	v14 =	vshrl.u32 v7, $0x14;
	v7 =	vld [tilespmem:s4+$0x30];
	v16 =	vxor.u32 v2, v9  }
0x4d: {  	v15 =	vxor.u32 v2, v15;
	v9 =	vshra.s32 v13, $0x1F;
	v4 =	vxor.u32 v12, v4;
	[tilespmem:v8+s19+$0x0] =	vst.idx.add.s32.msk $0xffff, v3  }
0x4e: {  	v19 =	vxor.u32 v2, v19;
	v9 =	vand.u32 $0x7FFFFFFF, v9;
	v8 =	vshrl.u32 v4, $0x14;
	[tilespmem:v10+s19+$0x0] =	vst.idx.add.s32.msk $0xffff, v3  }
.Ltmp3:
0x4f: {  	v12 =	vand.u32 $0xFF0, v14;
	v11 =	vxor.u32 v13, v9;
	v10 =	vshra.s32 v18, $0x1F;
	v9 =	vld [tilespmem:s4+$0x20];
	[tilespmem:s1+$0xFFFFFFD0] =	vst v5;
	s1 =	smov.u32 s4;
	(pc) =	sbr.rel @p1 .LBB2_4-.Ltmp3, $4  }
0x50: {  	v12 =	vxor.u32 v2, v12;
	v5 =	vshrl.u32 v11, $0x14;
	v13 =	vshra.s32 v20, $0x1F;
	[tilespmem:v17+s19+$0x0] =	vst.idx.add.s32.msk $0xffff, v3  }
0x51: {  	v14 =	vshra.s32 v6, $0x1F;
	v17 =	vand.u32 $0x7FFFFFFF, v10;
	v5 =	vand.u32 $0xFF0, v5;
	[tilespmem:v16+s19+$0x0] =	vst.idx.add.s32.msk $0xffff, v3  }
0x52: {  	v10 =	vxor.u32 v2, v5;
	v5 =	vand.u32 $0x7FFFFFFF, v13;
	v13 =	vxor.u32 v18, v17;
	[tilespmem:v15+s19+$0x0] =	vst.idx.add.s32.msk $0xffff, v3  }
0x53: {  	v14 =	vand.u32 $0x7FFFFFFF, v14;
	s4 =	sadd.s32 $0x80, s4;
	v5 =	vxor.u32 v20, v5;
	v15 =	vshrl.u32 v13, $0x14;
	[tilespmem:v19+s19+$0x0] =	vst.idx.add.s32.msk $0xffff, v3  }
0x54: {  	_ =	sdelay $0x2  }
0x55: {  	[tilespmem:s1+$0xFFFFFFC0] =	vst v11  }
0x56: {  	v8 =	vand.u32 $0xFF0, v8;
	v54 =	vshra.s32 v9, $0x1F;
	[tilespmem:v12+s19+$0x0] =	vst.idx.add.s32.msk $0xffff, v3;
	v6 =	vxor.u32 v6, v14  }
0x57: {  	[tilespmem:s1+$0x0] =	vst v13;
	v55 =	vshra.s32 v7, $0x1F;
	v61 =	vand.u32 $0xFF0, v15;
	v62 =	vshrl.u32 v5, $0x14  }
0x58: {  	[tilespmem:s1+$0xFFFFFFE0] =	vst v4;
	v8 =	vxor.u32 v2, v8;
	v11 =	vand.u32 $0x7FFFFFFF, v54;
	v56 =	vshrl.u32 v6, $0x14  }
0x59: {  	[tilespmem:s1+$0xFFFFFFD0] =	vst v5;
	v58 =	vand.u32 $0x7FFFFFFF, v55;
	v63 =	vand.u32 $0xFF0, v62;
	v57 =	vxor.u32 v9, v11  }
0x5a: {  	[tilespmem:v10+s19+$0x0] =	vst.idx.add.s32.msk $0xffff, v3;
	v59 =	vand.u32 $0xFF0, v56;
	v7 =	vxor.u32 v7, v58;
	v11 =	vxor.u32 v2, v61  }
0x5b: {  	v60 =	vxor.u32 v2, v59;
	v9 =	vshrl.u32 v57, $0x14;
	[tilespmem:s1+$0x30] =	vst v7;
	v7 =	vshrl.u32 v7, $0x14  }
0x5c: {  	[tilespmem:s1+$0xFFFFFFF0] =	vst v6;
	v4 =	vand.u32 $0xFF0, v9;
	v6 =	vand.u32 $0xFF0, v7;
	v7 =	vxor.u32 v2, v63  }
0x5d: {  	[tilespmem:s1+$0x20] =	vst v57;
	v4 =	vxor.u32 v2, v4  }
0x5e: {  	v6 =	vxor.u32 v2, v6;
	[tilespmem:v8+s19+$0x0] =	vst.idx.add.s32.msk $0xffff, v3  }
0x5f: {  	[tilespmem:v11+s19+$0x0] =	vst.idx.add.s32.msk $0xffff, v3  }
0x60: {  	[tilespmem:v60+s19+$0x0] =	vst.idx.add.s32.msk $0xffff, v3  }
0x61: {  	[tilespmem:v7+s19+$0x0] =	vst.idx.add.s32.msk $0xffff, v3  }
0x62: {  	[tilespmem:v4+s19+$0x0] =	vst.idx.add.s32.msk $0xffff, v3  }
0x63: {  	[tilespmem:v6+s19+$0x0] =	vst.idx.add.s32.msk $0xffff, v3  }
0x64: {  	v5 =	vld [tilespmem:s0+$0xFFFFFF80]  }
0x65: {  	s3 =	simm.s32 $0x40;
	s1 =	simm.s32 $0x0;
	v4 =	vld [tilespmem:s0+$0xFFFFFF90]  }
.LBB2_6:
0x66: {  	p1 =	sne.s32 s3, $0x3C0;
	v6 =	vld [tilespmem:s0+$0xFFFFFFA0]  }
0x67: {  	v7 =	vld [tilespmem:s0+$0xFFFFFFB0]  }
0x68: {  	v8 =	vld [tilespmem:s0+$0xFFFFFFC0]  }
0x69: {  	v9 =	vld [tilespmem:s0+$0xFFFFFFD0];
	(xrf0) =	vadd.scan.msk.s32 $0xffff, v5  }
0x6a: {  	v5 =	vld [tilespmem:s0+$0xFFFFFFE0];
	(xrf0) =	vadd.scan.msk.s32 $0xffff, v4  }
0x6b: {  	v4 =	vld [tilespmem:s0+$0xFFFFFFF0];
	(xrf0) =	vadd.scan.msk.s32 $0xffff, v6  }
0x6c: {  	v6 =	vld [tilespmem:s0+$0x0];
	(xrf0) =	vadd.scan.msk.s32 $0xffff, v7  }
0x6d: {  	v7 =	vld [tilespmem:s0+$0x10];
	(xrf0) =	vadd.scan.msk.s32 $0xffff, v8  }
0x6e: {  	v8 =	vld [tilespmem:s0+$0x20];
	(xrf0) =	vadd.scan.msk.s32 $0xffff, v9  }
0x6f: {  	v9 =	vld [tilespmem:s0+$0x30];
	v10, _, _ =	vpop (xrf0);
	(xrf0) =	vadd.scan.msk.s32 $0xffff, v5  }
0x70: {  	v5 =	vld [tilespmem:s0+$0x40];
	v11, _, _ =	vpop (xrf0);
	(xrf0) =	vadd.scan.msk.s32 $0xffff, v4  }
0x71: {  	v4 =	vbroadcast v10, $0xF;
	v10 =	vbroadcast v11, $0xF;
	v11 =	vld [tilespmem:s0+$0x50];
	v12, _, _ =	vpop (xrf0);
	(xrf0) =	vadd.scan.msk.s32 $0xffff, v6  }
0x72: {  	v6 =	vbroadcast v12, $0xF;
	[tilespmem:s0+$0xFFFFFFF0] =	vst v0;
	v12 =	vld [tilespmem:s0+$0x60];
	v13, _, _ =	vpop (xrf0);
	(xrf0) =	vadd.scan.msk.s32 $0xffff, v7  }
0x73: {  	v4 =	vsel vm7, v4, v10;
	v7 =	vbroadcast v13, $0xF;
	v10 =	vld [tilespmem:s0+$0x70];
	[tilespmem:s0+$0x70] =	vst v0;
	v13, _, _ =	vpop (xrf0);
	(xrf0) =	vadd.scan.msk.s32 $0xffff, v8  }
0x74: {  	v4 =	vsel vm6, v4, v6;
	v13 =	vbroadcast v13, $0xF;
	[tilespmem:s0+$0x60] =	vst v0;
	v8, _, _ =	vpop (xrf0);
	(xrf0) =	vadd.scan.msk.s32 $0xffff, v9  }
0x75: {  	v4 =	vsel vm0, v4, v7;
	v9 =	vbroadcast v8, $0xF;
	[tilespmem:s0+$0x50] =	vst v0;
	v8, _, _ =	vpop (xrf0);
	(xrf0) =	vadd.scan.msk.s32 $0xffff, v5  }
0x76: {  	v4 =	vsel vm1, v4, v13;
	v5 =	vbroadcast v8, $0xF;
	[tilespmem:s0+$0x40] =	vst v0;
	v6, _, _ =	vpop (xrf0);
	(xrf0) =	vadd.scan.msk.s32 $0xffff, v11  }
0x77: {  	v4 =	vsel vm2, v4, v9;
	v6 =	vbroadcast v6, $0xF;
	[tilespmem:s0+$0x30] =	vst v0;
	v7, _, _ =	vpop (xrf0);
	(xrf0) =	vadd.scan.msk.s32 $0xffff, v12  }
0x78: {  	v4 =	vsel vm3, v4, v5;
	v5 =	vbroadcast v7, $0xF;
	[tilespmem:s0+$0x20] =	vst v0;
	v7, _, _ =	vpop (xrf0)  }
0x79: {  	v4 =	vsel vm4, v4, v6;
	[tilespmem:s0+$0x10] =	vst v0;
	v6 =	vbroadcast v7, $0xF;
	v7, _, _ =	vpop (xrf0)  }
0x7a: {  	[tilespmem:s0+$0x0] =	vst v0;
	v4 =	vsel vm5, v4, v5;
	v5 =	vbroadcast v7, $0xF;
	v7, _, _ =	vpop (xrf0);
	(xrf0) =	vadd.scan.msk.s32 $0xffff, v10  }
0x7b: {  	[tilespmem:s0+$0xFFFFFFE0] =	vst v0;
	v4 =	vsel vm8, v4, v6;
	v6 =	vbroadcast v7, $0xF;
	v7, _, _ =	vpop (xrf0)  }
0x7c: {  	[tilespmem:s0+$0xFFFFFFD0] =	vst v0;
	v4 =	vsel vm9, v4, v5;
	v5 =	vbroadcast v7, $0xF;
	v7, _, _ =	vpop (xrf0)  }
0x7d: {  	[tilespmem:s0+$0xFFFFFFC0] =	vst v0;
	v4 =	vsel vm10, v4, v6;
	v6 =	vbroadcast v7, $0xF;
	v7, _, _ =	vpop (xrf0)  }
0x7e: {  	[tilespmem:s0+$0xFFFFFFB0] =	vst v0;
	v4 =	vsel vm11, v4, v5;
	v7 =	vbroadcast v7, $0xF  }
0x7f: {  	[tilespmem:s0+$0xFFFFFFA0] =	vst v0;
	v4 =	vsel vm12, v4, v6  }
.Ltmp4:
0x80: {  	[tilespmem:s0+$0xFFFFFF80] =	vst v0;
	v4 =	vsel vm13, v4, v7;
	v5, _, _ =	vpop (xrf0);
	(pc) =	sbr.rel @p1 .LBB2_6-.Ltmp4, $4  }
0x81: {  	s2 =	sshra.s32 s1, $0x2;
	s1 =	smov.u32 s3;
	[tilespmem:s0+$0xFFFFFF90] =	vst v0;
	v4 =	vsel vm14, v4, v5  }
0x82: {  	s0 =	sadd.s32 $0x100, s0;
	[tilespmem:s2+$0x11000] =	vst v4  }
0x83: {  	v5 =	vld [tilespmem:s0+$0xFFFFFF80]  }
0x84: {  	s3 =	sadd.s32 $0x40, s3;
	v4 =	vld [tilespmem:s0+$0xFFFFFF90]  }
0x85: {  	v6 =	vld [tilespmem:s0+$0xFFFFFFA0]  }
0x86: {  	v7 =	vld [tilespmem:s0+$0xFFFFFFB0];
	_ =	sdelay $0x1  }
0x87: {  	(xrf0) =	vadd.scan.msk.s32 $0xffff, v5  }
0x88: {  	v8 =	vld [tilespmem:s0+$0xFFFFFFC0];
	(xrf0) =	vadd.scan.msk.s32 $0xffff, v4  }
0x89: {  	v9 =	vld [tilespmem:s0+$0xFFFFFFD0];
	(xrf0) =	vadd.scan.msk.s32 $0xffff, v6  }
0x8a: {  	v5 =	vld [tilespmem:s0+$0xFFFFFFE0];
	(xrf0) =	vadd.scan.msk.s32 $0xffff, v7;
	_ =	sdelay $0x1  }
0x8b: {  	v4 =	vld [tilespmem:s0+$0xFFFFFFF0]  }
0x8c: {  	v6 =	vld [tilespmem:s0+$0x0];
	(xrf0) =	vadd.scan.msk.s32 $0xffff, v8;
	v10, _, _ =	vpop (xrf0)  }
0x8d: {  	v7 =	vld [tilespmem:s0+$0x10];
	(xrf0) =	vadd.scan.msk.s32 $0xffff, v9;
	v11, _, _ =	vpop (xrf0)  }
0x8e: {  	v8 =	vld [tilespmem:s0+$0x20];
	(xrf0) =	vadd.scan.msk.s32 $0xffff, v5;
	v10 =	vbroadcast v10, $0xF;
	v11 =	vbroadcast v11, $0xF;
	v12, _, _ =	vpop (xrf0)  }
0x8f: {  	v9 =	vld [tilespmem:s0+$0x30];
	v12 =	vbroadcast v12, $0xF;
	v13, _, _ =	vpop (xrf0)  }
0x90: {  	v5 =	vld [tilespmem:s0+$0x40];
	(xrf0) =	vadd.scan.msk.s32 $0xffff, v4;
	v10 =	vsel vm7, v10, v11;
	v11 =	vbroadcast v13, $0xF  }
0x91: {  	(xrf0) =	vadd.scan.msk.s32 $0xffff, v6  }
0x92: {  	v4 =	vld [tilespmem:s0+$0x50];
	(xrf0) =	vadd.scan.msk.s32 $0xffff, v7;
	v13, _, _ =	vpop (xrf0)  }
0x93: {  	(xrf0) =	vadd.scan.msk.s32 $0xffff, v8;
	v8 =	vsel vm6, v10, v12;
	v10 =	vbroadcast v13, $0xF;
	v12, _, _ =	vpop (xrf0)  }
0x94: {  	[tilespmem:s0+$0xFFFFFFF0] =	vst v0;
	v6 =	vld [tilespmem:s0+$0x60];
	v8 =	vsel vm0, v8, v11;
	(xrf0) =	vadd.scan.msk.s32 $0xffff, v9;
	v9 =	vbroadcast v12, $0xF;
	v11, _, _ =	vpop (xrf0)  }
0x95: {  	[tilespmem:s0+$0xFFFFFFD0] =	vst v0;
	(xrf0) =	vadd.scan.msk.s32 $0xffff, v5;
	v5 =	vsel vm1, v8, v10;
	v8 =	vbroadcast v11, $0xF  }
0x96: {  	[tilespmem:s0+$0xFFFFFFC0] =	vst v0  }
0x97: {  	[tilespmem:s0+$0xFFFFFFB0] =	vst v0;
	v7 =	vld [tilespmem:s0+$0x70];
	v10, _, _ =	vpop (xrf0);
	(xrf0) =	vadd.scan.msk.s32 $0xffff, v4  }
0x98: {  	[tilespmem:s0+$0xFFFFFFA0] =	vst v0;
	v4 =	vsel vm2, v5, v9;
	v5 =	vbroadcast v10, $0xF;
	v9, _, _ =	vpop (xrf0)  }
0x99: {  	[tilespmem:s0+$0xFFFFFF80] =	vst v0;
	v4 =	vsel vm3, v4, v8;
	(xrf0) =	vadd.scan.msk.s32 $0xffff, v6;
	v6 =	vbroadcast v9, $0xF;
	v8, _, _ =	vpop (xrf0)  }
0x9a: {  	[tilespmem:s0+$0xFFFFFF90] =	vst v0;
	v4 =	vsel vm4, v4, v5;
	v5 =	vbroadcast v8, $0xF;
	v8, _, _ =	vpop (xrf0)  }
0x9b: {  	[tilespmem:s0+$0xFFFFFFE0] =	vst v0;
	v4 =	vsel vm5, v4, v6;
	v6 =	vbroadcast v8, $0xF;
	v8, _, _ =	vpop (xrf0)  }
0x9c: {  	[tilespmem:s0+$0x0] =	vst v0;
	(xrf0) =	vadd.scan.msk.s32 $0xffff, v7;
	v4 =	vsel vm8, v4, v5;
	v5 =	vbroadcast v8, $0xF;
	v7, _, _ =	vpop (xrf0)  }
0x9d: {  	[tilespmem:s0+$0x10] =	vst v0;
	v4 =	vsel vm9, v4, v6;
	v6 =	vbroadcast v7, $0xF;
	v7, _, _ =	vpop (xrf0)  }
0x9e: {  	[tilespmem:s0+$0x20] =	vst v0;
	v4 =	vsel vm10, v4, v5;
	v5 =	vbroadcast v7, $0xF  }
0x9f: {  	[tilespmem:s0+$0x30] =	vst v0;
	v7, _, _ =	vpop (xrf0)  }
0xa0: {  	[tilespmem:s0+$0x40] =	vst v0;
	v4 =	vsel vm11, v4, v6;
	v6 =	vbroadcast v7, $0xF  }
0xa1: {  	[tilespmem:s0+$0x50] =	vst v0;
	v4 =	vsel vm12, v4, v5  }
0xa2: {  	[tilespmem:s0+$0x60] =	vst v0;
	v4 =	vsel vm13, v4, v6;
	v5, _, _ =	vpop (xrf0)  }
0xa3: {  	s29 =	sshra.s32 s1, $0x2;
	[tilespmem:s0+$0x70] =	vst v0;
	v4 =	vsel vm14, v4, v5  }
0xa4: {  	[tilespmem:s29+$0x11000] =	vst v4  }
0xa5: {  	[spmem:s7] =	stream.linear.scatter [tilespmem:s20], [sflag:$0x2], $0x100, $0x38;
	[tilespmem:$0x128A0] =	vst v63  }
0xa6: {  	_ =	swait.ge [sflag:s21], $0x100  }
0xa7: {  	[sflag:s21] =	ssyncset.done $0x0  }
0xa8: {  	[sflag:s21] =	ssyncadd.s32 $0xFFFFFF00  }
0xa9: {  	[bflag:$0x0] =	sbarrier.arrive $0xFFFF  }
0xaa: {  	s30 =	simm.s32 $0x11100;
	s31 =	rddreg [dreg:$0x2]  }
0xab: {  	[tilespmem:s30], [sflag:$0x2] =	stream.linear.gather [spmem:s31], $0x1000, $0x38;
	[tilespmem:$0x128A0] =	vst v63  }
0xac: {  	_ =	swait.ge [sflag:s21], $0x1000  }
0xad: {  	[sflag:s21] =	ssyncset.done $0x0  }
0xae: {  	s0 =	simm.s32 $0x0;
	[sflag:s21] =	ssyncadd.s32 $0xFFFFF000  }
0xaf: {  	s2 =	sand.u32 $0xF0, s0;
	v4 =	vld [tilespmem:s30+$0x0]  }
0xb0: {  	v5 =	vld [tilespmem:s2+$0x11200]  }
0xb1: {  	v6 =	vld [tilespmem:s2+$0x11F00]  }
0xb2: {  	v7 =	vld [tilespmem:s2+$0x11E00]  }
0xb3: {  	v8 =	vld [tilespmem:s2+$0x11300]  }
0xb4: {  	v9 =	vld [tilespmem:s2+$0x11400]  }
0xb5: {  	v10 =	vld [tilespmem:s2+$0x11500]  }
0xb6: {  	v11 =	vld [tilespmem:s2+$0x11600]  }
0xb7: {  	v12 =	vld [tilespmem:s2+$0x11700]  }
0xb8: {  	v13 =	vld [tilespmem:s2+$0x11800]  }
0xb9: {  	v14 =	vld [tilespmem:s2+$0x11900]  }
0xba: {  	v15 =	vld [tilespmem:s2+$0x11A00];
	v4 =	vadd.s32 v4, v5  }
0xbb: {  	v16 =	vld [tilespmem:s2+$0x11B00];
	v4 =	vadd.s32 v8, v4  }
0xbc: {  	v5 =	vld [tilespmem:s2+$0x11C00];
	v4 =	vadd.s32 v9, v4  }
0xbd: {  	s1 =	simm.s32 $0x10;
	s3 =	simm.s32 $0x11110;
	v8 =	vld [tilespmem:s2+$0x11D00];
	v4 =	vadd.s32 v10, v4  }
0xbe: {  	s4 =	sand.u32 $0xF0, s1;
	v9 =	vld [tilespmem:s3+$0x0];
	v4 =	vadd.s32 v11, v4  }
0xbf: {  	v10 =	vld [tilespmem:s4+$0x11200];
	v4 =	vadd.s32 v12, v4  }
0xc0: {  	v11 =	vld [tilespmem:s2+$0x12000];
	v4 =	vadd.s32 v13, v4  }
0xc1: {  	v12 =	vld [tilespmem:s4+$0x11F00];
	v4 =	vadd.s32 v14, v4  }
0xc2: {  	v13 =	vld [tilespmem:s4+$0x11E00];
	v4 =	vadd.s32 v15, v4  }
0xc3: {  	v14 =	vld [tilespmem:s4+$0x11300];
	v4 =	vadd.s32 v16, v4  }
0xc4: {  	v15 =	vld [tilespmem:s4+$0x11400];
	v4 =	vadd.s32 v5, v4  }
0xc5: {  	v9 =	vadd.s32 v9, v10;
	v10 =	vld [tilespmem:s4+$0x11A00];
	v4 =	vadd.s32 v8, v4  }
0xc6: {  	v16 =	vld [tilespmem:s4+$0x11500];
	v4 =	vadd.s32 v7, v4  }
0xc7: {  	v5 =	vld [tilespmem:s4+$0x11600];
	v4 =	vadd.s32 v6, v4  }
0xc8: {  	v8 =	vld [tilespmem:s4+$0x11700];
	v4 =	vadd.s32 v11, v4  }
0xc9: {  	v7 =	vld [tilespmem:s4+$0x11800];
	(xrf0) =	vadd.scan.msk.s32 $0xffff, v4  }
0xca: {  	v9 =	vadd.s32 v14, v9;
	v14 =	vld [tilespmem:s4+$0x11C00]  }
0xcb: {  	v6 =	vld [tilespmem:s4+$0x11900];
	v9 =	vadd.s32 v15, v9  }
0xcc: {  	v15 =	vld [tilespmem:s4+$0x11D00];
	v9 =	vadd.s32 v16, v9  }
0xcd: {  	s5 =	simm.s32 $0x11120;
	s3 =	simm.s32 $0x20;
	v11 =	vld [tilespmem:s4+$0x11B00];
	v5 =	vadd.s32 v5, v9  }
0xce: {  	s22 =	sand.u32 $0xF0, s3;
	v16 =	vld [tilespmem:s5+$0x0];
	v5 =	vadd.s32 v8, v5  }
0xcf: {  	v5 =	vadd.s32 v7, v5;
	v7 =	vld [tilespmem:s22+$0x11200];
	v17, _, _ =	vpop (xrf0)  }
0xd0: {  	v9 =	vld [tilespmem:s22+$0x11E00];
	v5 =	vadd.s32 v6, v5;
	(v2sf) =	vpush v17, $0xF  }
0xd1: {  	v6 =	vld [tilespmem:s4+$0x12000];
	v5 =	vadd.s32 v10, v5  }
0xd2: {  	v5 =	vadd.s32 v11, v5;
	v11 =	vld [tilespmem:s22+$0x11300]  }
0xd3: {  	v18 =	vimm.s32 $0xFFFFFFFF;
	v8 =	vld [tilespmem:s22+$0x11F00];
	v5 =	vadd.s32 v14, v5;
	v10 =	vadd.s32 s0, v17  }
0xd4: {  	v5 =	vadd.s32 v15, v5;
	v15 =	vld [tilespmem:s22+$0x11400];
	v7 =	vadd.s32 v16, v7;
	v14 =	vsub.s32 v10, v4  }
0xd5: {  	vm1 =	vgt.s32 v10, $0xF3332;
	v5 =	vadd.s32 v13, v5;
	v13 =	vld [tilespmem:s22+$0x11500];
	vm0 =	vlt.s32 v14, $0xF3333  }
0xd6: {  	v16 =	vld [tilespmem:s22+$0x11600];
	v10 =	vor.u32 s0, v1;
	v5 =	vadd.s32 v12, v5;
	vm0 =	vmand vm1, vm0  }
0xd7: {  	v19 =	vadd.s32 v11, v7;
	v6 =	vadd.s32 v6, v5;
	v12 =	vnsel vm0, $0xFFFFFFFF, v10;
	v10 =	vld [tilespmem:s22+$0x11700]  }
0xd8: {  	v11 =	vld [tilespmem:s22+$0x11800];
	v14 =	vnsel vm0, $0xFFFFFFFF, v14;
	v4 =	vnsel vm0, $0xFFFFFFFF, v4;
	vm0 =	vgt.s32 v18, v12  }
0xd9: {  	(xrf0) =	vadd.scan.msk.s32 $0xffff, v6;
	v15 =	vadd.s32 v15, v19;
	v7 =	vsel vm0, v18, v12;
	vm0 =	vgt.s32 v18, v14;
	v12 =	vld [tilespmem:s22+$0x11900]  }
0xda: {  	v5 =	vsel vm0, v18, v14;
	vm0 =	vgt.s32 v18, v4;
	v14 =	vadd.s32 v13, v15;
	v13 =	vld [tilespmem:s22+$0x11A00]  }
0xdb: {  	s23 =	simm.s32 $0x40;
	s4 =	simm.s32 $0x30;
	v4 =	vsel vm0, v18, v4;
	v15 =	vadd.s32 v16, v14;
	v14 =	vld [tilespmem:s22+$0x11B00]  }
.LBB2_8:
0xdc: {  	p1 =	sne.s32 s23, $0xF0;
	v10 =	vadd.s32 v10, v15;
	v15 =	vld [tilespmem:s22+$0x11C00]  }
0xdd: {  	s5 =	sadd.s32 $0x10, s5;
	v10 =	vadd.s32 v11, v10;
	v11 =	vld [tilespmem:s22+$0x11D00]  }
0xde: {  	s2 =	sand.u32 $0xF0, s4;
	v16 =	vld [tilespmem:s5+$0x0];
	v10 =	vadd.s32 v12, v10  }
0xdf: {  	v12 =	vld [tilespmem:s2+$0x11200];
	v10 =	vadd.s32 v13, v10;
	v13, _, _ =	vpop (xrf0);
	s24 =	spop (v2sf)  }
0xe0: {  	v10 =	vadd.s32 v14, v10;
	v14 =	vld [tilespmem:s22+$0x12000];
	(v2sf) =	vpush v13, $0xF;
	s0 =	sadd.s32 s0, s24;
	s22 =	smov.u32 s2  }
0xe1: {  	v17 =	vld [tilespmem:s22+$0x11F00];
	v10 =	vadd.s32 v15, v10;
	v13 =	vadd.s32 s0, v13  }
0xe2: {  	v18 =	vor.u32 s1, v1;
	s1 =	smov.u32 s3;
	s3 =	smov.u32 s4;
	s4 =	smov.u32 s23;
	v15 =	vld [tilespmem:s22+$0x11E00];
	v10 =	vadd.s32 v11, v10;
	v11 =	vsub.s32 v13, v6  }
0xe3: {  	vm1 =	vgt.s32 v13, $0xF3332;
	v19 =	vld [tilespmem:s22+$0x11300];
	v9 =	vadd.s32 v9, v10;
	vm0 =	vlt.s32 v11, $0xF3333  }
0xe4: {  	v12 =	vadd.s32 v16, v12;
	v13 =	vld [tilespmem:s22+$0x11400];
	v16 =	vadd.s32 v8, v9;
	vm0 =	vmand vm1, vm0  }
0xe5: {  	v20 =	vld [tilespmem:s22+$0x11500];
	v21 =	vnsel vm0, $0xFFFFFFFF, v18;
	v11 =	vnsel vm0, $0xFFFFFFFF, v11;
	v6 =	vnsel vm0, $0xFFFFFFFF, v6  }
0xe6: {  	v18 =	vld [tilespmem:s22+$0x11600];
	vm0 =	vgt.s32 v7, v21;
	vm1 =	vgt.s32 v5, v11;
	vm2 =	vgt.s32 v4, v6;
	v8 =	vmovc v17  }
.Ltmp5:
0xe7: {  	v10 =	vld [tilespmem:s22+$0x11700];
	v7 =	vsel vm0, v7, v21;
	v5 =	vsel vm1, v5, v11;
	v4 =	vsel vm2, v4, v6;
	v9 =	vmovc v15;
	(pc) =	sbr.rel @p1 .LBB2_8-.Ltmp5, $4  }
0xe8: {  	v6 =	vadd.s32 v14, v16;
	v12 =	vadd.s32 v19, v12;
	v11 =	vld [tilespmem:s22+$0x11800]  }
0xe9: {  	v13 =	vadd.s32 v13, v12;
	v12 =	vld [tilespmem:s22+$0x11900];
	(xrf0) =	vadd.scan.msk.s32 $0xffff, v6  }
0xea: {  	v14 =	vadd.s32 v20, v13;
	v13 =	vld [tilespmem:s22+$0x11A00]  }
0xeb: {  	s23 =	sadd.s32 $0x10, s23;
	v15 =	vadd.s32 v18, v14;
	v14 =	vld [tilespmem:s22+$0x11B00]  }
0xec: {  	v10 =	vadd.s32 v10, v15;
	v15 =	vld [tilespmem:s22+$0x11C00]  }
0xed: {  	v10 =	vadd.s32 v11, v10;
	v11 =	vld [tilespmem:s22+$0x11D00]  }
0xee: {  	v10 =	vadd.s32 v12, v10  }
0xef: {  	v10 =	vadd.s32 v13, v10  }
0xf0: {  	v12 =	vld [tilespmem:s22+$0x12000];
	v10 =	vadd.s32 v14, v10  }
0xf1: {  	s2 =	sadd.s32 $0x10, s5;
	v10 =	vadd.s32 v15, v10  }
0xf2: {  	s22 =	sand.u32 $0xF0, s4;
	v13 =	vld [tilespmem:s2+$0x0];
	v10 =	vadd.s32 v11, v10  }
0xf3: {  	v11 =	vld [tilespmem:s22+$0x11200];
	v9 =	vadd.s32 v9, v10  }
0xf4: {  	v10 =	vld [tilespmem:s22+$0x11300];
	v8 =	vadd.s32 v8, v9  }
0xf5: {  	v9 =	vld [tilespmem:s22+$0x11400];
	v8 =	vadd.s32 v12, v8  }
0xf6: {  	v12 =	vld [tilespmem:s22+$0x11500];
	(xrf0) =	vadd.scan.msk.s32 $0xffff, v8  }
0xf7: {  	v14 =	vld [tilespmem:s22+$0x11600]  }
0xf8: {  	v11 =	vadd.s32 v13, v11;
	v13 =	vld [tilespmem:s22+$0x11700]  }
0xf9: {  	v10 =	vadd.s32 v10, v11;
	v11 =	vld [tilespmem:s22+$0x11800]  }
0xfa: {  	v15, _, _ =	vpop (xrf0);
	v9 =	vadd.s32 v9, v10;
	v10 =	vld [tilespmem:s22+$0x11900]  }
0xfb: {  	(v2sf) =	vpush v15, $0xF;
	v9 =	vadd.s32 v12, v9;
	v12 =	vld [tilespmem:s22+$0x11A00]  }
0xfc: {  	v9 =	vadd.s32 v14, v9;
	v14 =	vld [tilespmem:s22+$0x11B00];
	v16, _, _ =	vpop (xrf0)  }
0xfd: {  	v9 =	vadd.s32 v13, v9;
	v13 =	vld [tilespmem:s22+$0x11C00];
	(v2sf) =	vpush v16, $0xF  }
0xfe: {  	v9 =	vadd.s32 v11, v9;
	v11 =	vld [tilespmem:s22+$0x11D00]  }
0xff: {  	v17 =	vld [tilespmem:s22+$0x11E00];
	v9 =	vadd.s32 v10, v9  }
0x100: {  	v10 =	vld [tilespmem:s22+$0x11F00];
	v9 =	vadd.s32 v12, v9  }
0x101: {  	v12 =	vld [tilespmem:s22+$0x12000];
	v9 =	vadd.s32 v14, v9  }
0x102: {  	v9 =	vadd.s32 v13, v9  }
0x103: {  	v9 =	vadd.s32 v11, v9  }
0x104: {  	v9 =	vadd.s32 v17, v9  }
0x105: {  	s23 =	spop (v2sf);
	v9 =	vadd.s32 v10, v9  }
0x106: {  	s0 =	sadd.s32 s0, s23;
	v9 =	vadd.s32 v12, v9  }
0x107: {  	v10 =	vadd.s32 s0, v15;
	(xrf0) =	vadd.scan.msk.s32 $0xffff, v9  }
0x108: {  	v11 =	vsub.s32 v10, v6  }
0x109: {  	vm1 =	vgt.s32 v10, $0xF3332;
	vm0 =	vlt.s32 v11, $0xF3333  }
0x10a: {  	s24 =	spop (v2sf);
	v10 =	vor.u32 s1, v1;
	vm0 =	vmand vm1, vm0  }
0x10b: {  	s0 =	sadd.s32 s0, s24;
	v10 =	vnsel vm0, $0xFFFFFFFF, v10  }
0x10c: {  	v12 =	vadd.s32 s0, v16;
	vm1 =	vgt.s32 v7, v10;
	s25 =	spop (v2sf)  }
0x10d: {  	v7 =	vsel vm1, v7, v10;
	v10 =	vsub.s32 v12, v8;
	v13, _, _ =	vpop (xrf0);
	s1 =	sadd.s32 s0, s25  }
0x10e: {  	vm2 =	vgt.s32 v12, $0xF3332;
	vm1 =	vlt.s32 v10, $0xF3333;
	v12 =	vadd.s32 s1, v13  }
0x10f: {  	v14 =	vor.u32 s3, v1;
	vm1 =	vmand vm2, vm1;
	v15 =	vsub.s32 v12, v9  }
0x110: {  	v14 =	vnsel vm1, $0xFFFFFFFF, v14;
	vm3 =	vgt.s32 v12, $0xF3332;
	vm2 =	vlt.s32 v15, $0xF3333  }
0x111: {  	v12 =	vor.u32 s4, v1;
	vm2 =	vmand vm3, vm2;
	vm3 =	vgt.s32 v7, v14  }
0x112: {  	v7 =	vsel vm3, v7, v14;
	v12 =	vnsel vm2, $0xFFFFFFFF, v12  }
0x113: {  	vm3 =	vgt.s32 v7, v12  }
0x114: {  	v7 =	vsel vm3, v7, v12  }
0x115: {  	v7 =	vxor.u32 $0x80000000, v7  }
0x116: {  	(xrf0) =	vmax.scan.msk.u32 $0xffff, v7;
	_ =	sdelay $0x5  }
0x117: {  	(v2sf) =	vpush v13, $0xF;
	v7, _, _ =	vpop (xrf0)  }
0x118: {  	(v2sf) =	vpush v7, $0xF;
	_ =	sdelay $0x9  }
0x119: {  	v7 =	vnsel vm0, $0xFFFFFFFF, v11  }
0x11a: {  	s26 =	simm.s32 $0x40;
	v6 =	vnsel vm0, $0xFFFFFFFF, v6;
	vm0 =	vgt.s32 v5, v7  }
0x11b: {  	v5 =	vsel vm0, v5, v7;
	v7 =	vnsel vm1, $0xFFFFFFFF, v10;
	v10 =	vld [tilespmem:s26+$0xFFFFFFC0]  }
0x11c: {  	vm0 =	vgt.s32 v4, v6  }
0x11d: {  	s30 =	spop (v2sf);
	v11 =	vld [tilespmem:s26+$0x30];
	v4 =	vsel vm0, v4, v6;
	v6 =	vnsel vm1, $0xFFFFFFFF, v8;
	vm0 =	vgt.s32 v5, v7  }
0x11e: {  	v8 =	vnsel vm2, $0xFFFFFFFF, v15;
	vm1 =	vgt.s32 v4, v6;
	v5 =	vsel vm0, v5, v7;
	v7 =	vld [tilespmem:s26+$0xFFFFFFF0];
	s31 =	spop (v2sf)  }
0x11f: {  	v9 =	vnsel vm2, $0xFFFFFFFF, v9;
	v4 =	vsel vm1, v4, v6;
	vm0 =	vgt.s32 v5, v8;
	s0 =	sshll.u32 s31, $0x18  }
0x120: {  	vm1 =	vgt.s32 v4, v9;
	v5 =	vsel vm0, v5, v8;
	v12 =	vand.u32 $0xFF000000, v10;
	s0 =	sxor.u32 $0x80000000, s0  }
0x121: {  	v14 =	vld [tilespmem:s26+$0x0];
	v10 =	vshrl.u32 v10, $0xC;
	v4 =	vsel vm1, v4, v9;
	v6 =	vmov s0  }
0x122: {  	v8 =	vand.u32 $0xFF0, v10;
	v10 =	vshrl.u32 v11, $0xC;
	vm0 =	veq.s32 v12, v6  }
0x123: {  	v13 =	vld [tilespmem:s26+$0xFFFFFFE0];
	v9 =	vshrl.u32 v7, $0xC;
	v15 =	vor.u32 v1, v8;
	v8 =	vand.u32 $0xFF000000, v7  }
0x124: {  	v11 =	vand.u32 $0xFF000000, v11;
	v7 =	vld [tilespmem:s26+$0x20];
	v9 =	vand.u32 $0xFF0, v9;
	vm1 =	veq.s32 v8, v6  }
0x125: {  	v62 =	vand.u32 $0xFF0, v10;
	v10 =	vor.u32 v1, v9;
	v8 =	vld [tilespmem:s26+$0xFFFFFFD0];
	vm2 =	veq.s32 v11, v6  }
0x126: {  	v63 =	vand.u32 $0xFF000000, v14;
	v14 =	vshrl.u32 v14, $0xC;
	v9 =	vor.u32 v1, v62  }
0x127: {  	v14 =	vand.u32 $0xFF0, v14;
	v11 =	vld [tilespmem:s26+$0x10]  }
0x128: {  	s2 =	simm.s32 $0xC0;
	s29 =	sadd.s32 s1, s30;
	s1 =	simm.s32 $0x0;
	v12 =	vshrl.u32 v13, $0xC;
	v13 =	vand.u32 $0xFF000000, v13;
	[tilespmem:v15+s19+$0x0] =	vst.idx.add.s32.msk vm0, v3;
	vm0 =	veq.s32 v63, v6  }
.LBB2_10:
0x129: {  	v15 =	vld [tilespmem:s2+$0xFFFFFFF0];
	s1 =	sadd.s32 $0x8, s1;
	vm5 =	veq.s32 v13, v6;
	v12 =	vand.u32 $0xFF0, v12;
	v13 =	vor.u32 v1, v14  }
0x12a: {  	v14 =	vand.u32 $0xFF000000, v8;
	p1 =	slt.u32 s1, $0xFF8;
	v12 =	vor.u32 v1, v12;
	[tilespmem:v10+s19+$0x0] =	vst.idx.add.s32.msk vm1, v3;
	v10 =	vand.u32 $0xFF000000, v7  }
0x12b: {  	vm4 =	veq.s32 v14, v6;
	v7 =	vshrl.u32 v7, $0xC;
	vm3 =	veq.s32 v10, v6;
	[tilespmem:v9+s19+$0x0] =	vst.idx.add.s32.msk vm2, v3  }
0x12c: {  	v8 =	vshrl.u32 v8, $0xC;
	v7 =	vand.u32 $0xFF0, v7;
	v9 =	vld [tilespmem:s2+$0xFFFFFFC0];
	v10 =	vshrl.u32 v11, $0xC  }
0x12d: {  	v8 =	vand.u32 $0xFF0, v8;
	v11 =	vand.u32 $0xFF000000, v11;
	v16 =	vor.u32 v1, v7;
	v14 =	vld [tilespmem:s2+$0x30]  }
0x12e: {  	vm15 =	veq.s32 v11, v6;
	v10 =	vand.u32 $0xFF0, v10;
	v17 =	vshrl.u32 v15, $0xC;
	v7 =	vld [tilespmem:s2+$0x20]  }
0x12f: {  	v18 =	vor.u32 v1, v8;
	v19 =	vor.u32 v1, v10;
	v11 =	vld [tilespmem:s2+$0xFFFFFFE0]  }
0x130: {  	[tilespmem:v12+s19+$0x0] =	vst.idx.add.s32.msk vm5, v3  }
0x131: {  	v8 =	vand.u32 $0xFF000000, v9;
	v9 =	vshrl.u32 v9, $0xC;
	[tilespmem:v13+s19+$0x0] =	vst.idx.add.s32.msk vm0, v3  }
0x132: {  	vm0 =	veq.s32 v8, v6;
	v8 =	vand.u32 $0xFF0, v9;
	v9 =	vand.u32 $0xFF000000, v15;
	v15 =	vld [tilespmem:s2+$0x0]  }
0x133: {  	v10 =	vand.u32 $0xFF0, v17;
	v12 =	vshrl.u32 v14, $0xC;
	v20 =	vor.u32 v1, v8;
	v8 =	vld [tilespmem:s2+$0xFFFFFFD0]  }
.Ltmp6:
0x134: {  	vm1 =	veq.s32 v9, v6;
	v9 =	vand.u32 $0xFF000000, v14;
	v13 =	vand.u32 $0xFF0, v12;
	[tilespmem:v18+s19+$0x0] =	vst.idx.add.s32.msk vm4, v3;
	(pc) =	sbr.rel @p1 .LBB2_10-.Ltmp6, $4  }
0x135: {  	v10 =	vor.u32 v1, v10;
	vm2 =	veq.s32 v9, v6;
	[tilespmem:v16+s19+$0x0] =	vst.idx.add.s32.msk vm3, v3  }
0x136: {  	v12 =	vshrl.u32 v11, $0xC;
	v9 =	vor.u32 v1, v13;
	[tilespmem:v19+s19+$0x0] =	vst.idx.add.s32.msk vm15, v3  }
0x137: {  	v13 =	vand.u32 $0xFF000000, v11;
	v14 =	vand.u32 $0xFF000000, v15;
	v15 =	vshrl.u32 v15, $0xC;
	v11 =	vld [tilespmem:s2+$0x10]  }
0x138: {  	s2 =	sadd.s32 $0x80, s2;
	[tilespmem:v20+s19+$0x0] =	vst.idx.add.s32.msk vm0, v3;
	vm0 =	veq.s32 v14, v6;
	v14 =	vand.u32 $0xFF0, v15  }
0x139: {  	vm3 =	veq.s32 v13, v6;
	v12 =	vand.u32 $0xFF0, v12;
	v60 =	vand.u32 $0xFF000000, v8  }
0x13a: {  	v14 =	vor.u32 v1, v14;
	v61 =	vand.u32 $0xFF000000, v7;
	v8 =	vshrl.u32 v8, $0xC  }
0x13b: {  	v7 =	vshrl.u32 v7, $0xC;
	vm4 =	veq.s32 v60, v6;
	v12 =	vor.u32 v1, v12  }
0x13c: {  	vm5 =	veq.s32 v61, v6;
	v8 =	vand.u32 $0xFF0, v8;
	v7 =	vand.u32 $0xFF0, v7  }
0x13d: {  	v8 =	vor.u32 v1, v8;
	v62 =	vshrl.u32 v11, $0xC;
	v63 =	vand.u32 $0xFF000000, v11  }
0x13e: {  	[tilespmem:v10+s19+$0x0] =	vst.idx.add.s32.msk vm1, v3;
	v7 =	vor.u32 v1, v7;
	vm1 =	veq.s32 v63, v6;
	v6 =	vand.u32 $0xFF0, v62  }
0x13f: {  	[tilespmem:v9+s19+$0x0] =	vst.idx.add.s32.msk vm2, v3;
	v6 =	vor.u32 v1, v6  }
0x140: {  	[tilespmem:v14+s19+$0x0] =	vst.idx.add.s32.msk vm0, v3  }
0x141: {  	[tilespmem:v12+s19+$0x0] =	vst.idx.add.s32.msk vm3, v3  }
0x142: {  	[tilespmem:v8+s19+$0x0] =	vst.idx.add.s32.msk vm4, v3  }
0x143: {  	[tilespmem:v7+s19+$0x0] =	vst.idx.add.s32.msk vm5, v3  }
0x144: {  	[tilespmem:v6+s19+$0x0] =	vst.idx.add.s32.msk vm1, v3  }
0x145: {  	v8 =	vld [tilespmem:$0x1FFA0];
	_ =	sdelay $0x4  }
0x146: {  	vm0 =	vnez.u8 v8;
	v8 =	vld [tilespmem:$0x1FFB0];
	_ =	sdelay $0x4  }
0x147: {  	vm1 =	vnez.u8 v8;
	v8 =	vld [tilespmem:$0x1FFC0];
	_ =	sdelay $0x4  }
0x148: {  	vm2 =	vnez.u8 v8;
	v8 =	vld [tilespmem:$0x1FFD0];
	_ =	sdelay $0x4  }
0x149: {  	vm3 =	vnez.u8 v8;
	v8 =	vld [tilespmem:$0x1FFE0];
	_ =	sdelay $0x4  }
0x14a: {  	vm4 =	vnez.u8 v8;
	v8 =	vld [tilespmem:$0x1FFF0];
	_ =	sdelay $0x2  }
0x14b: {  	s1 =	simm.s32 $0x10080  }
0x14c: {  	v7 =	vld [tilespmem:s1+$0xFFFFFF80]  }
0x14d: {  	s3 =	simm.s32 $0x0;
	s4 =	simm.s32 $0x40;
	v6 =	vld [tilespmem:s1+$0xFFFFFF90];
	vm5 =	vnez.u8 v8  }
.LBB2_12:
0x14e: {  	p1 =	sne.s32 s4, $0x3C0;
	v8 =	vld [tilespmem:s1+$0xFFFFFFA0]  }
0x14f: {  	v9 =	vld [tilespmem:s1+$0xFFFFFFB0]  }
0x150: {  	v10 =	vld [tilespmem:s1+$0xFFFFFFC0]  }
0x151: {  	v11 =	vld [tilespmem:s1+$0xFFFFFFD0];
	(xrf0) =	vadd.scan.msk.s32 $0xffff, v7  }
0x152: {  	v7 =	vld [tilespmem:s1+$0xFFFFFFE0];
	(xrf0) =	vadd.scan.msk.s32 $0xffff, v6  }
0x153: {  	v6 =	vld [tilespmem:s1+$0xFFFFFFF0];
	(xrf0) =	vadd.scan.msk.s32 $0xffff, v8  }
0x154: {  	v8 =	vld [tilespmem:s1+$0x0];
	(xrf0) =	vadd.scan.msk.s32 $0xffff, v9  }
0x155: {  	v9 =	vld [tilespmem:s1+$0x10];
	(xrf0) =	vadd.scan.msk.s32 $0xffff, v10  }
0x156: {  	v10 =	vld [tilespmem:s1+$0x20];
	(xrf0) =	vadd.scan.msk.s32 $0xffff, v11  }
0x157: {  	v11 =	vld [tilespmem:s1+$0x30];
	v12, _, _ =	vpop (xrf0);
	(xrf0) =	vadd.scan.msk.s32 $0xffff, v7  }
0x158: {  	v7 =	vld [tilespmem:s1+$0x40];
	v13, _, _ =	vpop (xrf0);
	(xrf0) =	vadd.scan.msk.s32 $0xffff, v6  }
0x159: {  	v6 =	vbroadcast v12, $0xF;
	v12 =	vbroadcast v13, $0xF;
	v13 =	vld [tilespmem:s1+$0x50];
	v14, _, _ =	vpop (xrf0);
	(xrf0) =	vadd.scan.msk.s32 $0xffff, v8  }
0x15a: {  	v8 =	vbroadcast v14, $0xF;
	[tilespmem:s1+$0xFFFFFFF0] =	vst v0;
	v14 =	vld [tilespmem:s1+$0x60];
	v15, _, _ =	vpop (xrf0);
	(xrf0) =	vadd.scan.msk.s32 $0xffff, v9  }
0x15b: {  	v6 =	vsel vm7, v6, v12;
	v9 =	vbroadcast v15, $0xF;
	v12 =	vld [tilespmem:s1+$0x70];
	[tilespmem:s1+$0x70] =	vst v0;
	v15, _, _ =	vpop (xrf0);
	(xrf0) =	vadd.scan.msk.s32 $0xffff, v10  }
0x15c: {  	v6 =	vsel vm6, v6, v8;
	v15 =	vbroadcast v15, $0xF;
	[tilespmem:s1+$0x60] =	vst v0;
	v10, _, _ =	vpop (xrf0);
	(xrf0) =	vadd.scan.msk.s32 $0xffff, v11  }
0x15d: {  	v6 =	vsel vm0, v6, v9;
	v11 =	vbroadcast v10, $0xF;
	[tilespmem:s1+$0x50] =	vst v0;
	v10, _, _ =	vpop (xrf0);
	(xrf0) =	vadd.scan.msk.s32 $0xffff, v7  }
0x15e: {  	v6 =	vsel vm1, v6, v15;
	v7 =	vbroadcast v10, $0xF;
	[tilespmem:s1+$0x40] =	vst v0;
	v8, _, _ =	vpop (xrf0);
	(xrf0) =	vadd.scan.msk.s32 $0xffff, v13  }
0x15f: {  	v6 =	vsel vm2, v6, v11;
	v8 =	vbroadcast v8, $0xF;
	[tilespmem:s1+$0x30] =	vst v0;
	v9, _, _ =	vpop (xrf0);
	(xrf0) =	vadd.scan.msk.s32 $0xffff, v14  }
0x160: {  	v6 =	vsel vm3, v6, v7;
	v7 =	vbroadcast v9, $0xF;
	[tilespmem:s1+$0x20] =	vst v0;
	v9, _, _ =	vpop (xrf0)  }
0x161: {  	v6 =	vsel vm4, v6, v8;
	[tilespmem:s1+$0x10] =	vst v0;
	v8 =	vbroadcast v9, $0xF;
	v9, _, _ =	vpop (xrf0)  }
0x162: {  	[tilespmem:s1+$0x0] =	vst v0;
	v6 =	vsel vm5, v6, v7;
	v7 =	vbroadcast v9, $0xF;
	v9, _, _ =	vpop (xrf0);
	(xrf0) =	vadd.scan.msk.s32 $0xffff, v12  }
0x163: {  	[tilespmem:s1+$0xFFFFFFE0] =	vst v0;
	v6 =	vsel vm8, v6, v8;
	v8 =	vbroadcast v9, $0xF;
	v9, _, _ =	vpop (xrf0)  }
0x164: {  	[tilespmem:s1+$0xFFFFFFD0] =	vst v0;
	v6 =	vsel vm9, v6, v7;
	v7 =	vbroadcast v9, $0xF;
	v9, _, _ =	vpop (xrf0)  }
0x165: {  	[tilespmem:s1+$0xFFFFFFC0] =	vst v0;
	v6 =	vsel vm10, v6, v8;
	v8 =	vbroadcast v9, $0xF;
	v9, _, _ =	vpop (xrf0)  }
0x166: {  	[tilespmem:s1+$0xFFFFFFB0] =	vst v0;
	v6 =	vsel vm11, v6, v7;
	v9 =	vbroadcast v9, $0xF  }
0x167: {  	[tilespmem:s1+$0xFFFFFFA0] =	vst v0;
	v6 =	vsel vm12, v6, v8  }
.Ltmp7:
0x168: {  	[tilespmem:s1+$0xFFFFFF80] =	vst v0;
	v6 =	vsel vm13, v6, v9;
	v7, _, _ =	vpop (xrf0);
	(pc) =	sbr.rel @p1 .LBB2_12-.Ltmp7, $4  }
0x169: {  	s2 =	sshra.s32 s3, $0x2;
	s3 =	smov.u32 s4;
	[tilespmem:s1+$0xFFFFFF90] =	vst v0;
	v6 =	vsel vm14, v6, v7  }
0x16a: {  	s1 =	sadd.s32 $0x100, s1;
	[tilespmem:s2+$0x11000] =	vst v6  }
0x16b: {  	v7 =	vld [tilespmem:s1+$0xFFFFFF80]  }
0x16c: {  	s4 =	sadd.s32 $0x40, s4;
	v6 =	vld [tilespmem:s1+$0xFFFFFF90]  }
0x16d: {  	v8 =	vld [tilespmem:s1+$0xFFFFFFA0]  }
0x16e: {  	v9 =	vld [tilespmem:s1+$0xFFFFFFB0]  }
0x16f: {  	v10 =	vld [tilespmem:s1+$0xFFFFFFC0]  }
0x170: {  	v11 =	vld [tilespmem:s1+$0xFFFFFFD0];
	(xrf0) =	vadd.scan.msk.s32 $0xffff, v7  }
0x171: {  	v7 =	vld [tilespmem:s1+$0xFFFFFFE0];
	(xrf0) =	vadd.scan.msk.s32 $0xffff, v6  }
0x172: {  	v6 =	vld [tilespmem:s1+$0xFFFFFFF0];
	(xrf0) =	vadd.scan.msk.s32 $0xffff, v8  }
0x173: {  	v8 =	vld [tilespmem:s1+$0x0];
	(xrf0) =	vadd.scan.msk.s32 $0xffff, v9  }
0x174: {  	v9 =	vld [tilespmem:s1+$0x10];
	(xrf0) =	vadd.scan.msk.s32 $0xffff, v10  }
0x175: {  	v10 =	vld [tilespmem:s1+$0x20];
	(xrf0) =	vadd.scan.msk.s32 $0xffff, v11  }
0x176: {  	v11 =	vld [tilespmem:s1+$0x30];
	v12, _, _ =	vpop (xrf0);
	(xrf0) =	vadd.scan.msk.s32 $0xffff, v7  }
0x177: {  	v7 =	vld [tilespmem:s1+$0x40];
	v13, _, _ =	vpop (xrf0);
	(xrf0) =	vadd.scan.msk.s32 $0xffff, v6  }
0x178: {  	v6 =	vld [tilespmem:s1+$0x50];
	v14, _, _ =	vpop (xrf0);
	(xrf0) =	vadd.scan.msk.s32 $0xffff, v8  }
0x179: {  	v8 =	vld [tilespmem:s1+$0x60];
	v15, _, _ =	vpop (xrf0);
	(xrf0) =	vadd.scan.msk.s32 $0xffff, v9  }
0x17a: {  	v9 =	vld [tilespmem:s1+$0x70];
	v16, _, _ =	vpop (xrf0);
	(xrf0) =	vadd.scan.msk.s32 $0xffff, v10  }
0x17b: {  	v10, _, _ =	vpop (xrf0);
	(xrf0) =	vadd.scan.msk.s32 $0xffff, v11  }
0x17c: {  	v11, _, _ =	vpop (xrf0);
	(xrf0) =	vadd.scan.msk.s32 $0xffff, v7  }
0x17d: {  	v7, _, _ =	vpop (xrf0);
	(xrf0) =	vadd.scan.msk.s32 $0xffff, v6  }
0x17e: {  	v5 =	vxor.u32 $0x80000000, v5;
	v6, _, _ =	vpop (xrf0);
	(xrf0) =	vadd.scan.msk.s32 $0xffff, v8  }
0x17f: {  	v8, _, _ =	vpop (xrf0);
	(xrf0) =	vadd.scan.msk.s32 $0xffff, v9  }
0x180: {  	v9, _, _ =	vpop (xrf0);
	(xrf0) =	vmax.scan.msk.u32 $0xffff, v5  }
0x181: {  	v5, _, _ =	vpop (xrf0)  }
0x182: {  	v17, _, _ =	vpop (xrf0)  }
0x183: {  	v12 =	vbroadcast v12, $0xF;
	v13 =	vbroadcast v13, $0xF;
	v18, _, _ =	vpop (xrf0)  }
0x184: {  	[tilespmem:s1+$0xFFFFFFF0] =	vst v0;
	v14 =	vbroadcast v14, $0xF;
	v19, _, _ =	vpop (xrf0)  }
0x185: {  	[tilespmem:s1+$0xFFFFFFD0] =	vst v0;
	v12 =	vsel vm7, v12, v13;
	v13 =	vbroadcast v15, $0xF;
	v20, _, _ =	vpop (xrf0)  }
0x186: {  	[tilespmem:s1+$0xFFFFFFC0] =	vst v0;
	v12 =	vsel vm6, v12, v14;
	v14 =	vbroadcast v16, $0xF;
	v21, _, _ =	vpop (xrf0)  }
0x187: {  	[tilespmem:s1+$0xFFFFFFB0] =	vst v0;
	v12 =	vsel vm0, v12, v13;
	v10 =	vbroadcast v10, $0xF;
	(v2sf) =	vpush v21, $0xF  }
0x188: {  	[tilespmem:s1+$0xFFFFFFA0] =	vst v0;
	v12 =	vsel vm1, v12, v14;
	v11 =	vbroadcast v11, $0xF  }
0x189: {  	[tilespmem:s1+$0xFFFFFF80] =	vst v0;
	v10 =	vsel vm2, v12, v10;
	v7 =	vbroadcast v7, $0xF  }
0x18a: {  	[tilespmem:s1+$0xFFFFFF90] =	vst v0;
	v10 =	vsel vm3, v10, v11;
	v6 =	vbroadcast v6, $0xF  }
0x18b: {  	[tilespmem:s1+$0xFFFFFFE0] =	vst v0;
	v7 =	vsel vm4, v10, v7;
	v8 =	vbroadcast v8, $0xF  }
0x18c: {  	[tilespmem:s1+$0x0] =	vst v0;
	v6 =	vsel vm5, v7, v6;
	v7 =	vbroadcast v9, $0xF  }
0x18d: {  	[tilespmem:s1+$0x10] =	vst v0;
	v6 =	vsel vm8, v6, v8;
	v5 =	vbroadcast v5, $0xF  }
0x18e: {  	[tilespmem:s1+$0x20] =	vst v0;
	v6 =	vsel vm9, v6, v7;
	v7 =	vbroadcast v17, $0xF  }
0x18f: {  	[tilespmem:s1+$0x30] =	vst v0;
	v5 =	vsel vm10, v6, v5;
	v6 =	vbroadcast v18, $0xF  }
0x190: {  	[tilespmem:s1+$0x40] =	vst v0;
	v5 =	vsel vm11, v5, v7;
	v7 =	vbroadcast v19, $0xF  }
0x191: {  	[tilespmem:s1+$0x50] =	vst v0;
	v5 =	vsel vm12, v5, v6  }
0x192: {  	[tilespmem:s1+$0x60] =	vst v0;
	v5 =	vsel vm13, v5, v7  }
0x193: {  	s22 =	sshra.s32 s3, $0x2;
	[tilespmem:s1+$0x70] =	vst v0;
	v5 =	vsel vm14, v5, v20  }
0x194: {  	[tilespmem:s22+$0x11000] =	vst v5  }
0x195: {  	[spmem:s9] =	stream.linear.scatter [tilespmem:s20], [sflag:$0x2], $0x100, $0x38;
	[tilespmem:$0x128A0] =	vst v63  }
0x196: {  	s23 =	spop (v2sf)  }
0x197: {  	_ =	swait.ge [sflag:s21], $0x100  }
0x198: {  	[sflag:s21] =	ssyncset.done $0x0  }
0x199: {  	[sflag:s21] =	ssyncadd.s32 $0xFFFFFF00  }
0x19a: {  	s2 =	simm.s32 $0x11100;
	[bflag:$0x0] =	sbarrier.arrive $0xFFFF  }
0x19b: {  	[tilespmem:s2], [sflag:$0x2] =	stream.linear.gather [spmem:s10], $0x1000, $0x38;
	[tilespmem:$0x128A0] =	vst v63  }
0x19c: {  	_ =	swait.ge [sflag:s21], $0x1000  }
0x19d: {  	[sflag:s21] =	ssyncset.done $0x0  }
0x19e: {  	s5 =	simm.s32 $0x0;
	[sflag:s21] =	ssyncadd.s32 $0xFFFFF000  }
0x19f: {  	s26 =	sand.u32 $0xF0, s5;
	v5 =	vld [tilespmem:s2+$0x0]  }
0x1a0: {  	v6 =	vld [tilespmem:s26+$0x11200]  }
0x1a1: {  	v7 =	vld [tilespmem:s26+$0x11F00]  }
0x1a2: {  	v8 =	vld [tilespmem:s26+$0x11E00]  }
0x1a3: {  	v9 =	vld [tilespmem:s26+$0x11300]  }
0x1a4: {  	v10 =	vld [tilespmem:s26+$0x11400]  }
0x1a5: {  	v11 =	vld [tilespmem:s26+$0x11500]  }
0x1a6: {  	v12 =	vld [tilespmem:s26+$0x11600]  }
0x1a7: {  	v13 =	vld [tilespmem:s26+$0x11700]  }
0x1a8: {  	v14 =	vld [tilespmem:s26+$0x11800]  }
0x1a9: {  	v15 =	vld [tilespmem:s26+$0x11900]  }
0x1aa: {  	s3 =	simm.s32 $0x20;
	v16 =	vld [tilespmem:s26+$0x11A00];
	v5 =	vadd.s32 v5, v6  }
0x1ab: {  	s22 =	sand.u32 $0xF0, s3;
	v17 =	vld [tilespmem:s26+$0x11B00];
	v5 =	vadd.s32 v9, v5  }
0x1ac: {  	v19 =	vld [tilespmem:s22+$0x11300];
	v5 =	vadd.s32 v10, v5  }
0x1ad: {  	v6 =	vld [tilespmem:s26+$0x11C00];
	v5 =	vadd.s32 v11, v5  }
0x1ae: {  	s24 =	simm.s32 $0x10;
	s31 =	simm.s32 $0x11110;
	v9 =	vld [tilespmem:s26+$0x11D00];
	v5 =	vadd.s32 v12, v5  }
0x1af: {  	s4 =	sand.u32 $0xF0, s24;
	v10 =	vld [tilespmem:s31+$0x0];
	v5 =	vadd.s32 v13, v5  }
0x1b0: {  	v11 =	vld [tilespmem:s4+$0x11200];
	v5 =	vadd.s32 v14, v5  }
0x1b1: {  	v62 =	vld [tilespmem:s22+$0x11500];
	v5 =	vadd.s32 v15, v5  }
0x1b2: {  	v12 =	vld [tilespmem:s26+$0x12000];
	v5 =	vadd.s32 v16, v5  }
0x1b3: {  	v15 =	vld [tilespmem:s4+$0x11300];
	v5 =	vadd.s32 v17, v5  }
0x1b4: {  	v16 =	vld [tilespmem:s4+$0x11400];
	v5 =	vadd.s32 v6, v5  }
0x1b5: {  	v10 =	vadd.s32 v10, v11;
	v11 =	vld [tilespmem:s4+$0x11B00];
	v5 =	vadd.s32 v9, v5  }
0x1b6: {  	v17 =	vld [tilespmem:s4+$0x11500];
	v5 =	vadd.s32 v8, v5  }
0x1b7: {  	v6 =	vld [tilespmem:s4+$0x11600];
	v5 =	vadd.s32 v7, v5  }
0x1b8: {  	v9 =	vld [tilespmem:s4+$0x11700];
	v10 =	vadd.s32 v15, v10;
	v15 =	vadd.s32 v12, v5  }
0x1b9: {  	v8 =	vld [tilespmem:s4+$0x11800];
	(xrf0) =	vadd.scan.msk.s32 $0xffff, v15  }
0x1ba: {  	v7 =	vld [tilespmem:s4+$0x11900];
	v10 =	vadd.s32 v16, v10  }
0x1bb: {  	v5 =	vld [tilespmem:s4+$0x11A00];
	v10 =	vadd.s32 v17, v10  }
0x1bc: {  	v16 =	vld [tilespmem:s4+$0x11D00];
	v6 =	vadd.s32 v6, v10  }
0x1bd: {  	s25 =	simm.s32 $0x11120;
	v12 =	vld [tilespmem:s4+$0x11C00];
	v6 =	vadd.s32 v9, v6  }
0x1be: {  	v9 =	vld [tilespmem:s25+$0x0];
	v6 =	vadd.s32 v8, v6  }
0x1bf: {  	v8 =	vld [tilespmem:s22+$0x11200];
	v6 =	vadd.s32 v7, v6;
	v17, _, _ =	vpop (xrf0)  }
0x1c0: {  	v63 =	vld [tilespmem:s22+$0x11600];
	v5 =	vadd.s32 v5, v6;
	(v2sf) =	vpush v17, $0xF  }
0x1c1: {  	s30 =	sxor.u32 $0x80000000, s23;
	v14 =	vld [tilespmem:s4+$0x11E00];
	v6 =	vadd.s32 v11, v5  }
0x1c2: {  	s1 =	ssub.s32 $0xF3332, s30;
	v13 =	vld [tilespmem:s4+$0x11F00];
	v6 =	vadd.s32 v12, v6  }
0x1c3: {  	v7 =	vld [tilespmem:s4+$0x12000];
	v5 =	vmov s1;
	v18 =	vadd.s32 s5, v17;
	v6 =	vadd.s32 v16, v6  }
0x1c4: {  	v16 =	vld [tilespmem:s22+$0x11400];
	v8 =	vadd.s32 v9, v8;
	v9 =	vor.u32 s5, v1;
	v12 =	vsub.s32 v18, v15  }
0x1c5: {  	v10 =	vld [tilespmem:s22+$0x11F00];
	vm1 =	vgt.s32 v18, v5;
	v18 =	vimm.s32 $0xFFFFFFFF;
	vm0 =	vle.s32 v12, v5  }
0x1c6: {  	v11 =	vld [tilespmem:s22+$0x11E00];
	v6 =	vadd.s32 v14, v6;
	v14 =	vadd.s32 v19, v8;
	vm0 =	vmand vm1, vm0  }
0x1c7: {  	v6 =	vadd.s32 v13, v6;
	v9 =	vnsel vm0, $0xFFFFFFFF, v9;
	v22 =	vnsel vm0, $0xFFFFFFFF, v12;
	v12 =	vld [tilespmem:s22+$0x11700]  }
0x1c8: {  	v13 =	vld [tilespmem:s22+$0x11800];
	v8 =	vadd.s32 v7, v6;
	v19 =	vnsel vm0, $0xFFFFFFFF, v15;
	vm0 =	vgt.s32 v18, v9  }
0x1c9: {  	(xrf0) =	vadd.scan.msk.s32 $0xffff, v8;
	v6 =	vadd.s32 v16, v14;
	v14 =	vld [tilespmem:s22+$0x11900];
	v9 =	vsel vm0, v18, v9;
	vm0 =	vgt.s32 v18, v22  }
0x1ca: {  	v15 =	vld [tilespmem:s22+$0x11A00];
	v16 =	vadd.s32 v62, v6;
	v7 =	vsel vm0, v18, v22;
	vm0 =	vgt.s32 v18, v19  }
0x1cb: {  	s23 =	simm.s32 $0x40;
	s4 =	simm.s32 $0x30;
	v17 =	vadd.s32 v63, v16;
	v16 =	vld [tilespmem:s22+$0x11B00];
	v6 =	vsel vm0, v18, v19  }
.LBB2_14:
0x1cc: {  	p1 =	sne.s32 s23, $0xF0;
	v12 =	vadd.s32 v12, v17;
	v17 =	vld [tilespmem:s22+$0x11C00]  }
0x1cd: {  	s25 =	sadd.s32 $0x10, s25;
	v12 =	vadd.s32 v13, v12;
	v13 =	vld [tilespmem:s22+$0x11D00]  }
0x1ce: {  	s2 =	sand.u32 $0xF0, s4;
	v18 =	vld [tilespmem:s25+$0x0];
	v12 =	vadd.s32 v14, v12  }
0x1cf: {  	v14 =	vld [tilespmem:s2+$0x11200];
	v12 =	vadd.s32 v15, v12;
	v15, _, _ =	vpop (xrf0);
	s26 =	spop (v2sf)  }
0x1d0: {  	v12 =	vadd.s32 v16, v12;
	v16 =	vld [tilespmem:s22+$0x12000];
	(v2sf) =	vpush v15, $0xF;
	s5 =	sadd.s32 s5, s26;
	s22 =	smov.u32 s2  }
0x1d1: {  	v19 =	vld [tilespmem:s22+$0x11F00];
	v12 =	vadd.s32 v17, v12;
	v15 =	vadd.s32 s5, v15  }
0x1d2: {  	v20 =	vor.u32 s24, v1;
	s24 =	smov.u32 s3;
	s3 =	smov.u32 s4;
	s4 =	smov.u32 s23;
	v17 =	vld [tilespmem:s22+$0x11E00];
	v12 =	vadd.s32 v13, v12;
	v13 =	vsub.s32 v15, v8  }
0x1d3: {  	vm1 =	vgt.s32 v15, v5;
	v21 =	vld [tilespmem:s22+$0x11300];
	v11 =	vadd.s32 v11, v12;
	vm0 =	vle.s32 v13, v5  }
0x1d4: {  	v14 =	vadd.s32 v18, v14;
	v15 =	vld [tilespmem:s22+$0x11400];
	v18 =	vadd.s32 v10, v11;
	vm0 =	vmand vm1, vm0  }
0x1d5: {  	v22 =	vld [tilespmem:s22+$0x11500];
	v23 =	vnsel vm0, $0xFFFFFFFF, v20;
	v13 =	vnsel vm0, $0xFFFFFFFF, v13;
	v8 =	vnsel vm0, $0xFFFFFFFF, v8  }
0x1d6: {  	v20 =	vld [tilespmem:s22+$0x11600];
	vm0 =	vgt.s32 v9, v23;
	vm1 =	vgt.s32 v7, v13;
	vm2 =	vgt.s32 v6, v8;
	v10 =	vmovc v19  }
.Ltmp8:
0x1d7: {  	v12 =	vld [tilespmem:s22+$0x11700];
	v9 =	vsel vm0, v9, v23;
	v7 =	vsel vm1, v7, v13;
	v6 =	vsel vm2, v6, v8;
	v11 =	vmovc v17;
	(pc) =	sbr.rel @p1 .LBB2_14-.Ltmp8, $4  }
0x1d8: {  	v8 =	vadd.s32 v16, v18;
	v14 =	vadd.s32 v21, v14;
	v13 =	vld [tilespmem:s22+$0x11800]  }
0x1d9: {  	v15 =	vadd.s32 v15, v14;
	v14 =	vld [tilespmem:s22+$0x11900];
	(xrf0) =	vadd.scan.msk.s32 $0xffff, v8  }
0x1da: {  	v16 =	vadd.s32 v22, v15;
	v15 =	vld [tilespmem:s22+$0x11A00]  }
0x1db: {  	s23 =	sadd.s32 $0x10, s23;
	v17 =	vadd.s32 v20, v16;
	v16 =	vld [tilespmem:s22+$0x11B00]  }
0x1dc: {  	v12 =	vadd.s32 v12, v17;
	v17 =	vld [tilespmem:s22+$0x11C00]  }
0x1dd: {  	v12 =	vadd.s32 v13, v12;
	v13 =	vld [tilespmem:s22+$0x11D00]  }
0x1de: {  	v12 =	vadd.s32 v14, v12  }
0x1df: {  	v12 =	vadd.s32 v15, v12  }
0x1e0: {  	v14 =	vld [tilespmem:s22+$0x12000];
	v12 =	vadd.s32 v16, v12  }
0x1e1: {  	s2 =	sadd.s32 $0x10, s25;
	v12 =	vadd.s32 v17, v12  }
0x1e2: {  	s6 =	sand.u32 $0xF0, s4;
	v15 =	vld [tilespmem:s2+$0x0];
	v12 =	vadd.s32 v13, v12  }
0x1e3: {  	v13 =	vld [tilespmem:s6+$0x11200];
	v11 =	vadd.s32 v11, v12  }
0x1e4: {  	v12 =	vld [tilespmem:s6+$0x11300];
	v10 =	vadd.s32 v10, v11  }
0x1e5: {  	v11 =	vld [tilespmem:s6+$0x11400];
	v10 =	vadd.s32 v14, v10  }
0x1e6: {  	v14 =	vld [tilespmem:s6+$0x11500];
	(xrf0) =	vadd.scan.msk.s32 $0xffff, v10  }
0x1e7: {  	v16 =	vld [tilespmem:s6+$0x11600]  }
0x1e8: {  	v13 =	vadd.s32 v15, v13;
	v15 =	vld [tilespmem:s6+$0x11700]  }
0x1e9: {  	v12 =	vadd.s32 v12, v13;
	v13 =	vld [tilespmem:s6+$0x11800]  }
0x1ea: {  	v17, _, _ =	vpop (xrf0);
	v11 =	vadd.s32 v11, v12;
	v12 =	vld [tilespmem:s6+$0x11900]  }
0x1eb: {  	(v2sf) =	vpush v17, $0xF;
	v11 =	vadd.s32 v14, v11;
	v14 =	vld [tilespmem:s6+$0x11A00]  }
0x1ec: {  	v11 =	vadd.s32 v16, v11;
	v16 =	vld [tilespmem:s6+$0x11B00];
	v18, _, _ =	vpop (xrf0)  }
0x1ed: {  	v11 =	vadd.s32 v15, v11;
	v15 =	vld [tilespmem:s6+$0x11C00];
	(v2sf) =	vpush v18, $0xF  }
0x1ee: {  	v11 =	vadd.s32 v13, v11;
	v13 =	vld [tilespmem:s6+$0x11D00]  }
0x1ef: {  	v19 =	vld [tilespmem:s6+$0x11E00];
	v11 =	vadd.s32 v12, v11  }
0x1f0: {  	v12 =	vld [tilespmem:s6+$0x11F00];
	v11 =	vadd.s32 v14, v11  }
0x1f1: {  	v14 =	vld [tilespmem:s6+$0x12000];
	v11 =	vadd.s32 v16, v11  }
0x1f2: {  	v11 =	vadd.s32 v15, v11  }
0x1f3: {  	v11 =	vadd.s32 v13, v11  }
0x1f4: {  	v11 =	vadd.s32 v19, v11  }
0x1f5: {  	s8 =	spop (v2sf);
	v11 =	vadd.s32 v12, v11  }
0x1f6: {  	s2 =	sadd.s32 s5, s8;
	v11 =	vadd.s32 v14, v11  }
0x1f7: {  	v12 =	vadd.s32 s2, v17;
	(xrf0) =	vadd.scan.msk.s32 $0xffff, v11  }
0x1f8: {  	v13 =	vsub.s32 v12, v8  }
0x1f9: {  	vm1 =	vgt.s32 v12, v5;
	vm0 =	vle.s32 v13, v5  }
0x1fa: {  	s22 =	spop (v2sf);
	v12 =	vor.u32 s24, v1;
	vm0 =	vmand vm1, vm0  }
0x1fb: {  	s2 =	sadd.s32 s2, s22;
	v12 =	vnsel vm0, $0xFFFFFFFF, v12  }
0x1fc: {  	v14 =	vadd.s32 s2, v18;
	vm1 =	vgt.s32 v9, v12;
	s23 =	spop (v2sf)  }
0x1fd: {  	v9 =	vsel vm1, v9, v12;
	v12 =	vsub.s32 v14, v10;
	v15, _, _ =	vpop (xrf0);
	s2 =	sadd.s32 s2, s23  }
0x1fe: {  	vm2 =	vgt.s32 v14, v5;
	vm1 =	vle.s32 v12, v5;
	v14 =	vadd.s32 s2, v15  }
0x1ff: {  	v16 =	vor.u32 s3, v1;
	vm1 =	vmand vm2, vm1;
	v17 =	vsub.s32 v14, v11  }
0x200: {  	v16 =	vnsel vm1, $0xFFFFFFFF, v16;
	vm3 =	vgt.s32 v14, v5;
	vm2 =	vle.s32 v17, v5  }
0x201: {  	v5 =	vor.u32 s4, v1;
	vm2 =	vmand vm3, vm2;
	vm3 =	vgt.s32 v9, v16  }
0x202: {  	v9 =	vsel vm3, v9, v16;
	v5 =	vnsel vm2, $0xFFFFFFFF, v5  }
0x203: {  	vm3 =	vgt.s32 v9, v5  }
0x204: {  	v5 =	vsel vm3, v9, v5  }
0x205: {  	v5 =	vxor.u32 $0x80000000, v5  }
0x206: {  	(xrf0) =	vmax.scan.msk.u32 $0xffff, v5;
	_ =	sdelay $0x5  }
0x207: {  	(v2sf) =	vpush v15, $0xF;
	v5, _, _ =	vpop (xrf0)  }
0x208: {  	(v2sf) =	vpush v5, $0xF;
	_ =	sdelay $0x6  }
0x209: {  	s24 =	simm.s32 $0x40  }
0x20a: {  	v9 =	vld [tilespmem:s24+$0xFFFFFFC0];
	_ =	sdelay $0x3  }
0x20b: {  	v8 =	vnsel vm0, $0xFFFFFFFF, v8;
	v11 =	vnsel vm2, $0xFFFFFFFF, v11;
	v5 =	vnsel vm0, $0xFFFFFFFF, v13  }
0x20c: {  	v13 =	vand.u32 $0xFFFF0000, v9;
	v9 =	vshrl.u32 v9, $0x4;
	vm0 =	vgt.s32 v7, v5  }
0x20d: {  	s25 =	spop (v2sf);
	v5 =	vsel vm0, v7, v5;
	vm0 =	vgt.s32 v6, v8;
	v7 =	vnsel vm1, $0xFFFFFFFF, v12;
	v12 =	vld [tilespmem:s24+$0x30]  }
0x20e: {  	v9 =	vand.u32 $0xFF0, v9;
	v6 =	vsel vm0, v6, v8;
	v8 =	vnsel vm1, $0xFFFFFFFF, v10;
	v10 =	vld [tilespmem:s24+$0xFFFFFFF0];
	s26 =	spop (v2sf)  }
0x20f: {  	v16 =	vor.u32 v1, v9;
	vm0 =	vgt.s32 v5, v7;
	vm1 =	vgt.s32 v6, v8;
	s5 =	sshll.u32 s26, $0x10  }
0x210: {  	v5 =	vsel vm0, v5, v7;
	v8 =	vsel vm1, v6, v8;
	v6 =	vnsel vm2, $0xFFFFFFFF, v17;
	s5 =	sor.u32 s0, s5  }
0x211: {  	v15 =	vld [tilespmem:s24+$0x0];
	vm0 =	vgt.s32 v5, v6;
	vm1 =	vgt.s32 v8, v11;
	v7 =	vmov s5  }
0x212: {  	v6 =	vsel vm0, v5, v6;
	v5 =	vsel vm1, v8, v11;
	vm0 =	veq.s32 v13, v7  }
0x213: {  	v14 =	vld [tilespmem:s24+$0xFFFFFFE0];
	v11 =	vshrl.u32 v12, $0x4;
	v8 =	vshrl.u32 v10, $0x4;
	v9 =	vand.u32 $0xFFFF0000, v10  }
0x214: {  	v12 =	vand.u32 $0xFFFF0000, v12;
	v10 =	vand.u32 $0xFF0, v8;
	v8 =	vld [tilespmem:s24+$0x20];
	vm1 =	veq.s32 v9, v7  }
0x215: {  	v17 =	vand.u32 $0xFF0, v11;
	v11 =	vor.u32 v1, v10;
	v9 =	vld [tilespmem:s24+$0xFFFFFFD0];
	vm2 =	veq.s32 v12, v7  }
0x216: {  	v10 =	vor.u32 v1, v17;
	v17 =	vand.u32 $0xFFFF0000, v15;
	v15 =	vshrl.u32 v15, $0x4  }
0x217: {  	v15 =	vand.u32 $0xFF0, v15;
	v12 =	vld [tilespmem:s24+$0x10]  }
0x218: {  	s31 =	sadd.s32 s2, s25;
	s2 =	simm.s32 $0xC0;
	s0 =	simm.s32 $0x0;
	v13 =	vshrl.u32 v14, $0x4;
	v14 =	vand.u32 $0xFFFF0000, v14;
	[tilespmem:v16+s19+$0x0] =	vst.idx.add.s32.msk vm0, v3;
	vm0 =	veq.s32 v17, v7  }
.LBB2_16:
0x219: {  	v16 =	vld [tilespmem:s2+$0xFFFFFFF0];
	s0 =	sadd.s32 $0x8, s0;
	vm5 =	veq.s32 v14, v7;
	v13 =	vand.u32 $0xFF0, v13;
	v14 =	vor.u32 v1, v15  }
0x21a: {  	v15 =	vand.u32 $0xFFFF0000, v9;
	p1 =	slt.u32 s0, $0xFF8;
	v13 =	vor.u32 v1, v13;
	[tilespmem:v11+s19+$0x0] =	vst.idx.add.s32.msk vm1, v3;
	v11 =	vand.u32 $0xFFFF0000, v8  }
0x21b: {  	vm4 =	veq.s32 v15, v7;
	v8 =	vshrl.u32 v8, $0x4;
	vm3 =	veq.s32 v11, v7;
	[tilespmem:v10+s19+$0x0] =	vst.idx.add.s32.msk vm2, v3  }
0x21c: {  	v9 =	vshrl.u32 v9, $0x4;
	v8 =	vand.u32 $0xFF0, v8;
	v10 =	vld [tilespmem:s2+$0xFFFFFFC0];
	v11 =	vshrl.u32 v12, $0x4  }
0x21d: {  	v9 =	vand.u32 $0xFF0, v9;
	v12 =	vand.u32 $0xFFFF0000, v12;
	v17 =	vor.u32 v1, v8;
	v15 =	vld [tilespmem:s2+$0x30]  }
0x21e: {  	vm15 =	veq.s32 v12, v7;
	v11 =	vand.u32 $0xFF0, v11;
	v18 =	vshrl.u32 v16, $0x4;
	v8 =	vld [tilespmem:s2+$0x20]  }
0x21f: {  	v19 =	vor.u32 v1, v9;
	v20 =	vor.u32 v1, v11;
	v12 =	vld [tilespmem:s2+$0xFFFFFFE0]  }
0x220: {  	[tilespmem:v13+s19+$0x0] =	vst.idx.add.s32.msk vm5, v3  }
0x221: {  	v9 =	vand.u32 $0xFFFF0000, v10;
	v10 =	vshrl.u32 v10, $0x4;
	[tilespmem:v14+s19+$0x0] =	vst.idx.add.s32.msk vm0, v3  }
0x222: {  	vm0 =	veq.s32 v9, v7;
	v9 =	vand.u32 $0xFF0, v10;
	v10 =	vand.u32 $0xFFFF0000, v16;
	v16 =	vld [tilespmem:s2+$0x0]  }
0x223: {  	v11 =	vand.u32 $0xFF0, v18;
	v13 =	vshrl.u32 v15, $0x4;
	v21 =	vor.u32 v1, v9;
	v9 =	vld [tilespmem:s2+$0xFFFFFFD0]  }
.Ltmp9:
0x224: {  	vm1 =	veq.s32 v10, v7;
	v10 =	vand.u32 $0xFFFF0000, v15;
	v14 =	vand.u32 $0xFF0, v13;
	[tilespmem:v19+s19+$0x0] =	vst.idx.add.s32.msk vm4, v3;
	(pc) =	sbr.rel @p1 .LBB2_16-.Ltmp9, $4  }
0x225: {  	v11 =	vor.u32 v1, v11;
	vm2 =	veq.s32 v10, v7;
	[tilespmem:v17+s19+$0x0] =	vst.idx.add.s32.msk vm3, v3  }
0x226: {  	v13 =	vshrl.u32 v12, $0x4;
	v10 =	vor.u32 v1, v14;
	[tilespmem:v20+s19+$0x0] =	vst.idx.add.s32.msk vm15, v3  }
0x227: {  	v14 =	vand.u32 $0xFFFF0000, v12;
	v15 =	vand.u32 $0xFFFF0000, v16;
	v16 =	vshrl.u32 v16, $0x4;
	v12 =	vld [tilespmem:s2+$0x10]  }
0x228: {  	s2 =	sadd.s32 $0x80, s2;
	[tilespmem:v21+s19+$0x0] =	vst.idx.add.s32.msk vm0, v3;
	vm0 =	veq.s32 v15, v7;
	v15 =	vand.u32 $0xFF0, v16  }
0x229: {  	vm3 =	veq.s32 v14, v7;
	v13 =	vand.u32 $0xFF0, v13;
	v60 =	vand.u32 $0xFFFF0000, v9  }
0x22a: {  	v15 =	vor.u32 v1, v15;
	v61 =	vand.u32 $0xFFFF0000, v8;
	v9 =	vshrl.u32 v9, $0x4  }
0x22b: {  	v8 =	vshrl.u32 v8, $0x4;
	vm4 =	veq.s32 v60, v7;
	v13 =	vor.u32 v1, v13  }
0x22c: {  	vm5 =	veq.s32 v61, v7;
	v9 =	vand.u32 $0xFF0, v9;
	v8 =	vand.u32 $0xFF0, v8  }
0x22d: {  	v9 =	vor.u32 v1, v9;
	v62 =	vshrl.u32 v12, $0x4;
	v63 =	vand.u32 $0xFFFF0000, v12  }
0x22e: {  	[tilespmem:v11+s19+$0x0] =	vst.idx.add.s32.msk vm1, v3;
	v8 =	vor.u32 v1, v8;
	vm1 =	veq.s32 v63, v7;
	v7 =	vand.u32 $0xFF0, v62  }
0x22f: {  	[tilespmem:v10+s19+$0x0] =	vst.idx.add.s32.msk vm2, v3;
	v7 =	vor.u32 v1, v7  }
0x230: {  	[tilespmem:v15+s19+$0x0] =	vst.idx.add.s32.msk vm0, v3  }
0x231: {  	[tilespmem:v13+s19+$0x0] =	vst.idx.add.s32.msk vm3, v3  }
0x232: {  	[tilespmem:v9+s19+$0x0] =	vst.idx.add.s32.msk vm4, v3  }
0x233: {  	[tilespmem:v8+s19+$0x0] =	vst.idx.add.s32.msk vm5, v3  }
0x234: {  	[tilespmem:v7+s19+$0x0] =	vst.idx.add.s32.msk vm1, v3  }
0x235: {  	v9 =	vld [tilespmem:$0x1FFA0];
	_ =	sdelay $0x4  }
0x236: {  	vm0 =	vnez.u8 v9;
	v9 =	vld [tilespmem:$0x1FFB0];
	_ =	sdelay $0x4  }
0x237: {  	vm1 =	vnez.u8 v9;
	v9 =	vld [tilespmem:$0x1FFC0];
	_ =	sdelay $0x4  }
0x238: {  	vm2 =	vnez.u8 v9;
	v9 =	vld [tilespmem:$0x1FFD0];
	_ =	sdelay $0x4  }
0x239: {  	vm3 =	vnez.u8 v9;
	v9 =	vld [tilespmem:$0x1FFE0];
	_ =	sdelay $0x4  }
0x23a: {  	vm4 =	vnez.u8 v9;
	v9 =	vld [tilespmem:$0x1FFF0];
	_ =	sdelay $0x2  }
0x23b: {  	s0 =	simm.s32 $0x10080  }
0x23c: {  	v8 =	vld [tilespmem:s0+$0xFFFFFF80]  }
0x23d: {  	s3 =	simm.s32 $0x0;
	s4 =	simm.s32 $0x40;
	v7 =	vld [tilespmem:s0+$0xFFFFFF90];
	vm5 =	vnez.u8 v9  }
.LBB2_18:
0x23e: {  	p1 =	sne.s32 s4, $0x3C0;
	v9 =	vld [tilespmem:s0+$0xFFFFFFA0]  }
0x23f: {  	v10 =	vld [tilespmem:s0+$0xFFFFFFB0]  }
0x240: {  	v11 =	vld [tilespmem:s0+$0xFFFFFFC0]  }
0x241: {  	v12 =	vld [tilespmem:s0+$0xFFFFFFD0];
	(xrf0) =	vadd.scan.msk.s32 $0xffff, v8  }
0x242: {  	v8 =	vld [tilespmem:s0+$0xFFFFFFE0];
	(xrf0) =	vadd.scan.msk.s32 $0xffff, v7  }
0x243: {  	v7 =	vld [tilespmem:s0+$0xFFFFFFF0];
	(xrf0) =	vadd.scan.msk.s32 $0xffff, v9  }
0x244: {  	v9 =	vld [tilespmem:s0+$0x0];
	(xrf0) =	vadd.scan.msk.s32 $0xffff, v10  }
0x245: {  	v10 =	vld [tilespmem:s0+$0x10];
	(xrf0) =	vadd.scan.msk.s32 $0xffff, v11  }
0x246: {  	v11 =	vld [tilespmem:s0+$0x20];
	(xrf0) =	vadd.scan.msk.s32 $0xffff, v12  }
0x247: {  	v12 =	vld [tilespmem:s0+$0x30];
	v13, _, _ =	vpop (xrf0);
	(xrf0) =	vadd.scan.msk.s32 $0xffff, v8  }
0x248: {  	v8 =	vld [tilespmem:s0+$0x40];
	v14, _, _ =	vpop (xrf0);
	(xrf0) =	vadd.scan.msk.s32 $0xffff, v7  }
0x249: {  	v7 =	vbroadcast v13, $0xF;
	v13 =	vbroadcast v14, $0xF;
	v14 =	vld [tilespmem:s0+$0x50];
	v15, _, _ =	vpop (xrf0);
	(xrf0) =	vadd.scan.msk.s32 $0xffff, v9  }
0x24a: {  	v9 =	vbroadcast v15, $0xF;
	[tilespmem:s0+$0xFFFFFFF0] =	vst v0;
	v15 =	vld [tilespmem:s0+$0x60];
	v16, _, _ =	vpop (xrf0);
	(xrf0) =	vadd.scan.msk.s32 $0xffff, v10  }
0x24b: {  	v7 =	vsel vm7, v7, v13;
	v10 =	vbroadcast v16, $0xF;
	v13 =	vld [tilespmem:s0+$0x70];
	[tilespmem:s0+$0x70] =	vst v0;
	v16, _, _ =	vpop (xrf0);
	(xrf0) =	vadd.scan.msk.s32 $0xffff, v11  }
0x24c: {  	v7 =	vsel vm6, v7, v9;
	v16 =	vbroadcast v16, $0xF;
	[tilespmem:s0+$0x60] =	vst v0;
	v11, _, _ =	vpop (xrf0);
	(xrf0) =	vadd.scan.msk.s32 $0xffff, v12  }
0x24d: {  	v7 =	vsel vm0, v7, v10;
	v12 =	vbroadcast v11, $0xF;
	[tilespmem:s0+$0x50] =	vst v0;
	v11, _, _ =	vpop (xrf0);
	(xrf0) =	vadd.scan.msk.s32 $0xffff, v8  }
0x24e: {  	v7 =	vsel vm1, v7, v16;
	v8 =	vbroadcast v11, $0xF;
	[tilespmem:s0+$0x40] =	vst v0;
	v9, _, _ =	vpop (xrf0);
	(xrf0) =	vadd.scan.msk.s32 $0xffff, v14  }
0x24f: {  	v7 =	vsel vm2, v7, v12;
	v9 =	vbroadcast v9, $0xF;
	[tilespmem:s0+$0x30] =	vst v0;
	v10, _, _ =	vpop (xrf0);
	(xrf0) =	vadd.scan.msk.s32 $0xffff, v15  }
0x250: {  	v7 =	vsel vm3, v7, v8;
	v8 =	vbroadcast v10, $0xF;
	[tilespmem:s0+$0x20] =	vst v0;
	v10, _, _ =	vpop (xrf0)  }
0x251: {  	v7 =	vsel vm4, v7, v9;
	[tilespmem:s0+$0x10] =	vst v0;
	v9 =	vbroadcast v10, $0xF;
	v10, _, _ =	vpop (xrf0)  }
0x252: {  	[tilespmem:s0+$0x0] =	vst v0;
	v7 =	vsel vm5, v7, v8;
	v8 =	vbroadcast v10, $0xF;
	v10, _, _ =	vpop (xrf0);
	(xrf0) =	vadd.scan.msk.s32 $0xffff, v13  }
0x253: {  	[tilespmem:s0+$0xFFFFFFE0] =	vst v0;
	v7 =	vsel vm8, v7, v9;
	v9 =	vbroadcast v10, $0xF;
	v10, _, _ =	vpop (xrf0)  }
0x254: {  	[tilespmem:s0+$0xFFFFFFD0] =	vst v0;
	v7 =	vsel vm9, v7, v8;
	v8 =	vbroadcast v10, $0xF;
	v10, _, _ =	vpop (xrf0)  }
0x255: {  	[tilespmem:s0+$0xFFFFFFC0] =	vst v0;
	v7 =	vsel vm10, v7, v9;
	v9 =	vbroadcast v10, $0xF;
	v10, _, _ =	vpop (xrf0)  }
0x256: {  	[tilespmem:s0+$0xFFFFFFB0] =	vst v0;
	v7 =	vsel vm11, v7, v8;
	v10 =	vbroadcast v10, $0xF  }
0x257: {  	[tilespmem:s0+$0xFFFFFFA0] =	vst v0;
	v7 =	vsel vm12, v7, v9  }
.Ltmp10:
0x258: {  	[tilespmem:s0+$0xFFFFFF80] =	vst v0;
	v7 =	vsel vm13, v7, v10;
	v8, _, _ =	vpop (xrf0);
	(pc) =	sbr.rel @p1 .LBB2_18-.Ltmp10, $4  }
0x259: {  	s2 =	sshra.s32 s3, $0x2;
	s3 =	smov.u32 s4;
	[tilespmem:s0+$0xFFFFFF90] =	vst v0;
	v7 =	vsel vm14, v7, v8  }
0x25a: {  	s0 =	sadd.s32 $0x100, s0;
	[tilespmem:s2+$0x11000] =	vst v7  }
0x25b: {  	v8 =	vld [tilespmem:s0+$0xFFFFFF80]  }
0x25c: {  	s4 =	sadd.s32 $0x40, s4;
	v7 =	vld [tilespmem:s0+$0xFFFFFF90]  }
0x25d: {  	v9 =	vld [tilespmem:s0+$0xFFFFFFA0]  }
0x25e: {  	v10 =	vld [tilespmem:s0+$0xFFFFFFB0]  }
0x25f: {  	v11 =	vld [tilespmem:s0+$0xFFFFFFC0]  }
0x260: {  	v12 =	vld [tilespmem:s0+$0xFFFFFFD0];
	(xrf0) =	vadd.scan.msk.s32 $0xffff, v8  }
0x261: {  	v8 =	vld [tilespmem:s0+$0xFFFFFFE0];
	(xrf0) =	vadd.scan.msk.s32 $0xffff, v7  }
0x262: {  	v7 =	vld [tilespmem:s0+$0xFFFFFFF0];
	(xrf0) =	vadd.scan.msk.s32 $0xffff, v9  }
0x263: {  	v9 =	vld [tilespmem:s0+$0x0];
	(xrf0) =	vadd.scan.msk.s32 $0xffff, v10  }
0x264: {  	v10 =	vld [tilespmem:s0+$0x10];
	(xrf0) =	vadd.scan.msk.s32 $0xffff, v11  }
0x265: {  	v11 =	vld [tilespmem:s0+$0x20];
	(xrf0) =	vadd.scan.msk.s32 $0xffff, v12  }
0x266: {  	v12 =	vld [tilespmem:s0+$0x30];
	v13, _, _ =	vpop (xrf0);
	(xrf0) =	vadd.scan.msk.s32 $0xffff, v8  }
0x267: {  	v8 =	vld [tilespmem:s0+$0x40];
	v14, _, _ =	vpop (xrf0);
	(xrf0) =	vadd.scan.msk.s32 $0xffff, v7  }
0x268: {  	v7 =	vld [tilespmem:s0+$0x50];
	v15, _, _ =	vpop (xrf0);
	(xrf0) =	vadd.scan.msk.s32 $0xffff, v9  }
0x269: {  	v9 =	vld [tilespmem:s0+$0x60];
	v16, _, _ =	vpop (xrf0);
	(xrf0) =	vadd.scan.msk.s32 $0xffff, v10  }
0x26a: {  	v10 =	vld [tilespmem:s0+$0x70];
	v17, _, _ =	vpop (xrf0);
	(xrf0) =	vadd.scan.msk.s32 $0xffff, v11  }
0x26b: {  	v11, _, _ =	vpop (xrf0);
	(xrf0) =	vadd.scan.msk.s32 $0xffff, v12  }
0x26c: {  	v12, _, _ =	vpop (xrf0);
	(xrf0) =	vadd.scan.msk.s32 $0xffff, v8  }
0x26d: {  	v8, _, _ =	vpop (xrf0);
	(xrf0) =	vadd.scan.msk.s32 $0xffff, v7  }
0x26e: {  	v6 =	vxor.u32 $0x80000000, v6;
	v7, _, _ =	vpop (xrf0);
	(xrf0) =	vadd.scan.msk.s32 $0xffff, v9  }
0x26f: {  	v9, _, _ =	vpop (xrf0);
	(xrf0) =	vadd.scan.msk.s32 $0xffff, v10  }
0x270: {  	v10, _, _ =	vpop (xrf0);
	(xrf0) =	vmax.scan.msk.u32 $0xffff, v6  }
0x271: {  	v6, _, _ =	vpop (xrf0)  }
0x272: {  	v18, _, _ =	vpop (xrf0)  }
0x273: {  	v13 =	vbroadcast v13, $0xF;
	v14 =	vbroadcast v14, $0xF;
	v19, _, _ =	vpop (xrf0)  }
0x274: {  	[tilespmem:s0+$0xFFFFFFF0] =	vst v0;
	v15 =	vbroadcast v15, $0xF;
	v20, _, _ =	vpop (xrf0)  }
0x275: {  	[tilespmem:s0+$0xFFFFFFD0] =	vst v0;
	v13 =	vsel vm7, v13, v14;
	v14 =	vbroadcast v16, $0xF;
	v21, _, _ =	vpop (xrf0)  }
0x276: {  	[tilespmem:s0+$0xFFFFFFC0] =	vst v0;
	v13 =	vsel vm6, v13, v15;
	v15 =	vbroadcast v17, $0xF;
	v22, _, _ =	vpop (xrf0)  }
0x277: {  	[tilespmem:s0+$0xFFFFFFB0] =	vst v0;
	v13 =	vsel vm0, v13, v14;
	v11 =	vbroadcast v11, $0xF;
	(v2sf) =	vpush v22, $0xF  }
0x278: {  	[tilespmem:s0+$0xFFFFFFA0] =	vst v0;
	v13 =	vsel vm1, v13, v15;
	v12 =	vbroadcast v12, $0xF  }
0x279: {  	[tilespmem:s0+$0xFFFFFF80] =	vst v0;
	v11 =	vsel vm2, v13, v11;
	v8 =	vbroadcast v8, $0xF  }
0x27a: {  	[tilespmem:s0+$0xFFFFFF90] =	vst v0;
	v11 =	vsel vm3, v11, v12;
	v7 =	vbroadcast v7, $0xF  }
0x27b: {  	[tilespmem:s0+$0xFFFFFFE0] =	vst v0;
	v8 =	vsel vm4, v11, v8;
	v9 =	vbroadcast v9, $0xF  }
0x27c: {  	[tilespmem:s0+$0x0] =	vst v0;
	v7 =	vsel vm5, v8, v7;
	v8 =	vbroadcast v10, $0xF  }
0x27d: {  	[tilespmem:s0+$0x10] =	vst v0;
	v7 =	vsel vm8, v7, v9;
	v6 =	vbroadcast v6, $0xF  }
0x27e: {  	[tilespmem:s0+$0x20] =	vst v0;
	v7 =	vsel vm9, v7, v8;
	v8 =	vbroadcast v18, $0xF  }
0x27f: {  	[tilespmem:s0+$0x30] =	vst v0;
	v6 =	vsel vm10, v7, v6;
	v7 =	vbroadcast v19, $0xF  }
0x280: {  	[tilespmem:s0+$0x40] =	vst v0;
	v6 =	vsel vm11, v6, v8;
	v8 =	vbroadcast v20, $0xF  }
0x281: {  	[tilespmem:s0+$0x50] =	vst v0;
	v6 =	vsel vm12, v6, v7  }
0x282: {  	[tilespmem:s0+$0x60] =	vst v0;
	v6 =	vsel vm13, v6, v8  }
0x283: {  	s6 =	sshra.s32 s3, $0x2;
	[tilespmem:s0+$0x70] =	vst v0;
	v6 =	vsel vm14, v6, v21  }
0x284: {  	[tilespmem:s6+$0x11000] =	vst v6  }
0x285: {  	[spmem:s11] =	stream.linear.scatter [tilespmem:s20], [sflag:$0x2], $0x100, $0x38;
	[tilespmem:$0x128A0] =	vst v63  }
0x286: {  	s8 =	spop (v2sf)  }
0x287: {  	_ =	swait.ge [sflag:s21], $0x100  }
0x288: {  	[sflag:s21] =	ssyncset.done $0x0  }
0x289: {  	[sflag:s21] =	ssyncadd.s32 $0xFFFFFF00  }
0x28a: {  	s2 =	simm.s32 $0x11100;
	[bflag:$0x0] =	sbarrier.arrive $0xFFFF  }
0x28b: {  	[tilespmem:s2], [sflag:$0x2] =	stream.linear.gather [spmem:s12], $0x1000, $0x38;
	[tilespmem:$0x128A0] =	vst v63  }
0x28c: {  	_ =	swait.ge [sflag:s21], $0x1000  }
0x28d: {  	[sflag:s21] =	ssyncset.done $0x0  }
0x28e: {  	s24 =	simm.s32 $0x0;
	[sflag:s21] =	ssyncadd.s32 $0xFFFFF000  }
0x28f: {  	s23 =	sand.u32 $0xF0, s24;
	v6 =	vld [tilespmem:s2+$0x0]  }
0x290: {  	v7 =	vld [tilespmem:s23+$0x11200]  }
0x291: {  	v8 =	vld [tilespmem:s23+$0x11F00]  }
0x292: {  	v9 =	vld [tilespmem:s23+$0x11E00]  }
0x293: {  	v10 =	vld [tilespmem:s23+$0x11300]  }
0x294: {  	v11 =	vld [tilespmem:s23+$0x11400]  }
0x295: {  	v12 =	vld [tilespmem:s23+$0x11500]  }
0x296: {  	v13 =	vld [tilespmem:s23+$0x11600]  }
0x297: {  	v14 =	vld [tilespmem:s23+$0x11700]  }
0x298: {  	v15 =	vld [tilespmem:s23+$0x11800]  }
0x299: {  	v16 =	vld [tilespmem:s23+$0x11900]  }
0x29a: {  	s3 =	simm.s32 $0x20;
	v17 =	vld [tilespmem:s23+$0x11A00];
	v6 =	vadd.s32 v6, v7  }
0x29b: {  	s22 =	sand.u32 $0xF0, s3;
	v18 =	vld [tilespmem:s23+$0x11B00];
	v6 =	vadd.s32 v10, v6  }
0x29c: {  	v20 =	vld [tilespmem:s22+$0x11300];
	v6 =	vadd.s32 v11, v6  }
0x29d: {  	v7 =	vld [tilespmem:s23+$0x11C00];
	v6 =	vadd.s32 v12, v6  }
0x29e: {  	s25 =	simm.s32 $0x10;
	s26 =	simm.s32 $0x11110;
	v10 =	vld [tilespmem:s23+$0x11D00];
	v6 =	vadd.s32 v13, v6  }
0x29f: {  	s4 =	sand.u32 $0xF0, s25;
	v11 =	vld [tilespmem:s26+$0x0];
	v6 =	vadd.s32 v14, v6  }
0x2a0: {  	v12 =	vld [tilespmem:s4+$0x11200];
	v6 =	vadd.s32 v15, v6  }
0x2a1: {  	v62 =	vld [tilespmem:s22+$0x11500];
	v6 =	vadd.s32 v16, v6  }
0x2a2: {  	v13 =	vld [tilespmem:s23+$0x12000];
	v6 =	vadd.s32 v17, v6  }
0x2a3: {  	v16 =	vld [tilespmem:s4+$0x11300];
	v6 =	vadd.s32 v18, v6  }
0x2a4: {  	v17 =	vld [tilespmem:s4+$0x11400];
	v6 =	vadd.s32 v7, v6  }
0x2a5: {  	v11 =	vadd.s32 v11, v12;
	v12 =	vld [tilespmem:s4+$0x11B00];
	v6 =	vadd.s32 v10, v6  }
0x2a6: {  	v18 =	vld [tilespmem:s4+$0x11500];
	v6 =	vadd.s32 v9, v6  }
0x2a7: {  	v7 =	vld [tilespmem:s4+$0x11600];
	v6 =	vadd.s32 v8, v6  }
0x2a8: {  	v10 =	vld [tilespmem:s4+$0x11700];
	v11 =	vadd.s32 v16, v11;
	v16 =	vadd.s32 v13, v6  }
0x2a9: {  	v9 =	vld [tilespmem:s4+$0x11800];
	(xrf0) =	vadd.scan.msk.s32 $0xffff, v16  }
0x2aa: {  	v8 =	vld [tilespmem:s4+$0x11900];
	v11 =	vadd.s32 v17, v11  }
0x2ab: {  	v6 =	vld [tilespmem:s4+$0x11A00];
	v11 =	vadd.s32 v18, v11  }
0x2ac: {  	v17 =	vld [tilespmem:s4+$0x11D00];
	v7 =	vadd.s32 v7, v11  }
0x2ad: {  	s26 =	simm.s32 $0x11120;
	v13 =	vld [tilespmem:s4+$0x11C00];
	v7 =	vadd.s32 v10, v7  }
0x2ae: {  	v10 =	vld [tilespmem:s26+$0x0];
	v7 =	vadd.s32 v9, v7  }
0x2af: {  	v9 =	vld [tilespmem:s22+$0x11200];
	v7 =	vadd.s32 v8, v7;
	v18, _, _ =	vpop (xrf0)  }
0x2b0: {  	v63 =	vld [tilespmem:s22+$0x11600];
	v6 =	vadd.s32 v6, v7;
	(v2sf) =	vpush v18, $0xF  }
0x2b1: {  	s0 =	sxor.u32 $0x80000000, s8;
	v15 =	vld [tilespmem:s4+$0x11E00];
	v7 =	vadd.s32 v12, v6  }
0x2b2: {  	s1 =	ssub.s32 s1, s0;
	v14 =	vld [tilespmem:s4+$0x11F00];
	v7 =	vadd.s32 v13, v7  }
0x2b3: {  	v8 =	vld [tilespmem:s4+$0x12000];
	v6 =	vmov s1;
	v19 =	vadd.s32 s24, v18;
	v7 =	vadd.s32 v17, v7  }
0x2b4: {  	v17 =	vld [tilespmem:s22+$0x11400];
	v9 =	vadd.s32 v10, v9;
	v10 =	vor.u32 s24, v1;
	v13 =	vsub.s32 v19, v16  }
0x2b5: {  	v11 =	vld [tilespmem:s22+$0x11F00];
	vm1 =	vgt.s32 v19, v6;
	v19 =	vimm.s32 $0xFFFFFFFF;
	vm0 =	vle.s32 v13, v6  }
0x2b6: {  	v12 =	vld [tilespmem:s22+$0x11E00];
	v7 =	vadd.s32 v15, v7;
	v15 =	vadd.s32 v20, v9;
	vm0 =	vmand vm1, vm0  }
0x2b7: {  	v7 =	vadd.s32 v14, v7;
	v10 =	vnsel vm0, $0xFFFFFFFF, v10;
	v23 =	vnsel vm0, $0xFFFFFFFF, v13;
	v13 =	vld [tilespmem:s22+$0x11700]  }
0x2b8: {  	v14 =	vld [tilespmem:s22+$0x11800];
	v9 =	vadd.s32 v8, v7;
	v20 =	vnsel vm0, $0xFFFFFFFF, v16;
	vm0 =	vgt.s32 v19, v10  }
0x2b9: {  	(xrf0) =	vadd.scan.msk.s32 $0xffff, v9;
	v8 =	vadd.s32 v17, v15;
	v15 =	vld [tilespmem:s22+$0x11900];
	v10 =	vsel vm0, v19, v10;
	vm0 =	vgt.s32 v19, v23  }
0x2ba: {  	v16 =	vld [tilespmem:s22+$0x11A00];
	v17 =	vadd.s32 v62, v8;
	v7 =	vsel vm0, v19, v23;
	vm0 =	vgt.s32 v19, v20  }
0x2bb: {  	s23 =	simm.s32 $0x40;
	s4 =	simm.s32 $0x30;
	v18 =	vadd.s32 v63, v17;
	v17 =	vld [tilespmem:s22+$0x11B00];
	v8 =	vsel vm0, v19, v20  }
.LBB2_20:
0x2bc: {  	p1 =	sne.s32 s23, $0xF0;
	v13 =	vadd.s32 v13, v18;
	v18 =	vld [tilespmem:s22+$0x11C00]  }
0x2bd: {  	s26 =	sadd.s32 $0x10, s26;
	v13 =	vadd.s32 v14, v13;
	v14 =	vld [tilespmem:s22+$0x11D00]  }
0x2be: {  	s2 =	sand.u32 $0xF0, s4;
	v19 =	vld [tilespmem:s26+$0x0];
	v13 =	vadd.s32 v15, v13  }
0x2bf: {  	v15 =	vld [tilespmem:s2+$0x11200];
	v13 =	vadd.s32 v16, v13;
	v16, _, _ =	vpop (xrf0);
	s6 =	spop (v2sf)  }
0x2c0: {  	v13 =	vadd.s32 v17, v13;
	v17 =	vld [tilespmem:s22+$0x12000];
	(v2sf) =	vpush v16, $0xF;
	s24 =	sadd.s32 s24, s6;
	s22 =	smov.u32 s2  }
0x2c1: {  	v20 =	vld [tilespmem:s22+$0x11F00];
	v13 =	vadd.s32 v18, v13;
	v16 =	vadd.s32 s24, v16  }
0x2c2: {  	v21 =	vor.u32 s25, v1;
	s25 =	smov.u32 s3;
	s3 =	smov.u32 s4;
	s4 =	smov.u32 s23;
	v18 =	vld [tilespmem:s22+$0x11E00];
	v13 =	vadd.s32 v14, v13;
	v14 =	vsub.s32 v16, v9  }
0x2c3: {  	vm1 =	vgt.s32 v16, v6;
	v22 =	vld [tilespmem:s22+$0x11300];
	v12 =	vadd.s32 v12, v13;
	vm0 =	vle.s32 v14, v6  }
0x2c4: {  	v15 =	vadd.s32 v19, v15;
	v16 =	vld [tilespmem:s22+$0x11400];
	v19 =	vadd.s32 v11, v12;
	vm0 =	vmand vm1, vm0  }
0x2c5: {  	v23 =	vld [tilespmem:s22+$0x11500];
	v24 =	vnsel vm0, $0xFFFFFFFF, v21;
	v14 =	vnsel vm0, $0xFFFFFFFF, v14;
	v9 =	vnsel vm0, $0xFFFFFFFF, v9  }
0x2c6: {  	v21 =	vld [tilespmem:s22+$0x11600];
	vm0 =	vgt.s32 v10, v24;
	vm1 =	vgt.s32 v7, v14;
	vm2 =	vgt.s32 v8, v9;
	v11 =	vmovc v20  }
.Ltmp11:
0x2c7: {  	v13 =	vld [tilespmem:s22+$0x11700];
	v10 =	vsel vm0, v10, v24;
	v7 =	vsel vm1, v7, v14;
	v8 =	vsel vm2, v8, v9;
	v12 =	vmovc v18;
	(pc) =	sbr.rel @p1 .LBB2_20-.Ltmp11, $4  }
0x2c8: {  	v9 =	vadd.s32 v17, v19;
	v15 =	vadd.s32 v22, v15;
	v14 =	vld [tilespmem:s22+$0x11800]  }
0x2c9: {  	v16 =	vadd.s32 v16, v15;
	v15 =	vld [tilespmem:s22+$0x11900];
	(xrf0) =	vadd.scan.msk.s32 $0xffff, v9  }
0x2ca: {  	v17 =	vadd.s32 v23, v16;
	v16 =	vld [tilespmem:s22+$0x11A00]  }
0x2cb: {  	s23 =	sadd.s32 $0x10, s23;
	v18 =	vadd.s32 v21, v17;
	v17 =	vld [tilespmem:s22+$0x11B00]  }
0x2cc: {  	v13 =	vadd.s32 v13, v18;
	v18 =	vld [tilespmem:s22+$0x11C00]  }
0x2cd: {  	v13 =	vadd.s32 v14, v13;
	v14 =	vld [tilespmem:s22+$0x11D00]  }
0x2ce: {  	v13 =	vadd.s32 v15, v13  }
0x2cf: {  	v13 =	vadd.s32 v16, v13  }
0x2d0: {  	v15 =	vld [tilespmem:s22+$0x12000];
	v13 =	vadd.s32 v17, v13  }
0x2d1: {  	s2 =	sadd.s32 $0x10, s26;
	v13 =	vadd.s32 v18, v13  }
0x2d2: {  	s22 =	sand.u32 $0xF0, s4;
	v16 =	vld [tilespmem:s2+$0x0];
	v13 =	vadd.s32 v14, v13  }
0x2d3: {  	v14 =	vld [tilespmem:s22+$0x11200];
	v12 =	vadd.s32 v12, v13  }
0x2d4: {  	v13 =	vld [tilespmem:s22+$0x11300];
	v11 =	vadd.s32 v11, v12  }
0x2d5: {  	v12 =	vld [tilespmem:s22+$0x11400];
	v11 =	vadd.s32 v15, v11  }
0x2d6: {  	v15 =	vld [tilespmem:s22+$0x11500];
	(xrf0) =	vadd.scan.msk.s32 $0xffff, v11  }
0x2d7: {  	v17 =	vld [tilespmem:s22+$0x11600]  }
0x2d8: {  	v14 =	vadd.s32 v16, v14;
	v16 =	vld [tilespmem:s22+$0x11700]  }
0x2d9: {  	v13 =	vadd.s32 v13, v14;
	v14 =	vld [tilespmem:s22+$0x11800]  }
0x2da: {  	v18, _, _ =	vpop (xrf0);
	v12 =	vadd.s32 v12, v13;
	v13 =	vld [tilespmem:s22+$0x11900]  }
0x2db: {  	(v2sf) =	vpush v18, $0xF;
	v12 =	vadd.s32 v15, v12;
	v15 =	vld [tilespmem:s22+$0x11A00]  }
0x2dc: {  	v12 =	vadd.s32 v17, v12;
	v17 =	vld [tilespmem:s22+$0x11B00];
	v19, _, _ =	vpop (xrf0)  }
0x2dd: {  	v12 =	vadd.s32 v16, v12;
	v16 =	vld [tilespmem:s22+$0x11C00];
	(v2sf) =	vpush v19, $0xF  }
0x2de: {  	v12 =	vadd.s32 v14, v12;
	v14 =	vld [tilespmem:s22+$0x11D00]  }
0x2df: {  	v20 =	vld [tilespmem:s22+$0x11E00];
	v12 =	vadd.s32 v13, v12  }
0x2e0: {  	v13 =	vld [tilespmem:s22+$0x11F00];
	v12 =	vadd.s32 v15, v12  }
0x2e1: {  	v15 =	vld [tilespmem:s22+$0x12000];
	v12 =	vadd.s32 v17, v12  }
0x2e2: {  	v12 =	vadd.s32 v16, v12  }
0x2e3: {  	v12 =	vadd.s32 v14, v12  }
0x2e4: {  	v12 =	vadd.s32 v20, v12  }
0x2e5: {  	s23 =	spop (v2sf);
	v12 =	vadd.s32 v13, v12  }
0x2e6: {  	s2 =	sadd.s32 s24, s23;
	v12 =	vadd.s32 v15, v12  }
0x2e7: {  	v13 =	vadd.s32 s2, v18;
	(xrf0) =	vadd.scan.msk.s32 $0xffff, v12  }
0x2e8: {  	v14 =	vsub.s32 v13, v9  }
0x2e9: {  	vm1 =	vgt.s32 v13, v6;
	vm0 =	vle.s32 v14, v6  }
0x2ea: {  	s6 =	spop (v2sf);
	v13 =	vor.u32 s25, v1;
	vm0 =	vmand vm1, vm0  }
0x2eb: {  	s2 =	sadd.s32 s2, s6;
	v13 =	vnsel vm0, $0xFFFFFFFF, v13  }
0x2ec: {  	v15 =	vadd.s32 s2, v19;
	vm1 =	vgt.s32 v10, v13;
	s26 =	spop (v2sf)  }
0x2ed: {  	v10 =	vsel vm1, v10, v13;
	v13 =	vsub.s32 v15, v11;
	v16, _, _ =	vpop (xrf0);
	s8 =	sadd.s32 s2, s26  }
0x2ee: {  	vm2 =	vgt.s32 v15, v6;
	vm1 =	vle.s32 v13, v6;
	v15 =	vadd.s32 s8, v16  }
0x2ef: {  	v17 =	vor.u32 s3, v1;
	vm1 =	vmand vm2, vm1;
	v18 =	vsub.s32 v15, v12  }
0x2f0: {  	v17 =	vnsel vm1, $0xFFFFFFFF, v17;
	vm3 =	vgt.s32 v15, v6;
	vm2 =	vle.s32 v18, v6  }
0x2f1: {  	v6 =	vor.u32 s4, v1;
	vm2 =	vmand vm3, vm2;
	vm3 =	vgt.s32 v10, v17  }
0x2f2: {  	v10 =	vsel vm3, v10, v17;
	v6 =	vnsel vm2, $0xFFFFFFFF, v6  }
0x2f3: {  	vm3 =	vgt.s32 v10, v6  }
0x2f4: {  	v6 =	vsel vm3, v10, v6  }
0x2f5: {  	v6 =	vxor.u32 $0x80000000, v6  }
0x2f6: {  	(xrf0) =	vmax.scan.msk.u32 $0xffff, v6;
	_ =	sdelay $0x5  }
0x2f7: {  	(v2sf) =	vpush v16, $0xF;
	v6, _, _ =	vpop (xrf0)  }
0x2f8: {  	(v2sf) =	vpush v6, $0xF;
	_ =	sdelay $0x7  }
0x2f9: {  	v6 =	vnsel vm0, $0xFFFFFFFF, v14  }
0x2fa: {  	s23 =	simm.s32 $0x40;
	v9 =	vnsel vm0, $0xFFFFFFFF, v9;
	vm0 =	vgt.s32 v7, v6  }
0x2fb: {  	v10 =	vld [tilespmem:s23+$0x30];
	v6 =	vsel vm0, v7, v6;
	vm0 =	vgt.s32 v8, v9;
	v7 =	vnsel vm1, $0xFFFFFFFF, v13  }
0x2fc: {  	v8 =	vsel vm0, v8, v9;
	v9 =	vnsel vm1, $0xFFFFFFFF, v11;
	vm0 =	vgt.s32 v6, v7;
	v11 =	vld [tilespmem:s23+$0xFFFFFFD0]  }
0x2fd: {  	v14 =	vld [tilespmem:s23+$0x0];
	vm1 =	vgt.s32 v8, v9;
	v6 =	vsel vm0, v6, v7  }
0x2fe: {  	v7 =	vnsel vm2, $0xFFFFFFFF, v18;
	v18 =	vld [tilespmem:s23+$0x20];
	v8 =	vsel vm1, v8, v9;
	v9 =	vnsel vm2, $0xFFFFFFFF, v12  }
0x2ff: {  	s25 =	spop (v2sf);
	v13 =	vld [tilespmem:s23+$0xFFFFFFF0];
	vm0 =	vgt.s32 v6, v7;
	vm1 =	vgt.s32 v8, v9  }
0x300: {  	v12 =	vld [tilespmem:s23+$0xFFFFFFE0];
	v7 =	vsel vm0, v6, v7;
	v6 =	vsel vm1, v8, v9;
	s26 =	spop (v2sf)  }
0x301: {  	v9 =	vand.u32 $0xFFFFFF00, v10;
	v10 =	vshll.u32 v10, $0x4;
	v15 =	vshll.u32 v11, $0x4;
	s4 =	sshll.u32 s26, $0x8  }
0x302: {  	v11 =	vand.u32 $0xFFFFFF00, v11;
	v21 =	vor.u32 v1, v15;
	v15 =	vshll.u32 v14, $0x4;
	s24 =	sor.u32 s5, s4  }
0x303: {  	v16 =	vld [tilespmem:s23+$0x10];
	v14 =	vand.u32 $0xFFFFFF00, v14;
	v24 =	vshll.u32 v18, $0x4;
	v8 =	vmov s24  }
0x304: {  	v19 =	vand.u32 $0xFFFFFF00, v18;
	vm2 =	veq.s32 v9, v8;
	v9 =	vor.u32 v1, v10;
	v10 =	vld [tilespmem:s23+$0xFFFFFFC0]  }
0x305: {  	v17 =	vshll.u32 v12, $0x4;
	v22 =	vand.u32 $0xFFFFFF00, v12;
	v12 =	vshll.u32 v13, $0x4  }
0x306: {  	v15 =	vor.u32 v1, v15;
	v23 =	vor.u32 v1, v17;
	v20 =	vand.u32 $0xFFF, v9  }
0x307: {  	v18 =	vor.u32 v1, v24;
	vm0 =	veq.s32 v11, v8;
	v11 =	vand.u32 $0xFFF, v23  }
0x308: {  	v9 =	vand.u32 $0xFFFFFF00, v13;
	v13 =	vor.u32 v1, v12;
	v12 =	vshll.u32 v16, $0x4  }
0x309: {  	v16 =	vand.u32 $0xFFFFFF00, v16;
	v25 =	vand.u32 $0xFFFFFF00, v10;
	v10 =	vshll.u32 v10, $0x4  }
0x30a: {  	v17 =	vor.u32 v1, v12;
	v12 =	vand.u32 $0xFFF, v21;
	v10 =	vor.u32 v1, v10  }
0x30b: {  	s3 =	simm.s32 $0x0;
	s2 =	simm.s32 $0xC0;
	s5 =	sadd.s32 s8, s25;
	vm1 =	veq.s32 v25, v8;
	[tilespmem:v20+s19+$0x0] =	vst.idx.add.s32.msk vm2, v3;
	vm2 =	veq.s32 v22, v8;
	v10 =	vand.u32 $0xFFF, v10  }
.LBB2_22:
0x30c: {  	v20 =	vld [tilespmem:s2+$0x30];
	s3 =	sadd.s32 $0x8, s3;
	vm5 =	veq.s32 v9, v8;
	v21 =	vand.u32 $0xFFF, v13;
	vm3 =	veq.s32 v14, v8  }
0x30d: {  	v22 =	vand.u32 $0xFFF, v15;
	vm4 =	veq.s32 v16, v8;
	v23 =	vand.u32 $0xFFF, v17;
	v9 =	vld [tilespmem:s2+$0xFFFFFFD0];
	p1 =	slt.u32 s3, $0xFF8  }
0x30e: {  	vm15 =	veq.s32 v19, v8;
	v24 =	vand.u32 $0xFFF, v18;
	v13 =	vld [tilespmem:s2+$0xFFFFFFE0]  }
0x30f: {  	v14 =	vld [tilespmem:s2+$0xFFFFFFF0]  }
0x310: {  	v15 =	vld [tilespmem:s2+$0x0]  }
0x311: {  	v16 =	vld [tilespmem:s2+$0x10];
	v17 =	vand.u32 $0xFFFFFF00, v20;
	v18 =	vshll.u32 v20, $0x4  }
0x312: {  	v19 =	vshll.u32 v9, $0x4;
	v20 =	vld [tilespmem:s2+$0x20];
	vm6 =	veq.s32 v17, v8;
	v17 =	vor.u32 v1, v18  }
0x313: {  	v25 =	vand.u32 $0xFFFFFF00, v9;
	v18 =	vld [tilespmem:s2+$0xFFFFFFC0];
	v9 =	vshll.u32 v13, $0x4;
	v26 =	vand.u32 $0xFFF, v17  }
0x314: {  	v27 =	vor.u32 v1, v19;
	v28 =	vand.u32 $0xFFFFFF00, v13;
	v13 =	vshll.u32 v14, $0x4;
	[tilespmem:v10+s19+$0x0] =	vst.idx.add.s32.msk vm1, v3  }
0x315: {  	v29 =	vor.u32 v1, v9;
	v9 =	vand.u32 $0xFFFFFF00, v14;
	v10 =	vshll.u32 v15, $0x4;
	[tilespmem:v12+s19+$0x0] =	vst.idx.add.s32.msk vm0, v3  }
0x316: {  	v13 =	vor.u32 v1, v13;
	v14 =	vand.u32 $0xFFFFFF00, v15;
	v12 =	vshll.u32 v16, $0x4;
	[tilespmem:v11+s19+$0x0] =	vst.idx.add.s32.msk vm2, v3  }
.Ltmp12:
0x317: {  	v15 =	vor.u32 v1, v10;
	v16 =	vand.u32 $0xFFFFFF00, v16;
	v10 =	vshll.u32 v20, $0x4;
	[tilespmem:v21+s19+$0x0] =	vst.idx.add.s32.msk vm5, v3;
	(pc) =	sbr.rel @p1 .LBB2_22-.Ltmp12, $4  }
0x318: {  	s25 =	simm.s32 $0x0;
	s26 =	simm.s32 $0x10080;
	v17 =	vor.u32 v1, v12;
	v11 =	vand.u32 $0xFFFFFF00, v18;
	v18 =	vshll.u32 v18, $0x4;
	[tilespmem:v26+s19+$0x0] =	vst.idx.add.s32.msk vm6, v3  }
0x319: {  	v19 =	vand.u32 $0xFFFFFF00, v20;
	v12 =	vor.u32 v1, v18;
	v18 =	vor.u32 v1, v10;
	[tilespmem:v22+s19+$0x0] =	vst.idx.add.s32.msk vm3, v3  }
0x31a: {  	vm0 =	veq.s32 v25, v8;
	vm1 =	veq.s32 v11, v8;
	v10 =	vand.u32 $0xFFF, v12;
	[tilespmem:v23+s19+$0x0] =	vst.idx.add.s32.msk vm4, v3  }
0x31b: {  	s2 =	sadd.s32 $0x80, s2;
	vm2 =	veq.s32 v28, v8;
	v11 =	vand.u32 $0xFFF, v29;
	v12 =	vand.u32 $0xFFF, v27;
	[tilespmem:v24+s19+$0x0] =	vst.idx.add.s32.msk vm15, v3  }
0x31c: {  	_ =	sdelay $0x1  }
0x31d: {  	vm3 =	veq.s32 v9, v8  }
0x31e: {  	v9 =	vand.u32 $0xFFF, v13;
	vm4 =	veq.s32 v14, v8  }
0x31f: {  	v62 =	vand.u32 $0xFFF, v15;
	vm5 =	veq.s32 v16, v8  }
0x320: {  	v63 =	vand.u32 $0xFFF, v17;
	vm6 =	veq.s32 v19, v8;
	[tilespmem:v10+s19+$0x0] =	vst.idx.add.s32.msk vm1, v3  }
0x321: {  	v8 =	vand.u32 $0xFFF, v18;
	[tilespmem:v12+s19+$0x0] =	vst.idx.add.s32.msk vm0, v3  }
0x322: {  	[tilespmem:v11+s19+$0x0] =	vst.idx.add.s32.msk vm2, v3  }
0x323: {  	[tilespmem:v9+s19+$0x0] =	vst.idx.add.s32.msk vm3, v3  }
0x324: {  	[tilespmem:v62+s19+$0x0] =	vst.idx.add.s32.msk vm4, v3  }
0x325: {  	[tilespmem:v63+s19+$0x0] =	vst.idx.add.s32.msk vm5, v3  }
0x326: {  	[tilespmem:v8+s19+$0x0] =	vst.idx.add.s32.msk vm6, v3  }
0x327: {  	v10 =	vld [tilespmem:$0x1FF90];
	_ =	sdelay $0x4  }
0x328: {  	vm0 =	vnez.u8 v10;
	v10 =	vld [tilespmem:$0x1FFA0];
	_ =	sdelay $0x4  }
0x329: {  	vm1 =	vnez.u8 v10;
	v10 =	vld [tilespmem:$0x1FFB0];
	_ =	sdelay $0x4  }
0x32a: {  	vm2 =	vnez.u8 v10;
	v10 =	vld [tilespmem:$0x1FFC0];
	_ =	sdelay $0x4  }
0x32b: {  	vm3 =	vnez.u8 v10;
	v10 =	vld [tilespmem:$0x1FFD0];
	_ =	sdelay $0x4  }
0x32c: {  	vm4 =	vnez.u8 v10;
	v10 =	vld [tilespmem:$0x1FFE0];
	_ =	sdelay $0x4  }
0x32d: {  	vm5 =	vnez.u8 v10;
	v10 =	vld [tilespmem:$0x1FFF0];
	_ =	sdelay $0x3  }
0x32e: {  	v9 =	vld [tilespmem:s26+$0xFFFFFF80]  }
0x32f: {  	s3 =	simm.s32 $0x40;
	v8 =	vld [tilespmem:s26+$0xFFFFFF90];
	vm6 =	vnez.u8 v10  }
.LBB2_24:
0x330: {  	p1 =	sne.s32 s3, $0x3C0;
	v10 =	vld [tilespmem:s26+$0xFFFFFFA0]  }
0x331: {  	v11 =	vld [tilespmem:s26+$0xFFFFFFB0]  }
0x332: {  	v12 =	vld [tilespmem:s26+$0xFFFFFFC0]  }
0x333: {  	v13 =	vld [tilespmem:s26+$0xFFFFFFD0];
	(xrf0) =	vadd.scan.msk.s32 $0xffff, v9  }
0x334: {  	v9 =	vld [tilespmem:s26+$0xFFFFFFE0];
	(xrf0) =	vadd.scan.msk.s32 $0xffff, v8  }
0x335: {  	v8 =	vld [tilespmem:s26+$0xFFFFFFF0];
	(xrf0) =	vadd.scan.msk.s32 $0xffff, v10  }
0x336: {  	v10 =	vld [tilespmem:s26+$0x0];
	(xrf0) =	vadd.scan.msk.s32 $0xffff, v11  }
0x337: {  	v11 =	vld [tilespmem:s26+$0x10];
	(xrf0) =	vadd.scan.msk.s32 $0xffff, v12  }
0x338: {  	v12 =	vld [tilespmem:s26+$0x20];
	(xrf0) =	vadd.scan.msk.s32 $0xffff, v13  }
0x339: {  	v13 =	vld [tilespmem:s26+$0x30];
	v14, _, _ =	vpop (xrf0);
	(xrf0) =	vadd.scan.msk.s32 $0xffff, v9  }
0x33a: {  	v9 =	vld [tilespmem:s26+$0x40];
	v15, _, _ =	vpop (xrf0);
	(xrf0) =	vadd.scan.msk.s32 $0xffff, v8  }
0x33b: {  	v8 =	vbroadcast v14, $0xF;
	v14 =	vbroadcast v15, $0xF;
	v15 =	vld [tilespmem:s26+$0x50];
	v16, _, _ =	vpop (xrf0);
	(xrf0) =	vadd.scan.msk.s32 $0xffff, v10  }
0x33c: {  	v10 =	vbroadcast v16, $0xF;
	[tilespmem:s26+$0xFFFFFFF0] =	vst v0;
	v16 =	vld [tilespmem:s26+$0x60];
	v17, _, _ =	vpop (xrf0);
	(xrf0) =	vadd.scan.msk.s32 $0xffff, v11  }
0x33d: {  	v8 =	vsel vm7, v8, v14;
	v11 =	vbroadcast v17, $0xF;
	v14 =	vld [tilespmem:s26+$0x70];
	[tilespmem:s26+$0x70] =	vst v0;
	v17, _, _ =	vpop (xrf0);
	(xrf0) =	vadd.scan.msk.s32 $0xffff, v12  }
0x33e: {  	v8 =	vsel vm0, v8, v10;
	v17 =	vbroadcast v17, $0xF;
	[tilespmem:s26+$0x60] =	vst v0;
	v12, _, _ =	vpop (xrf0);
	(xrf0) =	vadd.scan.msk.s32 $0xffff, v13  }
0x33f: {  	v8 =	vsel vm1, v8, v11;
	v13 =	vbroadcast v12, $0xF;
	[tilespmem:s26+$0x50] =	vst v0;
	v12, _, _ =	vpop (xrf0);
	(xrf0) =	vadd.scan.msk.s32 $0xffff, v9  }
0x340: {  	v8 =	vsel vm2, v8, v17;
	v9 =	vbroadcast v12, $0xF;
	[tilespmem:s26+$0x40] =	vst v0;
	v10, _, _ =	vpop (xrf0);
	(xrf0) =	vadd.scan.msk.s32 $0xffff, v15  }
0x341: {  	v8 =	vsel vm3, v8, v13;
	v10 =	vbroadcast v10, $0xF;
	[tilespmem:s26+$0x30] =	vst v0;
	v11, _, _ =	vpop (xrf0);
	(xrf0) =	vadd.scan.msk.s32 $0xffff, v16  }
0x342: {  	v8 =	vsel vm4, v8, v9;
	v9 =	vbroadcast v11, $0xF;
	[tilespmem:s26+$0x20] =	vst v0;
	v11, _, _ =	vpop (xrf0)  }
0x343: {  	v8 =	vsel vm5, v8, v10;
	[tilespmem:s26+$0x10] =	vst v0;
	v10 =	vbroadcast v11, $0xF;
	v11, _, _ =	vpop (xrf0)  }
0x344: {  	[tilespmem:s26+$0x0] =	vst v0;
	v8 =	vsel vm6, v8, v9;
	v9 =	vbroadcast v11, $0xF;
	v11, _, _ =	vpop (xrf0);
	(xrf0) =	vadd.scan.msk.s32 $0xffff, v14  }
0x345: {  	[tilespmem:s26+$0xFFFFFFE0] =	vst v0;
	v8 =	vsel vm8, v8, v10;
	v10 =	vbroadcast v11, $0xF;
	v11, _, _ =	vpop (xrf0)  }
0x346: {  	[tilespmem:s26+$0xFFFFFFD0] =	vst v0;
	v8 =	vsel vm9, v8, v9;
	v9 =	vbroadcast v11, $0xF;
	v11, _, _ =	vpop (xrf0)  }
0x347: {  	[tilespmem:s26+$0xFFFFFFC0] =	vst v0;
	v8 =	vsel vm10, v8, v10;
	v10 =	vbroadcast v11, $0xF;
	v11, _, _ =	vpop (xrf0)  }
0x348: {  	[tilespmem:s26+$0xFFFFFFB0] =	vst v0;
	v8 =	vsel vm11, v8, v9;
	v11 =	vbroadcast v11, $0xF  }
0x349: {  	[tilespmem:s26+$0xFFFFFFA0] =	vst v0;
	v8 =	vsel vm12, v8, v10  }
.Ltmp13:
0x34a: {  	[tilespmem:s26+$0xFFFFFF80] =	vst v0;
	v8 =	vsel vm13, v8, v11;
	v9, _, _ =	vpop (xrf0);
	(pc) =	sbr.rel @p1 .LBB2_24-.Ltmp13, $4  }
0x34b: {  	s2 =	sshra.s32 s25, $0x2;
	s25 =	smov.u32 s3;
	[tilespmem:s26+$0xFFFFFF90] =	vst v0;
	v8 =	vsel vm14, v8, v9  }
0x34c: {  	s26 =	sadd.s32 $0x100, s26;
	[tilespmem:s2+$0x11000] =	vst v8  }
0x34d: {  	v9 =	vld [tilespmem:s26+$0xFFFFFF80]  }
0x34e: {  	s3 =	sadd.s32 $0x40, s3;
	v8 =	vld [tilespmem:s26+$0xFFFFFF90]  }
0x34f: {  	v10 =	vld [tilespmem:s26+$0xFFFFFFA0]  }
0x350: {  	v11 =	vld [tilespmem:s26+$0xFFFFFFB0]  }
0x351: {  	v12 =	vld [tilespmem:s26+$0xFFFFFFC0]  }
0x352: {  	v13 =	vld [tilespmem:s26+$0xFFFFFFD0];
	(xrf0) =	vadd.scan.msk.s32 $0xffff, v9  }
0x353: {  	v9 =	vld [tilespmem:s26+$0xFFFFFFE0];
	(xrf0) =	vadd.scan.msk.s32 $0xffff, v8  }
0x354: {  	v8 =	vld [tilespmem:s26+$0xFFFFFFF0];
	(xrf0) =	vadd.scan.msk.s32 $0xffff, v10  }
0x355: {  	v10 =	vld [tilespmem:s26+$0x0];
	(xrf0) =	vadd.scan.msk.s32 $0xffff, v11  }
0x356: {  	v11 =	vld [tilespmem:s26+$0x10];
	(xrf0) =	vadd.scan.msk.s32 $0xffff, v12  }
0x357: {  	v12 =	vld [tilespmem:s26+$0x20];
	(xrf0) =	vadd.scan.msk.s32 $0xffff, v13  }
0x358: {  	v13 =	vld [tilespmem:s26+$0x30];
	v14, _, _ =	vpop (xrf0);
	(xrf0) =	vadd.scan.msk.s32 $0xffff, v9  }
0x359: {  	v9 =	vld [tilespmem:s26+$0x40];
	v15, _, _ =	vpop (xrf0);
	(xrf0) =	vadd.scan.msk.s32 $0xffff, v8  }
0x35a: {  	v8 =	vld [tilespmem:s26+$0x50];
	v16, _, _ =	vpop (xrf0);
	(xrf0) =	vadd.scan.msk.s32 $0xffff, v10  }
0x35b: {  	v10 =	vld [tilespmem:s26+$0x60];
	v17, _, _ =	vpop (xrf0);
	(xrf0) =	vadd.scan.msk.s32 $0xffff, v11  }
0x35c: {  	v11 =	vld [tilespmem:s26+$0x70];
	v18, _, _ =	vpop (xrf0);
	(xrf0) =	vadd.scan.msk.s32 $0xffff, v12  }
0x35d: {  	v12, _, _ =	vpop (xrf0);
	(xrf0) =	vadd.scan.msk.s32 $0xffff, v13  }
0x35e: {  	v13, _, _ =	vpop (xrf0);
	(xrf0) =	vadd.scan.msk.s32 $0xffff, v9  }
0x35f: {  	v9, _, _ =	vpop (xrf0);
	(xrf0) =	vadd.scan.msk.s32 $0xffff, v8  }
0x360: {  	v7 =	vxor.u32 $0x80000000, v7;
	v8, _, _ =	vpop (xrf0);
	(xrf0) =	vadd.scan.msk.s32 $0xffff, v10  }
0x361: {  	v10, _, _ =	vpop (xrf0);
	(xrf0) =	vadd.scan.msk.s32 $0xffff, v11  }
0x362: {  	v11, _, _ =	vpop (xrf0);
	(xrf0) =	vmax.scan.msk.u32 $0xffff, v7  }
0x363: {  	v7, _, _ =	vpop (xrf0)  }
0x364: {  	v19, _, _ =	vpop (xrf0)  }
0x365: {  	v14 =	vbroadcast v14, $0xF;
	v15 =	vbroadcast v15, $0xF;
	v20, _, _ =	vpop (xrf0)  }
0x366: {  	[tilespmem:s26+$0xFFFFFFF0] =	vst v0;
	v16 =	vbroadcast v16, $0xF;
	v21, _, _ =	vpop (xrf0)  }
0x367: {  	[tilespmem:s26+$0xFFFFFFD0] =	vst v0;
	v14 =	vsel vm7, v14, v15;
	v15 =	vbroadcast v17, $0xF;
	v22, _, _ =	vpop (xrf0)  }
0x368: {  	[tilespmem:s26+$0xFFFFFFC0] =	vst v0;
	v14 =	vsel vm0, v14, v16;
	v16 =	vbroadcast v18, $0xF;
	v23, _, _ =	vpop (xrf0)  }
0x369: {  	[tilespmem:s26+$0xFFFFFFB0] =	vst v0;
	v14 =	vsel vm1, v14, v15;
	v12 =	vbroadcast v12, $0xF;
	(v2sf) =	vpush v23, $0xF  }
0x36a: {  	[tilespmem:s26+$0xFFFFFFA0] =	vst v0;
	v14 =	vsel vm2, v14, v16;
	v13 =	vbroadcast v13, $0xF  }
0x36b: {  	[tilespmem:s26+$0xFFFFFF80] =	vst v0;
	v12 =	vsel vm3, v14, v12;
	v9 =	vbroadcast v9, $0xF  }
0x36c: {  	[tilespmem:s26+$0xFFFFFF90] =	vst v0;
	v12 =	vsel vm4, v12, v13;
	v8 =	vbroadcast v8, $0xF  }
0x36d: {  	[tilespmem:s26+$0xFFFFFFE0] =	vst v0;
	v9 =	vsel vm5, v12, v9;
	v10 =	vbroadcast v10, $0xF  }
0x36e: {  	[tilespmem:s26+$0x0] =	vst v0;
	v8 =	vsel vm6, v9, v8;
	v9 =	vbroadcast v11, $0xF  }
0x36f: {  	[tilespmem:s26+$0x10] =	vst v0;
	v8 =	vsel vm8, v8, v10;
	v7 =	vbroadcast v7, $0xF  }
0x370: {  	[tilespmem:s26+$0x20] =	vst v0;
	v8 =	vsel vm9, v8, v9;
	v9 =	vbroadcast v19, $0xF  }
0x371: {  	[tilespmem:s26+$0x30] =	vst v0;
	v7 =	vsel vm10, v8, v7;
	v8 =	vbroadcast v20, $0xF  }
0x372: {  	[tilespmem:s26+$0x40] =	vst v0;
	v7 =	vsel vm11, v7, v9;
	v9 =	vbroadcast v21, $0xF  }
0x373: {  	[tilespmem:s26+$0x50] =	vst v0;
	v7 =	vsel vm12, v7, v8  }
0x374: {  	[tilespmem:s26+$0x60] =	vst v0;
	v7 =	vsel vm13, v7, v9  }
0x375: {  	s2 =	sshra.s32 s25, $0x2;
	[tilespmem:s26+$0x70] =	vst v0;
	v7 =	vsel vm14, v7, v22  }
0x376: {  	[tilespmem:s2+$0x11000] =	vst v7  }
0x377: {  	[spmem:s13] =	stream.linear.scatter [tilespmem:s20], [sflag:$0x2], $0x100, $0x38;
	[tilespmem:$0x128A0] =	vst v63  }
0x378: {  	s8 =	spop (v2sf)  }
0x379: {  	_ =	swait.ge [sflag:s21], $0x100  }
0x37a: {  	[sflag:s21] =	ssyncset.done $0x0  }
0x37b: {  	[sflag:s21] =	ssyncadd.s32 $0xFFFFFF00  }
0x37c: {  	s3 =	simm.s32 $0x11100;
	[bflag:$0x0] =	sbarrier.arrive $0xFFFF  }
0x37d: {  	[tilespmem:s3], [sflag:$0x2] =	stream.linear.gather [spmem:s14], $0x1000, $0x38;
	[tilespmem:$0x128A0] =	vst v63  }
0x37e: {  	_ =	swait.ge [sflag:s21], $0x1000  }
0x37f: {  	[sflag:s21] =	ssyncset.done $0x0  }
0x380: {  	s26 =	simm.s32 $0x0;
	[sflag:s21] =	ssyncadd.s32 $0xFFFFF000  }
0x381: {  	s4 =	sand.u32 $0xF0, s26;
	v7 =	vld [tilespmem:s3+$0x0]  }
0x382: {  	v8 =	vld [tilespmem:s4+$0x11200]  }
0x383: {  	v9 =	vld [tilespmem:s4+$0x11F00]  }
0x384: {  	v10 =	vld [tilespmem:s4+$0x11E00]  }
0x385: {  	v11 =	vld [tilespmem:s4+$0x11300]  }
0x386: {  	v12 =	vld [tilespmem:s4+$0x11400]  }
0x387: {  	v13 =	vld [tilespmem:s4+$0x11500]  }
0x388: {  	v14 =	vld [tilespmem:s4+$0x11600]  }
0x389: {  	v15 =	vld [tilespmem:s4+$0x11700]  }
0x38a: {  	v16 =	vld [tilespmem:s4+$0x11800]  }
0x38b: {  	v17 =	vld [tilespmem:s4+$0x11900]  }
0x38c: {  	v18 =	vld [tilespmem:s4+$0x11A00];
	v7 =	vadd.s32 v7, v8  }
0x38d: {  	v19 =	vld [tilespmem:s4+$0x11B00];
	v7 =	vadd.s32 v11, v7  }
0x38e: {  	v8 =	vld [tilespmem:s4+$0x11C00];
	v7 =	vadd.s32 v12, v7  }
0x38f: {  	s6 =	simm.s32 $0x11110;
	s3 =	simm.s32 $0x10;
	v11 =	vld [tilespmem:s4+$0x11D00];
	v7 =	vadd.s32 v13, v7  }
0x390: {  	s25 =	sand.u32 $0xF0, s3;
	v12 =	vld [tilespmem:s6+$0x0];
	v7 =	vadd.s32 v14, v7  }
0x391: {  	v13 =	vld [tilespmem:s25+$0x11200];
	v7 =	vadd.s32 v15, v7  }
0x392: {  	v14 =	vld [tilespmem:s4+$0x12000];
	v7 =	vadd.s32 v16, v7  }
0x393: {  	v15 =	vld [tilespmem:s25+$0x11F00];
	v7 =	vadd.s32 v17, v7  }
0x394: {  	v16 =	vld [tilespmem:s25+$0x11E00];
	v7 =	vadd.s32 v18, v7  }
0x395: {  	v17 =	vld [tilespmem:s25+$0x11300];
	v7 =	vadd.s32 v19, v7  }
0x396: {  	v18 =	vld [tilespmem:s25+$0x11400];
	v7 =	vadd.s32 v8, v7  }
0x397: {  	v12 =	vadd.s32 v12, v13;
	v13 =	vld [tilespmem:s25+$0x11B00];
	v7 =	vadd.s32 v11, v7  }
0x398: {  	v19 =	vld [tilespmem:s25+$0x11500];
	v7 =	vadd.s32 v10, v7  }
0x399: {  	v8 =	vld [tilespmem:s25+$0x11600];
	v7 =	vadd.s32 v9, v7  }
0x39a: {  	v11 =	vld [tilespmem:s25+$0x11700];
	v12 =	vadd.s32 v17, v12;
	v17 =	vadd.s32 v14, v7  }
0x39b: {  	v10 =	vld [tilespmem:s25+$0x11800];
	(xrf0) =	vadd.scan.msk.s32 $0xffff, v17  }
0x39c: {  	v9 =	vld [tilespmem:s25+$0x11900]  }
0x39d: {  	v12 =	vadd.s32 v18, v12;
	v18 =	vld [tilespmem:s25+$0x11D00]  }
0x39e: {  	v7 =	vld [tilespmem:s25+$0x11A00];
	v12 =	vadd.s32 v19, v12  }
0x39f: {  	s22 =	simm.s32 $0x11120;
	s4 =	simm.s32 $0x20;
	v14 =	vld [tilespmem:s25+$0x11C00];
	v8 =	vadd.s32 v8, v12  }
0x3a0: {  	s23 =	sand.u32 $0xF0, s4;
	v8 =	vadd.s32 v11, v8;
	v11 =	vld [tilespmem:s22+$0x0]  }
0x3a1: {  	v8 =	vadd.s32 v10, v8;
	v10 =	vld [tilespmem:s23+$0x11200];
	v19, _, _ =	vpop (xrf0)  }
0x3a2: {  	v60 =	vld [tilespmem:s23+$0x11300];
	v8 =	vadd.s32 v9, v8;
	(v2sf) =	vpush v19, $0xF  }
0x3a3: {  	v9 =	vld [tilespmem:s25+$0x12000];
	s25 =	sxor.u32 $0x80000000, s8;
	v7 =	vadd.s32 v7, v8  }
0x3a4: {  	v61 =	vld [tilespmem:s23+$0x11500];
	s1 =	ssub.s32 s1, s25;
	v8 =	vadd.s32 v13, v7  }
0x3a5: {  	v62 =	vld [tilespmem:s23+$0x11600];
	v7 =	vmov s1;
	v8 =	vadd.s32 v14, v8;
	v20 =	vadd.s32 s26, v19  }
0x3a6: {  	v8 =	vadd.s32 v18, v8;
	v18 =	vld [tilespmem:s23+$0x11400];
	v10 =	vadd.s32 v11, v10;
	v14 =	vsub.s32 v20, v17  }
0x3a7: {  	v12 =	vld [tilespmem:s23+$0x11F00];
	v11 =	vor.u32 s26, v1;
	vm4 =	vgt.s32 v20, v7;
	vm5 =	vle.s32 v14, v7  }
0x3a8: {  	v13 =	vld [tilespmem:s23+$0x11E00];
	v20 =	vimm.s32 $0xFFFFFFFF;
	v8 =	vadd.s32 v16, v8;
	vm0 =	vmand vm4, vm5  }
0x3a9: {  	v16 =	vadd.s32 v60, v10;
	v8 =	vadd.s32 v15, v8;
	v24 =	vnsel vm0, $0xFFFFFFFF, v14;
	v14 =	vld [tilespmem:s23+$0x11700]  }
0x3aa: {  	v15 =	vld [tilespmem:s23+$0x11800];
	v10 =	vadd.s32 v9, v8;
	v11 =	vnsel vm0, $0xFFFFFFFF, v11;
	v63 =	vnsel vm0, $0xFFFFFFFF, v17  }
0x3ab: {  	(xrf0) =	vadd.scan.msk.s32 $0xffff, v10;
	vm5 =	vgt.s32 v20, v11;
	vm4 =	vgt.s32 v20, v24;
	v9 =	vadd.s32 v18, v16;
	v16 =	vld [tilespmem:s23+$0x11900]  }
0x3ac: {  	v17 =	vld [tilespmem:s23+$0x11A00];
	v11 =	vsel vm5, v20, v11;
	vm5 =	vgt.s32 v20, v63;
	v18 =	vadd.s32 v61, v9  }
0x3ad: {  	s2 =	simm.s32 $0x40;
	s1 =	simm.s32 $0x30;
	v8 =	vsel vm4, v20, v24;
	v9 =	vsel vm5, v20, v63;
	v19 =	vadd.s32 v62, v18;
	v18 =	vld [tilespmem:s23+$0x11B00]  }
.LBB2_26:
0x3ae: {  	p1 =	sne.s32 s2, $0xF0;
	v14 =	vadd.s32 v14, v19;
	v19 =	vld [tilespmem:s23+$0x11C00]  }
0x3af: {  	s22 =	sadd.s32 $0x10, s22;
	v14 =	vadd.s32 v15, v14;
	v15 =	vld [tilespmem:s23+$0x11D00]  }
0x3b0: {  	s6 =	sand.u32 $0xF0, s1;
	v20 =	vld [tilespmem:s22+$0x0];
	v14 =	vadd.s32 v16, v14  }
0x3b1: {  	v16 =	vld [tilespmem:s6+$0x11200];
	v14 =	vadd.s32 v17, v14;
	v17, _, _ =	vpop (xrf0);
	s8 =	spop (v2sf)  }
0x3b2: {  	v14 =	vadd.s32 v18, v14;
	v18 =	vld [tilespmem:s23+$0x12000];
	(v2sf) =	vpush v17, $0xF;
	s26 =	sadd.s32 s26, s8;
	s23 =	smov.u32 s6  }
0x3b3: {  	v21 =	vld [tilespmem:s23+$0x11F00];
	v14 =	vadd.s32 v19, v14;
	v17 =	vadd.s32 s26, v17  }
0x3b4: {  	v22 =	vor.u32 s3, v1;
	s3 =	smov.u32 s4;
	s4 =	smov.u32 s1;
	s1 =	smov.u32 s2;
	v19 =	vld [tilespmem:s23+$0x11E00];
	v14 =	vadd.s32 v15, v14;
	v15 =	vsub.s32 v17, v10  }
0x3b5: {  	vm1 =	vgt.s32 v17, v7;
	v23 =	vld [tilespmem:s23+$0x11300];
	v13 =	vadd.s32 v13, v14;
	vm0 =	vle.s32 v15, v7  }
0x3b6: {  	v16 =	vadd.s32 v20, v16;
	v17 =	vld [tilespmem:s23+$0x11400];
	v20 =	vadd.s32 v12, v13;
	vm0 =	vmand vm1, vm0  }
0x3b7: {  	v24 =	vld [tilespmem:s23+$0x11500];
	v25 =	vnsel vm0, $0xFFFFFFFF, v22;
	v15 =	vnsel vm0, $0xFFFFFFFF, v15;
	v10 =	vnsel vm0, $0xFFFFFFFF, v10  }
0x3b8: {  	v22 =	vld [tilespmem:s23+$0x11600];
	vm0 =	vgt.s32 v11, v25;
	vm1 =	vgt.s32 v8, v15;
	vm2 =	vgt.s32 v9, v10;
	v12 =	vmovc v21  }
.Ltmp14:
0x3b9: {  	v14 =	vld [tilespmem:s23+$0x11700];
	v11 =	vsel vm0, v11, v25;
	v8 =	vsel vm1, v8, v15;
	v9 =	vsel vm2, v9, v10;
	v13 =	vmovc v19;
	(pc) =	sbr.rel @p1 .LBB2_26-.Ltmp14, $4  }
0x3ba: {  	v10 =	vadd.s32 v18, v20;
	v16 =	vadd.s32 v23, v16;
	v15 =	vld [tilespmem:s23+$0x11800]  }
0x3bb: {  	v17 =	vadd.s32 v17, v16;
	v16 =	vld [tilespmem:s23+$0x11900];
	(xrf0) =	vadd.scan.msk.s32 $0xffff, v10  }
0x3bc: {  	v18 =	vadd.s32 v24, v17;
	v17 =	vld [tilespmem:s23+$0x11A00]  }
0x3bd: {  	s2 =	sadd.s32 $0x10, s2;
	v19 =	vadd.s32 v22, v18;
	v18 =	vld [tilespmem:s23+$0x11B00]  }
0x3be: {  	v14 =	vadd.s32 v14, v19;
	v19 =	vld [tilespmem:s23+$0x11C00]  }
0x3bf: {  	v14 =	vadd.s32 v15, v14;
	v15 =	vld [tilespmem:s23+$0x11D00]  }
0x3c0: {  	v14 =	vadd.s32 v16, v14  }
0x3c1: {  	v14 =	vadd.s32 v17, v14  }
0x3c2: {  	v16 =	vld [tilespmem:s23+$0x12000];
	v14 =	vadd.s32 v18, v14  }
0x3c3: {  	s2 =	sadd.s32 $0x10, s22;
	v14 =	vadd.s32 v19, v14  }
0x3c4: {  	s22 =	sand.u32 $0xF0, s1;
	v17 =	vld [tilespmem:s2+$0x0];
	v14 =	vadd.s32 v15, v14  }
0x3c5: {  	v15 =	vld [tilespmem:s22+$0x11200];
	v13 =	vadd.s32 v13, v14  }
0x3c6: {  	v14 =	vld [tilespmem:s22+$0x11300];
	v12 =	vadd.s32 v12, v13  }
0x3c7: {  	v13 =	vld [tilespmem:s22+$0x11400];
	v16 =	vadd.s32 v16, v12  }
0x3c8: {  	v12 =	vld [tilespmem:s22+$0x11500];
	(xrf0) =	vadd.scan.msk.s32 $0xffff, v16  }
0x3c9: {  	v18 =	vld [tilespmem:s22+$0x11600]  }
0x3ca: {  	v15 =	vadd.s32 v17, v15;
	v17 =	vld [tilespmem:s22+$0x11700]  }
0x3cb: {  	v14 =	vadd.s32 v14, v15;
	v15 =	vld [tilespmem:s22+$0x11800]  }
0x3cc: {  	v19, _, _ =	vpop (xrf0);
	v13 =	vadd.s32 v13, v14;
	v14 =	vld [tilespmem:s22+$0x11900]  }
0x3cd: {  	(v2sf) =	vpush v19, $0xF;
	v12 =	vadd.s32 v12, v13;
	v13 =	vld [tilespmem:s22+$0x11A00]  }
0x3ce: {  	v12 =	vadd.s32 v18, v12;
	v18 =	vld [tilespmem:s22+$0x11B00];
	v20, _, _ =	vpop (xrf0)  }
0x3cf: {  	v12 =	vadd.s32 v17, v12;
	v17 =	vld [tilespmem:s22+$0x11C00];
	(v2sf) =	vpush v20, $0xF  }
0x3d0: {  	v12 =	vadd.s32 v15, v12;
	v15 =	vld [tilespmem:s22+$0x11D00]  }
0x3d1: {  	v21 =	vld [tilespmem:s22+$0x11E00];
	v12 =	vadd.s32 v14, v12  }
0x3d2: {  	v14 =	vld [tilespmem:s22+$0x11F00];
	v12 =	vadd.s32 v13, v12  }
0x3d3: {  	v13 =	vld [tilespmem:s22+$0x12000];
	v12 =	vadd.s32 v18, v12  }
0x3d4: {  	v12 =	vadd.s32 v17, v12  }
0x3d5: {  	v12 =	vadd.s32 v15, v12  }
0x3d6: {  	v12 =	vadd.s32 v21, v12  }
0x3d7: {  	s23 =	spop (v2sf);
	v12 =	vadd.s32 v14, v12  }
0x3d8: {  	s2 =	sadd.s32 s26, s23;
	v13 =	vadd.s32 v13, v12  }
0x3d9: {  	v12 =	vadd.s32 s2, v19;
	(xrf0) =	vadd.scan.msk.s32 $0xffff, v13  }
0x3da: {  	v14 =	vsub.s32 v12, v10  }
0x3db: {  	vm1 =	vgt.s32 v12, v7;
	vm0 =	vle.s32 v14, v7  }
0x3dc: {  	s6 =	spop (v2sf);
	v12 =	vor.u32 s3, v1;
	vm0 =	vmand vm1, vm0  }
0x3dd: {  	s2 =	sadd.s32 s2, s6;
	v12 =	vnsel vm0, $0xFFFFFFFF, v12  }
0x3de: {  	v15 =	vadd.s32 s2, v20;
	vm1 =	vgt.s32 v11, v12;
	s8 =	spop (v2sf)  }
0x3df: {  	v11 =	vsel vm1, v11, v12;
	v12 =	vsub.s32 v15, v16;
	v17, _, _ =	vpop (xrf0);
	s3 =	sadd.s32 s2, s8  }
0x3e0: {  	vm2 =	vgt.s32 v15, v7;
	vm1 =	vle.s32 v12, v7;
	v15 =	vadd.s32 s3, v17  }
0x3e1: {  	v18 =	vor.u32 s4, v1;
	vm1 =	vmand vm2, vm1;
	v19 =	vsub.s32 v15, v13  }
0x3e2: {  	v18 =	vnsel vm1, $0xFFFFFFFF, v18;
	vm3 =	vgt.s32 v15, v7;
	vm2 =	vle.s32 v19, v7  }
0x3e3: {  	vm4 =	vgt.s32 v11, v18;
	v7 =	vor.u32 s1, v1;
	vm2 =	vmand vm3, vm2  }
0x3e4: {  	v11 =	vsel vm4, v11, v18;
	v7 =	vnsel vm2, $0xFFFFFFFF, v7  }
0x3e5: {  	vm3 =	vgt.s32 v11, v7  }
0x3e6: {  	v7 =	vsel vm3, v11, v7  }
0x3e7: {  	v7 =	vxor.u32 $0x80000000, v7  }
0x3e8: {  	(xrf0) =	vmax.scan.msk.u32 $0xffff, v7;
	_ =	sdelay $0x5  }
0x3e9: {  	(v2sf) =	vpush v17, $0xF;
	v7, _, _ =	vpop (xrf0)  }
0x3ea: {  	(v2sf) =	vpush v7, $0xF;
	_ =	sdelay $0x2  }
0x3eb: {  	s22 =	simm.s32 $0x40  }
0x3ec: {  	v58 =	vld [tilespmem:s22+$0xFFFFFFE0]  }
0x3ed: {  	v20 =	vld [tilespmem:s22+$0xFFFFFFD0];
	_ =	sdelay $0x4  }
0x3ee: {  	v59 =	vshra.s32 v58, $0x1F;
	v27 =	vshra.s32 v20, $0x1F;
	v17 =	vld [tilespmem:s22+$0xFFFFFFF0]  }
0x3ef: {  	v27 =	vand.u32 $0x7FFFFFFF, v27;
	v15 =	vimm.s32 $0x7FFFFFFF;
	v11 =	vnsel vm0, $0xFFFFFFFF, v10  }
0x3f0: {  	v13 =	vnsel vm2, $0xFFFFFFFF, v13;
	vm3 =	vgt.s32 v9, v11;
	v7 =	vnsel vm0, $0xFFFFFFFF, v14  }
0x3f1: {  	v9 =	vsel vm3, v9, v11;
	v14 =	vnsel vm1, $0xFFFFFFFF, v16;
	v16 =	vld [tilespmem:s22+$0xFFFFFFC0];
	vm0 =	vgt.s32 v8, v7  }
0x3f2: {  	v18 =	vld [tilespmem:s22+$0x0];
	s23 =	spop (v2sf);
	v7 =	vsel vm0, v8, v7;
	v8 =	vnsel vm1, $0xFFFFFFFF, v12;
	vm1 =	vgt.s32 v9, v14  }
0x3f3: {  	v24 =	vshra.s32 v17, $0x1F;
	vm0 =	vgt.s32 v7, v8;
	v9 =	vsel vm1, v9, v14;
	s26 =	spop (v2sf)  }
0x3f4: {  	v10 =	vld [tilespmem:s22+$0x30];
	v7 =	vsel vm0, v7, v8;
	v8 =	vnsel vm2, $0xFFFFFFFF, v19;
	vm1 =	vgt.s32 v9, v13;
	s4 =	sxor.u32 $0x80000000, s26  }
0x3f5: {  	v62 =	vand.u32 $0x7FFFFFFF, v24;
	vm0 =	vgt.s32 v7, v8;
	v9 =	vsel vm1, v9, v13;
	s4 =	sor.u32 s24, s4  }
0x3f6: {  	v12 =	vld [tilespmem:s22+$0x20];
	vm1 =	vlt.s32 v15, v16;
	v8 =	vsel vm0, v7, v8;
	v7 =	vmov s4  }
0x3f7: {  	v23 =	vshra.s32 v18, $0x1F;
	v22 =	vsel vm1, v15, v16;
	vm7 =	vgt.s32 v16, v7  }
0x3f8: {  	v63 =	vand.u32 $0x7FFFFFFF, v23;
	v19 =	vimm.f32 $0.0e+00;
	v22 =	vsel vm7, v22, v15  }
0x3f9: {  	v11 =	vld [tilespmem:s22+$0x10];
	v13 =	vshra.s32 v10, $0x1F;
	v26 =	vshra.s32 v16, $0x1F;
	vm4 =	vlt.s32 v22, v20  }
0x3fa: {  	v26 =	vand.u32 $0x7FFFFFFF, v26;
	vm5 =	vgt.s32 v20, v7;
	v25 =	vsel vm4, v22, v20  }
0x3fb: {  	v14 =	vshra.s32 v12, $0x1F;
	vm0 =	vgt.s32 v10, v7;
	v22 =	vsel vm5, v25, v22  }
0x3fc: {  	vm15 =	vgt.s32 v12, v7;
	v16 =	vxor.u32 v16, v26;
	vm6 =	vlt.s32 v22, v58  }
0x3fd: {  	vm3 =	vgt.s32 v58, v7;
	v16 =	vnsel vm7, $0x0, v16;
	v60 =	vsel vm6, v22, v58  }
0x3fe: {  	vm1 =	vgt.s32 v11, v7;
	v16 =	vadd.f32 v16, v19;
	v22 =	vsel vm3, v60, v22  }
0x3ff: {  	v19 =	vxor.u32 v20, v27;
	vm4 =	vgt.s32 v17, v7;
	vm6 =	vlt.s32 v22, v17  }
0x400: {  	v19 =	vnsel vm5, $0x0, v19;
	v20 =	vand.u32 $0x7FFFFFFF, v59;
	v61 =	vsel vm6, v22, v17  }
0x401: {  	v16 =	vadd.f32 v19, v16;
	v19 =	vxor.u32 v58, v20;
	v20 =	vsel vm4, v61, v22  }
0x402: {  	vm2 =	vgt.s32 v18, v7;
	v19 =	vnsel vm3, $0x0, v19;
	vm3 =	vlt.s32 v20, v18  }
0x403: {  	v16 =	vadd.f32 v19, v16;
	v17 =	vxor.u32 v17, v62;
	v19 =	vsel vm3, v20, v18  }
0x404: {  	v15 =	vshra.s32 v11, $0x1F;
	v21 =	vnsel vm4, $0x0, v17;
	v17 =	vsel vm2, v19, v20  }
0x405: {  	s1 =	sadd.s32 s3, s23;
	s3 =	simm.s32 $0x0;
	s4 =	simm.s32 $0xC0;
	v16 =	vadd.f32 v21, v16;
	v18 =	vxor.u32 v18, v63;
	vm3 =	vlt.s32 v17, v11  }
.LBB2_28:
0x406: {  	v18 =	vnsel vm2, $0x0, v18  }
0x407: {  	v19 =	vld [tilespmem:s4+$0x30];
	v15 =	vand.u32 $0x7FFFFFFF, v15;
	v20 =	vsel vm3, v17, v11;
	vm2 =	vmmov vm0  }
0x408: {  	v21 =	vld [tilespmem:s4+$0x20];
	v16 =	vadd.f32 v18, v16;
	v15 =	vxor.u32 v11, v15;
	v17 =	vsel vm1, v20, v17  }
0x409: {  	v14 =	vand.u32 $0x7FFFFFFF, v14;
	v11 =	vld [tilespmem:s4+$0x10];
	v15 =	vnsel vm1, $0x0, v15;
	vm0 =	vlt.s32 v17, v12  }
0x40a: {  	s3 =	sadd.s32 $0x8, s3;
	v14 =	vxor.u32 v12, v14;
	v18 =	vld [tilespmem:s4+$0xFFFFFFC0];
	v15 =	vadd.f32 v15, v16;
	v12 =	vsel vm0, v17, v12  }
0x40b: {  	v24 =	vand.u32 $0x7FFFFFFF, v13;
	p1 =	slt.u32 s3, $0xFF8;
	v14 =	vnsel vm15, $0x0, v14;
	v20 =	vld [tilespmem:s4+$0x0];
	v16 =	vsel vm15, v12, v17  }
0x40c: {  	v23 =	vxor.u32 v10, v24;
	v17 =	vld [tilespmem:s4+$0xFFFFFFF0];
	v13 =	vadd.f32 v14, v15;
	vm1 =	vlt.s32 v16, v10  }
0x40d: {  	vm0 =	vgt.s32 v19, v7;
	v14 =	vnsel vm2, $0x0, v23;
	v22 =	vld [tilespmem:s4+$0xFFFFFFD0];
	v15 =	vsel vm1, v16, v10;
	v10 =	vmovc v19;
	v12 =	vmovc v21  }
0x40e: {  	vm15 =	vgt.s32 v12, v7;
	v19 =	vadd.f32 v14, v13;
	v15 =	vsel vm2, v15, v16  }
0x40f: {  	v14 =	vshra.s32 v12, $0x1F;
	v13 =	vshra.s32 v10, $0x1F;
	vm1 =	vlt.s32 v15, v18;
	v16 =	vld [tilespmem:s4+$0xFFFFFFE0]  }
0x410: {  	vm4 =	vgt.s32 v18, v7;
	v21 =	vsel vm1, v15, v18;
	vm1 =	vgt.s32 v11, v7  }
0x411: {  	v23 =	vshra.s32 v20, $0x1F;
	v21 =	vsel vm4, v21, v15;
	v15 =	vshra.s32 v11, $0x1F  }
0x412: {  	vm2 =	vgt.s32 v20, v7;
	v24 =	vshra.s32 v17, $0x1F;
	vm3 =	vlt.s32 v21, v22  }
0x413: {  	vm5 =	vgt.s32 v22, v7;
	v25 =	vsel vm3, v21, v22;
	vm3 =	vgt.s32 v17, v7  }
0x414: {  	v26 =	vshra.s32 v18, $0x1F;
	v21 =	vsel vm5, v25, v21;
	v25 =	vshra.s32 v16, $0x1F  }
0x415: {  	v26 =	vand.u32 $0x7FFFFFFF, v26;
	v27 =	vshra.s32 v22, $0x1F;
	vm6 =	vlt.s32 v21, v16  }
0x416: {  	v18 =	vxor.u32 v18, v26;
	vm7 =	vgt.s32 v16, v7;
	v26 =	vsel vm6, v21, v16  }
0x417: {  	v18 =	vnsel vm4, $0x0, v18;
	v27 =	vand.u32 $0x7FFFFFFF, v27;
	v21 =	vsel vm7, v26, v21  }
0x418: {  	v18 =	vadd.f32 v18, v19;
	v19 =	vxor.u32 v22, v27;
	vm4 =	vlt.s32 v21, v17  }
0x419: {  	v19 =	vnsel vm5, $0x0, v19;
	v22 =	vand.u32 $0x7FFFFFFF, v25;
	v25 =	vsel vm4, v21, v17  }
.Ltmp15:
0x41a: {  	v18 =	vadd.f32 v19, v18;
	v16 =	vxor.u32 v16, v22;
	v19 =	vsel vm3, v25, v21;
	(pc) =	sbr.rel @p1 .LBB2_28-.Ltmp15, $4  }
0x41b: {  	v16 =	vnsel vm7, $0x0, v16;
	v21 =	vand.u32 $0x7FFFFFFF, v24;
	vm4 =	vlt.s32 v19, v20  }
0x41c: {  	v16 =	vadd.f32 v16, v18;
	v17 =	vxor.u32 v17, v21;
	v18 =	vsel vm4, v19, v20  }
0x41d: {  	v22 =	vand.u32 $0x7FFFFFFF, v23;
	v21 =	vnsel vm3, $0x0, v17;
	v17 =	vsel vm2, v18, v19  }
0x41e: {  	s4 =	sadd.s32 $0x80, s4;
	v16 =	vadd.f32 v21, v16;
	v18 =	vxor.u32 v20, v22;
	vm3 =	vlt.s32 v17, v11  }
0x41f: {  	v19 =	vsel vm3, v17, v11  }
0x420: {  	v17 =	vsel vm1, v19, v17  }
0x421: {  	vm3 =	vlt.s32 v17, v12  }
0x422: {  	v19 =	vsel vm3, v17, v12  }
0x423: {  	v17 =	vsel vm15, v19, v17  }
0x424: {  	vm3 =	vlt.s32 v17, v10  }
0x425: {  	vm0 =	vmmov vm0;
	v19 =	vsel vm3, v17, v10  }
0x426: {  	v17 =	vsel vm0, v19, v17  }
0x427: {  	v17 =	vxor.u32 $0x80000000, v17  }
0x428: {  	(xrf0) =	vmin.scan.msk.u32 $0xffff, v17;
	_ =	sdelay $0x1  }
0x429: {  	v61 =	vnsel vm2, $0x0, v18;
	v15 =	vand.u32 $0x7FFFFFFF, v15  }
0x42a: {  	v16 =	vadd.f32 v61, v16;
	v11 =	vxor.u32 v11, v15  }
0x42b: {  	v14 =	vand.u32 $0x7FFFFFFF, v14;
	v11 =	vnsel vm1, $0x0, v11  }
0x42c: {  	v62 =	vxor.u32 v12, v14;
	v11 =	vadd.f32 v11, v16  }
0x42d: {  	v13 =	vand.u32 $0x7FFFFFFF, v13;
	v12 =	vnsel vm15, $0x0, v62;
	v63, _, _ =	vpop (xrf0)  }
0x42e: {  	v11 =	vadd.f32 v12, v11;
	v10 =	vxor.u32 v10, v13;
	(v2sf) =	vpush v63, $0xF  }
0x42f: {  	v10 =	vnsel vm0, $0x0, v10  }
0x430: {  	v10 =	vadd.f32 v10, v11;
	_ =	sdelay $0x1  }
0x431: {  	(xrf2) =	vadd.scan.msk.f32 $0xffff, v10;
	_ =	sdelay $0x6  }
0x432: {  	v11 =	vld [tilespmem:$0x1FF80];
	_ =	sdelay $0x2  }
0x433: {  	v10, _, _ =	vpop (xrf2)  }
0x434: {  	v10 =	vbroadcast v10, $0xF;
	s2 =	spop (v2sf)  }
0x435: {  	vm7 =	vnez.u8 v11;
	s2 =	sxor.u32 $0x80000000, s2  }
0x436: {  	vm0 =	vcmask $0x300;
	v10 =	vnsel vm7, $0x0, v10;
	v11 =	vmov s2  }
0x437: {  	[tilespmem:$0x12100] =	vst v10;
	v10 =	vnsel vm0, $0x7FFFFFFF, v11  }
0x438: {  	s24 =	simm.s32 $0x12100;
	[tilespmem:$0x12180] =	vst v10  }
0x439: {  	[spmem:s15] =	stream.linear.scatter [tilespmem:s24], [sflag:$0x2], $0x10, $0x38;
	[tilespmem:$0x128A0] =	vst v63  }
0x43a: {  	_ =	swait.ge [sflag:s21], $0x10  }
0x43b: {  	[sflag:s21] =	ssyncset.done $0x0  }
0x43c: {  	s26 =	simm.s32 $0x12180;
	[sflag:s21] =	ssyncadd.s32 $0xFFFFFFF0  }
0x43d: {  	[spmem:s16] =	stream.linear.scatter [tilespmem:s26], [sflag:$0x2], $0x10, $0x38;
	[tilespmem:$0x128A0] =	vst v63  }
.Ltmp16:
0x43e: {  	_ =	swait.ge [sflag:s21], $0x10;
	(pc) =	sbr.rel @p0 .LBB2_31-.Ltmp16, $3  }
0x43f: {  	[sflag:s21] =	ssyncset.done $0x0  }
0x440: {  	[sflag:s21] =	ssyncadd.s32 $0xFFFFFFF0  }
0x441: {  	[bflag:$0x0] =	sbarrier.arrive $0xFFFF;
	_ =	sdelay $0x1  }
0x442: {  	v4 =	vxor.u32 $0x80000000, v4  }
0x443: {  	(xrf0) =	vmax.scan.msk.u32 $0xffff, v4;
	v4 =	vxor.u32 $0x80000000, v5  }
0x444: {  	(xrf0) =	vmax.scan.msk.u32 $0xffff, v4;
	v4 =	vxor.u32 $0x80000000, v6  }
0x445: {  	(xrf0) =	vmax.scan.msk.u32 $0xffff, v4;
	v4 =	vxor.u32 $0x80000000, v8  }
0x446: {  	(xrf0) =	vmax.scan.msk.u32 $0xffff, v4;
	v4 =	vxor.u32 $0x80000000, v9  }
0x447: {  	(xrf0) =	vmax.scan.msk.u32 $0xffff, v4;
	_ =	sdelay $0x1  }
0x448: {  	v4, _, _ =	vpop (xrf0)  }
0x449: {  	v5, _, _ =	vpop (xrf0);
	(v2sf) =	vpush v4, $0xF  }
0x44a: {  	v4, _, _ =	vpop (xrf0);
	(v2sf) =	vpush v5, $0xF  }
0x44b: {  	v5, _, _ =	vpop (xrf0);
	(v2sf) =	vpush v4, $0xF  }
0x44c: {  	(v2sf) =	vpush v5, $0xF;
	v4, _, _ =	vpop (xrf0)  }
0x44d: {  	(v2sf) =	vpush v4, $0xF;
	_ =	sdelay $0x8  }
0x44e: {  	s6 =	rddreg [dreg:$0x3];
	s8 =	simm.s32 $0x12200  }
0x44f: {  	[tilespmem:s8], [sflag:$0x2] =	stream.linear.gather [spmem:s6], $0x100, $0x38;
	[tilespmem:$0x128A0] =	vst v63  }
0x450: {  	s23 =	spop (v2sf)  }
0x451: {  	s2 =	spop (v2sf)  }
0x452: {  	s22 =	spop (v2sf)  }
0x453: {  	s4 =	spop (v2sf)  }
0x454: {  	s3 =	spop (v2sf)  }
0x455: {  	_ =	swait.ge [sflag:s21], $0x100  }
0x456: {  	[sflag:s21] =	ssyncset.done $0x0  }
0x457: {  	[sflag:s21] =	ssyncadd.s32 $0xFFFFFF00  }
0x458: {  	s26 =	simm.s32 $0x12300;
	s24 =	rddreg [dreg:$0x4]  }
0x459: {  	[tilespmem:s26], [sflag:$0x2] =	stream.linear.gather [spmem:s24], $0x100, $0x38;
	[tilespmem:$0x128A0] =	vst v63  }
0x45a: {  	_ =	swait.ge [sflag:s21], $0x100  }
0x45b: {  	[sflag:s21] =	ssyncset.done $0x0  }
0x45c: {  	[sflag:s21] =	ssyncadd.s32 $0xFFFFFF00  }
0x45d: {  	v4 =	vld [tilespmem:$0x12200]  }
0x45e: {  	v5 =	vld [tilespmem:$0x12300]  }
0x45f: {  	v40 =	vld [tilespmem:$0x12310]  }
0x460: {  	v41 =	vld [tilespmem:$0x12210]  }
0x461: {  	v42 =	vld [tilespmem:$0x12320]  }
0x462: {  	v10 =	vld [tilespmem:$0x12220]  }
0x463: {  	v11 =	vld [tilespmem:$0x12330]  }
0x464: {  	v12 =	vld [tilespmem:$0x12230];
	vm0 =	vlt.s32 v5, v40  }
0x465: {  	(v2sf) =	vpush v4, $0x0;
	v4 =	vsel vm0, v5, v40;
	v5 =	vld [tilespmem:$0x12340]  }
0x466: {  	v43 =	vld [tilespmem:$0x12240];
	vm0 =	vlt.s32 v4, v42  }
0x467: {  	v44 =	vld [tilespmem:$0x12350];
	(v2sf) =	vpush v41, $0x0;
	v4 =	vsel vm0, v4, v42  }
0x468: {  	v45 =	vld [tilespmem:$0x12250];
	vm0 =	vlt.s32 v4, v11  }
0x469: {  	v46 =	vld [tilespmem:$0x12360];
	(v2sf) =	vpush v10, $0x0;
	v4 =	vsel vm0, v4, v11  }
0x46a: {  	v47 =	vld [tilespmem:$0x12260];
	vm0 =	vlt.s32 v4, v5  }
0x46b: {  	(v2sf) =	vpush v12, $0x0;
	v4 =	vsel vm0, v4, v5;
	v5 =	vld [tilespmem:$0x12370]  }
0x46c: {  	v48 =	vld [tilespmem:$0x12270];
	vm0 =	vlt.s32 v4, v44  }
0x46d: {  	v49 =	vld [tilespmem:$0x12380];
	(v2sf) =	vpush v43, $0x0;
	v4 =	vsel vm0, v4, v44  }
0x46e: {  	v50 =	vld [tilespmem:$0x12280];
	vm0 =	vlt.s32 v4, v46  }
0x46f: {  	v51 =	vld [tilespmem:$0x12390];
	(v2sf) =	vpush v45, $0x0;
	v4 =	vsel vm0, v4, v46  }
0x470: {  	vm0 =	vlt.s32 v4, v5  }
0x471: {  	(v2sf) =	vpush v47, $0x0;
	v4 =	vsel vm0, v4, v5;
	v5 =	vld [tilespmem:$0x123A0]  }
0x472: {  	v52 =	vld [tilespmem:$0x12290];
	vm0 =	vlt.s32 v4, v49  }
0x473: {  	v54 =	vld [tilespmem:$0x123B0];
	(v2sf) =	vpush v48, $0x0;
	v4 =	vsel vm0, v4, v49  }
0x474: {  	s23 =	sxor.u32 $0x7FFFFFFF, s23;
	s26 =	ssub.s32 s29, s30;
	v53 =	vld [tilespmem:$0x122A0];
	s24 =	spop (v2sf);
	(v2sf) =	vpush v50, $0x0;
	vm0 =	vlt.s32 v4, v51  }
0x475: {  	s8 =	sadd.s32 s26, s23;
	v56 =	vld [tilespmem:$0x123C0];
	s6 =	sadd.f32 $0.0e+00, s24;
	v4 =	vsel vm0, v4, v51  }
0x476: {  	s8 =	sadd.s32 s31, s8;
	v55 =	vld [tilespmem:$0x122B0];
	s24 =	spop (v2sf);
	vm0 =	vlt.s32 v4, v5  }
0x477: {  	s2 =	sxor.u32 $0x7FFFFFFF, s2;
	s0 =	ssub.s32 s8, s0;
	(v2sf) =	vpush v52, $0x0;
	s6 =	sadd.f32 s24, s6;
	v4 =	vsel vm0, v4, v5;
	v5 =	vld [tilespmem:$0x123D0]  }
0x478: {  	v57 =	vld [tilespmem:$0x122C0];
	s0 =	sadd.s32 s2, s0;
	s29 =	spop (v2sf);
	vm0 =	vlt.s32 v4, v54  }
0x479: {  	v58 =	vld [tilespmem:$0x123E0];
	s0 =	sadd.s32 s5, s0;
	(v2sf) =	vpush v53, $0x0;
	s6 =	sadd.f32 s29, s6;
	v4 =	vsel vm0, v4, v54  }
0x47a: {  	s8 =	sxor.u32 $0x7FFFFFFF, s22;
	v59 =	vld [tilespmem:$0x122D0];
	s0 =	ssub.s32 s0, s25;
	s30 =	spop (v2sf);
	vm0 =	vlt.s32 v4, v56  }
0x47b: {  	v60 =	vld [tilespmem:$0x123F0];
	s0 =	sadd.s32 s8, s0;
	(v2sf) =	vpush v55, $0x0;
	s2 =	sadd.f32 s30, s6;
	v4 =	vsel vm0, v4, v56  }
0x47c: {  	s22 =	sxor.u32 $0x7FFFFFFF, s4;
	v61 =	vld [tilespmem:$0x122E0];
	s0 =	sadd.s32 s1, s0;
	s31 =	spop (v2sf);
	vm0 =	vlt.s32 v4, v5  }
0x47d: {  	s0 =	sadd.s32 s22, s0;
	s24 =	sxor.u32 $0x80000000, s3;
	(v2sf) =	vpush v57, $0x0;
	s2 =	sadd.f32 s31, s2;
	v4 =	vsel vm0, v4, v5  }
0x47e: {  	s0 =	ssub.s32 s0, s24;
	s23 =	spop (v2sf);
	v5 =	vld [tilespmem:$0x122F0];
	vm0 =	vlt.s32 v4, v58  }
0x47f: {  	(v2sf) =	vpush v59, $0x0;
	s0 =	sadd.s32 $0x4, s0;
	s2 =	sadd.f32 s23, s2;
	v4 =	vsel vm0, v4, v58  }
0x480: {  	s25 =	spop (v2sf);
	s0 =	scvt.s32.f32 s0;
	vm0 =	vlt.s32 v4, v60  }
0x481: {  	(v2sf) =	vpush v61, $0x0;
	s2 =	sadd.f32 s25, s2;
	v4 =	vsel vm0, v4, v60  }
0x482: {  	s26 =	spop (v2sf);
	s30 =	ssub.f32 $1.048576000e+06, s0;
	v4 =	vbroadcast v4, $0x0  }
0x483: {  	s2 =	sadd.f32 s26, s2;
	s29 =	spop (v2sf);
	(v2sf) =	vpush v5, $0x0  }
0x484: {  	v5 =	vshra.s32 v7, $0x1F;
	v62 =	vshra.s32 v4, $0x1F  }
0x485: {  	p1 =	sge.f32 s30, $9.961480000e+05;
	v5 =	vand.u32 $0x7FFFFFFF, v5;
	s2 =	sadd.f32 s29, s2;
	v6 =	vand.u32 $0x7FFFFFFF, v62  }
0x486: {  	s31 =	spop (v2sf);
	v5 =	vxor.u32 v7, v5;
	v4 =	vxor.u32 v4, v6  }
0x487: {  	s2 =	sadd.f32 s31, s2;
	v4 =	vpsel p1, v5, v4  }
0x488: {  	s1 =	scvt.s32.f32 s24;
	s5 =	spop (v2sf);
	v63 =	vmul.f32 $7.500000000e-01, v5;
	v4 =	vmul.f32 $2.500000000e-01, v4  }
0x489: {  	s2 =	sadd.f32 s5, s2  }
0x48a: {  	s8 =	sadd.f32 s0, s1;
	s6 =	spop (v2sf);
	v4 =	vadd.f32 v4, v63  }
0x48b: {  	s2 =	sadd.f32 s6, s2  }
0x48c: {  	s22 =	spop (v2sf);
	vm0 =	vle.f32 v4, v5;
	v4 =	vmov s0  }
0x48d: {  	s23 =	sadd.f32 s22, s2;
	v4 =	vsel vm0, s8, v4  }
0x48e: {  	s24 =	spop (v2sf);
	(erf) = vrcp.f32 v4  }
0x48f: {  	s0 =	sadd.f32 s24, s23  }
0x490: {  	s25 =	spop (v2sf)  }
0x491: {  	s0 =	sadd.f32 s25, s0  }
0x492: {  	s26 =	spop (v2sf)  }
0x493: {  	v4 =	vmul.f32 s1, v5;
	s0 =	sadd.f32 s26, s0;
	_ =	sdelay $0x1  }
0x494: {  	v4 =	vadd.f32 s0, v4;
	_ =	sdelay $0x1  }
0x495: {  	v4 =	vnsel vm0, s0, v4;
	v5 =	vpop (erf)  }
0x496: {  	v4 =	vmul.f32 v5, v4  }
0x497: {  	s30 =	simm.s32 $0x0  }
.Ltmp17:
0x498: {  	s29 =	rddreg [dreg:$0x1];
	s31 =	simm.s32 $0x12400;
	[tilespmem:$0x12400] =	vst v4;
	(pc) =	sbr.rel .LBB2_31-.Ltmp17, $4  }
0x499: {  	[hbm4b:s29+s30] =	stream.linear.scatter [tilespmem:s31], [sflag:$0x2], $0x80, $0x38;
	[tilespmem:$0x128A0] =	vst v63  }
0x49a: {  	_ =	swait.ge [sflag:s21], $0x80  }
0x49b: {  	[sflag:s21] =	ssyncset.done $0x0  }
0x49c: {  	[sflag:s21] =	ssyncadd.s32 $0xFFFFFF80  }
.LBB2_32:
0x49d: {  	_ =	sfence.sel $0x180000  }
0x49e: {  	[bflag:$0x0] =	sbarrier.arrive $0xFFFF  }
0x49f: {  	_ =	strace $0x90000047  }
0x4a0: {  	s0 =	stileid.u32;
	[bflag:$0x2] =	sbarrier.arrive $0xFFFF  }
0x4a1: {  	p0 =	sne.s32 s0, $0x0;
	s0 =	rddreg [dreg:$0x5]  }
0x4a2: {  	s0 =	sadd.s32 @!p0 $0x100000, s0  }
0x4a3: {  	[sflag:s0] =	ssyncadd.tile.s32 @!p0 $0x1;
	_ =	shalt  }
.Lfunc_end2:
_tile_overlayer_lowered:
.L_overlay_start_2:
0x4a4: {  	(tag) =	ssettag $0x2  }
0x4a5: {  	s0 =	rddreg [dreg:$0x0];
	s2 =	stileid.u32  }
0x4a6: {  	s1 =	rddreg [dreg:$0x1];
	p0 =	sne.s32 s2, $0x0  }
0x4a7: {  	s3 =	rddreg [dreg:$0x2];
	[bflag:$0x3] =	sbarrier.arrive $0xFFFF;
	s2 =	simm.s32 @!p0 $0x1C02  }
0x4a8: {  	[timem:s3], [sflag:s2] =	dma.local @!p0 [hbm:s0], s1  }
0x4a9: {  	s0 =	simm.s32 @!p0 $0x2  }
0x4aa: {  	_ =	swait.ge @!p0 [sflag:s0], s1  }
0x4ab: {  	s1 =	ssub.s32 @!p0 $0x0, s1;
	[sflag:s0] =	ssyncset.done @!p0 $0x0  }
0x4ac: {  	[sflag:s0] =	ssyncadd.s32 @!p0 s1  }
0x4ad: {  	[bflag:$0x3] =	sbarrier.arrive $0xFFFF  }
0x4ae: {  	_ =	shalt  }

</sc_bundles>
